<compile_context>
chip_gen: v7x
topology: tpu7x:2x2x1
jax: 0.10.2.dev20260603
libtpu: 0.0.44.dev20260713+nightly
codegen_flags: <defaults>
</compile_context>

<pallas_src>
import functools

import jax
import jax.numpy as jnp
from jax import lax
from jax.experimental import pallas as pl
from jax.experimental.pallas import tpu as pltpu
from jax.experimental.pallas import tpu_sc as plsc


def _sc_route_scatter(batch, classes, num_classes):
    info = plsc.get_sparse_core_info()
    nc, ns = info.num_cores, info.num_subcores
    nw = nc * ns
    b, d = batch.shape
    bw = b // nw
    nch = b // 16
    own_ch = bw // 16
    mesh = plsc.VectorSubcoreMesh(core_axis_name="c", subcore_axis_name="s")

    @functools.partial(
        pl.kernel,
        mesh=mesh,
        out_type=(
            jax.ShapeDtypeStruct((b, d), batch.dtype),
            jax.ShapeDtypeStruct((b,), jnp.int32),
            jax.ShapeDtypeStruct((16,), jnp.int32),
        ),
        scratch_types=[
            pltpu.VMEM((b,), jnp.int32),
            pltpu.VMEM((bw,), jnp.int32),
            pltpu.VMEM((bw, d), batch.dtype),
            pltpu.VMEM((16,), jnp.int32),
            pltpu.SemaphoreType.DMA,
            pltpu.SemaphoreType.DMA,
            pltpu.SemaphoreType.DMA,
        ],
    )
    def k(batch_hbm, cls_hbm, sx_hbm, pos_hbm, offs_hbm,
          cls_v, pos_v, rows_v, offs_v, sem, sem2, sem3):
        w = lax.axis_index("s") * nc + lax.axis_index("c")
        base = w * bw
        rows_cp = pltpu.async_copy(batch_hbm.at[pl.ds(base, bw)], rows_v, sem)
        pltpu.sync_copy(cls_hbm, cls_v)
        lane = lax.iota(jnp.int32, 16)
        zeros = jnp.zeros((16,), jnp.int32)
        ones = zeros + 1

        def eqmask(v, e):
            return ones - jnp.minimum(jnp.abs(v - (zeros + e)), ones)

        def scan_incl(x):
            for kk in (1, 2, 4, 8):
                idx = jnp.maximum(lane - kk, zeros)
                sh = x.at[idx].get(mode="promise_in_bounds")
                gate = jnp.minimum(jnp.maximum(lane - (kk - 1), zeros), ones)
                x = x + sh * gate
            return x

        def splat_last(x):
            return x.at[zeros + 15].get(mode="promise_in_bounds")

        first_ch = lax.broadcast_in_dim(w * own_ch, (16,), ())

        def body(i, carry):
            tots, cnts = carry
            v = cls_v[pl.ds(i * 16, 16)]
            iv = lax.broadcast_in_dim(i, (16,), ())
            before = jnp.minimum(jnp.maximum(first_ch - iv, zeros), ones)
            new_t, new_c = [], []
            for ec in range(num_classes):
                mi = eqmask(v, ec)
                new_t.append(tots[ec] + mi)
                new_c.append(cnts[ec] + mi * before)
            return tuple(new_t), tuple(new_c)

        tots, cnts = lax.fori_loop(
            0, nch, body,
            ((zeros,) * num_classes, (zeros,) * num_classes),
        )

        tot_sp = [splat_last(scan_incl(tots[ec])) for ec in range(num_classes)]
        run_sp = [splat_last(scan_incl(cnts[ec])) for ec in range(num_classes)]
        offs_sp = [zeros]
        for ec in range(num_classes):
            offs_sp.append(offs_sp[ec] + tot_sp[ec])

        for j in range(own_ch):
            v = cls_v[pl.ds(base + j * 16, 16)]
            pc = zeros
            for ec in range(num_classes):
                mi = eqmask(v, ec)
                inc = scan_incl(mi)
                pc = pc + mi * (offs_sp[ec] + run_sp[ec] + inc - ones)
                run_sp[ec] = run_sp[ec] + splat_last(inc)
            pos_v[pl.ds(j * 16, 16)] = pc

        pos_cp = pltpu.async_copy(pos_v, pos_hbm.at[pl.ds(base, bw)], sem2)

        @pl.when(w == 0)
        def _():
            offs_vec = zeros
            for ec in range(num_classes + 1):
                offs_vec = offs_vec + eqmask(lane, ec) * offs_sp[ec]
            offs_v[...] = offs_vec
            pltpu.sync_copy(offs_v, offs_hbm)

        rows_cp.wait()
        pltpu.async_copy(rows_v, sx_hbm.at[pos_v], sem3).wait()
        pos_cp.wait()

    return k(batch, classes)


def _fused_body(
    n_tiles, tile_m, num_experts, out_size, b,
    offs_ref, x_ref, w_ref, pos_ref, out_ref, smm_ref, acc_ref,
):
    t = pl.program_id(0)

    @pl.when(t < n_tiles)
    def _mm():
        r0 = t * tile_m
        for e in range(num_experts):
            seg_lo = offs_ref[e]
            seg_hi = offs_ref[e + 1]

            @pl.when((seg_lo < r0 + tile_m) & (seg_hi > r0))
            def _():
                sub = lax.dot_general(
                    x_ref[...],
                    w_ref[e],
                    (((1,), (1,)), ((), ())),
                    precision=lax.Precision.DEFAULT,
                    preferred_element_type=jnp.float32,
                )
                rows = r0 + lax.broadcasted_iota(jnp.int32, (tile_m, out_size), 0)
                m = (rows >= seg_lo) & (rows < seg_hi)
                acc_ref[...] = jnp.where(m, sub, acc_ref[...])

        smm_ref[pl.ds(r0, tile_m), :] = acc_ref[...].astype(jnp.bfloat16)

    @pl.when(t >= n_tiles)
    def _unpermute():
        prow = pos_ref[0].astype(jnp.float32)
        eye = (
            lax.broadcasted_iota(jnp.int32, (tile_m, tile_m), 0)
            == lax.broadcasted_iota(jnp.int32, (tile_m, tile_m), 1)
        ).astype(jnp.float32)
        pcol = lax.dot_general(
            eye, prow, (((1,), (1,)), ((), ())),
            preferred_element_type=jnp.float32,
        )
        slots = lax.broadcasted_iota(jnp.int32, (tile_m, b), 1).astype(jnp.float32)
        onehot = (slots == pcol).astype(jnp.bfloat16)
        out_ref[...] = lax.dot_general(
            onehot, smm_ref[...], (((1,), (0,)), ((), ())),
            preferred_element_type=jnp.float32,
        )


def kernel(batch, classes, W):
    b, in_size = batch.shape
    e, out_size, _ = W.shape
    clz = classes.astype(jnp.int32)

    sorted_x, pos, offs = _sc_route_scatter(batch, clz, e)

    tile_m = 256
    n_tiles = b // tile_m
    pos_3d = pos.reshape(n_tiles, 1, tile_m)
    body = functools.partial(_fused_body, n_tiles, tile_m, e, out_size, b)
    return pl.pallas_call(
        body,
        grid=(2 * n_tiles,),
        in_specs=[
            pl.BlockSpec(memory_space=pltpu.SMEM),
            pl.BlockSpec(
                (tile_m, in_size), lambda t: (jnp.minimum(t, n_tiles - 1), 0)
            ),
            pl.BlockSpec((e, out_size, in_size), lambda t: (0, 0, 0)),
            pl.BlockSpec(
                (1, 1, tile_m), lambda t: (jnp.maximum(t - n_tiles, 0), 0, 0)
            ),
        ],
        out_specs=pl.BlockSpec(
            (tile_m, out_size), lambda t: (jnp.maximum(t - n_tiles, 0), 0)
        ),
        out_shape=jax.ShapeDtypeStruct((b, out_size), jnp.float32),
        scratch_shapes=[
            pltpu.VMEM((b, out_size), jnp.bfloat16),
            pltpu.VMEM((tile_m, out_size), jnp.float32),
        ],
    )(offs, sorted_x, W, pos_3d)

# --- scband reference (transcript-rebuilt; emitter-appended) ---
"""Pipeline reference for scband-multi-category-encoder-6511170421583 (READ-ONLY COPY).

The authoritative reference and input builder live on the scoring server;
editing this copy changes nothing except your own understanding.
"""

import jax, jax.numpy as jnp
import numpy as np

E = 8
IN_SIZE = 1024
OUT_SIZE = 512
B = 2048


def setup_inputs(seed: int = 0) -> dict:
    key = jax.random.key(seed)
    k1, k2, k3 = jax.random.split(key, 3)
    batch = jax.random.normal(k1, (B, IN_SIZE), dtype=jnp.float32)
    classes = jax.random.randint(k2, (B,), 0, E, dtype=jnp.int32)
    # Stacked per-class linear weights, one [out, in] matrix per class encoder.
    # (The torch module zero-inits these; we use random params so the math is nontrivial.)
    W = jax.random.normal(k3, (E, OUT_SIZE, IN_SIZE), dtype=jnp.float32) * 0.02
    return {"batch": batch, "classes": classes, "W": W}


def reference(batch, classes, W):
    # Faithful translation of MultiCategoryEncoder.forward:
    # result[i, :] = encoders[classes[i]].linear(batch[i])  (bias-free linear)
    out = jnp.zeros((batch.shape[0], W.shape[1]), dtype=batch.dtype)
    for e in range(W.shape[0]):
        mask = (classes == e)[:, None]
        sub = batch @ W[e].T
        out = jnp.where(mask, sub, out)
    return out

if __name__ == "__main__":
    import jax
    _d = setup_inputs()
    print(jax.jit(kernel)(*tuple(_d.values())))

</pallas_src>

<mosaic_0001>
#map = affine_map<(d0, d1) -> (0, 0)>
#map1 = affine_map<(d0, d1) -> (0)>
module attributes {stable_mosaic.version = 14 : i64} {
  func.func @k(%arg0: i32, %arg1: i32, %arg2: memref<2048x1024xf32, #tpu.memory_space<hbm>>, %arg3: memref<2048xi32, #tpu.memory_space<hbm>>, %arg4: memref<2048x1024xf32, #tpu.memory_space<hbm>>, %arg5: memref<2048xi32, #tpu.memory_space<hbm>>, %arg6: memref<16xi32, #tpu.memory_space<hbm>>, %arg7: memref<2048xi32, #tpu.memory_space<vmem>>, %arg8: memref<64xi32, #tpu.memory_space<vmem>>, %arg9: memref<64x1024xf32, #tpu.memory_space<vmem>>, %arg10: memref<16xi32, #tpu.memory_space<vmem>>, %arg11: memref<!tpu.dma_semaphore, #tpu.memory_space<semaphore_mem>>, %arg12: memref<!tpu.dma_semaphore, #tpu.memory_space<semaphore_mem>>, %arg13: memref<!tpu.dma_semaphore, #tpu.memory_space<semaphore_mem>>) attributes {dimension_semantics = [#tpu.dimension_semantics<core_parallel>, #tpu.dimension_semantics<subcore_parallel>], iteration_bounds = array<i64: 2, 16>, scalar_prefetch = 0 : i64, scratch_operands = 7 : i64, tpu.core_type = #tpu.core_type<sc_vector_subcore>, window_params = [{transform_indices = #map}, {transform_indices = #map1}, {transform_indices = #map}, {transform_indices = #map1}, {transform_indices = #map1}]} {
    %mul3A = arith.constant 2 : i32
    %mul3A_0 = arith.muli %arg1, %mul3A : i32
    %add3A = arith.addi %mul3A_0, %arg0 : i32
    %mul3A_1 = arith.constant 64 : i32
    %mul3A_2 = arith.muli %add3A, %mul3A_1 : i32
    %dma_start3A = arith.constant 0 : i32
    %dma_start3A_3 = tpu.memref_slice %arg2[%mul3A_2, %dma_start3A] : memref<2048x1024xf32, #tpu.memory_space<hbm>> -> memref<64x1024xf32, #tpu.memory_space<hbm>>
    %dma_start3A_4 = arith.constant 0 : i32
    %dma_start3A_5 = tpu.memref_slice %arg2[%mul3A_2, %dma_start3A_4] : memref<2048x1024xf32, #tpu.memory_space<hbm>> -> memref<64x1024xf32, #tpu.memory_space<hbm>>
    tpu.enqueue_dma source(%dma_start3A_5 : memref<64x1024xf32, #tpu.memory_space<hbm>>) target(%arg9 : memref<64x1024xf32, #tpu.memory_space<vmem>>) target_semaphore(%arg11 : memref<!tpu.dma_semaphore, #tpu.memory_space<semaphore_mem>>)
    "tpu.region"() ({
      %run_scoped3A = tpu.sem_alloc : memref<!tpu.dma_semaphore, #tpu.memory_space<semaphore_mem>>
      tpu.enqueue_dma source(%arg3 : memref<2048xi32, #tpu.memory_space<hbm>>) target(%arg7 : memref<2048xi32, #tpu.memory_space<vmem>>) target_semaphore(%run_scoped3A : memref<!tpu.dma_semaphore, #tpu.memory_space<semaphore_mem>>)
      tpu.wait_dma2 semaphore(%run_scoped3A : memref<!tpu.dma_semaphore, #tpu.memory_space<semaphore_mem>>) src(%arg3 : memref<2048xi32, #tpu.memory_space<hbm>>) dst(%arg7 : memref<2048xi32, #tpu.memory_space<vmem>>)
      tpu.yield
    }) : () -> ()
    %iota3A = tpu.iota {dimensions = array<i32: 0>} : vector<16xi32>
    %broadcast_in_dim3A = arith.constant 0 : i32
    %broadcast_in_dim3A_6 = vector.broadcast %broadcast_in_dim3A : i32 to vector<16xi32>
    %add3A_7 = arith.constant 1 : i32
    %add3A_8 = vector.broadcast %add3A_7 : i32 to vector<16xi32>
    %add3A_9 = arith.addi %broadcast_in_dim3A_6, %add3A_8 : vector<16xi32>
    %mul3A_10 = arith.constant 4 : i32
    %mul3A_11 = arith.muli %add3A, %mul3A_10 : i32
    %broadcast_in_dim3A_12 = vector.broadcast %mul3A_11 : i32 to vector<16xi32>
    %scan3A = arith.constant 0 : i32
    %scan3A_13 = arith.constant 128 : i32
    %scan3A_14 = arith.addi %scan3A, %scan3A_13 : i32
    %scan3A_15 = arith.constant 1 : i32
    %scan3A_16:16 = scf.for %scan3A_5140 = %scan3A to %scan3A_14 step %scan3A_15 iter_args(%scan3A_5141 = %broadcast_in_dim3A_6, %scan3A_5142 = %broadcast_in_dim3A_6, %scan3A_5143 = %broadcast_in_dim3A_6, %scan3A_5144 = %broadcast_in_dim3A_6, %scan3A_5145 = %broadcast_in_dim3A_6, %scan3A_5146 = %broadcast_in_dim3A_6, %scan3A_5147 = %broadcast_in_dim3A_6, %scan3A_5148 = %broadcast_in_dim3A_6, %scan3A_5149 = %broadcast_in_dim3A_6, %scan3A_5150 = %broadcast_in_dim3A_6, %scan3A_5151 = %broadcast_in_dim3A_6, %scan3A_5152 = %broadcast_in_dim3A_6, %scan3A_5153 = %broadcast_in_dim3A_6, %scan3A_5154 = %broadcast_in_dim3A_6, %scan3A_5155 = %broadcast_in_dim3A_6, %scan3A_5156 = %broadcast_in_dim3A_6) -> (vector<16xi32>, vector<16xi32>, vector<16xi32>, vector<16xi32>, vector<16xi32>, vector<16xi32>, vector<16xi32>, vector<16xi32>, vector<16xi32>, vector<16xi32>, vector<16xi32>, vector<16xi32>, vector<16xi32>, vector<16xi32>, vector<16xi32>, vector<16xi32>)  : i32 {
      %mul3A_5157 = arith.constant 16 : i32
      %mul3A_5158 = arith.muli %scan3A_5140, %mul3A_5157 : i32
      %get3A_5159 = arith.index_cast %mul3A_5158 : i32 to index
      %get3A_5160 = tpu.vector_load %arg7[%get3A_5159] {strides = array<i32>} : memref<2048xi32, #tpu.memory_space<vmem>>, vector<16xi32>,
      %get3A_5161 = vector.shape_cast %get3A_5160 : vector<16xi32> to vector<16xi32>
      %broadcast_in_dim3A_5162 = vector.broadcast %scan3A_5140 : i32 to vector<16xi32>
      %sub3A_5163 = arith.subi %broadcast_in_dim3A_12, %broadcast_in_dim3A_5162 : vector<16xi32>
      %max3A_5164 = arith.maxsi %sub3A_5163, %broadcast_in_dim3A_6 : vector<16xi32>
      %min3A_5165 = arith.minsi %max3A_5164, %add3A_9 : vector<16xi32>
      %add3A_5166 = arith.constant 0 : i32
      %add3A_5167 = vector.broadcast %add3A_5166 : i32 to vector<16xi32>
      %add3A_5168 = arith.addi %broadcast_in_dim3A_6, %add3A_5167 : vector<16xi32>
      %sub3A_5169 = arith.subi %get3A_5161, %add3A_5168 : vector<16xi32>
      %abs3A_5170 = math.absi %sub3A_5169 : vector<16xi32>
      %min3A_5171 = arith.minsi %abs3A_5170, %add3A_9 : vector<16xi32>
      %sub3A_5172 = arith.subi %add3A_9, %min3A_5171 : vector<16xi32>
      %add3A_5173 = arith.addi %scan3A_5141, %sub3A_5172 : vector<16xi32>
      %mul3A_5174 = arith.muli %sub3A_5172, %min3A_5165 : vector<16xi32>
      %add3A_5175 = arith.addi %scan3A_5149, %mul3A_5174 : vector<16xi32>
      %add3A_5176 = arith.constant 1 : i32
      %add3A_5177 = vector.broadcast %add3A_5176 : i32 to vector<16xi32>
      %add3A_5178 = arith.addi %broadcast_in_dim3A_6, %add3A_5177 : vector<16xi32>
      %sub3A_5179 = arith.subi %get3A_5161, %add3A_5178 : vector<16xi32>
      %abs3A_5180 = math.absi %sub3A_5179 : vector<16xi32>
      %min3A_5181 = arith.minsi %abs3A_5180, %add3A_9 : vector<16xi32>
      %sub3A_5182 = arith.subi %add3A_9, %min3A_5181 : vector<16xi32>
      %add3A_5183 = arith.addi %scan3A_5142, %sub3A_5182 : vector<16xi32>
      %mul3A_5184 = arith.muli %sub3A_5182, %min3A_5165 : vector<16xi32>
      %add3A_5185 = arith.addi %scan3A_5150, %mul3A_5184 : vector<16xi32>
      %add3A_5186 = arith.constant 2 : i32
      %add3A_5187 = vector.broadcast %add3A_5186 : i32 to vector<16xi32>
      %add3A_5188 = arith.addi %broadcast_in_dim3A_6, %add3A_5187 : vector<16xi32>
      %sub3A_5189 = arith.subi %get3A_5161, %add3A_5188 : vector<16xi32>
      %abs3A_5190 = math.absi %sub3A_5189 : vector<16xi32>
      %min3A_5191 = arith.minsi %abs3A_5190, %add3A_9 : vector<16xi32>
      %sub3A_5192 = arith.subi %add3A_9, %min3A_5191 : vector<16xi32>
      %add3A_5193 = arith.addi %scan3A_5143, %sub3A_5192 : vector<16xi32>
      %mul3A_5194 = arith.muli %sub3A_5192, %min3A_5165 : vector<16xi32>
      %add3A_5195 = arith.addi %scan3A_5151, %mul3A_5194 : vector<16xi32>
      %add3A_5196 = arith.constant 3 : i32
      %add3A_5197 = vector.broadcast %add3A_5196 : i32 to vector<16xi32>
      %add3A_5198 = arith.addi %broadcast_in_dim3A_6, %add3A_5197 : vector<16xi32>
      %sub3A_5199 = arith.subi %get3A_5161, %add3A_5198 : vector<16xi32>
      %abs3A_5200 = math.absi %sub3A_5199 : vector<16xi32>
      %min3A_5201 = arith.minsi %abs3A_5200, %add3A_9 : vector<16xi32>
      %sub3A_5202 = arith.subi %add3A_9, %min3A_5201 : vector<16xi32>
      %add3A_5203 = arith.addi %scan3A_5144, %sub3A_5202 : vector<16xi32>
      %mul3A_5204 = arith.muli %sub3A_5202, %min3A_5165 : vector<16xi32>
      %add3A_5205 = arith.addi %scan3A_5152, %mul3A_5204 : vector<16xi32>
      %add3A_5206 = arith.constant 4 : i32
      %add3A_5207 = vector.broadcast %add3A_5206 : i32 to vector<16xi32>
      %add3A_5208 = arith.addi %broadcast_in_dim3A_6, %add3A_5207 : vector<16xi32>
      %sub3A_5209 = arith.subi %get3A_5161, %add3A_5208 : vector<16xi32>
      %abs3A_5210 = math.absi %sub3A_5209 : vector<16xi32>
      %min3A_5211 = arith.minsi %abs3A_5210, %add3A_9 : vector<16xi32>
      %sub3A_5212 = arith.subi %add3A_9, %min3A_5211 : vector<16xi32>
      %add3A_5213 = arith.addi %scan3A_5145, %sub3A_5212 : vector<16xi32>
      %mul3A_5214 = arith.muli %sub3A_5212, %min3A_5165 : vector<16xi32>
      %add3A_5215 = arith.addi %scan3A_5153, %mul3A_5214 : vector<16xi32>
      %add3A_5216 = arith.constant 5 : i32
      %add3A_5217 = vector.broadcast %add3A_5216 : i32 to vector<16xi32>
      %add3A_5218 = arith.addi %broadcast_in_dim3A_6, %add3A_5217 : vector<16xi32>
      %sub3A_5219 = arith.subi %get3A_5161, %add3A_5218 : vector<16xi32>
      %abs3A_5220 = math.absi %sub3A_5219 : vector<16xi32>
      %min3A_5221 = arith.minsi %abs3A_5220, %add3A_9 : vector<16xi32>
      %sub3A_5222 = arith.subi %add3A_9, %min3A_5221 : vector<16xi32>
      %add3A_5223 = arith.addi %scan3A_5146, %sub3A_5222 : vector<16xi32>
      %mul3A_5224 = arith.muli %sub3A_5222, %min3A_5165 : vector<16xi32>
      %add3A_5225 = arith.addi %scan3A_5154, %mul3A_5224 : vector<16xi32>
      %add3A_5226 = arith.constant 6 : i32
      %add3A_5227 = vector.broadcast %add3A_5226 : i32 to vector<16xi32>
      %add3A_5228 = arith.addi %broadcast_in_dim3A_6, %add3A_5227 : vector<16xi32>
      %sub3A_5229 = arith.subi %get3A_5161, %add3A_5228 : vector<16xi32>
      %abs3A_5230 = math.absi %sub3A_5229 : vector<16xi32>
      %min3A_5231 = arith.minsi %abs3A_5230, %add3A_9 : vector<16xi32>
      %sub3A_5232 = arith.subi %add3A_9, %min3A_5231 : vector<16xi32>
      %add3A_5233 = arith.addi %scan3A_5147, %sub3A_5232 : vector<16xi32>
      %mul3A_5234 = arith.muli %sub3A_5232, %min3A_5165 : vector<16xi32>
      %add3A_5235 = arith.addi %scan3A_5155, %mul3A_5234 : vector<16xi32>
      %add3A_5236 = arith.constant 7 : i32
      %add3A_5237 = vector.broadcast %add3A_5236 : i32 to vector<16xi32>
      %add3A_5238 = arith.addi %broadcast_in_dim3A_6, %add3A_5237 : vector<16xi32>
      %sub3A_5239 = arith.subi %get3A_5161, %add3A_5238 : vector<16xi32>
      %abs3A_5240 = math.absi %sub3A_5239 : vector<16xi32>
      %min3A_5241 = arith.minsi %abs3A_5240, %add3A_9 : vector<16xi32>
      %sub3A_5242 = arith.subi %add3A_9, %min3A_5241 : vector<16xi32>
      %add3A_5243 = arith.addi %scan3A_5148, %sub3A_5242 : vector<16xi32>
      %mul3A_5244 = arith.muli %sub3A_5242, %min3A_5165 : vector<16xi32>
      %add3A_5245 = arith.addi %scan3A_5156, %mul3A_5244 : vector<16xi32>
      scf.yield %add3A_5173, %add3A_5183, %add3A_5193, %add3A_5203, %add3A_5213, %add3A_5223, %add3A_5233, %add3A_5243, %add3A_5175, %add3A_5185, %add3A_5195, %add3A_5205, %add3A_5215, %add3A_5225, %add3A_5235, %add3A_5245 : vector<16xi32>, vector<16xi32>, vector<16xi32>, vector<16xi32>, vector<16xi32>, vector<16xi32>, vector<16xi32>, vector<16xi32>, vector<16xi32>, vector<16xi32>, vector<16xi32>, vector<16xi32>, vector<16xi32>, vector<16xi32>, vector<16xi32>, vector<16xi32>
    }
    %scan3A_17 = arith.constant 128 : i32
    %sub3A = arith.constant 1 : i32
    %sub3A_18 = vector.broadcast %sub3A : i32 to vector<16xi32>
    %sub3A_19 = arith.subi %iota3A, %sub3A_18 : vector<16xi32>
    %max3A = arith.maxsi %sub3A_19, %broadcast_in_dim3A_6 : vector<16xi32>
    %lt3A = arith.constant 0 : i32
    %lt3A_20 = vector.broadcast %lt3A : i32 to vector<16xi32>
    %lt3A_21 = arith.cmpi slt, %max3A, %lt3A_20 : vector<16xi32>
    %add3A_22 = arith.constant 16 : i32
    %add3A_23 = vector.broadcast %add3A_22 : i32 to vector<16xi32>
    %add3A_24 = arith.addi %max3A, %add3A_23 : vector<16xi32>
    %select_n3A = arith.select %lt3A_21, %add3A_24, %max3A : vector<16xi1>, vector<16xi32>
    %broadcast_in_dim3A_25 = vector.shape_cast %select_n3A : vector<16xi32> to vector<16x1xi32>
    %gather3A = vector.shape_cast %broadcast_in_dim3A_25 : vector<16x1xi32> to vector<16xi32>
    %gather3A_26 = tpu.dynamic_gather %scan3A_16#0[%gather3A] in [0] : vector<16xi32>, vector<16xi32> -> vector<16xi32>
    %sub3A_27 = arith.constant 0 : i32
    %sub3A_28 = vector.broadcast %sub3A_27 : i32 to vector<16xi32>
    %sub3A_29 = arith.subi %iota3A, %sub3A_28 : vector<16xi32>
    %max3A_30 = arith.maxsi %sub3A_29, %broadcast_in_dim3A_6 : vector<16xi32>
    %min3A = arith.minsi %max3A_30, %add3A_9 : vector<16xi32>
    %mul3A_31 = arith.muli %gather3A_26, %min3A : vector<16xi32>
    %add3A_32 = arith.addi %scan3A_16#0, %mul3A_31 : vector<16xi32>
    %sub3A_33 = arith.constant 2 : i32
    %sub3A_34 = vector.broadcast %sub3A_33 : i32 to vector<16xi32>
    %sub3A_35 = arith.subi %iota3A, %sub3A_34 : vector<16xi32>
    %max3A_36 = arith.maxsi %sub3A_35, %broadcast_in_dim3A_6 : vector<16xi32>
    %lt3A_37 = arith.constant 0 : i32
    %lt3A_38 = vector.broadcast %lt3A_37 : i32 to vector<16xi32>
    %lt3A_39 = arith.cmpi slt, %max3A_36, %lt3A_38 : vector<16xi32>
    %add3A_40 = arith.constant 16 : i32
    %add3A_41 = vector.broadcast %add3A_40 : i32 to vector<16xi32>
    %add3A_42 = arith.addi %max3A_36, %add3A_41 : vector<16xi32>
    %select_n3A_43 = arith.select %lt3A_39, %add3A_42, %max3A_36 : vector<16xi1>, vector<16xi32>
    %broadcast_in_dim3A_44 = vector.shape_cast %select_n3A_43 : vector<16xi32> to vector<16x1xi32>
    %gather3A_45 = vector.shape_cast %broadcast_in_dim3A_44 : vector<16x1xi32> to vector<16xi32>
    %gather3A_46 = tpu.dynamic_gather %add3A_32[%gather3A_45] in [0] : vector<16xi32>, vector<16xi32> -> vector<16xi32>
    %sub3A_47 = arith.constant 1 : i32
    %sub3A_48 = vector.broadcast %sub3A_47 : i32 to vector<16xi32>
    %sub3A_49 = arith.subi %iota3A, %sub3A_48 : vector<16xi32>
    %max3A_50 = arith.maxsi %sub3A_49, %broadcast_in_dim3A_6 : vector<16xi32>
    %min3A_51 = arith.minsi %max3A_50, %add3A_9 : vector<16xi32>
    %mul3A_52 = arith.muli %gather3A_46, %min3A_51 : vector<16xi32>
    %add3A_53 = arith.addi %add3A_32, %mul3A_52 : vector<16xi32>
    %sub3A_54 = arith.constant 4 : i32
    %sub3A_55 = vector.broadcast %sub3A_54 : i32 to vector<16xi32>
    %sub3A_56 = arith.subi %iota3A, %sub3A_55 : vector<16xi32>
    %max3A_57 = arith.maxsi %sub3A_56, %broadcast_in_dim3A_6 : vector<16xi32>
    %lt3A_58 = arith.constant 0 : i32
    %lt3A_59 = vector.broadcast %lt3A_58 : i32 to vector<16xi32>
    %lt3A_60 = arith.cmpi slt, %max3A_57, %lt3A_59 : vector<16xi32>
    %add3A_61 = arith.constant 16 : i32
    %add3A_62 = vector.broadcast %add3A_61 : i32 to vector<16xi32>
    %add3A_63 = arith.addi %max3A_57, %add3A_62 : vector<16xi32>
    %select_n3A_64 = arith.select %lt3A_60, %add3A_63, %max3A_57 : vector<16xi1>, vector<16xi32>
    %broadcast_in_dim3A_65 = vector.shape_cast %select_n3A_64 : vector<16xi32> to vector<16x1xi32>
    %gather3A_66 = vector.shape_cast %broadcast_in_dim3A_65 : vector<16x1xi32> to vector<16xi32>
    %gather3A_67 = tpu.dynamic_gather %add3A_53[%gather3A_66] in [0] : vector<16xi32>, vector<16xi32> -> vector<16xi32>
    %sub3A_68 = arith.constant 3 : i32
    %sub3A_69 = vector.broadcast %sub3A_68 : i32 to vector<16xi32>
    %sub3A_70 = arith.subi %iota3A, %sub3A_69 : vector<16xi32>
    %max3A_71 = arith.maxsi %sub3A_70, %broadcast_in_dim3A_6 : vector<16xi32>
    %min3A_72 = arith.minsi %max3A_71, %add3A_9 : vector<16xi32>
    %mul3A_73 = arith.muli %gather3A_67, %min3A_72 : vector<16xi32>
    %add3A_74 = arith.addi %add3A_53, %mul3A_73 : vector<16xi32>
    %sub3A_75 = arith.constant 8 : i32
    %sub3A_76 = vector.broadcast %sub3A_75 : i32 to vector<16xi32>
    %sub3A_77 = arith.subi %iota3A, %sub3A_76 : vector<16xi32>
    %max3A_78 = arith.maxsi %sub3A_77, %broadcast_in_dim3A_6 : vector<16xi32>
    %lt3A_79 = arith.constant 0 : i32
    %lt3A_80 = vector.broadcast %lt3A_79 : i32 to vector<16xi32>
    %lt3A_81 = arith.cmpi slt, %max3A_78, %lt3A_80 : vector<16xi32>
    %add3A_82 = arith.constant 16 : i32
    %add3A_83 = vector.broadcast %add3A_82 : i32 to vector<16xi32>
    %add3A_84 = arith.addi %max3A_78, %add3A_83 : vector<16xi32>
    %select_n3A_85 = arith.select %lt3A_81, %add3A_84, %max3A_78 : vector<16xi1>, vector<16xi32>
    %broadcast_in_dim3A_86 = vector.shape_cast %select_n3A_85 : vector<16xi32> to vector<16x1xi32>
    %gather3A_87 = vector.shape_cast %broadcast_in_dim3A_86 : vector<16x1xi32> to vector<16xi32>
    %gather3A_88 = tpu.dynamic_gather %add3A_74[%gather3A_87] in [0] : vector<16xi32>, vector<16xi32> -> vector<16xi32>
    %sub3A_89 = arith.constant 7 : i32
    %sub3A_90 = vector.broadcast %sub3A_89 : i32 to vector<16xi32>
    %sub3A_91 = arith.subi %iota3A, %sub3A_90 : vector<16xi32>
    %max3A_92 = arith.maxsi %sub3A_91, %broadcast_in_dim3A_6 : vector<16xi32>
    %min3A_93 = arith.minsi %max3A_92, %add3A_9 : vector<16xi32>
    %mul3A_94 = arith.muli %gather3A_88, %min3A_93 : vector<16xi32>
    %add3A_95 = arith.addi %add3A_74, %mul3A_94 : vector<16xi32>
    %add3A_96 = arith.constant 15 : i32
    %add3A_97 = vector.broadcast %add3A_96 : i32 to vector<16xi32>
    %add3A_98 = arith.addi %broadcast_in_dim3A_6, %add3A_97 : vector<16xi32>
    %lt3A_99 = arith.constant 0 : i32
    %lt3A_100 = vector.broadcast %lt3A_99 : i32 to vector<16xi32>
    %lt3A_101 = arith.cmpi slt, %add3A_98, %lt3A_100 : vector<16xi32>
    %add3A_102 = arith.constant 16 : i32
    %add3A_103 = vector.broadcast %add3A_102 : i32 to vector<16xi32>
    %add3A_104 = arith.addi %add3A_98, %add3A_103 : vector<16xi32>
    %select_n3A_105 = arith.select %lt3A_101, %add3A_104, %add3A_98 : vector<16xi1>, vector<16xi32>
    %broadcast_in_dim3A_106 = vector.shape_cast %select_n3A_105 : vector<16xi32> to vector<16x1xi32>
    %gather3A_107 = vector.shape_cast %broadcast_in_dim3A_106 : vector<16x1xi32> to vector<16xi32>
    %gather3A_108 = tpu.dynamic_gather %add3A_95[%gather3A_107] in [0] : vector<16xi32>, vector<16xi32> -> vector<16xi32>
    %sub3A_109 = arith.constant 1 : i32
    %sub3A_110 = vector.broadcast %sub3A_109 : i32 to vector<16xi32>
    %sub3A_111 = arith.subi %iota3A, %sub3A_110 : vector<16xi32>
    %max3A_112 = arith.maxsi %sub3A_111, %broadcast_in_dim3A_6 : vector<16xi32>
    %lt3A_113 = arith.constant 0 : i32
    %lt3A_114 = vector.broadcast %lt3A_113 : i32 to vector<16xi32>
    %lt3A_115 = arith.cmpi slt, %max3A_112, %lt3A_114 : vector<16xi32>
    %add3A_116 = arith.constant 16 : i32
    %add3A_117 = vector.broadcast %add3A_116 : i32 to vector<16xi32>
    %add3A_118 = arith.addi %max3A_112, %add3A_117 : vector<16xi32>
    %select_n3A_119 = arith.select %lt3A_115, %add3A_118, %max3A_112 : vector<16xi1>, vector<16xi32>
    %broadcast_in_dim3A_120 = vector.shape_cast %select_n3A_119 : vector<16xi32> to vector<16x1xi32>
    %gather3A_121 = vector.shape_cast %broadcast_in_dim3A_120 : vector<16x1xi32> to vector<16xi32>
    %gather3A_122 = tpu.dynamic_gather %scan3A_16#1[%gather3A_121] in [0] : vector<16xi32>, vector<16xi32> -> vector<16xi32>
    %sub3A_123 = arith.constant 0 : i32
    %sub3A_124 = vector.broadcast %sub3A_123 : i32 to vector<16xi32>
    %sub3A_125 = arith.subi %iota3A, %sub3A_124 : vector<16xi32>
    %max3A_126 = arith.maxsi %sub3A_125, %broadcast_in_dim3A_6 : vector<16xi32>
    %min3A_127 = arith.minsi %max3A_126, %add3A_9 : vector<16xi32>
    %mul3A_128 = arith.muli %gather3A_122, %min3A_127 : vector<16xi32>
    %add3A_129 = arith.addi %scan3A_16#1, %mul3A_128 : vector<16xi32>
    %sub3A_130 = arith.constant 2 : i32
    %sub3A_131 = vector.broadcast %sub3A_130 : i32 to vector<16xi32>
    %sub3A_132 = arith.subi %iota3A, %sub3A_131 : vector<16xi32>
    %max3A_133 = arith.maxsi %sub3A_132, %broadcast_in_dim3A_6 : vector<16xi32>
    %lt3A_134 = arith.constant 0 : i32
    %lt3A_135 = vector.broadcast %lt3A_134 : i32 to vector<16xi32>
    %lt3A_136 = arith.cmpi slt, %max3A_133, %lt3A_135 : vector<16xi32>
    %add3A_137 = arith.constant 16 : i32
    %add3A_138 = vector.broadcast %add3A_137 : i32 to vector<16xi32>
    %add3A_139 = arith.addi %max3A_133, %add3A_138 : vector<16xi32>
    %select_n3A_140 = arith.select %lt3A_136, %add3A_139, %max3A_133 : vector<16xi1>, vector<16xi32>
    %broadcast_in_dim3A_141 = vector.shape_cast %select_n3A_140 : vector<16xi32> to vector<16x1xi32>
    %gather3A_142 = vector.shape_cast %broadcast_in_dim3A_141 : vector<16x1xi32> to vector<16xi32>
    %gather3A_143 = tpu.dynamic_gather %add3A_129[%gather3A_142] in [0] : vector<16xi32>, vector<16xi32> -> vector<16xi32>
    %sub3A_144 = arith.constant 1 : i32
    %sub3A_145 = vector.broadcast %sub3A_144 : i32 to vector<16xi32>
    %sub3A_146 = arith.subi %iota3A, %sub3A_145 : vector<16xi32>
    %max3A_147 = arith.maxsi %sub3A_146, %broadcast_in_dim3A_6 : vector<16xi32>
    %min3A_148 = arith.minsi %max3A_147, %add3A_9 : vector<16xi32>
    %mul3A_149 = arith.muli %gather3A_143, %min3A_148 : vector<16xi32>
    %add3A_150 = arith.addi %add3A_129, %mul3A_149 : vector<16xi32>
    %sub3A_151 = arith.constant 4 : i32
    %sub3A_152 = vector.broadcast %sub3A_151 : i32 to vector<16xi32>
    %sub3A_153 = arith.subi %iota3A, %sub3A_152 : vector<16xi32>
    %max3A_154 = arith.maxsi %sub3A_153, %broadcast_in_dim3A_6 : vector<16xi32>
    %lt3A_155 = arith.constant 0 : i32
    %lt3A_156 = vector.broadcast %lt3A_155 : i32 to vector<16xi32>
    %lt3A_157 = arith.cmpi slt, %max3A_154, %lt3A_156 : vector<16xi32>
    %add3A_158 = arith.constant 16 : i32
    %add3A_159 = vector.broadcast %add3A_158 : i32 to vector<16xi32>
    %add3A_160 = arith.addi %max3A_154, %add3A_159 : vector<16xi32>
    %select_n3A_161 = arith.select %lt3A_157, %add3A_160, %max3A_154 : vector<16xi1>, vector<16xi32>
    %broadcast_in_dim3A_162 = vector.shape_cast %select_n3A_161 : vector<16xi32> to vector<16x1xi32>
    %gather3A_163 = vector.shape_cast %broadcast_in_dim3A_162 : vector<16x1xi32> to vector<16xi32>
    %gather3A_164 = tpu.dynamic_gather %add3A_150[%gather3A_163] in [0] : vector<16xi32>, vector<16xi32> -> vector<16xi32>
    %sub3A_165 = arith.constant 3 : i32
    %sub3A_166 = vector.broadcast %sub3A_165 : i32 to vector<16xi32>
    %sub3A_167 = arith.subi %iota3A, %sub3A_166 : vector<16xi32>
    %max3A_168 = arith.maxsi %sub3A_167, %broadcast_in_dim3A_6 : vector<16xi32>
    %min3A_169 = arith.minsi %max3A_168, %add3A_9 : vector<16xi32>
    %mul3A_170 = arith.muli %gather3A_164, %min3A_169 : vector<16xi32>
    %add3A_171 = arith.addi %add3A_150, %mul3A_170 : vector<16xi32>
    %sub3A_172 = arith.constant 8 : i32
    %sub3A_173 = vector.broadcast %sub3A_172 : i32 to vector<16xi32>
    %sub3A_174 = arith.subi %iota3A, %sub3A_173 : vector<16xi32>
    %max3A_175 = arith.maxsi %sub3A_174, %broadcast_in_dim3A_6 : vector<16xi32>
    %lt3A_176 = arith.constant 0 : i32
    %lt3A_177 = vector.broadcast %lt3A_176 : i32 to vector<16xi32>
    %lt3A_178 = arith.cmpi slt, %max3A_175, %lt3A_177 : vector<16xi32>
    %add3A_179 = arith.constant 16 : i32
    %add3A_180 = vector.broadcast %add3A_179 : i32 to vector<16xi32>
    %add3A_181 = arith.addi %max3A_175, %add3A_180 : vector<16xi32>
    %select_n3A_182 = arith.select %lt3A_178, %add3A_181, %max3A_175 : vector<16xi1>, vector<16xi32>
    %broadcast_in_dim3A_183 = vector.shape_cast %select_n3A_182 : vector<16xi32> to vector<16x1xi32>
    %gather3A_184 = vector.shape_cast %broadcast_in_dim3A_183 : vector<16x1xi32> to vector<16xi32>
    %gather3A_185 = tpu.dynamic_gather %add3A_171[%gather3A_184] in [0] : vector<16xi32>, vector<16xi32> -> vector<16xi32>
    %sub3A_186 = arith.constant 7 : i32
    %sub3A_187 = vector.broadcast %sub3A_186 : i32 to vector<16xi32>
    %sub3A_188 = arith.subi %iota3A, %sub3A_187 : vector<16xi32>
    %max3A_189 = arith.maxsi %sub3A_188, %broadcast_in_dim3A_6 : vector<16xi32>
    %min3A_190 = arith.minsi %max3A_189, %add3A_9 : vector<16xi32>
    %mul3A_191 = arith.muli %gather3A_185, %min3A_190 : vector<16xi32>
    %add3A_192 = arith.addi %add3A_171, %mul3A_191 : vector<16xi32>
    %add3A_193 = arith.constant 15 : i32
    %add3A_194 = vector.broadcast %add3A_193 : i32 to vector<16xi32>
    %add3A_195 = arith.addi %broadcast_in_dim3A_6, %add3A_194 : vector<16xi32>
    %lt3A_196 = arith.constant 0 : i32
    %lt3A_197 = vector.broadcast %lt3A_196 : i32 to vector<16xi32>
    %lt3A_198 = arith.cmpi slt, %add3A_195, %lt3A_197 : vector<16xi32>
    %add3A_199 = arith.constant 16 : i32
    %add3A_200 = vector.broadcast %add3A_199 : i32 to vector<16xi32>
    %add3A_201 = arith.addi %add3A_195, %add3A_200 : vector<16xi32>
    %select_n3A_202 = arith.select %lt3A_198, %add3A_201, %add3A_195 : vector<16xi1>, vector<16xi32>
    %broadcast_in_dim3A_203 = vector.shape_cast %select_n3A_202 : vector<16xi32> to vector<16x1xi32>
    %gather3A_204 = vector.shape_cast %broadcast_in_dim3A_203 : vector<16x1xi32> to vector<16xi32>
    %gather3A_205 = tpu.dynamic_gather %add3A_192[%gather3A_204] in [0] : vector<16xi32>, vector<16xi32> -> vector<16xi32>
    %sub3A_206 = arith.constant 1 : i32
    %sub3A_207 = vector.broadcast %sub3A_206 : i32 to vector<16xi32>
    %sub3A_208 = arith.subi %iota3A, %sub3A_207 : vector<16xi32>
    %max3A_209 = arith.maxsi %sub3A_208, %broadcast_in_dim3A_6 : vector<16xi32>
    %lt3A_210 = arith.constant 0 : i32
    %lt3A_211 = vector.broadcast %lt3A_210 : i32 to vector<16xi32>
    %lt3A_212 = arith.cmpi slt, %max3A_209, %lt3A_211 : vector<16xi32>
    %add3A_213 = arith.constant 16 : i32
    %add3A_214 = vector.broadcast %add3A_213 : i32 to vector<16xi32>
    %add3A_215 = arith.addi %max3A_209, %add3A_214 : vector<16xi32>
    %select_n3A_216 = arith.select %lt3A_212, %add3A_215, %max3A_209 : vector<16xi1>, vector<16xi32>
    %broadcast_in_dim3A_217 = vector.shape_cast %select_n3A_216 : vector<16xi32> to vector<16x1xi32>
    %gather3A_218 = vector.shape_cast %broadcast_in_dim3A_217 : vector<16x1xi32> to vector<16xi32>
    %gather3A_219 = tpu.dynamic_gather %scan3A_16#2[%gather3A_218] in [0] : vector<16xi32>, vector<16xi32> -> vector<16xi32>
    %sub3A_220 = arith.constant 0 : i32
    %sub3A_221 = vector.broadcast %sub3A_220 : i32 to vector<16xi32>
    %sub3A_222 = arith.subi %iota3A, %sub3A_221 : vector<16xi32>
    %max3A_223 = arith.maxsi %sub3A_222, %broadcast_in_dim3A_6 : vector<16xi32>
    %min3A_224 = arith.minsi %max3A_223, %add3A_9 : vector<16xi32>
    %mul3A_225 = arith.muli %gather3A_219, %min3A_224 : vector<16xi32>
    %add3A_226 = arith.addi %scan3A_16#2, %mul3A_225 : vector<16xi32>
    %sub3A_227 = arith.constant 2 : i32
    %sub3A_228 = vector.broadcast %sub3A_227 : i32 to vector<16xi32>
    %sub3A_229 = arith.subi %iota3A, %sub3A_228 : vector<16xi32>
    %max3A_230 = arith.maxsi %sub3A_229, %broadcast_in_dim3A_6 : vector<16xi32>
    %lt3A_231 = arith.constant 0 : i32
    %lt3A_232 = vector.broadcast %lt3A_231 : i32 to vector<16xi32>
    %lt3A_233 = arith.cmpi slt, %max3A_230, %lt3A_232 : vector<16xi32>
    %add3A_234 = arith.constant 16 : i32
    %add3A_235 = vector.broadcast %add3A_234 : i32 to vector<16xi32>
    %add3A_236 = arith.addi %max3A_230, %add3A_235 : vector<16xi32>
    %select_n3A_237 = arith.select %lt3A_233, %add3A_236, %max3A_230 : vector<16xi1>, vector<16xi32>
    %broadcast_in_dim3A_238 = vector.shape_cast %select_n3A_237 : vector<16xi32> to vector<16x1xi32>
    %gather3A_239 = vector.shape_cast %broadcast_in_dim3A_238 : vector<16x1xi32> to vector<16xi32>
    %gather3A_240 = tpu.dynamic_gather %add3A_226[%gather3A_239] in [0] : vector<16xi32>, vector<16xi32> -> vector<16xi32>
    %sub3A_241 = arith.constant 1 : i32
    %sub3A_242 = vector.broadcast %sub3A_241 : i32 to vector<16xi32>
    %sub3A_243 = arith.subi %iota3A, %sub3A_242 : vector<16xi32>
    %max3A_244 = arith.maxsi %sub3A_243, %broadcast_in_dim3A_6 : vector<16xi32>
    %min3A_245 = arith.minsi %max3A_244, %add3A_9 : vector<16xi32>
    %mul3A_246 = arith.muli %gather3A_240, %min3A_245 : vector<16xi32>
    %add3A_247 = arith.addi %add3A_226, %mul3A_246 : vector<16xi32>
    %sub3A_248 = arith.constant 4 : i32
    %sub3A_249 = vector.broadcast %sub3A_248 : i32 to vector<16xi32>
    %sub3A_250 = arith.subi %iota3A, %sub3A_249 : vector<16xi32>
    %max3A_251 = arith.maxsi %sub3A_250, %broadcast_in_dim3A_6 : vector<16xi32>
    %lt3A_252 = arith.constant 0 : i32
    %lt3A_253 = vector.broadcast %lt3A_252 : i32 to vector<16xi32>
    %lt3A_254 = arith.cmpi slt, %max3A_251, %lt3A_253 : vector<16xi32>
    %add3A_255 = arith.constant 16 : i32
    %add3A_256 = vector.broadcast %add3A_255 : i32 to vector<16xi32>
    %add3A_257 = arith.addi %max3A_251, %add3A_256 : vector<16xi32>
    %select_n3A_258 = arith.select %lt3A_254, %add3A_257, %max3A_251 : vector<16xi1>, vector<16xi32>
    %broadcast_in_dim3A_259 = vector.shape_cast %select_n3A_258 : vector<16xi32> to vector<16x1xi32>
    %gather3A_260 = vector.shape_cast %broadcast_in_dim3A_259 : vector<16x1xi32> to vector<16xi32>
    %gather3A_261 = tpu.dynamic_gather %add3A_247[%gather3A_260] in [0] : vector<16xi32>, vector<16xi32> -> vector<16xi32>
    %sub3A_262 = arith.constant 3 : i32
    %sub3A_263 = vector.broadcast %sub3A_262 : i32 to vector<16xi32>
    %sub3A_264 = arith.subi %iota3A, %sub3A_263 : vector<16xi32>
    %max3A_265 = arith.maxsi %sub3A_264, %broadcast_in_dim3A_6 : vector<16xi32>
    %min3A_266 = arith.minsi %max3A_265, %add3A_9 : vector<16xi32>
    %mul3A_267 = arith.muli %gather3A_261, %min3A_266 : vector<16xi32>
    %add3A_268 = arith.addi %add3A_247, %mul3A_267 : vector<16xi32>
    %sub3A_269 = arith.constant 8 : i32
    %sub3A_270 = vector.broadcast %sub3A_269 : i32 to vector<16xi32>
    %sub3A_271 = arith.subi %iota3A, %sub3A_270 : vector<16xi32>
    %max3A_272 = arith.maxsi %sub3A_271, %broadcast_in_dim3A_6 : vector<16xi32>
    %lt3A_273 = arith.constant 0 : i32
    %lt3A_274 = vector.broadcast %lt3A_273 : i32 to vector<16xi32>
    %lt3A_275 = arith.cmpi slt, %max3A_272, %lt3A_274 : vector<16xi32>
    %add3A_276 = arith.constant 16 : i32
    %add3A_277 = vector.broadcast %add3A_276 : i32 to vector<16xi32>
    %add3A_278 = arith.addi %max3A_272, %add3A_277 : vector<16xi32>
    %select_n3A_279 = arith.select %lt3A_275, %add3A_278, %max3A_272 : vector<16xi1>, vector<16xi32>
    %broadcast_in_dim3A_280 = vector.shape_cast %select_n3A_279 : vector<16xi32> to vector<16x1xi32>
    %gather3A_281 = vector.shape_cast %broadcast_in_dim3A_280 : vector<16x1xi32> to vector<16xi32>
    %gather3A_282 = tpu.dynamic_gather %add3A_268[%gather3A_281] in [0] : vector<16xi32>, vector<16xi32> -> vector<16xi32>
    %sub3A_283 = arith.constant 7 : i32
    %sub3A_284 = vector.broadcast %sub3A_283 : i32 to vector<16xi32>
    %sub3A_285 = arith.subi %iota3A, %sub3A_284 : vector<16xi32>
    %max3A_286 = arith.maxsi %sub3A_285, %broadcast_in_dim3A_6 : vector<16xi32>
    %min3A_287 = arith.minsi %max3A_286, %add3A_9 : vector<16xi32>
    %mul3A_288 = arith.muli %gather3A_282, %min3A_287 : vector<16xi32>
    %add3A_289 = arith.addi %add3A_268, %mul3A_288 : vector<16xi32>
    %add3A_290 = arith.constant 15 : i32
    %add3A_291 = vector.broadcast %add3A_290 : i32 to vector<16xi32>
    %add3A_292 = arith.addi %broadcast_in_dim3A_6, %add3A_291 : vector<16xi32>
    %lt3A_293 = arith.constant 0 : i32
    %lt3A_294 = vector.broadcast %lt3A_293 : i32 to vector<16xi32>
    %lt3A_295 = arith.cmpi slt, %add3A_292, %lt3A_294 : vector<16xi32>
    %add3A_296 = arith.constant 16 : i32
    %add3A_297 = vector.broadcast %add3A_296 : i32 to vector<16xi32>
    %add3A_298 = arith.addi %add3A_292, %add3A_297 : vector<16xi32>
    %select_n3A_299 = arith.select %lt3A_295, %add3A_298, %add3A_292 : vector<16xi1>, vector<16xi32>
    %broadcast_in_dim3A_300 = vector.shape_cast %select_n3A_299 : vector<16xi32> to vector<16x1xi32>
    %gather3A_301 = vector.shape_cast %broadcast_in_dim3A_300 : vector<16x1xi32> to vector<16xi32>
    %gather3A_302 = tpu.dynamic_gather %add3A_289[%gather3A_301] in [0] : vector<16xi32>, vector<16xi32> -> vector<16xi32>
    %sub3A_303 = arith.constant 1 : i32
    %sub3A_304 = vector.broadcast %sub3A_303 : i32 to vector<16xi32>
    %sub3A_305 = arith.subi %iota3A, %sub3A_304 : vector<16xi32>
    %max3A_306 = arith.maxsi %sub3A_305, %broadcast_in_dim3A_6 : vector<16xi32>
    %lt3A_307 = arith.constant 0 : i32
    %lt3A_308 = vector.broadcast %lt3A_307 : i32 to vector<16xi32>
    %lt3A_309 = arith.cmpi slt, %max3A_306, %lt3A_308 : vector<16xi32>
    %add3A_310 = arith.constant 16 : i32
    %add3A_311 = vector.broadcast %add3A_310 : i32 to vector<16xi32>
    %add3A_312 = arith.addi %max3A_306, %add3A_311 : vector<16xi32>
    %select_n3A_313 = arith.select %lt3A_309, %add3A_312, %max3A_306 : vector<16xi1>, vector<16xi32>
    %broadcast_in_dim3A_314 = vector.shape_cast %select_n3A_313 : vector<16xi32> to vector<16x1xi32>
    %gather3A_315 = vector.shape_cast %broadcast_in_dim3A_314 : vector<16x1xi32> to vector<16xi32>
    %gather3A_316 = tpu.dynamic_gather %scan3A_16#3[%gather3A_315] in [0] : vector<16xi32>, vector<16xi32> -> vector<16xi32>
    %sub3A_317 = arith.constant 0 : i32
    %sub3A_318 = vector.broadcast %sub3A_317 : i32 to vector<16xi32>
    %sub3A_319 = arith.subi %iota3A, %sub3A_318 : vector<16xi32>
    %max3A_320 = arith.maxsi %sub3A_319, %broadcast_in_dim3A_6 : vector<16xi32>
    %min3A_321 = arith.minsi %max3A_320, %add3A_9 : vector<16xi32>
    %mul3A_322 = arith.muli %gather3A_316, %min3A_321 : vector<16xi32>
    %add3A_323 = arith.addi %scan3A_16#3, %mul3A_322 : vector<16xi32>
    %sub3A_324 = arith.constant 2 : i32
    %sub3A_325 = vector.broadcast %sub3A_324 : i32 to vector<16xi32>
    %sub3A_326 = arith.subi %iota3A, %sub3A_325 : vector<16xi32>
    %max3A_327 = arith.maxsi %sub3A_326, %broadcast_in_dim3A_6 : vector<16xi32>
    %lt3A_328 = arith.constant 0 : i32
    %lt3A_329 = vector.broadcast %lt3A_328 : i32 to vector<16xi32>
    %lt3A_330 = arith.cmpi slt, %max3A_327, %lt3A_329 : vector<16xi32>
    %add3A_331 = arith.constant 16 : i32
    %add3A_332 = vector.broadcast %add3A_331 : i32 to vector<16xi32>
    %add3A_333 = arith.addi %max3A_327, %add3A_332 : vector<16xi32>
    %select_n3A_334 = arith.select %lt3A_330, %add3A_333, %max3A_327 : vector<16xi1>, vector<16xi32>
    %broadcast_in_dim3A_335 = vector.shape_cast %select_n3A_334 : vector<16xi32> to vector<16x1xi32>
    %gather3A_336 = vector.shape_cast %broadcast_in_dim3A_335 : vector<16x1xi32> to vector<16xi32>
    %gather3A_337 = tpu.dynamic_gather %add3A_323[%gather3A_336] in [0] : vector<16xi32>, vector<16xi32> -> vector<16xi32>
    %sub3A_338 = arith.constant 1 : i32
    %sub3A_339 = vector.broadcast %sub3A_338 : i32 to vector<16xi32>
    %sub3A_340 = arith.subi %iota3A, %sub3A_339 : vector<16xi32>
    %max3A_341 = arith.maxsi %sub3A_340, %broadcast_in_dim3A_6 : vector<16xi32>
    %min3A_342 = arith.minsi %max3A_341, %add3A_9 : vector<16xi32>
    %mul3A_343 = arith.muli %gather3A_337, %min3A_342 : vector<16xi32>
    %add3A_344 = arith.addi %add3A_323, %mul3A_343 : vector<16xi32>
    %sub3A_345 = arith.constant 4 : i32
    %sub3A_346 = vector.broadcast %sub3A_345 : i32 to vector<16xi32>
    %sub3A_347 = arith.subi %iota3A, %sub3A_346 : vector<16xi32>
    %max3A_348 = arith.maxsi %sub3A_347, %broadcast_in_dim3A_6 : vector<16xi32>
    %lt3A_349 = arith.constant 0 : i32
    %lt3A_350 = vector.broadcast %lt3A_349 : i32 to vector<16xi32>
    %lt3A_351 = arith.cmpi slt, %max3A_348, %lt3A_350 : vector<16xi32>
    %add3A_352 = arith.constant 16 : i32
    %add3A_353 = vector.broadcast %add3A_352 : i32 to vector<16xi32>
    %add3A_354 = arith.addi %max3A_348, %add3A_353 : vector<16xi32>
    %select_n3A_355 = arith.select %lt3A_351, %add3A_354, %max3A_348 : vector<16xi1>, vector<16xi32>
    %broadcast_in_dim3A_356 = vector.shape_cast %select_n3A_355 : vector<16xi32> to vector<16x1xi32>
    %gather3A_357 = vector.shape_cast %broadcast_in_dim3A_356 : vector<16x1xi32> to vector<16xi32>
    %gather3A_358 = tpu.dynamic_gather %add3A_344[%gather3A_357] in [0] : vector<16xi32>, vector<16xi32> -> vector<16xi32>
    %sub3A_359 = arith.constant 3 : i32
    %sub3A_360 = vector.broadcast %sub3A_359 : i32 to vector<16xi32>
    %sub3A_361 = arith.subi %iota3A, %sub3A_360 : vector<16xi32>
    %max3A_362 = arith.maxsi %sub3A_361, %broadcast_in_dim3A_6 : vector<16xi32>
    %min3A_363 = arith.minsi %max3A_362, %add3A_9 : vector<16xi32>
    %mul3A_364 = arith.muli %gather3A_358, %min3A_363 : vector<16xi32>
    %add3A_365 = arith.addi %add3A_344, %mul3A_364 : vector<16xi32>
    %sub3A_366 = arith.constant 8 : i32
    %sub3A_367 = vector.broadcast %sub3A_366 : i32 to vector<16xi32>
    %sub3A_368 = arith.subi %iota3A, %sub3A_367 : vector<16xi32>
    %max3A_369 = arith.maxsi %sub3A_368, %broadcast_in_dim3A_6 : vector<16xi32>
    %lt3A_370 = arith.constant 0 : i32
    %lt3A_371 = vector.broadcast %lt3A_370 : i32 to vector<16xi32>
    %lt3A_372 = arith.cmpi slt, %max3A_369, %lt3A_371 : vector<16xi32>
    %add3A_373 = arith.constant 16 : i32
    %add3A_374 = vector.broadcast %add3A_373 : i32 to vector<16xi32>
    %add3A_375 = arith.addi %max3A_369, %add3A_374 : vector<16xi32>
    %select_n3A_376 = arith.select %lt3A_372, %add3A_375, %max3A_369 : vector<16xi1>, vector<16xi32>
    %broadcast_in_dim3A_377 = vector.shape_cast %select_n3A_376 : vector<16xi32> to vector<16x1xi32>
    %gather3A_378 = vector.shape_cast %broadcast_in_dim3A_377 : vector<16x1xi32> to vector<16xi32>
    %gather3A_379 = tpu.dynamic_gather %add3A_365[%gather3A_378] in [0] : vector<16xi32>, vector<16xi32> -> vector<16xi32>
    %sub3A_380 = arith.constant 7 : i32
    %sub3A_381 = vector.broadcast %sub3A_380 : i32 to vector<16xi32>
    %sub3A_382 = arith.subi %iota3A, %sub3A_381 : vector<16xi32>
    %max3A_383 = arith.maxsi %sub3A_382, %broadcast_in_dim3A_6 : vector<16xi32>
    %min3A_384 = arith.minsi %max3A_383, %add3A_9 : vector<16xi32>
    %mul3A_385 = arith.muli %gather3A_379, %min3A_384 : vector<16xi32>
    %add3A_386 = arith.addi %add3A_365, %mul3A_385 : vector<16xi32>
    %add3A_387 = arith.constant 15 : i32
    %add3A_388 = vector.broadcast %add3A_387 : i32 to vector<16xi32>
    %add3A_389 = arith.addi %broadcast_in_dim3A_6, %add3A_388 : vector<16xi32>
    %lt3A_390 = arith.constant 0 : i32
    %lt3A_391 = vector.broadcast %lt3A_390 : i32 to vector<16xi32>
    %lt3A_392 = arith.cmpi slt, %add3A_389, %lt3A_391 : vector<16xi32>
    %add3A_393 = arith.constant 16 : i32
    %add3A_394 = vector.broadcast %add3A_393 : i32 to vector<16xi32>
    %add3A_395 = arith.addi %add3A_389, %add3A_394 : vector<16xi32>
    %select_n3A_396 = arith.select %lt3A_392, %add3A_395, %add3A_389 : vector<16xi1>, vector<16xi32>
    %broadcast_in_dim3A_397 = vector.shape_cast %select_n3A_396 : vector<16xi32> to vector<16x1xi32>
    %gather3A_398 = vector.shape_cast %broadcast_in_dim3A_397 : vector<16x1xi32> to vector<16xi32>
    %gather3A_399 = tpu.dynamic_gather %add3A_386[%gather3A_398] in [0] : vector<16xi32>, vector<16xi32> -> vector<16xi32>
    %sub3A_400 = arith.constant 1 : i32
    %sub3A_401 = vector.broadcast %sub3A_400 : i32 to vector<16xi32>
    %sub3A_402 = arith.subi %iota3A, %sub3A_401 : vector<16xi32>
    %max3A_403 = arith.maxsi %sub3A_402, %broadcast_in_dim3A_6 : vector<16xi32>
    %lt3A_404 = arith.constant 0 : i32
    %lt3A_405 = vector.broadcast %lt3A_404 : i32 to vector<16xi32>
    %lt3A_406 = arith.cmpi slt, %max3A_403, %lt3A_405 : vector<16xi32>
    %add3A_407 = arith.constant 16 : i32
    %add3A_408 = vector.broadcast %add3A_407 : i32 to vector<16xi32>
    %add3A_409 = arith.addi %max3A_403, %add3A_408 : vector<16xi32>
    %select_n3A_410 = arith.select %lt3A_406, %add3A_409, %max3A_403 : vector<16xi1>, vector<16xi32>
    %broadcast_in_dim3A_411 = vector.shape_cast %select_n3A_410 : vector<16xi32> to vector<16x1xi32>
    %gather3A_412 = vector.shape_cast %broadcast_in_dim3A_411 : vector<16x1xi32> to vector<16xi32>
    %gather3A_413 = tpu.dynamic_gather %scan3A_16#4[%gather3A_412] in [0] : vector<16xi32>, vector<16xi32> -> vector<16xi32>
    %sub3A_414 = arith.constant 0 : i32
    %sub3A_415 = vector.broadcast %sub3A_414 : i32 to vector<16xi32>
    %sub3A_416 = arith.subi %iota3A, %sub3A_415 : vector<16xi32>
    %max3A_417 = arith.maxsi %sub3A_416, %broadcast_in_dim3A_6 : vector<16xi32>
    %min3A_418 = arith.minsi %max3A_417, %add3A_9 : vector<16xi32>
    %mul3A_419 = arith.muli %gather3A_413, %min3A_418 : vector<16xi32>
    %add3A_420 = arith.addi %scan3A_16#4, %mul3A_419 : vector<16xi32>
    %sub3A_421 = arith.constant 2 : i32
    %sub3A_422 = vector.broadcast %sub3A_421 : i32 to vector<16xi32>
    %sub3A_423 = arith.subi %iota3A, %sub3A_422 : vector<16xi32>
    %max3A_424 = arith.maxsi %sub3A_423, %broadcast_in_dim3A_6 : vector<16xi32>
    %lt3A_425 = arith.constant 0 : i32
    %lt3A_426 = vector.broadcast %lt3A_425 : i32 to vector<16xi32>
    %lt3A_427 = arith.cmpi slt, %max3A_424, %lt3A_426 : vector<16xi32>
    %add3A_428 = arith.constant 16 : i32
    %add3A_429 = vector.broadcast %add3A_428 : i32 to vector<16xi32>
    %add3A_430 = arith.addi %max3A_424, %add3A_429 : vector<16xi32>
    %select_n3A_431 = arith.select %lt3A_427, %add3A_430, %max3A_424 : vector<16xi1>, vector<16xi32>
    %broadcast_in_dim3A_432 = vector.shape_cast %select_n3A_431 : vector<16xi32> to vector<16x1xi32>
    %gather3A_433 = vector.shape_cast %broadcast_in_dim3A_432 : vector<16x1xi32> to vector<16xi32>
    %gather3A_434 = tpu.dynamic_gather %add3A_420[%gather3A_433] in [0] : vector<16xi32>, vector<16xi32> -> vector<16xi32>
    %sub3A_435 = arith.constant 1 : i32
    %sub3A_436 = vector.broadcast %sub3A_435 : i32 to vector<16xi32>
    %sub3A_437 = arith.subi %iota3A, %sub3A_436 : vector<16xi32>
    %max3A_438 = arith.maxsi %sub3A_437, %broadcast_in_dim3A_6 : vector<16xi32>
    %min3A_439 = arith.minsi %max3A_438, %add3A_9 : vector<16xi32>
    %mul3A_440 = arith.muli %gather3A_434, %min3A_439 : vector<16xi32>
    %add3A_441 = arith.addi %add3A_420, %mul3A_440 : vector<16xi32>
    %sub3A_442 = arith.constant 4 : i32
    %sub3A_443 = vector.broadcast %sub3A_442 : i32 to vector<16xi32>
    %sub3A_444 = arith.subi %iota3A, %sub3A_443 : vector<16xi32>
    %max3A_445 = arith.maxsi %sub3A_444, %broadcast_in_dim3A_6 : vector<16xi32>
    %lt3A_446 = arith.constant 0 : i32
    %lt3A_447 = vector.broadcast %lt3A_446 : i32 to vector<16xi32>
    %lt3A_448 = arith.cmpi slt, %max3A_445, %lt3A_447 : vector<16xi32>
    %add3A_449 = arith.constant 16 : i32
    %add3A_450 = vector.broadcast %add3A_449 : i32 to vector<16xi32>
    %add3A_451 = arith.addi %max3A_445, %add3A_450 : vector<16xi32>
    %select_n3A_452 = arith.select %lt3A_448, %add3A_451, %max3A_445 : vector<16xi1>, vector<16xi32>
    %broadcast_in_dim3A_453 = vector.shape_cast %select_n3A_452 : vector<16xi32> to vector<16x1xi32>
    %gather3A_454 = vector.shape_cast %broadcast_in_dim3A_453 : vector<16x1xi32> to vector<16xi32>
    %gather3A_455 = tpu.dynamic_gather %add3A_441[%gather3A_454] in [0] : vector<16xi32>, vector<16xi32> -> vector<16xi32>
    %sub3A_456 = arith.constant 3 : i32
    %sub3A_457 = vector.broadcast %sub3A_456 : i32 to vector<16xi32>
    %sub3A_458 = arith.subi %iota3A, %sub3A_457 : vector<16xi32>
    %max3A_459 = arith.maxsi %sub3A_458, %broadcast_in_dim3A_6 : vector<16xi32>
    %min3A_460 = arith.minsi %max3A_459, %add3A_9 : vector<16xi32>
    %mul3A_461 = arith.muli %gather3A_455, %min3A_460 : vector<16xi32>
    %add3A_462 = arith.addi %add3A_441, %mul3A_461 : vector<16xi32>
    %sub3A_463 = arith.constant 8 : i32
    %sub3A_464 = vector.broadcast %sub3A_463 : i32 to vector<16xi32>
    %sub3A_465 = arith.subi %iota3A, %sub3A_464 : vector<16xi32>
    %max3A_466 = arith.maxsi %sub3A_465, %broadcast_in_dim3A_6 : vector<16xi32>
    %lt3A_467 = arith.constant 0 : i32
    %lt3A_468 = vector.broadcast %lt3A_467 : i32 to vector<16xi32>
    %lt3A_469 = arith.cmpi slt, %max3A_466, %lt3A_468 : vector<16xi32>
    %add3A_470 = arith.constant 16 : i32
    %add3A_471 = vector.broadcast %add3A_470 : i32 to vector<16xi32>
    %add3A_472 = arith.addi %max3A_466, %add3A_471 : vector<16xi32>
    %select_n3A_473 = arith.select %lt3A_469, %add3A_472, %max3A_466 : vector<16xi1>, vector<16xi32>
    %broadcast_in_dim3A_474 = vector.shape_cast %select_n3A_473 : vector<16xi32> to vector<16x1xi32>
    %gather3A_475 = vector.shape_cast %broadcast_in_dim3A_474 : vector<16x1xi32> to vector<16xi32>
    %gather3A_476 = tpu.dynamic_gather %add3A_462[%gather3A_475] in [0] : vector<16xi32>, vector<16xi32> -> vector<16xi32>
    %sub3A_477 = arith.constant 7 : i32
    %sub3A_478 = vector.broadcast %sub3A_477 : i32 to vector<16xi32>
    %sub3A_479 = arith.subi %iota3A, %sub3A_478 : vector<16xi32>
    %max3A_480 = arith.maxsi %sub3A_479, %broadcast_in_dim3A_6 : vector<16xi32>
    %min3A_481 = arith.minsi %max3A_480, %add3A_9 : vector<16xi32>
    %mul3A_482 = arith.muli %gather3A_476, %min3A_481 : vector<16xi32>
    %add3A_483 = arith.addi %add3A_462, %mul3A_482 : vector<16xi32>
    %add3A_484 = arith.constant 15 : i32
    %add3A_485 = vector.broadcast %add3A_484 : i32 to vector<16xi32>
    %add3A_486 = arith.addi %broadcast_in_dim3A_6, %add3A_485 : vector<16xi32>
    %lt3A_487 = arith.constant 0 : i32
    %lt3A_488 = vector.broadcast %lt3A_487 : i32 to vector<16xi32>
    %lt3A_489 = arith.cmpi slt, %add3A_486, %lt3A_488 : vector<16xi32>
    %add3A_490 = arith.constant 16 : i32
    %add3A_491 = vector.broadcast %add3A_490 : i32 to vector<16xi32>
    %add3A_492 = arith.addi %add3A_486, %add3A_491 : vector<16xi32>
    %select_n3A_493 = arith.select %lt3A_489, %add3A_492, %add3A_486 : vector<16xi1>, vector<16xi32>
    %broadcast_in_dim3A_494 = vector.shape_cast %select_n3A_493 : vector<16xi32> to vector<16x1xi32>
    %gather3A_495 = vector.shape_cast %broadcast_in_dim3A_494 : vector<16x1xi32> to vector<16xi32>
    %gather3A_496 = tpu.dynamic_gather %add3A_483[%gather3A_495] in [0] : vector<16xi32>, vector<16xi32> -> vector<16xi32>
    %sub3A_497 = arith.constant 1 : i32
    %sub3A_498 = vector.broadcast %sub3A_497 : i32 to vector<16xi32>
    %sub3A_499 = arith.subi %iota3A, %sub3A_498 : vector<16xi32>
    %max3A_500 = arith.maxsi %sub3A_499, %broadcast_in_dim3A_6 : vector<16xi32>
    %lt3A_501 = arith.constant 0 : i32
    %lt3A_502 = vector.broadcast %lt3A_501 : i32 to vector<16xi32>
    %lt3A_503 = arith.cmpi slt, %max3A_500, %lt3A_502 : vector<16xi32>
    %add3A_504 = arith.constant 16 : i32
    %add3A_505 = vector.broadcast %add3A_504 : i32 to vector<16xi32>
    %add3A_506 = arith.addi %max3A_500, %add3A_505 : vector<16xi32>
    %select_n3A_507 = arith.select %lt3A_503, %add3A_506, %max3A_500 : vector<16xi1>, vector<16xi32>
    %broadcast_in_dim3A_508 = vector.shape_cast %select_n3A_507 : vector<16xi32> to vector<16x1xi32>
    %gather3A_509 = vector.shape_cast %broadcast_in_dim3A_508 : vector<16x1xi32> to vector<16xi32>
    %gather3A_510 = tpu.dynamic_gather %scan3A_16#5[%gather3A_509] in [0] : vector<16xi32>, vector<16xi32> -> vector<16xi32>
    %sub3A_511 = arith.constant 0 : i32
    %sub3A_512 = vector.broadcast %sub3A_511 : i32 to vector<16xi32>
    %sub3A_513 = arith.subi %iota3A, %sub3A_512 : vector<16xi32>
    %max3A_514 = arith.maxsi %sub3A_513, %broadcast_in_dim3A_6 : vector<16xi32>
    %min3A_515 = arith.minsi %max3A_514, %add3A_9 : vector<16xi32>
    %mul3A_516 = arith.muli %gather3A_510, %min3A_515 : vector<16xi32>
    %add3A_517 = arith.addi %scan3A_16#5, %mul3A_516 : vector<16xi32>
    %sub3A_518 = arith.constant 2 : i32
    %sub3A_519 = vector.broadcast %sub3A_518 : i32 to vector<16xi32>
    %sub3A_520 = arith.subi %iota3A, %sub3A_519 : vector<16xi32>
    %max3A_521 = arith.maxsi %sub3A_520, %broadcast_in_dim3A_6 : vector<16xi32>
    %lt3A_522 = arith.constant 0 : i32
    %lt3A_523 = vector.broadcast %lt3A_522 : i32 to vector<16xi32>
    %lt3A_524 = arith.cmpi slt, %max3A_521, %lt3A_523 : vector<16xi32>
    %add3A_525 = arith.constant 16 : i32
    %add3A_526 = vector.broadcast %add3A_525 : i32 to vector<16xi32>
    %add3A_527 = arith.addi %max3A_521, %add3A_526 : vector<16xi32>
    %select_n3A_528 = arith.select %lt3A_524, %add3A_527, %max3A_521 : vector<16xi1>, vector<16xi32>
    %broadcast_in_dim3A_529 = vector.shape_cast %select_n3A_528 : vector<16xi32> to vector<16x1xi32>
    %gather3A_530 = vector.shape_cast %broadcast_in_dim3A_529 : vector<16x1xi32> to vector<16xi32>
    %gather3A_531 = tpu.dynamic_gather %add3A_517[%gather3A_530] in [0] : vector<16xi32>, vector<16xi32> -> vector<16xi32>
    %sub3A_532 = arith.constant 1 : i32
    %sub3A_533 = vector.broadcast %sub3A_532 : i32 to vector<16xi32>
    %sub3A_534 = arith.subi %iota3A, %sub3A_533 : vector<16xi32>
    %max3A_535 = arith.maxsi %sub3A_534, %broadcast_in_dim3A_6 : vector<16xi32>
    %min3A_536 = arith.minsi %max3A_535, %add3A_9 : vector<16xi32>
    %mul3A_537 = arith.muli %gather3A_531, %min3A_536 : vector<16xi32>
    %add3A_538 = arith.addi %add3A_517, %mul3A_537 : vector<16xi32>
    %sub3A_539 = arith.constant 4 : i32
    %sub3A_540 = vector.broadcast %sub3A_539 : i32 to vector<16xi32>
    %sub3A_541 = arith.subi %iota3A, %sub3A_540 : vector<16xi32>
    %max3A_542 = arith.maxsi %sub3A_541, %broadcast_in_dim3A_6 : vector<16xi32>
    %lt3A_543 = arith.constant 0 : i32
    %lt3A_544 = vector.broadcast %lt3A_543 : i32 to vector<16xi32>
    %lt3A_545 = arith.cmpi slt, %max3A_542, %lt3A_544 : vector<16xi32>
    %add3A_546 = arith.constant 16 : i32
    %add3A_547 = vector.broadcast %add3A_546 : i32 to vector<16xi32>
    %add3A_548 = arith.addi %max3A_542, %add3A_547 : vector<16xi32>
    %select_n3A_549 = arith.select %lt3A_545, %add3A_548, %max3A_542 : vector<16xi1>, vector<16xi32>
    %broadcast_in_dim3A_550 = vector.shape_cast %select_n3A_549 : vector<16xi32> to vector<16x1xi32>
    %gather3A_551 = vector.shape_cast %broadcast_in_dim3A_550 : vector<16x1xi32> to vector<16xi32>
    %gather3A_552 = tpu.dynamic_gather %add3A_538[%gather3A_551] in [0] : vector<16xi32>, vector<16xi32> -> vector<16xi32>
    %sub3A_553 = arith.constant 3 : i32
    %sub3A_554 = vector.broadcast %sub3A_553 : i32 to vector<16xi32>
    %sub3A_555 = arith.subi %iota3A, %sub3A_554 : vector<16xi32>
    %max3A_556 = arith.maxsi %sub3A_555, %broadcast_in_dim3A_6 : vector<16xi32>
    %min3A_557 = arith.minsi %max3A_556, %add3A_9 : vector<16xi32>
    %mul3A_558 = arith.muli %gather3A_552, %min3A_557 : vector<16xi32>
    %add3A_559 = arith.addi %add3A_538, %mul3A_558 : vector<16xi32>
    %sub3A_560 = arith.constant 8 : i32
    %sub3A_561 = vector.broadcast %sub3A_560 : i32 to vector<16xi32>
    %sub3A_562 = arith.subi %iota3A, %sub3A_561 : vector<16xi32>
    %max3A_563 = arith.maxsi %sub3A_562, %broadcast_in_dim3A_6 : vector<16xi32>
    %lt3A_564 = arith.constant 0 : i32
    %lt3A_565 = vector.broadcast %lt3A_564 : i32 to vector<16xi32>
    %lt3A_566 = arith.cmpi slt, %max3A_563, %lt3A_565 : vector<16xi32>
    %add3A_567 = arith.constant 16 : i32
    %add3A_568 = vector.broadcast %add3A_567 : i32 to vector<16xi32>
    %add3A_569 = arith.addi %max3A_563, %add3A_568 : vector<16xi32>
    %select_n3A_570 = arith.select %lt3A_566, %add3A_569, %max3A_563 : vector<16xi1>, vector<16xi32>
    %broadcast_in_dim3A_571 = vector.shape_cast %select_n3A_570 : vector<16xi32> to vector<16x1xi32>
    %gather3A_572 = vector.shape_cast %broadcast_in_dim3A_571 : vector<16x1xi32> to vector<16xi32>
    %gather3A_573 = tpu.dynamic_gather %add3A_559[%gather3A_572] in [0] : vector<16xi32>, vector<16xi32> -> vector<16xi32>
    %sub3A_574 = arith.constant 7 : i32
    %sub3A_575 = vector.broadcast %sub3A_574 : i32 to vector<16xi32>
    %sub3A_576 = arith.subi %iota3A, %sub3A_575 : vector<16xi32>
    %max3A_577 = arith.maxsi %sub3A_576, %broadcast_in_dim3A_6 : vector<16xi32>
    %min3A_578 = arith.minsi %max3A_577, %add3A_9 : vector<16xi32>
    %mul3A_579 = arith.muli %gather3A_573, %min3A_578 : vector<16xi32>
    %add3A_580 = arith.addi %add3A_559, %mul3A_579 : vector<16xi32>
    %add3A_581 = arith.constant 15 : i32
    %add3A_582 = vector.broadcast %add3A_581 : i32 to vector<16xi32>
    %add3A_583 = arith.addi %broadcast_in_dim3A_6, %add3A_582 : vector<16xi32>
    %lt3A_584 = arith.constant 0 : i32
    %lt3A_585 = vector.broadcast %lt3A_584 : i32 to vector<16xi32>
    %lt3A_586 = arith.cmpi slt, %add3A_583, %lt3A_585 : vector<16xi32>
    %add3A_587 = arith.constant 16 : i32
    %add3A_588 = vector.broadcast %add3A_587 : i32 to vector<16xi32>
    %add3A_589 = arith.addi %add3A_583, %add3A_588 : vector<16xi32>
    %select_n3A_590 = arith.select %lt3A_586, %add3A_589, %add3A_583 : vector<16xi1>, vector<16xi32>
    %broadcast_in_dim3A_591 = vector.shape_cast %select_n3A_590 : vector<16xi32> to vector<16x1xi32>
    %gather3A_592 = vector.shape_cast %broadcast_in_dim3A_591 : vector<16x1xi32> to vector<16xi32>
    %gather3A_593 = tpu.dynamic_gather %add3A_580[%gather3A_592] in [0] : vector<16xi32>, vector<16xi32> -> vector<16xi32>
    %sub3A_594 = arith.constant 1 : i32
    %sub3A_595 = vector.broadcast %sub3A_594 : i32 to vector<16xi32>
    %sub3A_596 = arith.subi %iota3A, %sub3A_595 : vector<16xi32>
    %max3A_597 = arith.maxsi %sub3A_596, %broadcast_in_dim3A_6 : vector<16xi32>
    %lt3A_598 = arith.constant 0 : i32
    %lt3A_599 = vector.broadcast %lt3A_598 : i32 to vector<16xi32>
    %lt3A_600 = arith.cmpi slt, %max3A_597, %lt3A_599 : vector<16xi32>
    %add3A_601 = arith.constant 16 : i32
    %add3A_602 = vector.broadcast %add3A_601 : i32 to vector<16xi32>
    %add3A_603 = arith.addi %max3A_597, %add3A_602 : vector<16xi32>
    %select_n3A_604 = arith.select %lt3A_600, %add3A_603, %max3A_597 : vector<16xi1>, vector<16xi32>
    %broadcast_in_dim3A_605 = vector.shape_cast %select_n3A_604 : vector<16xi32> to vector<16x1xi32>
    %gather3A_606 = vector.shape_cast %broadcast_in_dim3A_605 : vector<16x1xi32> to vector<16xi32>
    %gather3A_607 = tpu.dynamic_gather %scan3A_16#6[%gather3A_606] in [0] : vector<16xi32>, vector<16xi32> -> vector<16xi32>
    %sub3A_608 = arith.constant 0 : i32
    %sub3A_609 = vector.broadcast %sub3A_608 : i32 to vector<16xi32>
    %sub3A_610 = arith.subi %iota3A, %sub3A_609 : vector<16xi32>
    %max3A_611 = arith.maxsi %sub3A_610, %broadcast_in_dim3A_6 : vector<16xi32>
    %min3A_612 = arith.minsi %max3A_611, %add3A_9 : vector<16xi32>
    %mul3A_613 = arith.muli %gather3A_607, %min3A_612 : vector<16xi32>
    %add3A_614 = arith.addi %scan3A_16#6, %mul3A_613 : vector<16xi32>
    %sub3A_615 = arith.constant 2 : i32
    %sub3A_616 = vector.broadcast %sub3A_615 : i32 to vector<16xi32>
    %sub3A_617 = arith.subi %iota3A, %sub3A_616 : vector<16xi32>
    %max3A_618 = arith.maxsi %sub3A_617, %broadcast_in_dim3A_6 : vector<16xi32>
    %lt3A_619 = arith.constant 0 : i32
    %lt3A_620 = vector.broadcast %lt3A_619 : i32 to vector<16xi32>
    %lt3A_621 = arith.cmpi slt, %max3A_618, %lt3A_620 : vector<16xi32>
    %add3A_622 = arith.constant 16 : i32
    %add3A_623 = vector.broadcast %add3A_622 : i32 to vector<16xi32>
    %add3A_624 = arith.addi %max3A_618, %add3A_623 : vector<16xi32>
    %select_n3A_625 = arith.select %lt3A_621, %add3A_624, %max3A_618 : vector<16xi1>, vector<16xi32>
    %broadcast_in_dim3A_626 = vector.shape_cast %select_n3A_625 : vector<16xi32> to vector<16x1xi32>
    %gather3A_627 = vector.shape_cast %broadcast_in_dim3A_626 : vector<16x1xi32> to vector<16xi32>
    %gather3A_628 = tpu.dynamic_gather %add3A_614[%gather3A_627] in [0] : vector<16xi32>, vector<16xi32> -> vector<16xi32>
    %sub3A_629 = arith.constant 1 : i32
    %sub3A_630 = vector.broadcast %sub3A_629 : i32 to vector<16xi32>
    %sub3A_631 = arith.subi %iota3A, %sub3A_630 : vector<16xi32>
    %max3A_632 = arith.maxsi %sub3A_631, %broadcast_in_dim3A_6 : vector<16xi32>
    %min3A_633 = arith.minsi %max3A_632, %add3A_9 : vector<16xi32>
    %mul3A_634 = arith.muli %gather3A_628, %min3A_633 : vector<16xi32>
    %add3A_635 = arith.addi %add3A_614, %mul3A_634 : vector<16xi32>
    %sub3A_636 = arith.constant 4 : i32
    %sub3A_637 = vector.broadcast %sub3A_636 : i32 to vector<16xi32>
    %sub3A_638 = arith.subi %iota3A, %sub3A_637 : vector<16xi32>
    %max3A_639 = arith.maxsi %sub3A_638, %broadcast_in_dim3A_6 : vector<16xi32>
    %lt3A_640 = arith.constant 0 : i32
    %lt3A_641 = vector.broadcast %lt3A_640 : i32 to vector<16xi32>
    %lt3A_642 = arith.cmpi slt, %max3A_639, %lt3A_641 : vector<16xi32>
    %add3A_643 = arith.constant 16 : i32
    %add3A_644 = vector.broadcast %add3A_643 : i32 to vector<16xi32>
    %add3A_645 = arith.addi %max3A_639, %add3A_644 : vector<16xi32>
    %select_n3A_646 = arith.select %lt3A_642, %add3A_645, %max3A_639 : vector<16xi1>, vector<16xi32>
    %broadcast_in_dim3A_647 = vector.shape_cast %select_n3A_646 : vector<16xi32> to vector<16x1xi32>
    %gather3A_648 = vector.shape_cast %broadcast_in_dim3A_647 : vector<16x1xi32> to vector<16xi32>
    %gather3A_649 = tpu.dynamic_gather %add3A_635[%gather3A_648] in [0] : vector<16xi32>, vector<16xi32> -> vector<16xi32>
    %sub3A_650 = arith.constant 3 : i32
    %sub3A_651 = vector.broadcast %sub3A_650 : i32 to vector<16xi32>
    %sub3A_652 = arith.subi %iota3A, %sub3A_651 : vector<16xi32>
    %max3A_653 = arith.maxsi %sub3A_652, %broadcast_in_dim3A_6 : vector<16xi32>
    %min3A_654 = arith.minsi %max3A_653, %add3A_9 : vector<16xi32>
    %mul3A_655 = arith.muli %gather3A_649, %min3A_654 : vector<16xi32>
    %add3A_656 = arith.addi %add3A_635, %mul3A_655 : vector<16xi32>
    %sub3A_657 = arith.constant 8 : i32
    %sub3A_658 = vector.broadcast %sub3A_657 : i32 to vector<16xi32>
    %sub3A_659 = arith.subi %iota3A, %sub3A_658 : vector<16xi32>
    %max3A_660 = arith.maxsi %sub3A_659, %broadcast_in_dim3A_6 : vector<16xi32>
    %lt3A_661 = arith.constant 0 : i32
    %lt3A_662 = vector.broadcast %lt3A_661 : i32 to vector<16xi32>
    %lt3A_663 = arith.cmpi slt, %max3A_660, %lt3A_662 : vector<16xi32>
    %add3A_664 = arith.constant 16 : i32
    %add3A_665 = vector.broadcast %add3A_664 : i32 to vector<16xi32>
    %add3A_666 = arith.addi %max3A_660, %add3A_665 : vector<16xi32>
    %select_n3A_667 = arith.select %lt3A_663, %add3A_666, %max3A_660 : vector<16xi1>, vector<16xi32>
    %broadcast_in_dim3A_668 = vector.shape_cast %select_n3A_667 : vector<16xi32> to vector<16x1xi32>
    %gather3A_669 = vector.shape_cast %broadcast_in_dim3A_668 : vector<16x1xi32> to vector<16xi32>
    %gather3A_670 = tpu.dynamic_gather %add3A_656[%gather3A_669] in [0] : vector<16xi32>, vector<16xi32> -> vector<16xi32>
    %sub3A_671 = arith.constant 7 : i32
    %sub3A_672 = vector.broadcast %sub3A_671 : i32 to vector<16xi32>
    %sub3A_673 = arith.subi %iota3A, %sub3A_672 : vector<16xi32>
    %max3A_674 = arith.maxsi %sub3A_673, %broadcast_in_dim3A_6 : vector<16xi32>
    %min3A_675 = arith.minsi %max3A_674, %add3A_9 : vector<16xi32>
    %mul3A_676 = arith.muli %gather3A_670, %min3A_675 : vector<16xi32>
    %add3A_677 = arith.addi %add3A_656, %mul3A_676 : vector<16xi32>
    %add3A_678 = arith.constant 15 : i32
    %add3A_679 = vector.broadcast %add3A_678 : i32 to vector<16xi32>
    %add3A_680 = arith.addi %broadcast_in_dim3A_6, %add3A_679 : vector<16xi32>
    %lt3A_681 = arith.constant 0 : i32
    %lt3A_682 = vector.broadcast %lt3A_681 : i32 to vector<16xi32>
    %lt3A_683 = arith.cmpi slt, %add3A_680, %lt3A_682 : vector<16xi32>
    %add3A_684 = arith.constant 16 : i32
    %add3A_685 = vector.broadcast %add3A_684 : i32 to vector<16xi32>
    %add3A_686 = arith.addi %add3A_680, %add3A_685 : vector<16xi32>
    %select_n3A_687 = arith.select %lt3A_683, %add3A_686, %add3A_680 : vector<16xi1>, vector<16xi32>
    %broadcast_in_dim3A_688 = vector.shape_cast %select_n3A_687 : vector<16xi32> to vector<16x1xi32>
    %gather3A_689 = vector.shape_cast %broadcast_in_dim3A_688 : vector<16x1xi32> to vector<16xi32>
    %gather3A_690 = tpu.dynamic_gather %add3A_677[%gather3A_689] in [0] : vector<16xi32>, vector<16xi32> -> vector<16xi32>
    %sub3A_691 = arith.constant 1 : i32
    %sub3A_692 = vector.broadcast %sub3A_691 : i32 to vector<16xi32>
    %sub3A_693 = arith.subi %iota3A, %sub3A_692 : vector<16xi32>
    %max3A_694 = arith.maxsi %sub3A_693, %broadcast_in_dim3A_6 : vector<16xi32>
    %lt3A_695 = arith.constant 0 : i32
    %lt3A_696 = vector.broadcast %lt3A_695 : i32 to vector<16xi32>
    %lt3A_697 = arith.cmpi slt, %max3A_694, %lt3A_696 : vector<16xi32>
    %add3A_698 = arith.constant 16 : i32
    %add3A_699 = vector.broadcast %add3A_698 : i32 to vector<16xi32>
    %add3A_700 = arith.addi %max3A_694, %add3A_699 : vector<16xi32>
    %select_n3A_701 = arith.select %lt3A_697, %add3A_700, %max3A_694 : vector<16xi1>, vector<16xi32>
    %broadcast_in_dim3A_702 = vector.shape_cast %select_n3A_701 : vector<16xi32> to vector<16x1xi32>
    %gather3A_703 = vector.shape_cast %broadcast_in_dim3A_702 : vector<16x1xi32> to vector<16xi32>
    %gather3A_704 = tpu.dynamic_gather %scan3A_16#7[%gather3A_703] in [0] : vector<16xi32>, vector<16xi32> -> vector<16xi32>
    %sub3A_705 = arith.constant 0 : i32
    %sub3A_706 = vector.broadcast %sub3A_705 : i32 to vector<16xi32>
    %sub3A_707 = arith.subi %iota3A, %sub3A_706 : vector<16xi32>
    %max3A_708 = arith.maxsi %sub3A_707, %broadcast_in_dim3A_6 : vector<16xi32>
    %min3A_709 = arith.minsi %max3A_708, %add3A_9 : vector<16xi32>
    %mul3A_710 = arith.muli %gather3A_704, %min3A_709 : vector<16xi32>
    %add3A_711 = arith.addi %scan3A_16#7, %mul3A_710 : vector<16xi32>
    %sub3A_712 = arith.constant 2 : i32
    %sub3A_713 = vector.broadcast %sub3A_712 : i32 to vector<16xi32>
    %sub3A_714 = arith.subi %iota3A, %sub3A_713 : vector<16xi32>
    %max3A_715 = arith.maxsi %sub3A_714, %broadcast_in_dim3A_6 : vector<16xi32>
    %lt3A_716 = arith.constant 0 : i32
    %lt3A_717 = vector.broadcast %lt3A_716 : i32 to vector<16xi32>
    %lt3A_718 = arith.cmpi slt, %max3A_715, %lt3A_717 : vector<16xi32>
    %add3A_719 = arith.constant 16 : i32
    %add3A_720 = vector.broadcast %add3A_719 : i32 to vector<16xi32>
    %add3A_721 = arith.addi %max3A_715, %add3A_720 : vector<16xi32>
    %select_n3A_722 = arith.select %lt3A_718, %add3A_721, %max3A_715 : vector<16xi1>, vector<16xi32>
    %broadcast_in_dim3A_723 = vector.shape_cast %select_n3A_722 : vector<16xi32> to vector<16x1xi32>
    %gather3A_724 = vector.shape_cast %broadcast_in_dim3A_723 : vector<16x1xi32> to vector<16xi32>
    %gather3A_725 = tpu.dynamic_gather %add3A_711[%gather3A_724] in [0] : vector<16xi32>, vector<16xi32> -> vector<16xi32>
    %sub3A_726 = arith.constant 1 : i32
    %sub3A_727 = vector.broadcast %sub3A_726 : i32 to vector<16xi32>
    %sub3A_728 = arith.subi %iota3A, %sub3A_727 : vector<16xi32>
    %max3A_729 = arith.maxsi %sub3A_728, %broadcast_in_dim3A_6 : vector<16xi32>
    %min3A_730 = arith.minsi %max3A_729, %add3A_9 : vector<16xi32>
    %mul3A_731 = arith.muli %gather3A_725, %min3A_730 : vector<16xi32>
    %add3A_732 = arith.addi %add3A_711, %mul3A_731 : vector<16xi32>
    %sub3A_733 = arith.constant 4 : i32
    %sub3A_734 = vector.broadcast %sub3A_733 : i32 to vector<16xi32>
    %sub3A_735 = arith.subi %iota3A, %sub3A_734 : vector<16xi32>
    %max3A_736 = arith.maxsi %sub3A_735, %broadcast_in_dim3A_6 : vector<16xi32>
    %lt3A_737 = arith.constant 0 : i32
    %lt3A_738 = vector.broadcast %lt3A_737 : i32 to vector<16xi32>
    %lt3A_739 = arith.cmpi slt, %max3A_736, %lt3A_738 : vector<16xi32>
    %add3A_740 = arith.constant 16 : i32
    %add3A_741 = vector.broadcast %add3A_740 : i32 to vector<16xi32>
    %add3A_742 = arith.addi %max3A_736, %add3A_741 : vector<16xi32>
    %select_n3A_743 = arith.select %lt3A_739, %add3A_742, %max3A_736 : vector<16xi1>, vector<16xi32>
    %broadcast_in_dim3A_744 = vector.shape_cast %select_n3A_743 : vector<16xi32> to vector<16x1xi32>
    %gather3A_745 = vector.shape_cast %broadcast_in_dim3A_744 : vector<16x1xi32> to vector<16xi32>
    %gather3A_746 = tpu.dynamic_gather %add3A_732[%gather3A_745] in [0] : vector<16xi32>, vector<16xi32> -> vector<16xi32>
    %sub3A_747 = arith.constant 3 : i32
    %sub3A_748 = vector.broadcast %sub3A_747 : i32 to vector<16xi32>
    %sub3A_749 = arith.subi %iota3A, %sub3A_748 : vector<16xi32>
    %max3A_750 = arith.maxsi %sub3A_749, %broadcast_in_dim3A_6 : vector<16xi32>
    %min3A_751 = arith.minsi %max3A_750, %add3A_9 : vector<16xi32>
    %mul3A_752 = arith.muli %gather3A_746, %min3A_751 : vector<16xi32>
    %add3A_753 = arith.addi %add3A_732, %mul3A_752 : vector<16xi32>
    %sub3A_754 = arith.constant 8 : i32
    %sub3A_755 = vector.broadcast %sub3A_754 : i32 to vector<16xi32>
    %sub3A_756 = arith.subi %iota3A, %sub3A_755 : vector<16xi32>
    %max3A_757 = arith.maxsi %sub3A_756, %broadcast_in_dim3A_6 : vector<16xi32>
    %lt3A_758 = arith.constant 0 : i32
    %lt3A_759 = vector.broadcast %lt3A_758 : i32 to vector<16xi32>
    %lt3A_760 = arith.cmpi slt, %max3A_757, %lt3A_759 : vector<16xi32>
    %add3A_761 = arith.constant 16 : i32
    %add3A_762 = vector.broadcast %add3A_761 : i32 to vector<16xi32>
    %add3A_763 = arith.addi %max3A_757, %add3A_762 : vector<16xi32>
    %select_n3A_764 = arith.select %lt3A_760, %add3A_763, %max3A_757 : vector<16xi1>, vector<16xi32>
    %broadcast_in_dim3A_765 = vector.shape_cast %select_n3A_764 : vector<16xi32> to vector<16x1xi32>
    %gather3A_766 = vector.shape_cast %broadcast_in_dim3A_765 : vector<16x1xi32> to vector<16xi32>
    %gather3A_767 = tpu.dynamic_gather %add3A_753[%gather3A_766] in [0] : vector<16xi32>, vector<16xi32> -> vector<16xi32>
    %sub3A_768 = arith.constant 7 : i32
    %sub3A_769 = vector.broadcast %sub3A_768 : i32 to vector<16xi32>
    %sub3A_770 = arith.subi %iota3A, %sub3A_769 : vector<16xi32>
    %max3A_771 = arith.maxsi %sub3A_770, %broadcast_in_dim3A_6 : vector<16xi32>
    %min3A_772 = arith.minsi %max3A_771, %add3A_9 : vector<16xi32>
    %mul3A_773 = arith.muli %gather3A_767, %min3A_772 : vector<16xi32>
    %add3A_774 = arith.addi %add3A_753, %mul3A_773 : vector<16xi32>
    %add3A_775 = arith.constant 15 : i32
    %add3A_776 = vector.broadcast %add3A_775 : i32 to vector<16xi32>
    %add3A_777 = arith.addi %broadcast_in_dim3A_6, %add3A_776 : vector<16xi32>
    %lt3A_778 = arith.constant 0 : i32
    %lt3A_779 = vector.broadcast %lt3A_778 : i32 to vector<16xi32>
    %lt3A_780 = arith.cmpi slt, %add3A_777, %lt3A_779 : vector<16xi32>
    %add3A_781 = arith.constant 16 : i32
    %add3A_782 = vector.broadcast %add3A_781 : i32 to vector<16xi32>
    %add3A_783 = arith.addi %add3A_777, %add3A_782 : vector<16xi32>
    %select_n3A_784 = arith.select %lt3A_780, %add3A_783, %add3A_777 : vector<16xi1>, vector<16xi32>
    %broadcast_in_dim3A_785 = vector.shape_cast %select_n3A_784 : vector<16xi32> to vector<16x1xi32>
    %gather3A_786 = vector.shape_cast %broadcast_in_dim3A_785 : vector<16x1xi32> to vector<16xi32>
    %gather3A_787 = tpu.dynamic_gather %add3A_774[%gather3A_786] in [0] : vector<16xi32>, vector<16xi32> -> vector<16xi32>
    %sub3A_788 = arith.constant 1 : i32
    %sub3A_789 = vector.broadcast %sub3A_788 : i32 to vector<16xi32>
    %sub3A_790 = arith.subi %iota3A, %sub3A_789 : vector<16xi32>
    %max3A_791 = arith.maxsi %sub3A_790, %broadcast_in_dim3A_6 : vector<16xi32>
    %lt3A_792 = arith.constant 0 : i32
    %lt3A_793 = vector.broadcast %lt3A_792 : i32 to vector<16xi32>
    %lt3A_794 = arith.cmpi slt, %max3A_791, %lt3A_793 : vector<16xi32>
    %add3A_795 = arith.constant 16 : i32
    %add3A_796 = vector.broadcast %add3A_795 : i32 to vector<16xi32>
    %add3A_797 = arith.addi %max3A_791, %add3A_796 : vector<16xi32>
    %select_n3A_798 = arith.select %lt3A_794, %add3A_797, %max3A_791 : vector<16xi1>, vector<16xi32>
    %broadcast_in_dim3A_799 = vector.shape_cast %select_n3A_798 : vector<16xi32> to vector<16x1xi32>
    %gather3A_800 = vector.shape_cast %broadcast_in_dim3A_799 : vector<16x1xi32> to vector<16xi32>
    %gather3A_801 = tpu.dynamic_gather %scan3A_16#8[%gather3A_800] in [0] : vector<16xi32>, vector<16xi32> -> vector<16xi32>
    %sub3A_802 = arith.constant 0 : i32
    %sub3A_803 = vector.broadcast %sub3A_802 : i32 to vector<16xi32>
    %sub3A_804 = arith.subi %iota3A, %sub3A_803 : vector<16xi32>
    %max3A_805 = arith.maxsi %sub3A_804, %broadcast_in_dim3A_6 : vector<16xi32>
    %min3A_806 = arith.minsi %max3A_805, %add3A_9 : vector<16xi32>
    %mul3A_807 = arith.muli %gather3A_801, %min3A_806 : vector<16xi32>
    %add3A_808 = arith.addi %scan3A_16#8, %mul3A_807 : vector<16xi32>
    %sub3A_809 = arith.constant 2 : i32
    %sub3A_810 = vector.broadcast %sub3A_809 : i32 to vector<16xi32>
    %sub3A_811 = arith.subi %iota3A, %sub3A_810 : vector<16xi32>
    %max3A_812 = arith.maxsi %sub3A_811, %broadcast_in_dim3A_6 : vector<16xi32>
    %lt3A_813 = arith.constant 0 : i32
    %lt3A_814 = vector.broadcast %lt3A_813 : i32 to vector<16xi32>
    %lt3A_815 = arith.cmpi slt, %max3A_812, %lt3A_814 : vector<16xi32>
    %add3A_816 = arith.constant 16 : i32
    %add3A_817 = vector.broadcast %add3A_816 : i32 to vector<16xi32>
    %add3A_818 = arith.addi %max3A_812, %add3A_817 : vector<16xi32>
    %select_n3A_819 = arith.select %lt3A_815, %add3A_818, %max3A_812 : vector<16xi1>, vector<16xi32>
    %broadcast_in_dim3A_820 = vector.shape_cast %select_n3A_819 : vector<16xi32> to vector<16x1xi32>
    %gather3A_821 = vector.shape_cast %broadcast_in_dim3A_820 : vector<16x1xi32> to vector<16xi32>
    %gather3A_822 = tpu.dynamic_gather %add3A_808[%gather3A_821] in [0] : vector<16xi32>, vector<16xi32> -> vector<16xi32>
    %sub3A_823 = arith.constant 1 : i32
    %sub3A_824 = vector.broadcast %sub3A_823 : i32 to vector<16xi32>
    %sub3A_825 = arith.subi %iota3A, %sub3A_824 : vector<16xi32>
    %max3A_826 = arith.maxsi %sub3A_825, %broadcast_in_dim3A_6 : vector<16xi32>
    %min3A_827 = arith.minsi %max3A_826, %add3A_9 : vector<16xi32>
    %mul3A_828 = arith.muli %gather3A_822, %min3A_827 : vector<16xi32>
    %add3A_829 = arith.addi %add3A_808, %mul3A_828 : vector<16xi32>
    %sub3A_830 = arith.constant 4 : i32
    %sub3A_831 = vector.broadcast %sub3A_830 : i32 to vector<16xi32>
    %sub3A_832 = arith.subi %iota3A, %sub3A_831 : vector<16xi32>
    %max3A_833 = arith.maxsi %sub3A_832, %broadcast_in_dim3A_6 : vector<16xi32>
    %lt3A_834 = arith.constant 0 : i32
    %lt3A_835 = vector.broadcast %lt3A_834 : i32 to vector<16xi32>
    %lt3A_836 = arith.cmpi slt, %max3A_833, %lt3A_835 : vector<16xi32>
    %add3A_837 = arith.constant 16 : i32
    %add3A_838 = vector.broadcast %add3A_837 : i32 to vector<16xi32>
    %add3A_839 = arith.addi %max3A_833, %add3A_838 : vector<16xi32>
    %select_n3A_840 = arith.select %lt3A_836, %add3A_839, %max3A_833 : vector<16xi1>, vector<16xi32>
    %broadcast_in_dim3A_841 = vector.shape_cast %select_n3A_840 : vector<16xi32> to vector<16x1xi32>
    %gather3A_842 = vector.shape_cast %broadcast_in_dim3A_841 : vector<16x1xi32> to vector<16xi32>
    %gather3A_843 = tpu.dynamic_gather %add3A_829[%gather3A_842] in [0] : vector<16xi32>, vector<16xi32> -> vector<16xi32>
    %sub3A_844 = arith.constant 3 : i32
    %sub3A_845 = vector.broadcast %sub3A_844 : i32 to vector<16xi32>
    %sub3A_846 = arith.subi %iota3A, %sub3A_845 : vector<16xi32>
    %max3A_847 = arith.maxsi %sub3A_846, %broadcast_in_dim3A_6 : vector<16xi32>
    %min3A_848 = arith.minsi %max3A_847, %add3A_9 : vector<16xi32>
    %mul3A_849 = arith.muli %gather3A_843, %min3A_848 : vector<16xi32>
    %add3A_850 = arith.addi %add3A_829, %mul3A_849 : vector<16xi32>
    %sub3A_851 = arith.constant 8 : i32
    %sub3A_852 = vector.broadcast %sub3A_851 : i32 to vector<16xi32>
    %sub3A_853 = arith.subi %iota3A, %sub3A_852 : vector<16xi32>
    %max3A_854 = arith.maxsi %sub3A_853, %broadcast_in_dim3A_6 : vector<16xi32>
    %lt3A_855 = arith.constant 0 : i32
    %lt3A_856 = vector.broadcast %lt3A_855 : i32 to vector<16xi32>
    %lt3A_857 = arith.cmpi slt, %max3A_854, %lt3A_856 : vector<16xi32>
    %add3A_858 = arith.constant 16 : i32
    %add3A_859 = vector.broadcast %add3A_858 : i32 to vector<16xi32>
    %add3A_860 = arith.addi %max3A_854, %add3A_859 : vector<16xi32>
    %select_n3A_861 = arith.select %lt3A_857, %add3A_860, %max3A_854 : vector<16xi1>, vector<16xi32>
    %broadcast_in_dim3A_862 = vector.shape_cast %select_n3A_861 : vector<16xi32> to vector<16x1xi32>
    %gather3A_863 = vector.shape_cast %broadcast_in_dim3A_862 : vector<16x1xi32> to vector<16xi32>
    %gather3A_864 = tpu.dynamic_gather %add3A_850[%gather3A_863] in [0] : vector<16xi32>, vector<16xi32> -> vector<16xi32>
    %sub3A_865 = arith.constant 7 : i32
    %sub3A_866 = vector.broadcast %sub3A_865 : i32 to vector<16xi32>
    %sub3A_867 = arith.subi %iota3A, %sub3A_866 : vector<16xi32>
    %max3A_868 = arith.maxsi %sub3A_867, %broadcast_in_dim3A_6 : vector<16xi32>
    %min3A_869 = arith.minsi %max3A_868, %add3A_9 : vector<16xi32>
    %mul3A_870 = arith.muli %gather3A_864, %min3A_869 : vector<16xi32>
    %add3A_871 = arith.addi %add3A_850, %mul3A_870 : vector<16xi32>
    %add3A_872 = arith.constant 15 : i32
    %add3A_873 = vector.broadcast %add3A_872 : i32 to vector<16xi32>
    %add3A_874 = arith.addi %broadcast_in_dim3A_6, %add3A_873 : vector<16xi32>
    %lt3A_875 = arith.constant 0 : i32
    %lt3A_876 = vector.broadcast %lt3A_875 : i32 to vector<16xi32>
    %lt3A_877 = arith.cmpi slt, %add3A_874, %lt3A_876 : vector<16xi32>
    %add3A_878 = arith.constant 16 : i32
    %add3A_879 = vector.broadcast %add3A_878 : i32 to vector<16xi32>
    %add3A_880 = arith.addi %add3A_874, %add3A_879 : vector<16xi32>
    %select_n3A_881 = arith.select %lt3A_877, %add3A_880, %add3A_874 : vector<16xi1>, vector<16xi32>
    %broadcast_in_dim3A_882 = vector.shape_cast %select_n3A_881 : vector<16xi32> to vector<16x1xi32>
    %gather3A_883 = vector.shape_cast %broadcast_in_dim3A_882 : vector<16x1xi32> to vector<16xi32>
    %gather3A_884 = tpu.dynamic_gather %add3A_871[%gather3A_883] in [0] : vector<16xi32>, vector<16xi32> -> vector<16xi32>
    %sub3A_885 = arith.constant 1 : i32
    %sub3A_886 = vector.broadcast %sub3A_885 : i32 to vector<16xi32>
    %sub3A_887 = arith.subi %iota3A, %sub3A_886 : vector<16xi32>
    %max3A_888 = arith.maxsi %sub3A_887, %broadcast_in_dim3A_6 : vector<16xi32>
    %lt3A_889 = arith.constant 0 : i32
    %lt3A_890 = vector.broadcast %lt3A_889 : i32 to vector<16xi32>
    %lt3A_891 = arith.cmpi slt, %max3A_888, %lt3A_890 : vector<16xi32>
    %add3A_892 = arith.constant 16 : i32
    %add3A_893 = vector.broadcast %add3A_892 : i32 to vector<16xi32>
    %add3A_894 = arith.addi %max3A_888, %add3A_893 : vector<16xi32>
    %select_n3A_895 = arith.select %lt3A_891, %add3A_894, %max3A_888 : vector<16xi1>, vector<16xi32>
    %broadcast_in_dim3A_896 = vector.shape_cast %select_n3A_895 : vector<16xi32> to vector<16x1xi32>
    %gather3A_897 = vector.shape_cast %broadcast_in_dim3A_896 : vector<16x1xi32> to vector<16xi32>
    %gather3A_898 = tpu.dynamic_gather %scan3A_16#9[%gather3A_897] in [0] : vector<16xi32>, vector<16xi32> -> vector<16xi32>
    %sub3A_899 = arith.constant 0 : i32
    %sub3A_900 = vector.broadcast %sub3A_899 : i32 to vector<16xi32>
    %sub3A_901 = arith.subi %iota3A, %sub3A_900 : vector<16xi32>
    %max3A_902 = arith.maxsi %sub3A_901, %broadcast_in_dim3A_6 : vector<16xi32>
    %min3A_903 = arith.minsi %max3A_902, %add3A_9 : vector<16xi32>
    %mul3A_904 = arith.muli %gather3A_898, %min3A_903 : vector<16xi32>
    %add3A_905 = arith.addi %scan3A_16#9, %mul3A_904 : vector<16xi32>
    %sub3A_906 = arith.constant 2 : i32
    %sub3A_907 = vector.broadcast %sub3A_906 : i32 to vector<16xi32>
    %sub3A_908 = arith.subi %iota3A, %sub3A_907 : vector<16xi32>
    %max3A_909 = arith.maxsi %sub3A_908, %broadcast_in_dim3A_6 : vector<16xi32>
    %lt3A_910 = arith.constant 0 : i32
    %lt3A_911 = vector.broadcast %lt3A_910 : i32 to vector<16xi32>
    %lt3A_912 = arith.cmpi slt, %max3A_909, %lt3A_911 : vector<16xi32>
    %add3A_913 = arith.constant 16 : i32
    %add3A_914 = vector.broadcast %add3A_913 : i32 to vector<16xi32>
    %add3A_915 = arith.addi %max3A_909, %add3A_914 : vector<16xi32>
    %select_n3A_916 = arith.select %lt3A_912, %add3A_915, %max3A_909 : vector<16xi1>, vector<16xi32>
    %broadcast_in_dim3A_917 = vector.shape_cast %select_n3A_916 : vector<16xi32> to vector<16x1xi32>
    %gather3A_918 = vector.shape_cast %broadcast_in_dim3A_917 : vector<16x1xi32> to vector<16xi32>
    %gather3A_919 = tpu.dynamic_gather %add3A_905[%gather3A_918] in [0] : vector<16xi32>, vector<16xi32> -> vector<16xi32>
    %sub3A_920 = arith.constant 1 : i32
    %sub3A_921 = vector.broadcast %sub3A_920 : i32 to vector<16xi32>
    %sub3A_922 = arith.subi %iota3A, %sub3A_921 : vector<16xi32>
    %max3A_923 = arith.maxsi %sub3A_922, %broadcast_in_dim3A_6 : vector<16xi32>
    %min3A_924 = arith.minsi %max3A_923, %add3A_9 : vector<16xi32>
    %mul3A_925 = arith.muli %gather3A_919, %min3A_924 : vector<16xi32>
    %add3A_926 = arith.addi %add3A_905, %mul3A_925 : vector<16xi32>
    %sub3A_927 = arith.constant 4 : i32
    %sub3A_928 = vector.broadcast %sub3A_927 : i32 to vector<16xi32>
    %sub3A_929 = arith.subi %iota3A, %sub3A_928 : vector<16xi32>
    %max3A_930 = arith.maxsi %sub3A_929, %broadcast_in_dim3A_6 : vector<16xi32>
    %lt3A_931 = arith.constant 0 : i32
    %lt3A_932 = vector.broadcast %lt3A_931 : i32 to vector<16xi32>
    %lt3A_933 = arith.cmpi slt, %max3A_930, %lt3A_932 : vector<16xi32>
    %add3A_934 = arith.constant 16 : i32
    %add3A_935 = vector.broadcast %add3A_934 : i32 to vector<16xi32>
    %add3A_936 = arith.addi %max3A_930, %add3A_935 : vector<16xi32>
    %select_n3A_937 = arith.select %lt3A_933, %add3A_936, %max3A_930 : vector<16xi1>, vector<16xi32>
    %broadcast_in_dim3A_938 = vector.shape_cast %select_n3A_937 : vector<16xi32> to vector<16x1xi32>
    %gather3A_939 = vector.shape_cast %broadcast_in_dim3A_938 : vector<16x1xi32> to vector<16xi32>
    %gather3A_940 = tpu.dynamic_gather %add3A_926[%gather3A_939] in [0] : vector<16xi32>, vector<16xi32> -> vector<16xi32>
    %sub3A_941 = arith.constant 3 : i32
    %sub3A_942 = vector.broadcast %sub3A_941 : i32 to vector<16xi32>
    %sub3A_943 = arith.subi %iota3A, %sub3A_942 : vector<16xi32>
    %max3A_944 = arith.maxsi %sub3A_943, %broadcast_in_dim3A_6 : vector<16xi32>
    %min3A_945 = arith.minsi %max3A_944, %add3A_9 : vector<16xi32>
    %mul3A_946 = arith.muli %gather3A_940, %min3A_945 : vector<16xi32>
    %add3A_947 = arith.addi %add3A_926, %mul3A_946 : vector<16xi32>
    %sub3A_948 = arith.constant 8 : i32
    %sub3A_949 = vector.broadcast %sub3A_948 : i32 to vector<16xi32>
    %sub3A_950 = arith.subi %iota3A, %sub3A_949 : vector<16xi32>
    %max3A_951 = arith.maxsi %sub3A_950, %broadcast_in_dim3A_6 : vector<16xi32>
    %lt3A_952 = arith.constant 0 : i32
    %lt3A_953 = vector.broadcast %lt3A_952 : i32 to vector<16xi32>
    %lt3A_954 = arith.cmpi slt, %max3A_951, %lt3A_953 : vector<16xi32>
    %add3A_955 = arith.constant 16 : i32
    %add3A_956 = vector.broadcast %add3A_955 : i32 to vector<16xi32>
    %add3A_957 = arith.addi %max3A_951, %add3A_956 : vector<16xi32>
    %select_n3A_958 = arith.select %lt3A_954, %add3A_957, %max3A_951 : vector<16xi1>, vector<16xi32>
    %broadcast_in_dim3A_959 = vector.shape_cast %select_n3A_958 : vector<16xi32> to vector<16x1xi32>
    %gather3A_960 = vector.shape_cast %broadcast_in_dim3A_959 : vector<16x1xi32> to vector<16xi32>
    %gather3A_961 = tpu.dynamic_gather %add3A_947[%gather3A_960] in [0] : vector<16xi32>, vector<16xi32> -> vector<16xi32>
    %sub3A_962 = arith.constant 7 : i32
    %sub3A_963 = vector.broadcast %sub3A_962 : i32 to vector<16xi32>
    %sub3A_964 = arith.subi %iota3A, %sub3A_963 : vector<16xi32>
    %max3A_965 = arith.maxsi %sub3A_964, %broadcast_in_dim3A_6 : vector<16xi32>
    %min3A_966 = arith.minsi %max3A_965, %add3A_9 : vector<16xi32>
    %mul3A_967 = arith.muli %gather3A_961, %min3A_966 : vector<16xi32>
    %add3A_968 = arith.addi %add3A_947, %mul3A_967 : vector<16xi32>
    %add3A_969 = arith.constant 15 : i32
    %add3A_970 = vector.broadcast %add3A_969 : i32 to vector<16xi32>
    %add3A_971 = arith.addi %broadcast_in_dim3A_6, %add3A_970 : vector<16xi32>
    %lt3A_972 = arith.constant 0 : i32
    %lt3A_973 = vector.broadcast %lt3A_972 : i32 to vector<16xi32>
    %lt3A_974 = arith.cmpi slt, %add3A_971, %lt3A_973 : vector<16xi32>
    %add3A_975 = arith.constant 16 : i32
    %add3A_976 = vector.broadcast %add3A_975 : i32 to vector<16xi32>
    %add3A_977 = arith.addi %add3A_971, %add3A_976 : vector<16xi32>
    %select_n3A_978 = arith.select %lt3A_974, %add3A_977, %add3A_971 : vector<16xi1>, vector<16xi32>
    %broadcast_in_dim3A_979 = vector.shape_cast %select_n3A_978 : vector<16xi32> to vector<16x1xi32>
    %gather3A_980 = vector.shape_cast %broadcast_in_dim3A_979 : vector<16x1xi32> to vector<16xi32>
    %gather3A_981 = tpu.dynamic_gather %add3A_968[%gather3A_980] in [0] : vector<16xi32>, vector<16xi32> -> vector<16xi32>
    %sub3A_982 = arith.constant 1 : i32
    %sub3A_983 = vector.broadcast %sub3A_982 : i32 to vector<16xi32>
    %sub3A_984 = arith.subi %iota3A, %sub3A_983 : vector<16xi32>
    %max3A_985 = arith.maxsi %sub3A_984, %broadcast_in_dim3A_6 : vector<16xi32>
    %lt3A_986 = arith.constant 0 : i32
    %lt3A_987 = vector.broadcast %lt3A_986 : i32 to vector<16xi32>
    %lt3A_988 = arith.cmpi slt, %max3A_985, %lt3A_987 : vector<16xi32>
    %add3A_989 = arith.constant 16 : i32
    %add3A_990 = vector.broadcast %add3A_989 : i32 to vector<16xi32>
    %add3A_991 = arith.addi %max3A_985, %add3A_990 : vector<16xi32>
    %select_n3A_992 = arith.select %lt3A_988, %add3A_991, %max3A_985 : vector<16xi1>, vector<16xi32>
    %broadcast_in_dim3A_993 = vector.shape_cast %select_n3A_992 : vector<16xi32> to vector<16x1xi32>
    %gather3A_994 = vector.shape_cast %broadcast_in_dim3A_993 : vector<16x1xi32> to vector<16xi32>
    %gather3A_995 = tpu.dynamic_gather %scan3A_16#10[%gather3A_994] in [0] : vector<16xi32>, vector<16xi32> -> vector<16xi32>
    %sub3A_996 = arith.constant 0 : i32
    %sub3A_997 = vector.broadcast %sub3A_996 : i32 to vector<16xi32>
    %sub3A_998 = arith.subi %iota3A, %sub3A_997 : vector<16xi32>
    %max3A_999 = arith.maxsi %sub3A_998, %broadcast_in_dim3A_6 : vector<16xi32>
    %min3A_1000 = arith.minsi %max3A_999, %add3A_9 : vector<16xi32>
    %mul3A_1001 = arith.muli %gather3A_995, %min3A_1000 : vector<16xi32>
    %add3A_1002 = arith.addi %scan3A_16#10, %mul3A_1001 : vector<16xi32>
    %sub3A_1003 = arith.constant 2 : i32
    %sub3A_1004 = vector.broadcast %sub3A_1003 : i32 to vector<16xi32>
    %sub3A_1005 = arith.subi %iota3A, %sub3A_1004 : vector<16xi32>
    %max3A_1006 = arith.maxsi %sub3A_1005, %broadcast_in_dim3A_6 : vector<16xi32>
    %lt3A_1007 = arith.constant 0 : i32
    %lt3A_1008 = vector.broadcast %lt3A_1007 : i32 to vector<16xi32>
    %lt3A_1009 = arith.cmpi slt, %max3A_1006, %lt3A_1008 : vector<16xi32>
    %add3A_1010 = arith.constant 16 : i32
    %add3A_1011 = vector.broadcast %add3A_1010 : i32 to vector<16xi32>
    %add3A_1012 = arith.addi %max3A_1006, %add3A_1011 : vector<16xi32>
    %select_n3A_1013 = arith.select %lt3A_1009, %add3A_1012, %max3A_1006 : vector<16xi1>, vector<16xi32>
    %broadcast_in_dim3A_1014 = vector.shape_cast %select_n3A_1013 : vector<16xi32> to vector<16x1xi32>
    %gather3A_1015 = vector.shape_cast %broadcast_in_dim3A_1014 : vector<16x1xi32> to vector<16xi32>
    %gather3A_1016 = tpu.dynamic_gather %add3A_1002[%gather3A_1015] in [0] : vector<16xi32>, vector<16xi32> -> vector<16xi32>
    %sub3A_1017 = arith.constant 1 : i32
    %sub3A_1018 = vector.broadcast %sub3A_1017 : i32 to vector<16xi32>
    %sub3A_1019 = arith.subi %iota3A, %sub3A_1018 : vector<16xi32>
    %max3A_1020 = arith.maxsi %sub3A_1019, %broadcast_in_dim3A_6 : vector<16xi32>
    %min3A_1021 = arith.minsi %max3A_1020, %add3A_9 : vector<16xi32>
    %mul3A_1022 = arith.muli %gather3A_1016, %min3A_1021 : vector<16xi32>
    %add3A_1023 = arith.addi %add3A_1002, %mul3A_1022 : vector<16xi32>
    %sub3A_1024 = arith.constant 4 : i32
    %sub3A_1025 = vector.broadcast %sub3A_1024 : i32 to vector<16xi32>
    %sub3A_1026 = arith.subi %iota3A, %sub3A_1025 : vector<16xi32>
    %max3A_1027 = arith.maxsi %sub3A_1026, %broadcast_in_dim3A_6 : vector<16xi32>
    %lt3A_1028 = arith.constant 0 : i32
    %lt3A_1029 = vector.broadcast %lt3A_1028 : i32 to vector<16xi32>
    %lt3A_1030 = arith.cmpi slt, %max3A_1027, %lt3A_1029 : vector<16xi32>
    %add3A_1031 = arith.constant 16 : i32
    %add3A_1032 = vector.broadcast %add3A_1031 : i32 to vector<16xi32>
    %add3A_1033 = arith.addi %max3A_1027, %add3A_1032 : vector<16xi32>
    %select_n3A_1034 = arith.select %lt3A_1030, %add3A_1033, %max3A_1027 : vector<16xi1>, vector<16xi32>
    %broadcast_in_dim3A_1035 = vector.shape_cast %select_n3A_1034 : vector<16xi32> to vector<16x1xi32>
    %gather3A_1036 = vector.shape_cast %broadcast_in_dim3A_1035 : vector<16x1xi32> to vector<16xi32>
    %gather3A_1037 = tpu.dynamic_gather %add3A_1023[%gather3A_1036] in [0] : vector<16xi32>, vector<16xi32> -> vector<16xi32>
    %sub3A_1038 = arith.constant 3 : i32
    %sub3A_1039 = vector.broadcast %sub3A_1038 : i32 to vector<16xi32>
    %sub3A_1040 = arith.subi %iota3A, %sub3A_1039 : vector<16xi32>
    %max3A_1041 = arith.maxsi %sub3A_1040, %broadcast_in_dim3A_6 : vector<16xi32>
    %min3A_1042 = arith.minsi %max3A_1041, %add3A_9 : vector<16xi32>
    %mul3A_1043 = arith.muli %gather3A_1037, %min3A_1042 : vector<16xi32>
    %add3A_1044 = arith.addi %add3A_1023, %mul3A_1043 : vector<16xi32>
    %sub3A_1045 = arith.constant 8 : i32
    %sub3A_1046 = vector.broadcast %sub3A_1045 : i32 to vector<16xi32>
    %sub3A_1047 = arith.subi %iota3A, %sub3A_1046 : vector<16xi32>
    %max3A_1048 = arith.maxsi %sub3A_1047, %broadcast_in_dim3A_6 : vector<16xi32>
    %lt3A_1049 = arith.constant 0 : i32
    %lt3A_1050 = vector.broadcast %lt3A_1049 : i32 to vector<16xi32>
    %lt3A_1051 = arith.cmpi slt, %max3A_1048, %lt3A_1050 : vector<16xi32>
    %add3A_1052 = arith.constant 16 : i32
    %add3A_1053 = vector.broadcast %add3A_1052 : i32 to vector<16xi32>
    %add3A_1054 = arith.addi %max3A_1048, %add3A_1053 : vector<16xi32>
    %select_n3A_1055 = arith.select %lt3A_1051, %add3A_1054, %max3A_1048 : vector<16xi1>, vector<16xi32>
    %broadcast_in_dim3A_1056 = vector.shape_cast %select_n3A_1055 : vector<16xi32> to vector<16x1xi32>
    %gather3A_1057 = vector.shape_cast %broadcast_in_dim3A_1056 : vector<16x1xi32> to vector<16xi32>
    %gather3A_1058 = tpu.dynamic_gather %add3A_1044[%gather3A_1057] in [0] : vector<16xi32>, vector<16xi32> -> vector<16xi32>
    %sub3A_1059 = arith.constant 7 : i32
    %sub3A_1060 = vector.broadcast %sub3A_1059 : i32 to vector<16xi32>
    %sub3A_1061 = arith.subi %iota3A, %sub3A_1060 : vector<16xi32>
    %max3A_1062 = arith.maxsi %sub3A_1061, %broadcast_in_dim3A_6 : vector<16xi32>
    %min3A_1063 = arith.minsi %max3A_1062, %add3A_9 : vector<16xi32>
    %mul3A_1064 = arith.muli %gather3A_1058, %min3A_1063 : vector<16xi32>
    %add3A_1065 = arith.addi %add3A_1044, %mul3A_1064 : vector<16xi32>
    %add3A_1066 = arith.constant 15 : i32
    %add3A_1067 = vector.broadcast %add3A_1066 : i32 to vector<16xi32>
    %add3A_1068 = arith.addi %broadcast_in_dim3A_6, %add3A_1067 : vector<16xi32>
    %lt3A_1069 = arith.constant 0 : i32
    %lt3A_1070 = vector.broadcast %lt3A_1069 : i32 to vector<16xi32>
    %lt3A_1071 = arith.cmpi slt, %add3A_1068, %lt3A_1070 : vector<16xi32>
    %add3A_1072 = arith.constant 16 : i32
    %add3A_1073 = vector.broadcast %add3A_1072 : i32 to vector<16xi32>
    %add3A_1074 = arith.addi %add3A_1068, %add3A_1073 : vector<16xi32>
    %select_n3A_1075 = arith.select %lt3A_1071, %add3A_1074, %add3A_1068 : vector<16xi1>, vector<16xi32>
    %broadcast_in_dim3A_1076 = vector.shape_cast %select_n3A_1075 : vector<16xi32> to vector<16x1xi32>
    %gather3A_1077 = vector.shape_cast %broadcast_in_dim3A_1076 : vector<16x1xi32> to vector<16xi32>
    %gather3A_1078 = tpu.dynamic_gather %add3A_1065[%gather3A_1077] in [0] : vector<16xi32>, vector<16xi32> -> vector<16xi32>
    %sub3A_1079 = arith.constant 1 : i32
    %sub3A_1080 = vector.broadcast %sub3A_1079 : i32 to vector<16xi32>
    %sub3A_1081 = arith.subi %iota3A, %sub3A_1080 : vector<16xi32>
    %max3A_1082 = arith.maxsi %sub3A_1081, %broadcast_in_dim3A_6 : vector<16xi32>
    %lt3A_1083 = arith.constant 0 : i32
    %lt3A_1084 = vector.broadcast %lt3A_1083 : i32 to vector<16xi32>
    %lt3A_1085 = arith.cmpi slt, %max3A_1082, %lt3A_1084 : vector<16xi32>
    %add3A_1086 = arith.constant 16 : i32
    %add3A_1087 = vector.broadcast %add3A_1086 : i32 to vector<16xi32>
    %add3A_1088 = arith.addi %max3A_1082, %add3A_1087 : vector<16xi32>
    %select_n3A_1089 = arith.select %lt3A_1085, %add3A_1088, %max3A_1082 : vector<16xi1>, vector<16xi32>
    %broadcast_in_dim3A_1090 = vector.shape_cast %select_n3A_1089 : vector<16xi32> to vector<16x1xi32>
    %gather3A_1091 = vector.shape_cast %broadcast_in_dim3A_1090 : vector<16x1xi32> to vector<16xi32>
    %gather3A_1092 = tpu.dynamic_gather %scan3A_16#11[%gather3A_1091] in [0] : vector<16xi32>, vector<16xi32> -> vector<16xi32>
    %sub3A_1093 = arith.constant 0 : i32
    %sub3A_1094 = vector.broadcast %sub3A_1093 : i32 to vector<16xi32>
    %sub3A_1095 = arith.subi %iota3A, %sub3A_1094 : vector<16xi32>
    %max3A_1096 = arith.maxsi %sub3A_1095, %broadcast_in_dim3A_6 : vector<16xi32>
    %min3A_1097 = arith.minsi %max3A_1096, %add3A_9 : vector<16xi32>
    %mul3A_1098 = arith.muli %gather3A_1092, %min3A_1097 : vector<16xi32>
    %add3A_1099 = arith.addi %scan3A_16#11, %mul3A_1098 : vector<16xi32>
    %sub3A_1100 = arith.constant 2 : i32
    %sub3A_1101 = vector.broadcast %sub3A_1100 : i32 to vector<16xi32>
    %sub3A_1102 = arith.subi %iota3A, %sub3A_1101 : vector<16xi32>
    %max3A_1103 = arith.maxsi %sub3A_1102, %broadcast_in_dim3A_6 : vector<16xi32>
    %lt3A_1104 = arith.constant 0 : i32
    %lt3A_1105 = vector.broadcast %lt3A_1104 : i32 to vector<16xi32>
    %lt3A_1106 = arith.cmpi slt, %max3A_1103, %lt3A_1105 : vector<16xi32>
    %add3A_1107 = arith.constant 16 : i32
    %add3A_1108 = vector.broadcast %add3A_1107 : i32 to vector<16xi32>
    %add3A_1109 = arith.addi %max3A_1103, %add3A_1108 : vector<16xi32>
    %select_n3A_1110 = arith.select %lt3A_1106, %add3A_1109, %max3A_1103 : vector<16xi1>, vector<16xi32>
    %broadcast_in_dim3A_1111 = vector.shape_cast %select_n3A_1110 : vector<16xi32> to vector<16x1xi32>
    %gather3A_1112 = vector.shape_cast %broadcast_in_dim3A_1111 : vector<16x1xi32> to vector<16xi32>
    %gather3A_1113 = tpu.dynamic_gather %add3A_1099[%gather3A_1112] in [0] : vector<16xi32>, vector<16xi32> -> vector<16xi32>
    %sub3A_1114 = arith.constant 1 : i32
    %sub3A_1115 = vector.broadcast %sub3A_1114 : i32 to vector<16xi32>
    %sub3A_1116 = arith.subi %iota3A, %sub3A_1115 : vector<16xi32>
    %max3A_1117 = arith.maxsi %sub3A_1116, %broadcast_in_dim3A_6 : vector<16xi32>
    %min3A_1118 = arith.minsi %max3A_1117, %add3A_9 : vector<16xi32>
    %mul3A_1119 = arith.muli %gather3A_1113, %min3A_1118 : vector<16xi32>
    %add3A_1120 = arith.addi %add3A_1099, %mul3A_1119 : vector<16xi32>
    %sub3A_1121 = arith.constant 4 : i32
    %sub3A_1122 = vector.broadcast %sub3A_1121 : i32 to vector<16xi32>
    %sub3A_1123 = arith.subi %iota3A, %sub3A_1122 : vector<16xi32>
    %max3A_1124 = arith.maxsi %sub3A_1123, %broadcast_in_dim3A_6 : vector<16xi32>
    %lt3A_1125 = arith.constant 0 : i32
    %lt3A_1126 = vector.broadcast %lt3A_1125 : i32 to vector<16xi32>
    %lt3A_1127 = arith.cmpi slt, %max3A_1124, %lt3A_1126 : vector<16xi32>
    %add3A_1128 = arith.constant 16 : i32
    %add3A_1129 = vector.broadcast %add3A_1128 : i32 to vector<16xi32>
    %add3A_1130 = arith.addi %max3A_1124, %add3A_1129 : vector<16xi32>
    %select_n3A_1131 = arith.select %lt3A_1127, %add3A_1130, %max3A_1124 : vector<16xi1>, vector<16xi32>
    %broadcast_in_dim3A_1132 = vector.shape_cast %select_n3A_1131 : vector<16xi32> to vector<16x1xi32>
    %gather3A_1133 = vector.shape_cast %broadcast_in_dim3A_1132 : vector<16x1xi32> to vector<16xi32>
    %gather3A_1134 = tpu.dynamic_gather %add3A_1120[%gather3A_1133] in [0] : vector<16xi32>, vector<16xi32> -> vector<16xi32>
    %sub3A_1135 = arith.constant 3 : i32
    %sub3A_1136 = vector.broadcast %sub3A_1135 : i32 to vector<16xi32>
    %sub3A_1137 = arith.subi %iota3A, %sub3A_1136 : vector<16xi32>
    %max3A_1138 = arith.maxsi %sub3A_1137, %broadcast_in_dim3A_6 : vector<16xi32>
    %min3A_1139 = arith.minsi %max3A_1138, %add3A_9 : vector<16xi32>
    %mul3A_1140 = arith.muli %gather3A_1134, %min3A_1139 : vector<16xi32>
    %add3A_1141 = arith.addi %add3A_1120, %mul3A_1140 : vector<16xi32>
    %sub3A_1142 = arith.constant 8 : i32
    %sub3A_1143 = vector.broadcast %sub3A_1142 : i32 to vector<16xi32>
    %sub3A_1144 = arith.subi %iota3A, %sub3A_1143 : vector<16xi32>
    %max3A_1145 = arith.maxsi %sub3A_1144, %broadcast_in_dim3A_6 : vector<16xi32>
    %lt3A_1146 = arith.constant 0 : i32
    %lt3A_1147 = vector.broadcast %lt3A_1146 : i32 to vector<16xi32>
    %lt3A_1148 = arith.cmpi slt, %max3A_1145, %lt3A_1147 : vector<16xi32>
    %add3A_1149 = arith.constant 16 : i32
    %add3A_1150 = vector.broadcast %add3A_1149 : i32 to vector<16xi32>
    %add3A_1151 = arith.addi %max3A_1145, %add3A_1150 : vector<16xi32>
    %select_n3A_1152 = arith.select %lt3A_1148, %add3A_1151, %max3A_1145 : vector<16xi1>, vector<16xi32>
    %broadcast_in_dim3A_1153 = vector.shape_cast %select_n3A_1152 : vector<16xi32> to vector<16x1xi32>
    %gather3A_1154 = vector.shape_cast %broadcast_in_dim3A_1153 : vector<16x1xi32> to vector<16xi32>
    %gather3A_1155 = tpu.dynamic_gather %add3A_1141[%gather3A_1154] in [0] : vector<16xi32>, vector<16xi32> -> vector<16xi32>
    %sub3A_1156 = arith.constant 7 : i32
    %sub3A_1157 = vector.broadcast %sub3A_1156 : i32 to vector<16xi32>
    %sub3A_1158 = arith.subi %iota3A, %sub3A_1157 : vector<16xi32>
    %max3A_1159 = arith.maxsi %sub3A_1158, %broadcast_in_dim3A_6 : vector<16xi32>
    %min3A_1160 = arith.minsi %max3A_1159, %add3A_9 : vector<16xi32>
    %mul3A_1161 = arith.muli %gather3A_1155, %min3A_1160 : vector<16xi32>
    %add3A_1162 = arith.addi %add3A_1141, %mul3A_1161 : vector<16xi32>
    %add3A_1163 = arith.constant 15 : i32
    %add3A_1164 = vector.broadcast %add3A_1163 : i32 to vector<16xi32>
    %add3A_1165 = arith.addi %broadcast_in_dim3A_6, %add3A_1164 : vector<16xi32>
    %lt3A_1166 = arith.constant 0 : i32
    %lt3A_1167 = vector.broadcast %lt3A_1166 : i32 to vector<16xi32>
    %lt3A_1168 = arith.cmpi slt, %add3A_1165, %lt3A_1167 : vector<16xi32>
    %add3A_1169 = arith.constant 16 : i32
    %add3A_1170 = vector.broadcast %add3A_1169 : i32 to vector<16xi32>
    %add3A_1171 = arith.addi %add3A_1165, %add3A_1170 : vector<16xi32>
    %select_n3A_1172 = arith.select %lt3A_1168, %add3A_1171, %add3A_1165 : vector<16xi1>, vector<16xi32>
    %broadcast_in_dim3A_1173 = vector.shape_cast %select_n3A_1172 : vector<16xi32> to vector<16x1xi32>
    %gather3A_1174 = vector.shape_cast %broadcast_in_dim3A_1173 : vector<16x1xi32> to vector<16xi32>
    %gather3A_1175 = tpu.dynamic_gather %add3A_1162[%gather3A_1174] in [0] : vector<16xi32>, vector<16xi32> -> vector<16xi32>
    %sub3A_1176 = arith.constant 1 : i32
    %sub3A_1177 = vector.broadcast %sub3A_1176 : i32 to vector<16xi32>
    %sub3A_1178 = arith.subi %iota3A, %sub3A_1177 : vector<16xi32>
    %max3A_1179 = arith.maxsi %sub3A_1178, %broadcast_in_dim3A_6 : vector<16xi32>
    %lt3A_1180 = arith.constant 0 : i32
    %lt3A_1181 = vector.broadcast %lt3A_1180 : i32 to vector<16xi32>
    %lt3A_1182 = arith.cmpi slt, %max3A_1179, %lt3A_1181 : vector<16xi32>
    %add3A_1183 = arith.constant 16 : i32
    %add3A_1184 = vector.broadcast %add3A_1183 : i32 to vector<16xi32>
    %add3A_1185 = arith.addi %max3A_1179, %add3A_1184 : vector<16xi32>
    %select_n3A_1186 = arith.select %lt3A_1182, %add3A_1185, %max3A_1179 : vector<16xi1>, vector<16xi32>
    %broadcast_in_dim3A_1187 = vector.shape_cast %select_n3A_1186 : vector<16xi32> to vector<16x1xi32>
    %gather3A_1188 = vector.shape_cast %broadcast_in_dim3A_1187 : vector<16x1xi32> to vector<16xi32>
    %gather3A_1189 = tpu.dynamic_gather %scan3A_16#12[%gather3A_1188] in [0] : vector<16xi32>, vector<16xi32> -> vector<16xi32>
    %sub3A_1190 = arith.constant 0 : i32
    %sub3A_1191 = vector.broadcast %sub3A_1190 : i32 to vector<16xi32>
    %sub3A_1192 = arith.subi %iota3A, %sub3A_1191 : vector<16xi32>
    %max3A_1193 = arith.maxsi %sub3A_1192, %broadcast_in_dim3A_6 : vector<16xi32>
    %min3A_1194 = arith.minsi %max3A_1193, %add3A_9 : vector<16xi32>
    %mul3A_1195 = arith.muli %gather3A_1189, %min3A_1194 : vector<16xi32>
    %add3A_1196 = arith.addi %scan3A_16#12, %mul3A_1195 : vector<16xi32>
    %sub3A_1197 = arith.constant 2 : i32
    %sub3A_1198 = vector.broadcast %sub3A_1197 : i32 to vector<16xi32>
    %sub3A_1199 = arith.subi %iota3A, %sub3A_1198 : vector<16xi32>
    %max3A_1200 = arith.maxsi %sub3A_1199, %broadcast_in_dim3A_6 : vector<16xi32>
    %lt3A_1201 = arith.constant 0 : i32
    %lt3A_1202 = vector.broadcast %lt3A_1201 : i32 to vector<16xi32>
    %lt3A_1203 = arith.cmpi slt, %max3A_1200, %lt3A_1202 : vector<16xi32>
    %add3A_1204 = arith.constant 16 : i32
    %add3A_1205 = vector.broadcast %add3A_1204 : i32 to vector<16xi32>
    %add3A_1206 = arith.addi %max3A_1200, %add3A_1205 : vector<16xi32>
    %select_n3A_1207 = arith.select %lt3A_1203, %add3A_1206, %max3A_1200 : vector<16xi1>, vector<16xi32>
    %broadcast_in_dim3A_1208 = vector.shape_cast %select_n3A_1207 : vector<16xi32> to vector<16x1xi32>
    %gather3A_1209 = vector.shape_cast %broadcast_in_dim3A_1208 : vector<16x1xi32> to vector<16xi32>
    %gather3A_1210 = tpu.dynamic_gather %add3A_1196[%gather3A_1209] in [0] : vector<16xi32>, vector<16xi32> -> vector<16xi32>
    %sub3A_1211 = arith.constant 1 : i32
    %sub3A_1212 = vector.broadcast %sub3A_1211 : i32 to vector<16xi32>
    %sub3A_1213 = arith.subi %iota3A, %sub3A_1212 : vector<16xi32>
    %max3A_1214 = arith.maxsi %sub3A_1213, %broadcast_in_dim3A_6 : vector<16xi32>
    %min3A_1215 = arith.minsi %max3A_1214, %add3A_9 : vector<16xi32>
    %mul3A_1216 = arith.muli %gather3A_1210, %min3A_1215 : vector<16xi32>
    %add3A_1217 = arith.addi %add3A_1196, %mul3A_1216 : vector<16xi32>
    %sub3A_1218 = arith.constant 4 : i32
    %sub3A_1219 = vector.broadcast %sub3A_1218 : i32 to vector<16xi32>
    %sub3A_1220 = arith.subi %iota3A, %sub3A_1219 : vector<16xi32>
    %max3A_1221 = arith.maxsi %sub3A_1220, %broadcast_in_dim3A_6 : vector<16xi32>
    %lt3A_1222 = arith.constant 0 : i32
    %lt3A_1223 = vector.broadcast %lt3A_1222 : i32 to vector<16xi32>
    %lt3A_1224 = arith.cmpi slt, %max3A_1221, %lt3A_1223 : vector<16xi32>
    %add3A_1225 = arith.constant 16 : i32
    %add3A_1226 = vector.broadcast %add3A_1225 : i32 to vector<16xi32>
    %add3A_1227 = arith.addi %max3A_1221, %add3A_1226 : vector<16xi32>
    %select_n3A_1228 = arith.select %lt3A_1224, %add3A_1227, %max3A_1221 : vector<16xi1>, vector<16xi32>
    %broadcast_in_dim3A_1229 = vector.shape_cast %select_n3A_1228 : vector<16xi32> to vector<16x1xi32>
    %gather3A_1230 = vector.shape_cast %broadcast_in_dim3A_1229 : vector<16x1xi32> to vector<16xi32>
    %gather3A_1231 = tpu.dynamic_gather %add3A_1217[%gather3A_1230] in [0] : vector<16xi32>, vector<16xi32> -> vector<16xi32>
    %sub3A_1232 = arith.constant 3 : i32
    %sub3A_1233 = vector.broadcast %sub3A_1232 : i32 to vector<16xi32>
    %sub3A_1234 = arith.subi %iota3A, %sub3A_1233 : vector<16xi32>
    %max3A_1235 = arith.maxsi %sub3A_1234, %broadcast_in_dim3A_6 : vector<16xi32>
    %min3A_1236 = arith.minsi %max3A_1235, %add3A_9 : vector<16xi32>
    %mul3A_1237 = arith.muli %gather3A_1231, %min3A_1236 : vector<16xi32>
    %add3A_1238 = arith.addi %add3A_1217, %mul3A_1237 : vector<16xi32>
    %sub3A_1239 = arith.constant 8 : i32
    %sub3A_1240 = vector.broadcast %sub3A_1239 : i32 to vector<16xi32>
    %sub3A_1241 = arith.subi %iota3A, %sub3A_1240 : vector<16xi32>
    %max3A_1242 = arith.maxsi %sub3A_1241, %broadcast_in_dim3A_6 : vector<16xi32>
    %lt3A_1243 = arith.constant 0 : i32
    %lt3A_1244 = vector.broadcast %lt3A_1243 : i32 to vector<16xi32>
    %lt3A_1245 = arith.cmpi slt, %max3A_1242, %lt3A_1244 : vector<16xi32>
    %add3A_1246 = arith.constant 16 : i32
    %add3A_1247 = vector.broadcast %add3A_1246 : i32 to vector<16xi32>
    %add3A_1248 = arith.addi %max3A_1242, %add3A_1247 : vector<16xi32>
    %select_n3A_1249 = arith.select %lt3A_1245, %add3A_1248, %max3A_1242 : vector<16xi1>, vector<16xi32>
    %broadcast_in_dim3A_1250 = vector.shape_cast %select_n3A_1249 : vector<16xi32> to vector<16x1xi32>
    %gather3A_1251 = vector.shape_cast %broadcast_in_dim3A_1250 : vector<16x1xi32> to vector<16xi32>
    %gather3A_1252 = tpu.dynamic_gather %add3A_1238[%gather3A_1251] in [0] : vector<16xi32>, vector<16xi32> -> vector<16xi32>
    %sub3A_1253 = arith.constant 7 : i32
    %sub3A_1254 = vector.broadcast %sub3A_1253 : i32 to vector<16xi32>
    %sub3A_1255 = arith.subi %iota3A, %sub3A_1254 : vector<16xi32>
    %max3A_1256 = arith.maxsi %sub3A_1255, %broadcast_in_dim3A_6 : vector<16xi32>
    %min3A_1257 = arith.minsi %max3A_1256, %add3A_9 : vector<16xi32>
    %mul3A_1258 = arith.muli %gather3A_1252, %min3A_1257 : vector<16xi32>
    %add3A_1259 = arith.addi %add3A_1238, %mul3A_1258 : vector<16xi32>
    %add3A_1260 = arith.constant 15 : i32
    %add3A_1261 = vector.broadcast %add3A_1260 : i32 to vector<16xi32>
    %add3A_1262 = arith.addi %broadcast_in_dim3A_6, %add3A_1261 : vector<16xi32>
    %lt3A_1263 = arith.constant 0 : i32
    %lt3A_1264 = vector.broadcast %lt3A_1263 : i32 to vector<16xi32>
    %lt3A_1265 = arith.cmpi slt, %add3A_1262, %lt3A_1264 : vector<16xi32>
    %add3A_1266 = arith.constant 16 : i32
    %add3A_1267 = vector.broadcast %add3A_1266 : i32 to vector<16xi32>
    %add3A_1268 = arith.addi %add3A_1262, %add3A_1267 : vector<16xi32>
    %select_n3A_1269 = arith.select %lt3A_1265, %add3A_1268, %add3A_1262 : vector<16xi1>, vector<16xi32>
    %broadcast_in_dim3A_1270 = vector.shape_cast %select_n3A_1269 : vector<16xi32> to vector<16x1xi32>
    %gather3A_1271 = vector.shape_cast %broadcast_in_dim3A_1270 : vector<16x1xi32> to vector<16xi32>
    %gather3A_1272 = tpu.dynamic_gather %add3A_1259[%gather3A_1271] in [0] : vector<16xi32>, vector<16xi32> -> vector<16xi32>
    %sub3A_1273 = arith.constant 1 : i32
    %sub3A_1274 = vector.broadcast %sub3A_1273 : i32 to vector<16xi32>
    %sub3A_1275 = arith.subi %iota3A, %sub3A_1274 : vector<16xi32>
    %max3A_1276 = arith.maxsi %sub3A_1275, %broadcast_in_dim3A_6 : vector<16xi32>
    %lt3A_1277 = arith.constant 0 : i32
    %lt3A_1278 = vector.broadcast %lt3A_1277 : i32 to vector<16xi32>
    %lt3A_1279 = arith.cmpi slt, %max3A_1276, %lt3A_1278 : vector<16xi32>
    %add3A_1280 = arith.constant 16 : i32
    %add3A_1281 = vector.broadcast %add3A_1280 : i32 to vector<16xi32>
    %add3A_1282 = arith.addi %max3A_1276, %add3A_1281 : vector<16xi32>
    %select_n3A_1283 = arith.select %lt3A_1279, %add3A_1282, %max3A_1276 : vector<16xi1>, vector<16xi32>
    %broadcast_in_dim3A_1284 = vector.shape_cast %select_n3A_1283 : vector<16xi32> to vector<16x1xi32>
    %gather3A_1285 = vector.shape_cast %broadcast_in_dim3A_1284 : vector<16x1xi32> to vector<16xi32>
    %gather3A_1286 = tpu.dynamic_gather %scan3A_16#13[%gather3A_1285] in [0] : vector<16xi32>, vector<16xi32> -> vector<16xi32>
    %sub3A_1287 = arith.constant 0 : i32
    %sub3A_1288 = vector.broadcast %sub3A_1287 : i32 to vector<16xi32>
    %sub3A_1289 = arith.subi %iota3A, %sub3A_1288 : vector<16xi32>
    %max3A_1290 = arith.maxsi %sub3A_1289, %broadcast_in_dim3A_6 : vector<16xi32>
    %min3A_1291 = arith.minsi %max3A_1290, %add3A_9 : vector<16xi32>
    %mul3A_1292 = arith.muli %gather3A_1286, %min3A_1291 : vector<16xi32>
    %add3A_1293 = arith.addi %scan3A_16#13, %mul3A_1292 : vector<16xi32>
    %sub3A_1294 = arith.constant 2 : i32
    %sub3A_1295 = vector.broadcast %sub3A_1294 : i32 to vector<16xi32>
    %sub3A_1296 = arith.subi %iota3A, %sub3A_1295 : vector<16xi32>
    %max3A_1297 = arith.maxsi %sub3A_1296, %broadcast_in_dim3A_6 : vector<16xi32>
    %lt3A_1298 = arith.constant 0 : i32
    %lt3A_1299 = vector.broadcast %lt3A_1298 : i32 to vector<16xi32>
    %lt3A_1300 = arith.cmpi slt, %max3A_1297, %lt3A_1299 : vector<16xi32>
    %add3A_1301 = arith.constant 16 : i32
    %add3A_1302 = vector.broadcast %add3A_1301 : i32 to vector<16xi32>
    %add3A_1303 = arith.addi %max3A_1297, %add3A_1302 : vector<16xi32>
    %select_n3A_1304 = arith.select %lt3A_1300, %add3A_1303, %max3A_1297 : vector<16xi1>, vector<16xi32>
    %broadcast_in_dim3A_1305 = vector.shape_cast %select_n3A_1304 : vector<16xi32> to vector<16x1xi32>
    %gather3A_1306 = vector.shape_cast %broadcast_in_dim3A_1305 : vector<16x1xi32> to vector<16xi32>
    %gather3A_1307 = tpu.dynamic_gather %add3A_1293[%gather3A_1306] in [0] : vector<16xi32>, vector<16xi32> -> vector<16xi32>
    %sub3A_1308 = arith.constant 1 : i32
    %sub3A_1309 = vector.broadcast %sub3A_1308 : i32 to vector<16xi32>
    %sub3A_1310 = arith.subi %iota3A, %sub3A_1309 : vector<16xi32>
    %max3A_1311 = arith.maxsi %sub3A_1310, %broadcast_in_dim3A_6 : vector<16xi32>
    %min3A_1312 = arith.minsi %max3A_1311, %add3A_9 : vector<16xi32>
    %mul3A_1313 = arith.muli %gather3A_1307, %min3A_1312 : vector<16xi32>
    %add3A_1314 = arith.addi %add3A_1293, %mul3A_1313 : vector<16xi32>
    %sub3A_1315 = arith.constant 4 : i32
    %sub3A_1316 = vector.broadcast %sub3A_1315 : i32 to vector<16xi32>
    %sub3A_1317 = arith.subi %iota3A, %sub3A_1316 : vector<16xi32>
    %max3A_1318 = arith.maxsi %sub3A_1317, %broadcast_in_dim3A_6 : vector<16xi32>
    %lt3A_1319 = arith.constant 0 : i32
    %lt3A_1320 = vector.broadcast %lt3A_1319 : i32 to vector<16xi32>
    %lt3A_1321 = arith.cmpi slt, %max3A_1318, %lt3A_1320 : vector<16xi32>
    %add3A_1322 = arith.constant 16 : i32
    %add3A_1323 = vector.broadcast %add3A_1322 : i32 to vector<16xi32>
    %add3A_1324 = arith.addi %max3A_1318, %add3A_1323 : vector<16xi32>
    %select_n3A_1325 = arith.select %lt3A_1321, %add3A_1324, %max3A_1318 : vector<16xi1>, vector<16xi32>
    %broadcast_in_dim3A_1326 = vector.shape_cast %select_n3A_1325 : vector<16xi32> to vector<16x1xi32>
    %gather3A_1327 = vector.shape_cast %broadcast_in_dim3A_1326 : vector<16x1xi32> to vector<16xi32>
    %gather3A_1328 = tpu.dynamic_gather %add3A_1314[%gather3A_1327] in [0] : vector<16xi32>, vector<16xi32> -> vector<16xi32>
    %sub3A_1329 = arith.constant 3 : i32
    %sub3A_1330 = vector.broadcast %sub3A_1329 : i32 to vector<16xi32>
    %sub3A_1331 = arith.subi %iota3A, %sub3A_1330 : vector<16xi32>
    %max3A_1332 = arith.maxsi %sub3A_1331, %broadcast_in_dim3A_6 : vector<16xi32>
    %min3A_1333 = arith.minsi %max3A_1332, %add3A_9 : vector<16xi32>
    %mul3A_1334 = arith.muli %gather3A_1328, %min3A_1333 : vector<16xi32>
    %add3A_1335 = arith.addi %add3A_1314, %mul3A_1334 : vector<16xi32>
    %sub3A_1336 = arith.constant 8 : i32
    %sub3A_1337 = vector.broadcast %sub3A_1336 : i32 to vector<16xi32>
    %sub3A_1338 = arith.subi %iota3A, %sub3A_1337 : vector<16xi32>
    %max3A_1339 = arith.maxsi %sub3A_1338, %broadcast_in_dim3A_6 : vector<16xi32>
    %lt3A_1340 = arith.constant 0 : i32
    %lt3A_1341 = vector.broadcast %lt3A_1340 : i32 to vector<16xi32>
    %lt3A_1342 = arith.cmpi slt, %max3A_1339, %lt3A_1341 : vector<16xi32>
    %add3A_1343 = arith.constant 16 : i32
    %add3A_1344 = vector.broadcast %add3A_1343 : i32 to vector<16xi32>
    %add3A_1345 = arith.addi %max3A_1339, %add3A_1344 : vector<16xi32>
    %select_n3A_1346 = arith.select %lt3A_1342, %add3A_1345, %max3A_1339 : vector<16xi1>, vector<16xi32>
    %broadcast_in_dim3A_1347 = vector.shape_cast %select_n3A_1346 : vector<16xi32> to vector<16x1xi32>
    %gather3A_1348 = vector.shape_cast %broadcast_in_dim3A_1347 : vector<16x1xi32> to vector<16xi32>
    %gather3A_1349 = tpu.dynamic_gather %add3A_1335[%gather3A_1348] in [0] : vector<16xi32>, vector<16xi32> -> vector<16xi32>
    %sub3A_1350 = arith.constant 7 : i32
    %sub3A_1351 = vector.broadcast %sub3A_1350 : i32 to vector<16xi32>
    %sub3A_1352 = arith.subi %iota3A, %sub3A_1351 : vector<16xi32>
    %max3A_1353 = arith.maxsi %sub3A_1352, %broadcast_in_dim3A_6 : vector<16xi32>
    %min3A_1354 = arith.minsi %max3A_1353, %add3A_9 : vector<16xi32>
    %mul3A_1355 = arith.muli %gather3A_1349, %min3A_1354 : vector<16xi32>
    %add3A_1356 = arith.addi %add3A_1335, %mul3A_1355 : vector<16xi32>
    %add3A_1357 = arith.constant 15 : i32
    %add3A_1358 = vector.broadcast %add3A_1357 : i32 to vector<16xi32>
    %add3A_1359 = arith.addi %broadcast_in_dim3A_6, %add3A_1358 : vector<16xi32>
    %lt3A_1360 = arith.constant 0 : i32
    %lt3A_1361 = vector.broadcast %lt3A_1360 : i32 to vector<16xi32>
    %lt3A_1362 = arith.cmpi slt, %add3A_1359, %lt3A_1361 : vector<16xi32>
    %add3A_1363 = arith.constant 16 : i32
    %add3A_1364 = vector.broadcast %add3A_1363 : i32 to vector<16xi32>
    %add3A_1365 = arith.addi %add3A_1359, %add3A_1364 : vector<16xi32>
    %select_n3A_1366 = arith.select %lt3A_1362, %add3A_1365, %add3A_1359 : vector<16xi1>, vector<16xi32>
    %broadcast_in_dim3A_1367 = vector.shape_cast %select_n3A_1366 : vector<16xi32> to vector<16x1xi32>
    %gather3A_1368 = vector.shape_cast %broadcast_in_dim3A_1367 : vector<16x1xi32> to vector<16xi32>
    %gather3A_1369 = tpu.dynamic_gather %add3A_1356[%gather3A_1368] in [0] : vector<16xi32>, vector<16xi32> -> vector<16xi32>
    %sub3A_1370 = arith.constant 1 : i32
    %sub3A_1371 = vector.broadcast %sub3A_1370 : i32 to vector<16xi32>
    %sub3A_1372 = arith.subi %iota3A, %sub3A_1371 : vector<16xi32>
    %max3A_1373 = arith.maxsi %sub3A_1372, %broadcast_in_dim3A_6 : vector<16xi32>
    %lt3A_1374 = arith.constant 0 : i32
    %lt3A_1375 = vector.broadcast %lt3A_1374 : i32 to vector<16xi32>
    %lt3A_1376 = arith.cmpi slt, %max3A_1373, %lt3A_1375 : vector<16xi32>
    %add3A_1377 = arith.constant 16 : i32
    %add3A_1378 = vector.broadcast %add3A_1377 : i32 to vector<16xi32>
    %add3A_1379 = arith.addi %max3A_1373, %add3A_1378 : vector<16xi32>
    %select_n3A_1380 = arith.select %lt3A_1376, %add3A_1379, %max3A_1373 : vector<16xi1>, vector<16xi32>
    %broadcast_in_dim3A_1381 = vector.shape_cast %select_n3A_1380 : vector<16xi32> to vector<16x1xi32>
    %gather3A_1382 = vector.shape_cast %broadcast_in_dim3A_1381 : vector<16x1xi32> to vector<16xi32>
    %gather3A_1383 = tpu.dynamic_gather %scan3A_16#14[%gather3A_1382] in [0] : vector<16xi32>, vector<16xi32> -> vector<16xi32>
    %sub3A_1384 = arith.constant 0 : i32
    %sub3A_1385 = vector.broadcast %sub3A_1384 : i32 to vector<16xi32>
    %sub3A_1386 = arith.subi %iota3A, %sub3A_1385 : vector<16xi32>
    %max3A_1387 = arith.maxsi %sub3A_1386, %broadcast_in_dim3A_6 : vector<16xi32>
    %min3A_1388 = arith.minsi %max3A_1387, %add3A_9 : vector<16xi32>
    %mul3A_1389 = arith.muli %gather3A_1383, %min3A_1388 : vector<16xi32>
    %add3A_1390 = arith.addi %scan3A_16#14, %mul3A_1389 : vector<16xi32>
    %sub3A_1391 = arith.constant 2 : i32
    %sub3A_1392 = vector.broadcast %sub3A_1391 : i32 to vector<16xi32>
    %sub3A_1393 = arith.subi %iota3A, %sub3A_1392 : vector<16xi32>
    %max3A_1394 = arith.maxsi %sub3A_1393, %broadcast_in_dim3A_6 : vector<16xi32>
    %lt3A_1395 = arith.constant 0 : i32
    %lt3A_1396 = vector.broadcast %lt3A_1395 : i32 to vector<16xi32>
    %lt3A_1397 = arith.cmpi slt, %max3A_1394, %lt3A_1396 : vector<16xi32>
    %add3A_1398 = arith.constant 16 : i32
    %add3A_1399 = vector.broadcast %add3A_1398 : i32 to vector<16xi32>
    %add3A_1400 = arith.addi %max3A_1394, %add3A_1399 : vector<16xi32>
    %select_n3A_1401 = arith.select %lt3A_1397, %add3A_1400, %max3A_1394 : vector<16xi1>, vector<16xi32>
    %broadcast_in_dim3A_1402 = vector.shape_cast %select_n3A_1401 : vector<16xi32> to vector<16x1xi32>
    %gather3A_1403 = vector.shape_cast %broadcast_in_dim3A_1402 : vector<16x1xi32> to vector<16xi32>
    %gather3A_1404 = tpu.dynamic_gather %add3A_1390[%gather3A_1403] in [0] : vector<16xi32>, vector<16xi32> -> vector<16xi32>
    %sub3A_1405 = arith.constant 1 : i32
    %sub3A_1406 = vector.broadcast %sub3A_1405 : i32 to vector<16xi32>
    %sub3A_1407 = arith.subi %iota3A, %sub3A_1406 : vector<16xi32>
    %max3A_1408 = arith.maxsi %sub3A_1407, %broadcast_in_dim3A_6 : vector<16xi32>
    %min3A_1409 = arith.minsi %max3A_1408, %add3A_9 : vector<16xi32>
    %mul3A_1410 = arith.muli %gather3A_1404, %min3A_1409 : vector<16xi32>
    %add3A_1411 = arith.addi %add3A_1390, %mul3A_1410 : vector<16xi32>
    %sub3A_1412 = arith.constant 4 : i32
    %sub3A_1413 = vector.broadcast %sub3A_1412 : i32 to vector<16xi32>
    %sub3A_1414 = arith.subi %iota3A, %sub3A_1413 : vector<16xi32>
    %max3A_1415 = arith.maxsi %sub3A_1414, %broadcast_in_dim3A_6 : vector<16xi32>
    %lt3A_1416 = arith.constant 0 : i32
    %lt3A_1417 = vector.broadcast %lt3A_1416 : i32 to vector<16xi32>
    %lt3A_1418 = arith.cmpi slt, %max3A_1415, %lt3A_1417 : vector<16xi32>
    %add3A_1419 = arith.constant 16 : i32
    %add3A_1420 = vector.broadcast %add3A_1419 : i32 to vector<16xi32>
    %add3A_1421 = arith.addi %max3A_1415, %add3A_1420 : vector<16xi32>
    %select_n3A_1422 = arith.select %lt3A_1418, %add3A_1421, %max3A_1415 : vector<16xi1>, vector<16xi32>
    %broadcast_in_dim3A_1423 = vector.shape_cast %select_n3A_1422 : vector<16xi32> to vector<16x1xi32>
    %gather3A_1424 = vector.shape_cast %broadcast_in_dim3A_1423 : vector<16x1xi32> to vector<16xi32>
    %gather3A_1425 = tpu.dynamic_gather %add3A_1411[%gather3A_1424] in [0] : vector<16xi32>, vector<16xi32> -> vector<16xi32>
    %sub3A_1426 = arith.constant 3 : i32
    %sub3A_1427 = vector.broadcast %sub3A_1426 : i32 to vector<16xi32>
    %sub3A_1428 = arith.subi %iota3A, %sub3A_1427 : vector<16xi32>
    %max3A_1429 = arith.maxsi %sub3A_1428, %broadcast_in_dim3A_6 : vector<16xi32>
    %min3A_1430 = arith.minsi %max3A_1429, %add3A_9 : vector<16xi32>
    %mul3A_1431 = arith.muli %gather3A_1425, %min3A_1430 : vector<16xi32>
    %add3A_1432 = arith.addi %add3A_1411, %mul3A_1431 : vector<16xi32>
    %sub3A_1433 = arith.constant 8 : i32
    %sub3A_1434 = vector.broadcast %sub3A_1433 : i32 to vector<16xi32>
    %sub3A_1435 = arith.subi %iota3A, %sub3A_1434 : vector<16xi32>
    %max3A_1436 = arith.maxsi %sub3A_1435, %broadcast_in_dim3A_6 : vector<16xi32>
    %lt3A_1437 = arith.constant 0 : i32
    %lt3A_1438 = vector.broadcast %lt3A_1437 : i32 to vector<16xi32>
    %lt3A_1439 = arith.cmpi slt, %max3A_1436, %lt3A_1438 : vector<16xi32>
    %add3A_1440 = arith.constant 16 : i32
    %add3A_1441 = vector.broadcast %add3A_1440 : i32 to vector<16xi32>
    %add3A_1442 = arith.addi %max3A_1436, %add3A_1441 : vector<16xi32>
    %select_n3A_1443 = arith.select %lt3A_1439, %add3A_1442, %max3A_1436 : vector<16xi1>, vector<16xi32>
    %broadcast_in_dim3A_1444 = vector.shape_cast %select_n3A_1443 : vector<16xi32> to vector<16x1xi32>
    %gather3A_1445 = vector.shape_cast %broadcast_in_dim3A_1444 : vector<16x1xi32> to vector<16xi32>
    %gather3A_1446 = tpu.dynamic_gather %add3A_1432[%gather3A_1445] in [0] : vector<16xi32>, vector<16xi32> -> vector<16xi32>
    %sub3A_1447 = arith.constant 7 : i32
    %sub3A_1448 = vector.broadcast %sub3A_1447 : i32 to vector<16xi32>
    %sub3A_1449 = arith.subi %iota3A, %sub3A_1448 : vector<16xi32>
    %max3A_1450 = arith.maxsi %sub3A_1449, %broadcast_in_dim3A_6 : vector<16xi32>
    %min3A_1451 = arith.minsi %max3A_1450, %add3A_9 : vector<16xi32>
    %mul3A_1452 = arith.muli %gather3A_1446, %min3A_1451 : vector<16xi32>
    %add3A_1453 = arith.addi %add3A_1432, %mul3A_1452 : vector<16xi32>
    %add3A_1454 = arith.constant 15 : i32
    %add3A_1455 = vector.broadcast %add3A_1454 : i32 to vector<16xi32>
    %add3A_1456 = arith.addi %broadcast_in_dim3A_6, %add3A_1455 : vector<16xi32>
    %lt3A_1457 = arith.constant 0 : i32
    %lt3A_1458 = vector.broadcast %lt3A_1457 : i32 to vector<16xi32>
    %lt3A_1459 = arith.cmpi slt, %add3A_1456, %lt3A_1458 : vector<16xi32>
    %add3A_1460 = arith.constant 16 : i32
    %add3A_1461 = vector.broadcast %add3A_1460 : i32 to vector<16xi32>
    %add3A_1462 = arith.addi %add3A_1456, %add3A_1461 : vector<16xi32>
    %select_n3A_1463 = arith.select %lt3A_1459, %add3A_1462, %add3A_1456 : vector<16xi1>, vector<16xi32>
    %broadcast_in_dim3A_1464 = vector.shape_cast %select_n3A_1463 : vector<16xi32> to vector<16x1xi32>
    %gather3A_1465 = vector.shape_cast %broadcast_in_dim3A_1464 : vector<16x1xi32> to vector<16xi32>
    %gather3A_1466 = tpu.dynamic_gather %add3A_1453[%gather3A_1465] in [0] : vector<16xi32>, vector<16xi32> -> vector<16xi32>
    %sub3A_1467 = arith.constant 1 : i32
    %sub3A_1468 = vector.broadcast %sub3A_1467 : i32 to vector<16xi32>
    %sub3A_1469 = arith.subi %iota3A, %sub3A_1468 : vector<16xi32>
    %max3A_1470 = arith.maxsi %sub3A_1469, %broadcast_in_dim3A_6 : vector<16xi32>
    %lt3A_1471 = arith.constant 0 : i32
    %lt3A_1472 = vector.broadcast %lt3A_1471 : i32 to vector<16xi32>
    %lt3A_1473 = arith.cmpi slt, %max3A_1470, %lt3A_1472 : vector<16xi32>
    %add3A_1474 = arith.constant 16 : i32
    %add3A_1475 = vector.broadcast %add3A_1474 : i32 to vector<16xi32>
    %add3A_1476 = arith.addi %max3A_1470, %add3A_1475 : vector<16xi32>
    %select_n3A_1477 = arith.select %lt3A_1473, %add3A_1476, %max3A_1470 : vector<16xi1>, vector<16xi32>
    %broadcast_in_dim3A_1478 = vector.shape_cast %select_n3A_1477 : vector<16xi32> to vector<16x1xi32>
    %gather3A_1479 = vector.shape_cast %broadcast_in_dim3A_1478 : vector<16x1xi32> to vector<16xi32>
    %gather3A_1480 = tpu.dynamic_gather %scan3A_16#15[%gather3A_1479] in [0] : vector<16xi32>, vector<16xi32> -> vector<16xi32>
    %sub3A_1481 = arith.constant 0 : i32
    %sub3A_1482 = vector.broadcast %sub3A_1481 : i32 to vector<16xi32>
    %sub3A_1483 = arith.subi %iota3A, %sub3A_1482 : vector<16xi32>
    %max3A_1484 = arith.maxsi %sub3A_1483, %broadcast_in_dim3A_6 : vector<16xi32>
    %min3A_1485 = arith.minsi %max3A_1484, %add3A_9 : vector<16xi32>
    %mul3A_1486 = arith.muli %gather3A_1480, %min3A_1485 : vector<16xi32>
    %add3A_1487 = arith.addi %scan3A_16#15, %mul3A_1486 : vector<16xi32>
    %sub3A_1488 = arith.constant 2 : i32
    %sub3A_1489 = vector.broadcast %sub3A_1488 : i32 to vector<16xi32>
    %sub3A_1490 = arith.subi %iota3A, %sub3A_1489 : vector<16xi32>
    %max3A_1491 = arith.maxsi %sub3A_1490, %broadcast_in_dim3A_6 : vector<16xi32>
    %lt3A_1492 = arith.constant 0 : i32
    %lt3A_1493 = vector.broadcast %lt3A_1492 : i32 to vector<16xi32>
    %lt3A_1494 = arith.cmpi slt, %max3A_1491, %lt3A_1493 : vector<16xi32>
    %add3A_1495 = arith.constant 16 : i32
    %add3A_1496 = vector.broadcast %add3A_1495 : i32 to vector<16xi32>
    %add3A_1497 = arith.addi %max3A_1491, %add3A_1496 : vector<16xi32>
    %select_n3A_1498 = arith.select %lt3A_1494, %add3A_1497, %max3A_1491 : vector<16xi1>, vector<16xi32>
    %broadcast_in_dim3A_1499 = vector.shape_cast %select_n3A_1498 : vector<16xi32> to vector<16x1xi32>
    %gather3A_1500 = vector.shape_cast %broadcast_in_dim3A_1499 : vector<16x1xi32> to vector<16xi32>
    %gather3A_1501 = tpu.dynamic_gather %add3A_1487[%gather3A_1500] in [0] : vector<16xi32>, vector<16xi32> -> vector<16xi32>
    %sub3A_1502 = arith.constant 1 : i32
    %sub3A_1503 = vector.broadcast %sub3A_1502 : i32 to vector<16xi32>
    %sub3A_1504 = arith.subi %iota3A, %sub3A_1503 : vector<16xi32>
    %max3A_1505 = arith.maxsi %sub3A_1504, %broadcast_in_dim3A_6 : vector<16xi32>
    %min3A_1506 = arith.minsi %max3A_1505, %add3A_9 : vector<16xi32>
    %mul3A_1507 = arith.muli %gather3A_1501, %min3A_1506 : vector<16xi32>
    %add3A_1508 = arith.addi %add3A_1487, %mul3A_1507 : vector<16xi32>
    %sub3A_1509 = arith.constant 4 : i32
    %sub3A_1510 = vector.broadcast %sub3A_1509 : i32 to vector<16xi32>
    %sub3A_1511 = arith.subi %iota3A, %sub3A_1510 : vector<16xi32>
    %max3A_1512 = arith.maxsi %sub3A_1511, %broadcast_in_dim3A_6 : vector<16xi32>
    %lt3A_1513 = arith.constant 0 : i32
    %lt3A_1514 = vector.broadcast %lt3A_1513 : i32 to vector<16xi32>
    %lt3A_1515 = arith.cmpi slt, %max3A_1512, %lt3A_1514 : vector<16xi32>
    %add3A_1516 = arith.constant 16 : i32
    %add3A_1517 = vector.broadcast %add3A_1516 : i32 to vector<16xi32>
    %add3A_1518 = arith.addi %max3A_1512, %add3A_1517 : vector<16xi32>
    %select_n3A_1519 = arith.select %lt3A_1515, %add3A_1518, %max3A_1512 : vector<16xi1>, vector<16xi32>
    %broadcast_in_dim3A_1520 = vector.shape_cast %select_n3A_1519 : vector<16xi32> to vector<16x1xi32>
    %gather3A_1521 = vector.shape_cast %broadcast_in_dim3A_1520 : vector<16x1xi32> to vector<16xi32>
    %gather3A_1522 = tpu.dynamic_gather %add3A_1508[%gather3A_1521] in [0] : vector<16xi32>, vector<16xi32> -> vector<16xi32>
    %sub3A_1523 = arith.constant 3 : i32
    %sub3A_1524 = vector.broadcast %sub3A_1523 : i32 to vector<16xi32>
    %sub3A_1525 = arith.subi %iota3A, %sub3A_1524 : vector<16xi32>
    %max3A_1526 = arith.maxsi %sub3A_1525, %broadcast_in_dim3A_6 : vector<16xi32>
    %min3A_1527 = arith.minsi %max3A_1526, %add3A_9 : vector<16xi32>
    %mul3A_1528 = arith.muli %gather3A_1522, %min3A_1527 : vector<16xi32>
    %add3A_1529 = arith.addi %add3A_1508, %mul3A_1528 : vector<16xi32>
    %sub3A_1530 = arith.constant 8 : i32
    %sub3A_1531 = vector.broadcast %sub3A_1530 : i32 to vector<16xi32>
    %sub3A_1532 = arith.subi %iota3A, %sub3A_1531 : vector<16xi32>
    %max3A_1533 = arith.maxsi %sub3A_1532, %broadcast_in_dim3A_6 : vector<16xi32>
    %lt3A_1534 = arith.constant 0 : i32
    %lt3A_1535 = vector.broadcast %lt3A_1534 : i32 to vector<16xi32>
    %lt3A_1536 = arith.cmpi slt, %max3A_1533, %lt3A_1535 : vector<16xi32>
    %add3A_1537 = arith.constant 16 : i32
    %add3A_1538 = vector.broadcast %add3A_1537 : i32 to vector<16xi32>
    %add3A_1539 = arith.addi %max3A_1533, %add3A_1538 : vector<16xi32>
    %select_n3A_1540 = arith.select %lt3A_1536, %add3A_1539, %max3A_1533 : vector<16xi1>, vector<16xi32>
    %broadcast_in_dim3A_1541 = vector.shape_cast %select_n3A_1540 : vector<16xi32> to vector<16x1xi32>
    %gather3A_1542 = vector.shape_cast %broadcast_in_dim3A_1541 : vector<16x1xi32> to vector<16xi32>
    %gather3A_1543 = tpu.dynamic_gather %add3A_1529[%gather3A_1542] in [0] : vector<16xi32>, vector<16xi32> -> vector<16xi32>
    %sub3A_1544 = arith.constant 7 : i32
    %sub3A_1545 = vector.broadcast %sub3A_1544 : i32 to vector<16xi32>
    %sub3A_1546 = arith.subi %iota3A, %sub3A_1545 : vector<16xi32>
    %max3A_1547 = arith.maxsi %sub3A_1546, %broadcast_in_dim3A_6 : vector<16xi32>
    %min3A_1548 = arith.minsi %max3A_1547, %add3A_9 : vector<16xi32>
    %mul3A_1549 = arith.muli %gather3A_1543, %min3A_1548 : vector<16xi32>
    %add3A_1550 = arith.addi %add3A_1529, %mul3A_1549 : vector<16xi32>
    %add3A_1551 = arith.constant 15 : i32
    %add3A_1552 = vector.broadcast %add3A_1551 : i32 to vector<16xi32>
    %add3A_1553 = arith.addi %broadcast_in_dim3A_6, %add3A_1552 : vector<16xi32>
    %lt3A_1554 = arith.constant 0 : i32
    %lt3A_1555 = vector.broadcast %lt3A_1554 : i32 to vector<16xi32>
    %lt3A_1556 = arith.cmpi slt, %add3A_1553, %lt3A_1555 : vector<16xi32>
    %add3A_1557 = arith.constant 16 : i32
    %add3A_1558 = vector.broadcast %add3A_1557 : i32 to vector<16xi32>
    %add3A_1559 = arith.addi %add3A_1553, %add3A_1558 : vector<16xi32>
    %select_n3A_1560 = arith.select %lt3A_1556, %add3A_1559, %add3A_1553 : vector<16xi1>, vector<16xi32>
    %broadcast_in_dim3A_1561 = vector.shape_cast %select_n3A_1560 : vector<16xi32> to vector<16x1xi32>
    %gather3A_1562 = vector.shape_cast %broadcast_in_dim3A_1561 : vector<16x1xi32> to vector<16xi32>
    %gather3A_1563 = tpu.dynamic_gather %add3A_1550[%gather3A_1562] in [0] : vector<16xi32>, vector<16xi32> -> vector<16xi32>
    %add3A_1564 = arith.addi %broadcast_in_dim3A_6, %gather3A_108 : vector<16xi32>
    %add3A_1565 = arith.addi %add3A_1564, %gather3A_205 : vector<16xi32>
    %add3A_1566 = arith.addi %add3A_1565, %gather3A_302 : vector<16xi32>
    %add3A_1567 = arith.addi %add3A_1566, %gather3A_399 : vector<16xi32>
    %add3A_1568 = arith.addi %add3A_1567, %gather3A_496 : vector<16xi32>
    %add3A_1569 = arith.addi %add3A_1568, %gather3A_593 : vector<16xi32>
    %add3A_1570 = arith.addi %add3A_1569, %gather3A_690 : vector<16xi32>
    %add3A_1571 = arith.addi %add3A_1570, %gather3A_787 : vector<16xi32>
    %add3A_1572 = arith.constant 0 : i32
    %add3A_1573 = arith.addi %mul3A_2, %add3A_1572 : i32
    %get3A = arith.index_cast %add3A_1573 : i32 to index
    %get3A_1574 = tpu.vector_load %arg7[%get3A] {strides = array<i32>} : memref<2048xi32, #tpu.memory_space<vmem>>, vector<16xi32>,
    %get3A_1575 = vector.shape_cast %get3A_1574 : vector<16xi32> to vector<16xi32>
    %add3A_1576 = arith.constant 0 : i32
    %add3A_1577 = vector.broadcast %add3A_1576 : i32 to vector<16xi32>
    %add3A_1578 = arith.addi %broadcast_in_dim3A_6, %add3A_1577 : vector<16xi32>
    %sub3A_1579 = arith.subi %get3A_1575, %add3A_1578 : vector<16xi32>
    %abs3A = math.absi %sub3A_1579 : vector<16xi32>
    %min3A_1580 = arith.minsi %abs3A, %add3A_9 : vector<16xi32>
    %sub3A_1581 = arith.subi %add3A_9, %min3A_1580 : vector<16xi32>
    %sub3A_1582 = arith.constant 1 : i32
    %sub3A_1583 = vector.broadcast %sub3A_1582 : i32 to vector<16xi32>
    %sub3A_1584 = arith.subi %iota3A, %sub3A_1583 : vector<16xi32>
    %max3A_1585 = arith.maxsi %sub3A_1584, %broadcast_in_dim3A_6 : vector<16xi32>
    %lt3A_1586 = arith.constant 0 : i32
    %lt3A_1587 = vector.broadcast %lt3A_1586 : i32 to vector<16xi32>
    %lt3A_1588 = arith.cmpi slt, %max3A_1585, %lt3A_1587 : vector<16xi32>
    %add3A_1589 = arith.constant 16 : i32
    %add3A_1590 = vector.broadcast %add3A_1589 : i32 to vector<16xi32>
    %add3A_1591 = arith.addi %max3A_1585, %add3A_1590 : vector<16xi32>
    %select_n3A_1592 = arith.select %lt3A_1588, %add3A_1591, %max3A_1585 : vector<16xi1>, vector<16xi32>
    %broadcast_in_dim3A_1593 = vector.shape_cast %select_n3A_1592 : vector<16xi32> to vector<16x1xi32>
    %gather3A_1594 = vector.shape_cast %broadcast_in_dim3A_1593 : vector<16x1xi32> to vector<16xi32>
    %gather3A_1595 = tpu.dynamic_gather %sub3A_1581[%gather3A_1594] in [0] : vector<16xi32>, vector<16xi32> -> vector<16xi32>
    %sub3A_1596 = arith.constant 0 : i32
    %sub3A_1597 = vector.broadcast %sub3A_1596 : i32 to vector<16xi32>
    %sub3A_1598 = arith.subi %iota3A, %sub3A_1597 : vector<16xi32>
    %max3A_1599 = arith.maxsi %sub3A_1598, %broadcast_in_dim3A_6 : vector<16xi32>
    %min3A_1600 = arith.minsi %max3A_1599, %add3A_9 : vector<16xi32>
    %mul3A_1601 = arith.muli %gather3A_1595, %min3A_1600 : vector<16xi32>
    %add3A_1602 = arith.addi %sub3A_1581, %mul3A_1601 : vector<16xi32>
    %sub3A_1603 = arith.constant 2 : i32
    %sub3A_1604 = vector.broadcast %sub3A_1603 : i32 to vector<16xi32>
    %sub3A_1605 = arith.subi %iota3A, %sub3A_1604 : vector<16xi32>
    %max3A_1606 = arith.maxsi %sub3A_1605, %broadcast_in_dim3A_6 : vector<16xi32>
    %lt3A_1607 = arith.constant 0 : i32
    %lt3A_1608 = vector.broadcast %lt3A_1607 : i32 to vector<16xi32>
    %lt3A_1609 = arith.cmpi slt, %max3A_1606, %lt3A_1608 : vector<16xi32>
    %add3A_1610 = arith.constant 16 : i32
    %add3A_1611 = vector.broadcast %add3A_1610 : i32 to vector<16xi32>
    %add3A_1612 = arith.addi %max3A_1606, %add3A_1611 : vector<16xi32>
    %select_n3A_1613 = arith.select %lt3A_1609, %add3A_1612, %max3A_1606 : vector<16xi1>, vector<16xi32>
    %broadcast_in_dim3A_1614 = vector.shape_cast %select_n3A_1613 : vector<16xi32> to vector<16x1xi32>
    %gather3A_1615 = vector.shape_cast %broadcast_in_dim3A_1614 : vector<16x1xi32> to vector<16xi32>
    %gather3A_1616 = tpu.dynamic_gather %add3A_1602[%gather3A_1615] in [0] : vector<16xi32>, vector<16xi32> -> vector<16xi32>
    %sub3A_1617 = arith.constant 1 : i32
    %sub3A_1618 = vector.broadcast %sub3A_1617 : i32 to vector<16xi32>
    %sub3A_1619 = arith.subi %iota3A, %sub3A_1618 : vector<16xi32>
    %max3A_1620 = arith.maxsi %sub3A_1619, %broadcast_in_dim3A_6 : vector<16xi32>
    %min3A_1621 = arith.minsi %max3A_1620, %add3A_9 : vector<16xi32>
    %mul3A_1622 = arith.muli %gather3A_1616, %min3A_1621 : vector<16xi32>
    %add3A_1623 = arith.addi %add3A_1602, %mul3A_1622 : vector<16xi32>
    %sub3A_1624 = arith.constant 4 : i32
    %sub3A_1625 = vector.broadcast %sub3A_1624 : i32 to vector<16xi32>
    %sub3A_1626 = arith.subi %iota3A, %sub3A_1625 : vector<16xi32>
    %max3A_1627 = arith.maxsi %sub3A_1626, %broadcast_in_dim3A_6 : vector<16xi32>
    %lt3A_1628 = arith.constant 0 : i32
    %lt3A_1629 = vector.broadcast %lt3A_1628 : i32 to vector<16xi32>
    %lt3A_1630 = arith.cmpi slt, %max3A_1627, %lt3A_1629 : vector<16xi32>
    %add3A_1631 = arith.constant 16 : i32
    %add3A_1632 = vector.broadcast %add3A_1631 : i32 to vector<16xi32>
    %add3A_1633 = arith.addi %max3A_1627, %add3A_1632 : vector<16xi32>
    %select_n3A_1634 = arith.select %lt3A_1630, %add3A_1633, %max3A_1627 : vector<16xi1>, vector<16xi32>
    %broadcast_in_dim3A_1635 = vector.shape_cast %select_n3A_1634 : vector<16xi32> to vector<16x1xi32>
    %gather3A_1636 = vector.shape_cast %broadcast_in_dim3A_1635 : vector<16x1xi32> to vector<16xi32>
    %gather3A_1637 = tpu.dynamic_gather %add3A_1623[%gather3A_1636] in [0] : vector<16xi32>, vector<16xi32> -> vector<16xi32>
    %sub3A_1638 = arith.constant 3 : i32
    %sub3A_1639 = vector.broadcast %sub3A_1638 : i32 to vector<16xi32>
    %sub3A_1640 = arith.subi %iota3A, %sub3A_1639 : vector<16xi32>
    %max3A_1641 = arith.maxsi %sub3A_1640, %broadcast_in_dim3A_6 : vector<16xi32>
    %min3A_1642 = arith.minsi %max3A_1641, %add3A_9 : vector<16xi32>
    %mul3A_1643 = arith.muli %gather3A_1637, %min3A_1642 : vector<16xi32>
    %add3A_1644 = arith.addi %add3A_1623, %mul3A_1643 : vector<16xi32>
    %sub3A_1645 = arith.constant 8 : i32
    %sub3A_1646 = vector.broadcast %sub3A_1645 : i32 to vector<16xi32>
    %sub3A_1647 = arith.subi %iota3A, %sub3A_1646 : vector<16xi32>
    %max3A_1648 = arith.maxsi %sub3A_1647, %broadcast_in_dim3A_6 : vector<16xi32>
    %lt3A_1649 = arith.constant 0 : i32
    %lt3A_1650 = vector.broadcast %lt3A_1649 : i32 to vector<16xi32>
    %lt3A_1651 = arith.cmpi slt, %max3A_1648, %lt3A_1650 : vector<16xi32>
    %add3A_1652 = arith.constant 16 : i32
    %add3A_1653 = vector.broadcast %add3A_1652 : i32 to vector<16xi32>
    %add3A_1654 = arith.addi %max3A_1648, %add3A_1653 : vector<16xi32>
    %select_n3A_1655 = arith.select %lt3A_1651, %add3A_1654, %max3A_1648 : vector<16xi1>, vector<16xi32>
    %broadcast_in_dim3A_1656 = vector.shape_cast %select_n3A_1655 : vector<16xi32> to vector<16x1xi32>
    %gather3A_1657 = vector.shape_cast %broadcast_in_dim3A_1656 : vector<16x1xi32> to vector<16xi32>
    %gather3A_1658 = tpu.dynamic_gather %add3A_1644[%gather3A_1657] in [0] : vector<16xi32>, vector<16xi32> -> vector<16xi32>
    %sub3A_1659 = arith.constant 7 : i32
    %sub3A_1660 = vector.broadcast %sub3A_1659 : i32 to vector<16xi32>
    %sub3A_1661 = arith.subi %iota3A, %sub3A_1660 : vector<16xi32>
    %max3A_1662 = arith.maxsi %sub3A_1661, %broadcast_in_dim3A_6 : vector<16xi32>
    %min3A_1663 = arith.minsi %max3A_1662, %add3A_9 : vector<16xi32>
    %mul3A_1664 = arith.muli %gather3A_1658, %min3A_1663 : vector<16xi32>
    %add3A_1665 = arith.addi %add3A_1644, %mul3A_1664 : vector<16xi32>
    %add3A_1666 = arith.addi %broadcast_in_dim3A_6, %gather3A_884 : vector<16xi32>
    %add3A_1667 = arith.addi %add3A_1666, %add3A_1665 : vector<16xi32>
    %sub3A_1668 = arith.subi %add3A_1667, %add3A_9 : vector<16xi32>
    %mul3A_1669 = arith.muli %sub3A_1581, %sub3A_1668 : vector<16xi32>
    %add3A_1670 = arith.addi %broadcast_in_dim3A_6, %mul3A_1669 : vector<16xi32>
    %add3A_1671 = arith.constant 15 : i32
    %add3A_1672 = vector.broadcast %add3A_1671 : i32 to vector<16xi32>
    %add3A_1673 = arith.addi %broadcast_in_dim3A_6, %add3A_1672 : vector<16xi32>
    %lt3A_1674 = arith.constant 0 : i32
    %lt3A_1675 = vector.broadcast %lt3A_1674 : i32 to vector<16xi32>
    %lt3A_1676 = arith.cmpi slt, %add3A_1673, %lt3A_1675 : vector<16xi32>
    %add3A_1677 = arith.constant 16 : i32
    %add3A_1678 = vector.broadcast %add3A_1677 : i32 to vector<16xi32>
    %add3A_1679 = arith.addi %add3A_1673, %add3A_1678 : vector<16xi32>
    %select_n3A_1680 = arith.select %lt3A_1676, %add3A_1679, %add3A_1673 : vector<16xi1>, vector<16xi32>
    %broadcast_in_dim3A_1681 = vector.shape_cast %select_n3A_1680 : vector<16xi32> to vector<16x1xi32>
    %gather3A_1682 = vector.shape_cast %broadcast_in_dim3A_1681 : vector<16x1xi32> to vector<16xi32>
    %gather3A_1683 = tpu.dynamic_gather %add3A_1665[%gather3A_1682] in [0] : vector<16xi32>, vector<16xi32> -> vector<16xi32>
    %add3A_1684 = arith.addi %gather3A_884, %gather3A_1683 : vector<16xi32>
    %add3A_1685 = arith.constant 1 : i32
    %add3A_1686 = vector.broadcast %add3A_1685 : i32 to vector<16xi32>
    %add3A_1687 = arith.addi %broadcast_in_dim3A_6, %add3A_1686 : vector<16xi32>
    %sub3A_1688 = arith.subi %get3A_1575, %add3A_1687 : vector<16xi32>
    %abs3A_1689 = math.absi %sub3A_1688 : vector<16xi32>
    %min3A_1690 = arith.minsi %abs3A_1689, %add3A_9 : vector<16xi32>
    %sub3A_1691 = arith.subi %add3A_9, %min3A_1690 : vector<16xi32>
    %sub3A_1692 = arith.constant 1 : i32
    %sub3A_1693 = vector.broadcast %sub3A_1692 : i32 to vector<16xi32>
    %sub3A_1694 = arith.subi %iota3A, %sub3A_1693 : vector<16xi32>
    %max3A_1695 = arith.maxsi %sub3A_1694, %broadcast_in_dim3A_6 : vector<16xi32>
    %lt3A_1696 = arith.constant 0 : i32
    %lt3A_1697 = vector.broadcast %lt3A_1696 : i32 to vector<16xi32>
    %lt3A_1698 = arith.cmpi slt, %max3A_1695, %lt3A_1697 : vector<16xi32>
    %add3A_1699 = arith.constant 16 : i32
    %add3A_1700 = vector.broadcast %add3A_1699 : i32 to vector<16xi32>
    %add3A_1701 = arith.addi %max3A_1695, %add3A_1700 : vector<16xi32>
    %select_n3A_1702 = arith.select %lt3A_1698, %add3A_1701, %max3A_1695 : vector<16xi1>, vector<16xi32>
    %broadcast_in_dim3A_1703 = vector.shape_cast %select_n3A_1702 : vector<16xi32> to vector<16x1xi32>
    %gather3A_1704 = vector.shape_cast %broadcast_in_dim3A_1703 : vector<16x1xi32> to vector<16xi32>
    %gather3A_1705 = tpu.dynamic_gather %sub3A_1691[%gather3A_1704] in [0] : vector<16xi32>, vector<16xi32> -> vector<16xi32>
    %sub3A_1706 = arith.constant 0 : i32
    %sub3A_1707 = vector.broadcast %sub3A_1706 : i32 to vector<16xi32>
    %sub3A_1708 = arith.subi %iota3A, %sub3A_1707 : vector<16xi32>
    %max3A_1709 = arith.maxsi %sub3A_1708, %broadcast_in_dim3A_6 : vector<16xi32>
    %min3A_1710 = arith.minsi %max3A_1709, %add3A_9 : vector<16xi32>
    %mul3A_1711 = arith.muli %gather3A_1705, %min3A_1710 : vector<16xi32>
    %add3A_1712 = arith.addi %sub3A_1691, %mul3A_1711 : vector<16xi32>
    %sub3A_1713 = arith.constant 2 : i32
    %sub3A_1714 = vector.broadcast %sub3A_1713 : i32 to vector<16xi32>
    %sub3A_1715 = arith.subi %iota3A, %sub3A_1714 : vector<16xi32>
    %max3A_1716 = arith.maxsi %sub3A_1715, %broadcast_in_dim3A_6 : vector<16xi32>
    %lt3A_1717 = arith.constant 0 : i32
    %lt3A_1718 = vector.broadcast %lt3A_1717 : i32 to vector<16xi32>
    %lt3A_1719 = arith.cmpi slt, %max3A_1716, %lt3A_1718 : vector<16xi32>
    %add3A_1720 = arith.constant 16 : i32
    %add3A_1721 = vector.broadcast %add3A_1720 : i32 to vector<16xi32>
    %add3A_1722 = arith.addi %max3A_1716, %add3A_1721 : vector<16xi32>
    %select_n3A_1723 = arith.select %lt3A_1719, %add3A_1722, %max3A_1716 : vector<16xi1>, vector<16xi32>
    %broadcast_in_dim3A_1724 = vector.shape_cast %select_n3A_1723 : vector<16xi32> to vector<16x1xi32>
    %gather3A_1725 = vector.shape_cast %broadcast_in_dim3A_1724 : vector<16x1xi32> to vector<16xi32>
    %gather3A_1726 = tpu.dynamic_gather %add3A_1712[%gather3A_1725] in [0] : vector<16xi32>, vector<16xi32> -> vector<16xi32>
    %sub3A_1727 = arith.constant 1 : i32
    %sub3A_1728 = vector.broadcast %sub3A_1727 : i32 to vector<16xi32>
    %sub3A_1729 = arith.subi %iota3A, %sub3A_1728 : vector<16xi32>
    %max3A_1730 = arith.maxsi %sub3A_1729, %broadcast_in_dim3A_6 : vector<16xi32>
    %min3A_1731 = arith.minsi %max3A_1730, %add3A_9 : vector<16xi32>
    %mul3A_1732 = arith.muli %gather3A_1726, %min3A_1731 : vector<16xi32>
    %add3A_1733 = arith.addi %add3A_1712, %mul3A_1732 : vector<16xi32>
    %sub3A_1734 = arith.constant 4 : i32
    %sub3A_1735 = vector.broadcast %sub3A_1734 : i32 to vector<16xi32>
    %sub3A_1736 = arith.subi %iota3A, %sub3A_1735 : vector<16xi32>
    %max3A_1737 = arith.maxsi %sub3A_1736, %broadcast_in_dim3A_6 : vector<16xi32>
    %lt3A_1738 = arith.constant 0 : i32
    %lt3A_1739 = vector.broadcast %lt3A_1738 : i32 to vector<16xi32>
    %lt3A_1740 = arith.cmpi slt, %max3A_1737, %lt3A_1739 : vector<16xi32>
    %add3A_1741 = arith.constant 16 : i32
    %add3A_1742 = vector.broadcast %add3A_1741 : i32 to vector<16xi32>
    %add3A_1743 = arith.addi %max3A_1737, %add3A_1742 : vector<16xi32>
    %select_n3A_1744 = arith.select %lt3A_1740, %add3A_1743, %max3A_1737 : vector<16xi1>, vector<16xi32>
    %broadcast_in_dim3A_1745 = vector.shape_cast %select_n3A_1744 : vector<16xi32> to vector<16x1xi32>
    %gather3A_1746 = vector.shape_cast %broadcast_in_dim3A_1745 : vector<16x1xi32> to vector<16xi32>
    %gather3A_1747 = tpu.dynamic_gather %add3A_1733[%gather3A_1746] in [0] : vector<16xi32>, vector<16xi32> -> vector<16xi32>
    %sub3A_1748 = arith.constant 3 : i32
    %sub3A_1749 = vector.broadcast %sub3A_1748 : i32 to vector<16xi32>
    %sub3A_1750 = arith.subi %iota3A, %sub3A_1749 : vector<16xi32>
    %max3A_1751 = arith.maxsi %sub3A_1750, %broadcast_in_dim3A_6 : vector<16xi32>
    %min3A_1752 = arith.minsi %max3A_1751, %add3A_9 : vector<16xi32>
    %mul3A_1753 = arith.muli %gather3A_1747, %min3A_1752 : vector<16xi32>
    %add3A_1754 = arith.addi %add3A_1733, %mul3A_1753 : vector<16xi32>
    %sub3A_1755 = arith.constant 8 : i32
    %sub3A_1756 = vector.broadcast %sub3A_1755 : i32 to vector<16xi32>
    %sub3A_1757 = arith.subi %iota3A, %sub3A_1756 : vector<16xi32>
    %max3A_1758 = arith.maxsi %sub3A_1757, %broadcast_in_dim3A_6 : vector<16xi32>
    %lt3A_1759 = arith.constant 0 : i32
    %lt3A_1760 = vector.broadcast %lt3A_1759 : i32 to vector<16xi32>
    %lt3A_1761 = arith.cmpi slt, %max3A_1758, %lt3A_1760 : vector<16xi32>
    %add3A_1762 = arith.constant 16 : i32
    %add3A_1763 = vector.broadcast %add3A_1762 : i32 to vector<16xi32>
    %add3A_1764 = arith.addi %max3A_1758, %add3A_1763 : vector<16xi32>
    %select_n3A_1765 = arith.select %lt3A_1761, %add3A_1764, %max3A_1758 : vector<16xi1>, vector<16xi32>
    %broadcast_in_dim3A_1766 = vector.shape_cast %select_n3A_1765 : vector<16xi32> to vector<16x1xi32>
    %gather3A_1767 = vector.shape_cast %broadcast_in_dim3A_1766 : vector<16x1xi32> to vector<16xi32>
    %gather3A_1768 = tpu.dynamic_gather %add3A_1754[%gather3A_1767] in [0] : vector<16xi32>, vector<16xi32> -> vector<16xi32>
    %sub3A_1769 = arith.constant 7 : i32
    %sub3A_1770 = vector.broadcast %sub3A_1769 : i32 to vector<16xi32>
    %sub3A_1771 = arith.subi %iota3A, %sub3A_1770 : vector<16xi32>
    %max3A_1772 = arith.maxsi %sub3A_1771, %broadcast_in_dim3A_6 : vector<16xi32>
    %min3A_1773 = arith.minsi %max3A_1772, %add3A_9 : vector<16xi32>
    %mul3A_1774 = arith.muli %gather3A_1768, %min3A_1773 : vector<16xi32>
    %add3A_1775 = arith.addi %add3A_1754, %mul3A_1774 : vector<16xi32>
    %add3A_1776 = arith.addi %add3A_1564, %gather3A_981 : vector<16xi32>
    %add3A_1777 = arith.addi %add3A_1776, %add3A_1775 : vector<16xi32>
    %sub3A_1778 = arith.subi %add3A_1777, %add3A_9 : vector<16xi32>
    %mul3A_1779 = arith.muli %sub3A_1691, %sub3A_1778 : vector<16xi32>
    %add3A_1780 = arith.addi %add3A_1670, %mul3A_1779 : vector<16xi32>
    %add3A_1781 = arith.constant 15 : i32
    %add3A_1782 = vector.broadcast %add3A_1781 : i32 to vector<16xi32>
    %add3A_1783 = arith.addi %broadcast_in_dim3A_6, %add3A_1782 : vector<16xi32>
    %lt3A_1784 = arith.constant 0 : i32
    %lt3A_1785 = vector.broadcast %lt3A_1784 : i32 to vector<16xi32>
    %lt3A_1786 = arith.cmpi slt, %add3A_1783, %lt3A_1785 : vector<16xi32>
    %add3A_1787 = arith.constant 16 : i32
    %add3A_1788 = vector.broadcast %add3A_1787 : i32 to vector<16xi32>
    %add3A_1789 = arith.addi %add3A_1783, %add3A_1788 : vector<16xi32>
    %select_n3A_1790 = arith.select %lt3A_1786, %add3A_1789, %add3A_1783 : vector<16xi1>, vector<16xi32>
    %broadcast_in_dim3A_1791 = vector.shape_cast %select_n3A_1790 : vector<16xi32> to vector<16x1xi32>
    %gather3A_1792 = vector.shape_cast %broadcast_in_dim3A_1791 : vector<16x1xi32> to vector<16xi32>
    %gather3A_1793 = tpu.dynamic_gather %add3A_1775[%gather3A_1792] in [0] : vector<16xi32>, vector<16xi32> -> vector<16xi32>
    %add3A_1794 = arith.addi %gather3A_981, %gather3A_1793 : vector<16xi32>
    %add3A_1795 = arith.constant 2 : i32
    %add3A_1796 = vector.broadcast %add3A_1795 : i32 to vector<16xi32>
    %add3A_1797 = arith.addi %broadcast_in_dim3A_6, %add3A_1796 : vector<16xi32>
    %sub3A_1798 = arith.subi %get3A_1575, %add3A_1797 : vector<16xi32>
    %abs3A_1799 = math.absi %sub3A_1798 : vector<16xi32>
    %min3A_1800 = arith.minsi %abs3A_1799, %add3A_9 : vector<16xi32>
    %sub3A_1801 = arith.subi %add3A_9, %min3A_1800 : vector<16xi32>
    %sub3A_1802 = arith.constant 1 : i32
    %sub3A_1803 = vector.broadcast %sub3A_1802 : i32 to vector<16xi32>
    %sub3A_1804 = arith.subi %iota3A, %sub3A_1803 : vector<16xi32>
    %max3A_1805 = arith.maxsi %sub3A_1804, %broadcast_in_dim3A_6 : vector<16xi32>
    %lt3A_1806 = arith.constant 0 : i32
    %lt3A_1807 = vector.broadcast %lt3A_1806 : i32 to vector<16xi32>
    %lt3A_1808 = arith.cmpi slt, %max3A_1805, %lt3A_1807 : vector<16xi32>
    %add3A_1809 = arith.constant 16 : i32
    %add3A_1810 = vector.broadcast %add3A_1809 : i32 to vector<16xi32>
    %add3A_1811 = arith.addi %max3A_1805, %add3A_1810 : vector<16xi32>
    %select_n3A_1812 = arith.select %lt3A_1808, %add3A_1811, %max3A_1805 : vector<16xi1>, vector<16xi32>
    %broadcast_in_dim3A_1813 = vector.shape_cast %select_n3A_1812 : vector<16xi32> to vector<16x1xi32>
    %gather3A_1814 = vector.shape_cast %broadcast_in_dim3A_1813 : vector<16x1xi32> to vector<16xi32>
    %gather3A_1815 = tpu.dynamic_gather %sub3A_1801[%gather3A_1814] in [0] : vector<16xi32>, vector<16xi32> -> vector<16xi32>
    %sub3A_1816 = arith.constant 0 : i32
    %sub3A_1817 = vector.broadcast %sub3A_1816 : i32 to vector<16xi32>
    %sub3A_1818 = arith.subi %iota3A, %sub3A_1817 : vector<16xi32>
    %max3A_1819 = arith.maxsi %sub3A_1818, %broadcast_in_dim3A_6 : vector<16xi32>
    %min3A_1820 = arith.minsi %max3A_1819, %add3A_9 : vector<16xi32>
    %mul3A_1821 = arith.muli %gather3A_1815, %min3A_1820 : vector<16xi32>
    %add3A_1822 = arith.addi %sub3A_1801, %mul3A_1821 : vector<16xi32>
    %sub3A_1823 = arith.constant 2 : i32
    %sub3A_1824 = vector.broadcast %sub3A_1823 : i32 to vector<16xi32>
    %sub3A_1825 = arith.subi %iota3A, %sub3A_1824 : vector<16xi32>
    %max3A_1826 = arith.maxsi %sub3A_1825, %broadcast_in_dim3A_6 : vector<16xi32>
    %lt3A_1827 = arith.constant 0 : i32
    %lt3A_1828 = vector.broadcast %lt3A_1827 : i32 to vector<16xi32>
    %lt3A_1829 = arith.cmpi slt, %max3A_1826, %lt3A_1828 : vector<16xi32>
    %add3A_1830 = arith.constant 16 : i32
    %add3A_1831 = vector.broadcast %add3A_1830 : i32 to vector<16xi32>
    %add3A_1832 = arith.addi %max3A_1826, %add3A_1831 : vector<16xi32>
    %select_n3A_1833 = arith.select %lt3A_1829, %add3A_1832, %max3A_1826 : vector<16xi1>, vector<16xi32>
    %broadcast_in_dim3A_1834 = vector.shape_cast %select_n3A_1833 : vector<16xi32> to vector<16x1xi32>
    %gather3A_1835 = vector.shape_cast %broadcast_in_dim3A_1834 : vector<16x1xi32> to vector<16xi32>
    %gather3A_1836 = tpu.dynamic_gather %add3A_1822[%gather3A_1835] in [0] : vector<16xi32>, vector<16xi32> -> vector<16xi32>
    %sub3A_1837 = arith.constant 1 : i32
    %sub3A_1838 = vector.broadcast %sub3A_1837 : i32 to vector<16xi32>
    %sub3A_1839 = arith.subi %iota3A, %sub3A_1838 : vector<16xi32>
    %max3A_1840 = arith.maxsi %sub3A_1839, %broadcast_in_dim3A_6 : vector<16xi32>
    %min3A_1841 = arith.minsi %max3A_1840, %add3A_9 : vector<16xi32>
    %mul3A_1842 = arith.muli %gather3A_1836, %min3A_1841 : vector<16xi32>
    %add3A_1843 = arith.addi %add3A_1822, %mul3A_1842 : vector<16xi32>
    %sub3A_1844 = arith.constant 4 : i32
    %sub3A_1845 = vector.broadcast %sub3A_1844 : i32 to vector<16xi32>
    %sub3A_1846 = arith.subi %iota3A, %sub3A_1845 : vector<16xi32>
    %max3A_1847 = arith.maxsi %sub3A_1846, %broadcast_in_dim3A_6 : vector<16xi32>
    %lt3A_1848 = arith.constant 0 : i32
    %lt3A_1849 = vector.broadcast %lt3A_1848 : i32 to vector<16xi32>
    %lt3A_1850 = arith.cmpi slt, %max3A_1847, %lt3A_1849 : vector<16xi32>
    %add3A_1851 = arith.constant 16 : i32
    %add3A_1852 = vector.broadcast %add3A_1851 : i32 to vector<16xi32>
    %add3A_1853 = arith.addi %max3A_1847, %add3A_1852 : vector<16xi32>
    %select_n3A_1854 = arith.select %lt3A_1850, %add3A_1853, %max3A_1847 : vector<16xi1>, vector<16xi32>
    %broadcast_in_dim3A_1855 = vector.shape_cast %select_n3A_1854 : vector<16xi32> to vector<16x1xi32>
    %gather3A_1856 = vector.shape_cast %broadcast_in_dim3A_1855 : vector<16x1xi32> to vector<16xi32>
    %gather3A_1857 = tpu.dynamic_gather %add3A_1843[%gather3A_1856] in [0] : vector<16xi32>, vector<16xi32> -> vector<16xi32>
    %sub3A_1858 = arith.constant 3 : i32
    %sub3A_1859 = vector.broadcast %sub3A_1858 : i32 to vector<16xi32>
    %sub3A_1860 = arith.subi %iota3A, %sub3A_1859 : vector<16xi32>
    %max3A_1861 = arith.maxsi %sub3A_1860, %broadcast_in_dim3A_6 : vector<16xi32>
    %min3A_1862 = arith.minsi %max3A_1861, %add3A_9 : vector<16xi32>
    %mul3A_1863 = arith.muli %gather3A_1857, %min3A_1862 : vector<16xi32>
    %add3A_1864 = arith.addi %add3A_1843, %mul3A_1863 : vector<16xi32>
    %sub3A_1865 = arith.constant 8 : i32
    %sub3A_1866 = vector.broadcast %sub3A_1865 : i32 to vector<16xi32>
    %sub3A_1867 = arith.subi %iota3A, %sub3A_1866 : vector<16xi32>
    %max3A_1868 = arith.maxsi %sub3A_1867, %broadcast_in_dim3A_6 : vector<16xi32>
    %lt3A_1869 = arith.constant 0 : i32
    %lt3A_1870 = vector.broadcast %lt3A_1869 : i32 to vector<16xi32>
    %lt3A_1871 = arith.cmpi slt, %max3A_1868, %lt3A_1870 : vector<16xi32>
    %add3A_1872 = arith.constant 16 : i32
    %add3A_1873 = vector.broadcast %add3A_1872 : i32 to vector<16xi32>
    %add3A_1874 = arith.addi %max3A_1868, %add3A_1873 : vector<16xi32>
    %select_n3A_1875 = arith.select %lt3A_1871, %add3A_1874, %max3A_1868 : vector<16xi1>, vector<16xi32>
    %broadcast_in_dim3A_1876 = vector.shape_cast %select_n3A_1875 : vector<16xi32> to vector<16x1xi32>
    %gather3A_1877 = vector.shape_cast %broadcast_in_dim3A_1876 : vector<16x1xi32> to vector<16xi32>
    %gather3A_1878 = tpu.dynamic_gather %add3A_1864[%gather3A_1877] in [0] : vector<16xi32>, vector<16xi32> -> vector<16xi32>
    %sub3A_1879 = arith.constant 7 : i32
    %sub3A_1880 = vector.broadcast %sub3A_1879 : i32 to vector<16xi32>
    %sub3A_1881 = arith.subi %iota3A, %sub3A_1880 : vector<16xi32>
    %max3A_1882 = arith.maxsi %sub3A_1881, %broadcast_in_dim3A_6 : vector<16xi32>
    %min3A_1883 = arith.minsi %max3A_1882, %add3A_9 : vector<16xi32>
    %mul3A_1884 = arith.muli %gather3A_1878, %min3A_1883 : vector<16xi32>
    %add3A_1885 = arith.addi %add3A_1864, %mul3A_1884 : vector<16xi32>
    %add3A_1886 = arith.addi %add3A_1565, %gather3A_1078 : vector<16xi32>
    %add3A_1887 = arith.addi %add3A_1886, %add3A_1885 : vector<16xi32>
    %sub3A_1888 = arith.subi %add3A_1887, %add3A_9 : vector<16xi32>
    %mul3A_1889 = arith.muli %sub3A_1801, %sub3A_1888 : vector<16xi32>
    %add3A_1890 = arith.addi %add3A_1780, %mul3A_1889 : vector<16xi32>
    %add3A_1891 = arith.constant 15 : i32
    %add3A_1892 = vector.broadcast %add3A_1891 : i32 to vector<16xi32>
    %add3A_1893 = arith.addi %broadcast_in_dim3A_6, %add3A_1892 : vector<16xi32>
    %lt3A_1894 = arith.constant 0 : i32
    %lt3A_1895 = vector.broadcast %lt3A_1894 : i32 to vector<16xi32>
    %lt3A_1896 = arith.cmpi slt, %add3A_1893, %lt3A_1895 : vector<16xi32>
    %add3A_1897 = arith.constant 16 : i32
    %add3A_1898 = vector.broadcast %add3A_1897 : i32 to vector<16xi32>
    %add3A_1899 = arith.addi %add3A_1893, %add3A_1898 : vector<16xi32>
    %select_n3A_1900 = arith.select %lt3A_1896, %add3A_1899, %add3A_1893 : vector<16xi1>, vector<16xi32>
    %broadcast_in_dim3A_1901 = vector.shape_cast %select_n3A_1900 : vector<16xi32> to vector<16x1xi32>
    %gather3A_1902 = vector.shape_cast %broadcast_in_dim3A_1901 : vector<16x1xi32> to vector<16xi32>
    %gather3A_1903 = tpu.dynamic_gather %add3A_1885[%gather3A_1902] in [0] : vector<16xi32>, vector<16xi32> -> vector<16xi32>
    %add3A_1904 = arith.addi %gather3A_1078, %gather3A_1903 : vector<16xi32>
    %add3A_1905 = arith.constant 3 : i32
    %add3A_1906 = vector.broadcast %add3A_1905 : i32 to vector<16xi32>
    %add3A_1907 = arith.addi %broadcast_in_dim3A_6, %add3A_1906 : vector<16xi32>
    %sub3A_1908 = arith.subi %get3A_1575, %add3A_1907 : vector<16xi32>
    %abs3A_1909 = math.absi %sub3A_1908 : vector<16xi32>
    %min3A_1910 = arith.minsi %abs3A_1909, %add3A_9 : vector<16xi32>
    %sub3A_1911 = arith.subi %add3A_9, %min3A_1910 : vector<16xi32>
    %sub3A_1912 = arith.constant 1 : i32
    %sub3A_1913 = vector.broadcast %sub3A_1912 : i32 to vector<16xi32>
    %sub3A_1914 = arith.subi %iota3A, %sub3A_1913 : vector<16xi32>
    %max3A_1915 = arith.maxsi %sub3A_1914, %broadcast_in_dim3A_6 : vector<16xi32>
    %lt3A_1916 = arith.constant 0 : i32
    %lt3A_1917 = vector.broadcast %lt3A_1916 : i32 to vector<16xi32>
    %lt3A_1918 = arith.cmpi slt, %max3A_1915, %lt3A_1917 : vector<16xi32>
    %add3A_1919 = arith.constant 16 : i32
    %add3A_1920 = vector.broadcast %add3A_1919 : i32 to vector<16xi32>
    %add3A_1921 = arith.addi %max3A_1915, %add3A_1920 : vector<16xi32>
    %select_n3A_1922 = arith.select %lt3A_1918, %add3A_1921, %max3A_1915 : vector<16xi1>, vector<16xi32>
    %broadcast_in_dim3A_1923 = vector.shape_cast %select_n3A_1922 : vector<16xi32> to vector<16x1xi32>
    %gather3A_1924 = vector.shape_cast %broadcast_in_dim3A_1923 : vector<16x1xi32> to vector<16xi32>
    %gather3A_1925 = tpu.dynamic_gather %sub3A_1911[%gather3A_1924] in [0] : vector<16xi32>, vector<16xi32> -> vector<16xi32>
    %sub3A_1926 = arith.constant 0 : i32
    %sub3A_1927 = vector.broadcast %sub3A_1926 : i32 to vector<16xi32>
    %sub3A_1928 = arith.subi %iota3A, %sub3A_1927 : vector<16xi32>
    %max3A_1929 = arith.maxsi %sub3A_1928, %broadcast_in_dim3A_6 : vector<16xi32>
    %min3A_1930 = arith.minsi %max3A_1929, %add3A_9 : vector<16xi32>
    %mul3A_1931 = arith.muli %gather3A_1925, %min3A_1930 : vector<16xi32>
    %add3A_1932 = arith.addi %sub3A_1911, %mul3A_1931 : vector<16xi32>
    %sub3A_1933 = arith.constant 2 : i32
    %sub3A_1934 = vector.broadcast %sub3A_1933 : i32 to vector<16xi32>
    %sub3A_1935 = arith.subi %iota3A, %sub3A_1934 : vector<16xi32>
    %max3A_1936 = arith.maxsi %sub3A_1935, %broadcast_in_dim3A_6 : vector<16xi32>
    %lt3A_1937 = arith.constant 0 : i32
    %lt3A_1938 = vector.broadcast %lt3A_1937 : i32 to vector<16xi32>
    %lt3A_1939 = arith.cmpi slt, %max3A_1936, %lt3A_1938 : vector<16xi32>
    %add3A_1940 = arith.constant 16 : i32
    %add3A_1941 = vector.broadcast %add3A_1940 : i32 to vector<16xi32>
    %add3A_1942 = arith.addi %max3A_1936, %add3A_1941 : vector<16xi32>
    %select_n3A_1943 = arith.select %lt3A_1939, %add3A_1942, %max3A_1936 : vector<16xi1>, vector<16xi32>
    %broadcast_in_dim3A_1944 = vector.shape_cast %select_n3A_1943 : vector<16xi32> to vector<16x1xi32>
    %gather3A_1945 = vector.shape_cast %broadcast_in_dim3A_1944 : vector<16x1xi32> to vector<16xi32>
    %gather3A_1946 = tpu.dynamic_gather %add3A_1932[%gather3A_1945] in [0] : vector<16xi32>, vector<16xi32> -> vector<16xi32>
    %sub3A_1947 = arith.constant 1 : i32
    %sub3A_1948 = vector.broadcast %sub3A_1947 : i32 to vector<16xi32>
    %sub3A_1949 = arith.subi %iota3A, %sub3A_1948 : vector<16xi32>
    %max3A_1950 = arith.maxsi %sub3A_1949, %broadcast_in_dim3A_6 : vector<16xi32>
    %min3A_1951 = arith.minsi %max3A_1950, %add3A_9 : vector<16xi32>
    %mul3A_1952 = arith.muli %gather3A_1946, %min3A_1951 : vector<16xi32>
    %add3A_1953 = arith.addi %add3A_1932, %mul3A_1952 : vector<16xi32>
    %sub3A_1954 = arith.constant 4 : i32
    %sub3A_1955 = vector.broadcast %sub3A_1954 : i32 to vector<16xi32>
    %sub3A_1956 = arith.subi %iota3A, %sub3A_1955 : vector<16xi32>
    %max3A_1957 = arith.maxsi %sub3A_1956, %broadcast_in_dim3A_6 : vector<16xi32>
    %lt3A_1958 = arith.constant 0 : i32
    %lt3A_1959 = vector.broadcast %lt3A_1958 : i32 to vector<16xi32>
    %lt3A_1960 = arith.cmpi slt, %max3A_1957, %lt3A_1959 : vector<16xi32>
    %add3A_1961 = arith.constant 16 : i32
    %add3A_1962 = vector.broadcast %add3A_1961 : i32 to vector<16xi32>
    %add3A_1963 = arith.addi %max3A_1957, %add3A_1962 : vector<16xi32>
    %select_n3A_1964 = arith.select %lt3A_1960, %add3A_1963, %max3A_1957 : vector<16xi1>, vector<16xi32>
    %broadcast_in_dim3A_1965 = vector.shape_cast %select_n3A_1964 : vector<16xi32> to vector<16x1xi32>
    %gather3A_1966 = vector.shape_cast %broadcast_in_dim3A_1965 : vector<16x1xi32> to vector<16xi32>
    %gather3A_1967 = tpu.dynamic_gather %add3A_1953[%gather3A_1966] in [0] : vector<16xi32>, vector<16xi32> -> vector<16xi32>
    %sub3A_1968 = arith.constant 3 : i32
    %sub3A_1969 = vector.broadcast %sub3A_1968 : i32 to vector<16xi32>
    %sub3A_1970 = arith.subi %iota3A, %sub3A_1969 : vector<16xi32>
    %max3A_1971 = arith.maxsi %sub3A_1970, %broadcast_in_dim3A_6 : vector<16xi32>
    %min3A_1972 = arith.minsi %max3A_1971, %add3A_9 : vector<16xi32>
    %mul3A_1973 = arith.muli %gather3A_1967, %min3A_1972 : vector<16xi32>
    %add3A_1974 = arith.addi %add3A_1953, %mul3A_1973 : vector<16xi32>
    %sub3A_1975 = arith.constant 8 : i32
    %sub3A_1976 = vector.broadcast %sub3A_1975 : i32 to vector<16xi32>
    %sub3A_1977 = arith.subi %iota3A, %sub3A_1976 : vector<16xi32>
    %max3A_1978 = arith.maxsi %sub3A_1977, %broadcast_in_dim3A_6 : vector<16xi32>
    %lt3A_1979 = arith.constant 0 : i32
    %lt3A_1980 = vector.broadcast %lt3A_1979 : i32 to vector<16xi32>
    %lt3A_1981 = arith.cmpi slt, %max3A_1978, %lt3A_1980 : vector<16xi32>
    %add3A_1982 = arith.constant 16 : i32
    %add3A_1983 = vector.broadcast %add3A_1982 : i32 to vector<16xi32>
    %add3A_1984 = arith.addi %max3A_1978, %add3A_1983 : vector<16xi32>
    %select_n3A_1985 = arith.select %lt3A_1981, %add3A_1984, %max3A_1978 : vector<16xi1>, vector<16xi32>
    %broadcast_in_dim3A_1986 = vector.shape_cast %select_n3A_1985 : vector<16xi32> to vector<16x1xi32>
    %gather3A_1987 = vector.shape_cast %broadcast_in_dim3A_1986 : vector<16x1xi32> to vector<16xi32>
    %gather3A_1988 = tpu.dynamic_gather %add3A_1974[%gather3A_1987] in [0] : vector<16xi32>, vector<16xi32> -> vector<16xi32>
    %sub3A_1989 = arith.constant 7 : i32
    %sub3A_1990 = vector.broadcast %sub3A_1989 : i32 to vector<16xi32>
    %sub3A_1991 = arith.subi %iota3A, %sub3A_1990 : vector<16xi32>
    %max3A_1992 = arith.maxsi %sub3A_1991, %broadcast_in_dim3A_6 : vector<16xi32>
    %min3A_1993 = arith.minsi %max3A_1992, %add3A_9 : vector<16xi32>
    %mul3A_1994 = arith.muli %gather3A_1988, %min3A_1993 : vector<16xi32>
    %add3A_1995 = arith.addi %add3A_1974, %mul3A_1994 : vector<16xi32>
    %add3A_1996 = arith.addi %add3A_1566, %gather3A_1175 : vector<16xi32>
    %add3A_1997 = arith.addi %add3A_1996, %add3A_1995 : vector<16xi32>
    %sub3A_1998 = arith.subi %add3A_1997, %add3A_9 : vector<16xi32>
    %mul3A_1999 = arith.muli %sub3A_1911, %sub3A_1998 : vector<16xi32>
    %add3A_2000 = arith.addi %add3A_1890, %mul3A_1999 : vector<16xi32>
    %add3A_2001 = arith.constant 15 : i32
    %add3A_2002 = vector.broadcast %add3A_2001 : i32 to vector<16xi32>
    %add3A_2003 = arith.addi %broadcast_in_dim3A_6, %add3A_2002 : vector<16xi32>
    %lt3A_2004 = arith.constant 0 : i32
    %lt3A_2005 = vector.broadcast %lt3A_2004 : i32 to vector<16xi32>
    %lt3A_2006 = arith.cmpi slt, %add3A_2003, %lt3A_2005 : vector<16xi32>
    %add3A_2007 = arith.constant 16 : i32
    %add3A_2008 = vector.broadcast %add3A_2007 : i32 to vector<16xi32>
    %add3A_2009 = arith.addi %add3A_2003, %add3A_2008 : vector<16xi32>
    %select_n3A_2010 = arith.select %lt3A_2006, %add3A_2009, %add3A_2003 : vector<16xi1>, vector<16xi32>
    %broadcast_in_dim3A_2011 = vector.shape_cast %select_n3A_2010 : vector<16xi32> to vector<16x1xi32>
    %gather3A_2012 = vector.shape_cast %broadcast_in_dim3A_2011 : vector<16x1xi32> to vector<16xi32>
    %gather3A_2013 = tpu.dynamic_gather %add3A_1995[%gather3A_2012] in [0] : vector<16xi32>, vector<16xi32> -> vector<16xi32>
    %add3A_2014 = arith.addi %gather3A_1175, %gather3A_2013 : vector<16xi32>
    %add3A_2015 = arith.constant 4 : i32
    %add3A_2016 = vector.broadcast %add3A_2015 : i32 to vector<16xi32>
    %add3A_2017 = arith.addi %broadcast_in_dim3A_6, %add3A_2016 : vector<16xi32>
    %sub3A_2018 = arith.subi %get3A_1575, %add3A_2017 : vector<16xi32>
    %abs3A_2019 = math.absi %sub3A_2018 : vector<16xi32>
    %min3A_2020 = arith.minsi %abs3A_2019, %add3A_9 : vector<16xi32>
    %sub3A_2021 = arith.subi %add3A_9, %min3A_2020 : vector<16xi32>
    %sub3A_2022 = arith.constant 1 : i32
    %sub3A_2023 = vector.broadcast %sub3A_2022 : i32 to vector<16xi32>
    %sub3A_2024 = arith.subi %iota3A, %sub3A_2023 : vector<16xi32>
    %max3A_2025 = arith.maxsi %sub3A_2024, %broadcast_in_dim3A_6 : vector<16xi32>
    %lt3A_2026 = arith.constant 0 : i32
    %lt3A_2027 = vector.broadcast %lt3A_2026 : i32 to vector<16xi32>
    %lt3A_2028 = arith.cmpi slt, %max3A_2025, %lt3A_2027 : vector<16xi32>
    %add3A_2029 = arith.constant 16 : i32
    %add3A_2030 = vector.broadcast %add3A_2029 : i32 to vector<16xi32>
    %add3A_2031 = arith.addi %max3A_2025, %add3A_2030 : vector<16xi32>
    %select_n3A_2032 = arith.select %lt3A_2028, %add3A_2031, %max3A_2025 : vector<16xi1>, vector<16xi32>
    %broadcast_in_dim3A_2033 = vector.shape_cast %select_n3A_2032 : vector<16xi32> to vector<16x1xi32>
    %gather3A_2034 = vector.shape_cast %broadcast_in_dim3A_2033 : vector<16x1xi32> to vector<16xi32>
    %gather3A_2035 = tpu.dynamic_gather %sub3A_2021[%gather3A_2034] in [0] : vector<16xi32>, vector<16xi32> -> vector<16xi32>
    %sub3A_2036 = arith.constant 0 : i32
    %sub3A_2037 = vector.broadcast %sub3A_2036 : i32 to vector<16xi32>
    %sub3A_2038 = arith.subi %iota3A, %sub3A_2037 : vector<16xi32>
    %max3A_2039 = arith.maxsi %sub3A_2038, %broadcast_in_dim3A_6 : vector<16xi32>
    %min3A_2040 = arith.minsi %max3A_2039, %add3A_9 : vector<16xi32>
    %mul3A_2041 = arith.muli %gather3A_2035, %min3A_2040 : vector<16xi32>
    %add3A_2042 = arith.addi %sub3A_2021, %mul3A_2041 : vector<16xi32>
    %sub3A_2043 = arith.constant 2 : i32
    %sub3A_2044 = vector.broadcast %sub3A_2043 : i32 to vector<16xi32>
    %sub3A_2045 = arith.subi %iota3A, %sub3A_2044 : vector<16xi32>
    %max3A_2046 = arith.maxsi %sub3A_2045, %broadcast_in_dim3A_6 : vector<16xi32>
    %lt3A_2047 = arith.constant 0 : i32
    %lt3A_2048 = vector.broadcast %lt3A_2047 : i32 to vector<16xi32>
    %lt3A_2049 = arith.cmpi slt, %max3A_2046, %lt3A_2048 : vector<16xi32>
    %add3A_2050 = arith.constant 16 : i32
    %add3A_2051 = vector.broadcast %add3A_2050 : i32 to vector<16xi32>
    %add3A_2052 = arith.addi %max3A_2046, %add3A_2051 : vector<16xi32>
    %select_n3A_2053 = arith.select %lt3A_2049, %add3A_2052, %max3A_2046 : vector<16xi1>, vector<16xi32>
    %broadcast_in_dim3A_2054 = vector.shape_cast %select_n3A_2053 : vector<16xi32> to vector<16x1xi32>
    %gather3A_2055 = vector.shape_cast %broadcast_in_dim3A_2054 : vector<16x1xi32> to vector<16xi32>
    %gather3A_2056 = tpu.dynamic_gather %add3A_2042[%gather3A_2055] in [0] : vector<16xi32>, vector<16xi32> -> vector<16xi32>
    %sub3A_2057 = arith.constant 1 : i32
    %sub3A_2058 = vector.broadcast %sub3A_2057 : i32 to vector<16xi32>
    %sub3A_2059 = arith.subi %iota3A, %sub3A_2058 : vector<16xi32>
    %max3A_2060 = arith.maxsi %sub3A_2059, %broadcast_in_dim3A_6 : vector<16xi32>
    %min3A_2061 = arith.minsi %max3A_2060, %add3A_9 : vector<16xi32>
    %mul3A_2062 = arith.muli %gather3A_2056, %min3A_2061 : vector<16xi32>
    %add3A_2063 = arith.addi %add3A_2042, %mul3A_2062 : vector<16xi32>
    %sub3A_2064 = arith.constant 4 : i32
    %sub3A_2065 = vector.broadcast %sub3A_2064 : i32 to vector<16xi32>
    %sub3A_2066 = arith.subi %iota3A, %sub3A_2065 : vector<16xi32>
    %max3A_2067 = arith.maxsi %sub3A_2066, %broadcast_in_dim3A_6 : vector<16xi32>
    %lt3A_2068 = arith.constant 0 : i32
    %lt3A_2069 = vector.broadcast %lt3A_2068 : i32 to vector<16xi32>
    %lt3A_2070 = arith.cmpi slt, %max3A_2067, %lt3A_2069 : vector<16xi32>
    %add3A_2071 = arith.constant 16 : i32
    %add3A_2072 = vector.broadcast %add3A_2071 : i32 to vector<16xi32>
    %add3A_2073 = arith.addi %max3A_2067, %add3A_2072 : vector<16xi32>
    %select_n3A_2074 = arith.select %lt3A_2070, %add3A_2073, %max3A_2067 : vector<16xi1>, vector<16xi32>
    %broadcast_in_dim3A_2075 = vector.shape_cast %select_n3A_2074 : vector<16xi32> to vector<16x1xi32>
    %gather3A_2076 = vector.shape_cast %broadcast_in_dim3A_2075 : vector<16x1xi32> to vector<16xi32>
    %gather3A_2077 = tpu.dynamic_gather %add3A_2063[%gather3A_2076] in [0] : vector<16xi32>, vector<16xi32> -> vector<16xi32>
    %sub3A_2078 = arith.constant 3 : i32
    %sub3A_2079 = vector.broadcast %sub3A_2078 : i32 to vector<16xi32>
    %sub3A_2080 = arith.subi %iota3A, %sub3A_2079 : vector<16xi32>
    %max3A_2081 = arith.maxsi %sub3A_2080, %broadcast_in_dim3A_6 : vector<16xi32>
    %min3A_2082 = arith.minsi %max3A_2081, %add3A_9 : vector<16xi32>
    %mul3A_2083 = arith.muli %gather3A_2077, %min3A_2082 : vector<16xi32>
    %add3A_2084 = arith.addi %add3A_2063, %mul3A_2083 : vector<16xi32>
    %sub3A_2085 = arith.constant 8 : i32
    %sub3A_2086 = vector.broadcast %sub3A_2085 : i32 to vector<16xi32>
    %sub3A_2087 = arith.subi %iota3A, %sub3A_2086 : vector<16xi32>
    %max3A_2088 = arith.maxsi %sub3A_2087, %broadcast_in_dim3A_6 : vector<16xi32>
    %lt3A_2089 = arith.constant 0 : i32
    %lt3A_2090 = vector.broadcast %lt3A_2089 : i32 to vector<16xi32>
    %lt3A_2091 = arith.cmpi slt, %max3A_2088, %lt3A_2090 : vector<16xi32>
    %add3A_2092 = arith.constant 16 : i32
    %add3A_2093 = vector.broadcast %add3A_2092 : i32 to vector<16xi32>
    %add3A_2094 = arith.addi %max3A_2088, %add3A_2093 : vector<16xi32>
    %select_n3A_2095 = arith.select %lt3A_2091, %add3A_2094, %max3A_2088 : vector<16xi1>, vector<16xi32>
    %broadcast_in_dim3A_2096 = vector.shape_cast %select_n3A_2095 : vector<16xi32> to vector<16x1xi32>
    %gather3A_2097 = vector.shape_cast %broadcast_in_dim3A_2096 : vector<16x1xi32> to vector<16xi32>
    %gather3A_2098 = tpu.dynamic_gather %add3A_2084[%gather3A_2097] in [0] : vector<16xi32>, vector<16xi32> -> vector<16xi32>
    %sub3A_2099 = arith.constant 7 : i32
    %sub3A_2100 = vector.broadcast %sub3A_2099 : i32 to vector<16xi32>
    %sub3A_2101 = arith.subi %iota3A, %sub3A_2100 : vector<16xi32>
    %max3A_2102 = arith.maxsi %sub3A_2101, %broadcast_in_dim3A_6 : vector<16xi32>
    %min3A_2103 = arith.minsi %max3A_2102, %add3A_9 : vector<16xi32>
    %mul3A_2104 = arith.muli %gather3A_2098, %min3A_2103 : vector<16xi32>
    %add3A_2105 = arith.addi %add3A_2084, %mul3A_2104 : vector<16xi32>
    %add3A_2106 = arith.addi %add3A_1567, %gather3A_1272 : vector<16xi32>
    %add3A_2107 = arith.addi %add3A_2106, %add3A_2105 : vector<16xi32>
    %sub3A_2108 = arith.subi %add3A_2107, %add3A_9 : vector<16xi32>
    %mul3A_2109 = arith.muli %sub3A_2021, %sub3A_2108 : vector<16xi32>
    %add3A_2110 = arith.addi %add3A_2000, %mul3A_2109 : vector<16xi32>
    %add3A_2111 = arith.constant 15 : i32
    %add3A_2112 = vector.broadcast %add3A_2111 : i32 to vector<16xi32>
    %add3A_2113 = arith.addi %broadcast_in_dim3A_6, %add3A_2112 : vector<16xi32>
    %lt3A_2114 = arith.constant 0 : i32
    %lt3A_2115 = vector.broadcast %lt3A_2114 : i32 to vector<16xi32>
    %lt3A_2116 = arith.cmpi slt, %add3A_2113, %lt3A_2115 : vector<16xi32>
    %add3A_2117 = arith.constant 16 : i32
    %add3A_2118 = vector.broadcast %add3A_2117 : i32 to vector<16xi32>
    %add3A_2119 = arith.addi %add3A_2113, %add3A_2118 : vector<16xi32>
    %select_n3A_2120 = arith.select %lt3A_2116, %add3A_2119, %add3A_2113 : vector<16xi1>, vector<16xi32>
    %broadcast_in_dim3A_2121 = vector.shape_cast %select_n3A_2120 : vector<16xi32> to vector<16x1xi32>
    %gather3A_2122 = vector.shape_cast %broadcast_in_dim3A_2121 : vector<16x1xi32> to vector<16xi32>
    %gather3A_2123 = tpu.dynamic_gather %add3A_2105[%gather3A_2122] in [0] : vector<16xi32>, vector<16xi32> -> vector<16xi32>
    %add3A_2124 = arith.addi %gather3A_1272, %gather3A_2123 : vector<16xi32>
    %add3A_2125 = arith.constant 5 : i32
    %add3A_2126 = vector.broadcast %add3A_2125 : i32 to vector<16xi32>
    %add3A_2127 = arith.addi %broadcast_in_dim3A_6, %add3A_2126 : vector<16xi32>
    %sub3A_2128 = arith.subi %get3A_1575, %add3A_2127 : vector<16xi32>
    %abs3A_2129 = math.absi %sub3A_2128 : vector<16xi32>
    %min3A_2130 = arith.minsi %abs3A_2129, %add3A_9 : vector<16xi32>
    %sub3A_2131 = arith.subi %add3A_9, %min3A_2130 : vector<16xi32>
    %sub3A_2132 = arith.constant 1 : i32
    %sub3A_2133 = vector.broadcast %sub3A_2132 : i32 to vector<16xi32>
    %sub3A_2134 = arith.subi %iota3A, %sub3A_2133 : vector<16xi32>
    %max3A_2135 = arith.maxsi %sub3A_2134, %broadcast_in_dim3A_6 : vector<16xi32>
    %lt3A_2136 = arith.constant 0 : i32
    %lt3A_2137 = vector.broadcast %lt3A_2136 : i32 to vector<16xi32>
    %lt3A_2138 = arith.cmpi slt, %max3A_2135, %lt3A_2137 : vector<16xi32>
    %add3A_2139 = arith.constant 16 : i32
    %add3A_2140 = vector.broadcast %add3A_2139 : i32 to vector<16xi32>
    %add3A_2141 = arith.addi %max3A_2135, %add3A_2140 : vector<16xi32>
    %select_n3A_2142 = arith.select %lt3A_2138, %add3A_2141, %max3A_2135 : vector<16xi1>, vector<16xi32>
    %broadcast_in_dim3A_2143 = vector.shape_cast %select_n3A_2142 : vector<16xi32> to vector<16x1xi32>
    %gather3A_2144 = vector.shape_cast %broadcast_in_dim3A_2143 : vector<16x1xi32> to vector<16xi32>
    %gather3A_2145 = tpu.dynamic_gather %sub3A_2131[%gather3A_2144] in [0] : vector<16xi32>, vector<16xi32> -> vector<16xi32>
    %sub3A_2146 = arith.constant 0 : i32
    %sub3A_2147 = vector.broadcast %sub3A_2146 : i32 to vector<16xi32>
    %sub3A_2148 = arith.subi %iota3A, %sub3A_2147 : vector<16xi32>
    %max3A_2149 = arith.maxsi %sub3A_2148, %broadcast_in_dim3A_6 : vector<16xi32>
    %min3A_2150 = arith.minsi %max3A_2149, %add3A_9 : vector<16xi32>
    %mul3A_2151 = arith.muli %gather3A_2145, %min3A_2150 : vector<16xi32>
    %add3A_2152 = arith.addi %sub3A_2131, %mul3A_2151 : vector<16xi32>
    %sub3A_2153 = arith.constant 2 : i32
    %sub3A_2154 = vector.broadcast %sub3A_2153 : i32 to vector<16xi32>
    %sub3A_2155 = arith.subi %iota3A, %sub3A_2154 : vector<16xi32>
    %max3A_2156 = arith.maxsi %sub3A_2155, %broadcast_in_dim3A_6 : vector<16xi32>
    %lt3A_2157 = arith.constant 0 : i32
    %lt3A_2158 = vector.broadcast %lt3A_2157 : i32 to vector<16xi32>
    %lt3A_2159 = arith.cmpi slt, %max3A_2156, %lt3A_2158 : vector<16xi32>
    %add3A_2160 = arith.constant 16 : i32
    %add3A_2161 = vector.broadcast %add3A_2160 : i32 to vector<16xi32>
    %add3A_2162 = arith.addi %max3A_2156, %add3A_2161 : vector<16xi32>
    %select_n3A_2163 = arith.select %lt3A_2159, %add3A_2162, %max3A_2156 : vector<16xi1>, vector<16xi32>
    %broadcast_in_dim3A_2164 = vector.shape_cast %select_n3A_2163 : vector<16xi32> to vector<16x1xi32>
    %gather3A_2165 = vector.shape_cast %broadcast_in_dim3A_2164 : vector<16x1xi32> to vector<16xi32>
    %gather3A_2166 = tpu.dynamic_gather %add3A_2152[%gather3A_2165] in [0] : vector<16xi32>, vector<16xi32> -> vector<16xi32>
    %sub3A_2167 = arith.constant 1 : i32
    %sub3A_2168 = vector.broadcast %sub3A_2167 : i32 to vector<16xi32>
    %sub3A_2169 = arith.subi %iota3A, %sub3A_2168 : vector<16xi32>
    %max3A_2170 = arith.maxsi %sub3A_2169, %broadcast_in_dim3A_6 : vector<16xi32>
    %min3A_2171 = arith.minsi %max3A_2170, %add3A_9 : vector<16xi32>
    %mul3A_2172 = arith.muli %gather3A_2166, %min3A_2171 : vector<16xi32>
    %add3A_2173 = arith.addi %add3A_2152, %mul3A_2172 : vector<16xi32>
    %sub3A_2174 = arith.constant 4 : i32
    %sub3A_2175 = vector.broadcast %sub3A_2174 : i32 to vector<16xi32>
    %sub3A_2176 = arith.subi %iota3A, %sub3A_2175 : vector<16xi32>
    %max3A_2177 = arith.maxsi %sub3A_2176, %broadcast_in_dim3A_6 : vector<16xi32>
    %lt3A_2178 = arith.constant 0 : i32
    %lt3A_2179 = vector.broadcast %lt3A_2178 : i32 to vector<16xi32>
    %lt3A_2180 = arith.cmpi slt, %max3A_2177, %lt3A_2179 : vector<16xi32>
    %add3A_2181 = arith.constant 16 : i32
    %add3A_2182 = vector.broadcast %add3A_2181 : i32 to vector<16xi32>
    %add3A_2183 = arith.addi %max3A_2177, %add3A_2182 : vector<16xi32>
    %select_n3A_2184 = arith.select %lt3A_2180, %add3A_2183, %max3A_2177 : vector<16xi1>, vector<16xi32>
    %broadcast_in_dim3A_2185 = vector.shape_cast %select_n3A_2184 : vector<16xi32> to vector<16x1xi32>
    %gather3A_2186 = vector.shape_cast %broadcast_in_dim3A_2185 : vector<16x1xi32> to vector<16xi32>
    %gather3A_2187 = tpu.dynamic_gather %add3A_2173[%gather3A_2186] in [0] : vector<16xi32>, vector<16xi32> -> vector<16xi32>
    %sub3A_2188 = arith.constant 3 : i32
    %sub3A_2189 = vector.broadcast %sub3A_2188 : i32 to vector<16xi32>
    %sub3A_2190 = arith.subi %iota3A, %sub3A_2189 : vector<16xi32>
    %max3A_2191 = arith.maxsi %sub3A_2190, %broadcast_in_dim3A_6 : vector<16xi32>
    %min3A_2192 = arith.minsi %max3A_2191, %add3A_9 : vector<16xi32>
    %mul3A_2193 = arith.muli %gather3A_2187, %min3A_2192 : vector<16xi32>
    %add3A_2194 = arith.addi %add3A_2173, %mul3A_2193 : vector<16xi32>
    %sub3A_2195 = arith.constant 8 : i32
    %sub3A_2196 = vector.broadcast %sub3A_2195 : i32 to vector<16xi32>
    %sub3A_2197 = arith.subi %iota3A, %sub3A_2196 : vector<16xi32>
    %max3A_2198 = arith.maxsi %sub3A_2197, %broadcast_in_dim3A_6 : vector<16xi32>
    %lt3A_2199 = arith.constant 0 : i32
    %lt3A_2200 = vector.broadcast %lt3A_2199 : i32 to vector<16xi32>
    %lt3A_2201 = arith.cmpi slt, %max3A_2198, %lt3A_2200 : vector<16xi32>
    %add3A_2202 = arith.constant 16 : i32
    %add3A_2203 = vector.broadcast %add3A_2202 : i32 to vector<16xi32>
    %add3A_2204 = arith.addi %max3A_2198, %add3A_2203 : vector<16xi32>
    %select_n3A_2205 = arith.select %lt3A_2201, %add3A_2204, %max3A_2198 : vector<16xi1>, vector<16xi32>
    %broadcast_in_dim3A_2206 = vector.shape_cast %select_n3A_2205 : vector<16xi32> to vector<16x1xi32>
    %gather3A_2207 = vector.shape_cast %broadcast_in_dim3A_2206 : vector<16x1xi32> to vector<16xi32>
    %gather3A_2208 = tpu.dynamic_gather %add3A_2194[%gather3A_2207] in [0] : vector<16xi32>, vector<16xi32> -> vector<16xi32>
    %sub3A_2209 = arith.constant 7 : i32
    %sub3A_2210 = vector.broadcast %sub3A_2209 : i32 to vector<16xi32>
    %sub3A_2211 = arith.subi %iota3A, %sub3A_2210 : vector<16xi32>
    %max3A_2212 = arith.maxsi %sub3A_2211, %broadcast_in_dim3A_6 : vector<16xi32>
    %min3A_2213 = arith.minsi %max3A_2212, %add3A_9 : vector<16xi32>
    %mul3A_2214 = arith.muli %gather3A_2208, %min3A_2213 : vector<16xi32>
    %add3A_2215 = arith.addi %add3A_2194, %mul3A_2214 : vector<16xi32>
    %add3A_2216 = arith.addi %add3A_1568, %gather3A_1369 : vector<16xi32>
    %add3A_2217 = arith.addi %add3A_2216, %add3A_2215 : vector<16xi32>
    %sub3A_2218 = arith.subi %add3A_2217, %add3A_9 : vector<16xi32>
    %mul3A_2219 = arith.muli %sub3A_2131, %sub3A_2218 : vector<16xi32>
    %add3A_2220 = arith.addi %add3A_2110, %mul3A_2219 : vector<16xi32>
    %add3A_2221 = arith.constant 15 : i32
    %add3A_2222 = vector.broadcast %add3A_2221 : i32 to vector<16xi32>
    %add3A_2223 = arith.addi %broadcast_in_dim3A_6, %add3A_2222 : vector<16xi32>
    %lt3A_2224 = arith.constant 0 : i32
    %lt3A_2225 = vector.broadcast %lt3A_2224 : i32 to vector<16xi32>
    %lt3A_2226 = arith.cmpi slt, %add3A_2223, %lt3A_2225 : vector<16xi32>
    %add3A_2227 = arith.constant 16 : i32
    %add3A_2228 = vector.broadcast %add3A_2227 : i32 to vector<16xi32>
    %add3A_2229 = arith.addi %add3A_2223, %add3A_2228 : vector<16xi32>
    %select_n3A_2230 = arith.select %lt3A_2226, %add3A_2229, %add3A_2223 : vector<16xi1>, vector<16xi32>
    %broadcast_in_dim3A_2231 = vector.shape_cast %select_n3A_2230 : vector<16xi32> to vector<16x1xi32>
    %gather3A_2232 = vector.shape_cast %broadcast_in_dim3A_2231 : vector<16x1xi32> to vector<16xi32>
    %gather3A_2233 = tpu.dynamic_gather %add3A_2215[%gather3A_2232] in [0] : vector<16xi32>, vector<16xi32> -> vector<16xi32>
    %add3A_2234 = arith.addi %gather3A_1369, %gather3A_2233 : vector<16xi32>
    %add3A_2235 = arith.constant 6 : i32
    %add3A_2236 = vector.broadcast %add3A_2235 : i32 to vector<16xi32>
    %add3A_2237 = arith.addi %broadcast_in_dim3A_6, %add3A_2236 : vector<16xi32>
    %sub3A_2238 = arith.subi %get3A_1575, %add3A_2237 : vector<16xi32>
    %abs3A_2239 = math.absi %sub3A_2238 : vector<16xi32>
    %min3A_2240 = arith.minsi %abs3A_2239, %add3A_9 : vector<16xi32>
    %sub3A_2241 = arith.subi %add3A_9, %min3A_2240 : vector<16xi32>
    %sub3A_2242 = arith.constant 1 : i32
    %sub3A_2243 = vector.broadcast %sub3A_2242 : i32 to vector<16xi32>
    %sub3A_2244 = arith.subi %iota3A, %sub3A_2243 : vector<16xi32>
    %max3A_2245 = arith.maxsi %sub3A_2244, %broadcast_in_dim3A_6 : vector<16xi32>
    %lt3A_2246 = arith.constant 0 : i32
    %lt3A_2247 = vector.broadcast %lt3A_2246 : i32 to vector<16xi32>
    %lt3A_2248 = arith.cmpi slt, %max3A_2245, %lt3A_2247 : vector<16xi32>
    %add3A_2249 = arith.constant 16 : i32
    %add3A_2250 = vector.broadcast %add3A_2249 : i32 to vector<16xi32>
    %add3A_2251 = arith.addi %max3A_2245, %add3A_2250 : vector<16xi32>
    %select_n3A_2252 = arith.select %lt3A_2248, %add3A_2251, %max3A_2245 : vector<16xi1>, vector<16xi32>
    %broadcast_in_dim3A_2253 = vector.shape_cast %select_n3A_2252 : vector<16xi32> to vector<16x1xi32>
    %gather3A_2254 = vector.shape_cast %broadcast_in_dim3A_2253 : vector<16x1xi32> to vector<16xi32>
    %gather3A_2255 = tpu.dynamic_gather %sub3A_2241[%gather3A_2254] in [0] : vector<16xi32>, vector<16xi32> -> vector<16xi32>
    %sub3A_2256 = arith.constant 0 : i32
    %sub3A_2257 = vector.broadcast %sub3A_2256 : i32 to vector<16xi32>
    %sub3A_2258 = arith.subi %iota3A, %sub3A_2257 : vector<16xi32>
    %max3A_2259 = arith.maxsi %sub3A_2258, %broadcast_in_dim3A_6 : vector<16xi32>
    %min3A_2260 = arith.minsi %max3A_2259, %add3A_9 : vector<16xi32>
    %mul3A_2261 = arith.muli %gather3A_2255, %min3A_2260 : vector<16xi32>
    %add3A_2262 = arith.addi %sub3A_2241, %mul3A_2261 : vector<16xi32>
    %sub3A_2263 = arith.constant 2 : i32
    %sub3A_2264 = vector.broadcast %sub3A_2263 : i32 to vector<16xi32>
    %sub3A_2265 = arith.subi %iota3A, %sub3A_2264 : vector<16xi32>
    %max3A_2266 = arith.maxsi %sub3A_2265, %broadcast_in_dim3A_6 : vector<16xi32>
    %lt3A_2267 = arith.constant 0 : i32
    %lt3A_2268 = vector.broadcast %lt3A_2267 : i32 to vector<16xi32>
    %lt3A_2269 = arith.cmpi slt, %max3A_2266, %lt3A_2268 : vector<16xi32>
    %add3A_2270 = arith.constant 16 : i32
    %add3A_2271 = vector.broadcast %add3A_2270 : i32 to vector<16xi32>
    %add3A_2272 = arith.addi %max3A_2266, %add3A_2271 : vector<16xi32>
    %select_n3A_2273 = arith.select %lt3A_2269, %add3A_2272, %max3A_2266 : vector<16xi1>, vector<16xi32>
    %broadcast_in_dim3A_2274 = vector.shape_cast %select_n3A_2273 : vector<16xi32> to vector<16x1xi32>
    %gather3A_2275 = vector.shape_cast %broadcast_in_dim3A_2274 : vector<16x1xi32> to vector<16xi32>
    %gather3A_2276 = tpu.dynamic_gather %add3A_2262[%gather3A_2275] in [0] : vector<16xi32>, vector<16xi32> -> vector<16xi32>
    %sub3A_2277 = arith.constant 1 : i32
    %sub3A_2278 = vector.broadcast %sub3A_2277 : i32 to vector<16xi32>
    %sub3A_2279 = arith.subi %iota3A, %sub3A_2278 : vector<16xi32>
    %max3A_2280 = arith.maxsi %sub3A_2279, %broadcast_in_dim3A_6 : vector<16xi32>
    %min3A_2281 = arith.minsi %max3A_2280, %add3A_9 : vector<16xi32>
    %mul3A_2282 = arith.muli %gather3A_2276, %min3A_2281 : vector<16xi32>
    %add3A_2283 = arith.addi %add3A_2262, %mul3A_2282 : vector<16xi32>
    %sub3A_2284 = arith.constant 4 : i32
    %sub3A_2285 = vector.broadcast %sub3A_2284 : i32 to vector<16xi32>
    %sub3A_2286 = arith.subi %iota3A, %sub3A_2285 : vector<16xi32>
    %max3A_2287 = arith.maxsi %sub3A_2286, %broadcast_in_dim3A_6 : vector<16xi32>
    %lt3A_2288 = arith.constant 0 : i32
    %lt3A_2289 = vector.broadcast %lt3A_2288 : i32 to vector<16xi32>
    %lt3A_2290 = arith.cmpi slt, %max3A_2287, %lt3A_2289 : vector<16xi32>
    %add3A_2291 = arith.constant 16 : i32
    %add3A_2292 = vector.broadcast %add3A_2291 : i32 to vector<16xi32>
    %add3A_2293 = arith.addi %max3A_2287, %add3A_2292 : vector<16xi32>
    %select_n3A_2294 = arith.select %lt3A_2290, %add3A_2293, %max3A_2287 : vector<16xi1>, vector<16xi32>
    %broadcast_in_dim3A_2295 = vector.shape_cast %select_n3A_2294 : vector<16xi32> to vector<16x1xi32>
    %gather3A_2296 = vector.shape_cast %broadcast_in_dim3A_2295 : vector<16x1xi32> to vector<16xi32>
    %gather3A_2297 = tpu.dynamic_gather %add3A_2283[%gather3A_2296] in [0] : vector<16xi32>, vector<16xi32> -> vector<16xi32>
    %sub3A_2298 = arith.constant 3 : i32
    %sub3A_2299 = vector.broadcast %sub3A_2298 : i32 to vector<16xi32>
    %sub3A_2300 = arith.subi %iota3A, %sub3A_2299 : vector<16xi32>
    %max3A_2301 = arith.maxsi %sub3A_2300, %broadcast_in_dim3A_6 : vector<16xi32>
    %min3A_2302 = arith.minsi %max3A_2301, %add3A_9 : vector<16xi32>
    %mul3A_2303 = arith.muli %gather3A_2297, %min3A_2302 : vector<16xi32>
    %add3A_2304 = arith.addi %add3A_2283, %mul3A_2303 : vector<16xi32>
    %sub3A_2305 = arith.constant 8 : i32
    %sub3A_2306 = vector.broadcast %sub3A_2305 : i32 to vector<16xi32>
    %sub3A_2307 = arith.subi %iota3A, %sub3A_2306 : vector<16xi32>
    %max3A_2308 = arith.maxsi %sub3A_2307, %broadcast_in_dim3A_6 : vector<16xi32>
    %lt3A_2309 = arith.constant 0 : i32
    %lt3A_2310 = vector.broadcast %lt3A_2309 : i32 to vector<16xi32>
    %lt3A_2311 = arith.cmpi slt, %max3A_2308, %lt3A_2310 : vector<16xi32>
    %add3A_2312 = arith.constant 16 : i32
    %add3A_2313 = vector.broadcast %add3A_2312 : i32 to vector<16xi32>
    %add3A_2314 = arith.addi %max3A_2308, %add3A_2313 : vector<16xi32>
    %select_n3A_2315 = arith.select %lt3A_2311, %add3A_2314, %max3A_2308 : vector<16xi1>, vector<16xi32>
    %broadcast_in_dim3A_2316 = vector.shape_cast %select_n3A_2315 : vector<16xi32> to vector<16x1xi32>
    %gather3A_2317 = vector.shape_cast %broadcast_in_dim3A_2316 : vector<16x1xi32> to vector<16xi32>
    %gather3A_2318 = tpu.dynamic_gather %add3A_2304[%gather3A_2317] in [0] : vector<16xi32>, vector<16xi32> -> vector<16xi32>
    %sub3A_2319 = arith.constant 7 : i32
    %sub3A_2320 = vector.broadcast %sub3A_2319 : i32 to vector<16xi32>
    %sub3A_2321 = arith.subi %iota3A, %sub3A_2320 : vector<16xi32>
    %max3A_2322 = arith.maxsi %sub3A_2321, %broadcast_in_dim3A_6 : vector<16xi32>
    %min3A_2323 = arith.minsi %max3A_2322, %add3A_9 : vector<16xi32>
    %mul3A_2324 = arith.muli %gather3A_2318, %min3A_2323 : vector<16xi32>
    %add3A_2325 = arith.addi %add3A_2304, %mul3A_2324 : vector<16xi32>
    %add3A_2326 = arith.addi %add3A_1569, %gather3A_1466 : vector<16xi32>
    %add3A_2327 = arith.addi %add3A_2326, %add3A_2325 : vector<16xi32>
    %sub3A_2328 = arith.subi %add3A_2327, %add3A_9 : vector<16xi32>
    %mul3A_2329 = arith.muli %sub3A_2241, %sub3A_2328 : vector<16xi32>
    %add3A_2330 = arith.addi %add3A_2220, %mul3A_2329 : vector<16xi32>
    %add3A_2331 = arith.constant 15 : i32
    %add3A_2332 = vector.broadcast %add3A_2331 : i32 to vector<16xi32>
    %add3A_2333 = arith.addi %broadcast_in_dim3A_6, %add3A_2332 : vector<16xi32>
    %lt3A_2334 = arith.constant 0 : i32
    %lt3A_2335 = vector.broadcast %lt3A_2334 : i32 to vector<16xi32>
    %lt3A_2336 = arith.cmpi slt, %add3A_2333, %lt3A_2335 : vector<16xi32>
    %add3A_2337 = arith.constant 16 : i32
    %add3A_2338 = vector.broadcast %add3A_2337 : i32 to vector<16xi32>
    %add3A_2339 = arith.addi %add3A_2333, %add3A_2338 : vector<16xi32>
    %select_n3A_2340 = arith.select %lt3A_2336, %add3A_2339, %add3A_2333 : vector<16xi1>, vector<16xi32>
    %broadcast_in_dim3A_2341 = vector.shape_cast %select_n3A_2340 : vector<16xi32> to vector<16x1xi32>
    %gather3A_2342 = vector.shape_cast %broadcast_in_dim3A_2341 : vector<16x1xi32> to vector<16xi32>
    %gather3A_2343 = tpu.dynamic_gather %add3A_2325[%gather3A_2342] in [0] : vector<16xi32>, vector<16xi32> -> vector<16xi32>
    %add3A_2344 = arith.addi %gather3A_1466, %gather3A_2343 : vector<16xi32>
    %add3A_2345 = arith.constant 7 : i32
    %add3A_2346 = vector.broadcast %add3A_2345 : i32 to vector<16xi32>
    %add3A_2347 = arith.addi %broadcast_in_dim3A_6, %add3A_2346 : vector<16xi32>
    %sub3A_2348 = arith.subi %get3A_1575, %add3A_2347 : vector<16xi32>
    %abs3A_2349 = math.absi %sub3A_2348 : vector<16xi32>
    %min3A_2350 = arith.minsi %abs3A_2349, %add3A_9 : vector<16xi32>
    %sub3A_2351 = arith.subi %add3A_9, %min3A_2350 : vector<16xi32>
    %sub3A_2352 = arith.constant 1 : i32
    %sub3A_2353 = vector.broadcast %sub3A_2352 : i32 to vector<16xi32>
    %sub3A_2354 = arith.subi %iota3A, %sub3A_2353 : vector<16xi32>
    %max3A_2355 = arith.maxsi %sub3A_2354, %broadcast_in_dim3A_6 : vector<16xi32>
    %lt3A_2356 = arith.constant 0 : i32
    %lt3A_2357 = vector.broadcast %lt3A_2356 : i32 to vector<16xi32>
    %lt3A_2358 = arith.cmpi slt, %max3A_2355, %lt3A_2357 : vector<16xi32>
    %add3A_2359 = arith.constant 16 : i32
    %add3A_2360 = vector.broadcast %add3A_2359 : i32 to vector<16xi32>
    %add3A_2361 = arith.addi %max3A_2355, %add3A_2360 : vector<16xi32>
    %select_n3A_2362 = arith.select %lt3A_2358, %add3A_2361, %max3A_2355 : vector<16xi1>, vector<16xi32>
    %broadcast_in_dim3A_2363 = vector.shape_cast %select_n3A_2362 : vector<16xi32> to vector<16x1xi32>
    %gather3A_2364 = vector.shape_cast %broadcast_in_dim3A_2363 : vector<16x1xi32> to vector<16xi32>
    %gather3A_2365 = tpu.dynamic_gather %sub3A_2351[%gather3A_2364] in [0] : vector<16xi32>, vector<16xi32> -> vector<16xi32>
    %sub3A_2366 = arith.constant 0 : i32
    %sub3A_2367 = vector.broadcast %sub3A_2366 : i32 to vector<16xi32>
    %sub3A_2368 = arith.subi %iota3A, %sub3A_2367 : vector<16xi32>
    %max3A_2369 = arith.maxsi %sub3A_2368, %broadcast_in_dim3A_6 : vector<16xi32>
    %min3A_2370 = arith.minsi %max3A_2369, %add3A_9 : vector<16xi32>
    %mul3A_2371 = arith.muli %gather3A_2365, %min3A_2370 : vector<16xi32>
    %add3A_2372 = arith.addi %sub3A_2351, %mul3A_2371 : vector<16xi32>
    %sub3A_2373 = arith.constant 2 : i32
    %sub3A_2374 = vector.broadcast %sub3A_2373 : i32 to vector<16xi32>
    %sub3A_2375 = arith.subi %iota3A, %sub3A_2374 : vector<16xi32>
    %max3A_2376 = arith.maxsi %sub3A_2375, %broadcast_in_dim3A_6 : vector<16xi32>
    %lt3A_2377 = arith.constant 0 : i32
    %lt3A_2378 = vector.broadcast %lt3A_2377 : i32 to vector<16xi32>
    %lt3A_2379 = arith.cmpi slt, %max3A_2376, %lt3A_2378 : vector<16xi32>
    %add3A_2380 = arith.constant 16 : i32
    %add3A_2381 = vector.broadcast %add3A_2380 : i32 to vector<16xi32>
    %add3A_2382 = arith.addi %max3A_2376, %add3A_2381 : vector<16xi32>
    %select_n3A_2383 = arith.select %lt3A_2379, %add3A_2382, %max3A_2376 : vector<16xi1>, vector<16xi32>
    %broadcast_in_dim3A_2384 = vector.shape_cast %select_n3A_2383 : vector<16xi32> to vector<16x1xi32>
    %gather3A_2385 = vector.shape_cast %broadcast_in_dim3A_2384 : vector<16x1xi32> to vector<16xi32>
    %gather3A_2386 = tpu.dynamic_gather %add3A_2372[%gather3A_2385] in [0] : vector<16xi32>, vector<16xi32> -> vector<16xi32>
    %sub3A_2387 = arith.constant 1 : i32
    %sub3A_2388 = vector.broadcast %sub3A_2387 : i32 to vector<16xi32>
    %sub3A_2389 = arith.subi %iota3A, %sub3A_2388 : vector<16xi32>
    %max3A_2390 = arith.maxsi %sub3A_2389, %broadcast_in_dim3A_6 : vector<16xi32>
    %min3A_2391 = arith.minsi %max3A_2390, %add3A_9 : vector<16xi32>
    %mul3A_2392 = arith.muli %gather3A_2386, %min3A_2391 : vector<16xi32>
    %add3A_2393 = arith.addi %add3A_2372, %mul3A_2392 : vector<16xi32>
    %sub3A_2394 = arith.constant 4 : i32
    %sub3A_2395 = vector.broadcast %sub3A_2394 : i32 to vector<16xi32>
    %sub3A_2396 = arith.subi %iota3A, %sub3A_2395 : vector<16xi32>
    %max3A_2397 = arith.maxsi %sub3A_2396, %broadcast_in_dim3A_6 : vector<16xi32>
    %lt3A_2398 = arith.constant 0 : i32
    %lt3A_2399 = vector.broadcast %lt3A_2398 : i32 to vector<16xi32>
    %lt3A_2400 = arith.cmpi slt, %max3A_2397, %lt3A_2399 : vector<16xi32>
    %add3A_2401 = arith.constant 16 : i32
    %add3A_2402 = vector.broadcast %add3A_2401 : i32 to vector<16xi32>
    %add3A_2403 = arith.addi %max3A_2397, %add3A_2402 : vector<16xi32>
    %select_n3A_2404 = arith.select %lt3A_2400, %add3A_2403, %max3A_2397 : vector<16xi1>, vector<16xi32>
    %broadcast_in_dim3A_2405 = vector.shape_cast %select_n3A_2404 : vector<16xi32> to vector<16x1xi32>
    %gather3A_2406 = vector.shape_cast %broadcast_in_dim3A_2405 : vector<16x1xi32> to vector<16xi32>
    %gather3A_2407 = tpu.dynamic_gather %add3A_2393[%gather3A_2406] in [0] : vector<16xi32>, vector<16xi32> -> vector<16xi32>
    %sub3A_2408 = arith.constant 3 : i32
    %sub3A_2409 = vector.broadcast %sub3A_2408 : i32 to vector<16xi32>
    %sub3A_2410 = arith.subi %iota3A, %sub3A_2409 : vector<16xi32>
    %max3A_2411 = arith.maxsi %sub3A_2410, %broadcast_in_dim3A_6 : vector<16xi32>
    %min3A_2412 = arith.minsi %max3A_2411, %add3A_9 : vector<16xi32>
    %mul3A_2413 = arith.muli %gather3A_2407, %min3A_2412 : vector<16xi32>
    %add3A_2414 = arith.addi %add3A_2393, %mul3A_2413 : vector<16xi32>
    %sub3A_2415 = arith.constant 8 : i32
    %sub3A_2416 = vector.broadcast %sub3A_2415 : i32 to vector<16xi32>
    %sub3A_2417 = arith.subi %iota3A, %sub3A_2416 : vector<16xi32>
    %max3A_2418 = arith.maxsi %sub3A_2417, %broadcast_in_dim3A_6 : vector<16xi32>
    %lt3A_2419 = arith.constant 0 : i32
    %lt3A_2420 = vector.broadcast %lt3A_2419 : i32 to vector<16xi32>
    %lt3A_2421 = arith.cmpi slt, %max3A_2418, %lt3A_2420 : vector<16xi32>
    %add3A_2422 = arith.constant 16 : i32
    %add3A_2423 = vector.broadcast %add3A_2422 : i32 to vector<16xi32>
    %add3A_2424 = arith.addi %max3A_2418, %add3A_2423 : vector<16xi32>
    %select_n3A_2425 = arith.select %lt3A_2421, %add3A_2424, %max3A_2418 : vector<16xi1>, vector<16xi32>
    %broadcast_in_dim3A_2426 = vector.shape_cast %select_n3A_2425 : vector<16xi32> to vector<16x1xi32>
    %gather3A_2427 = vector.shape_cast %broadcast_in_dim3A_2426 : vector<16x1xi32> to vector<16xi32>
    %gather3A_2428 = tpu.dynamic_gather %add3A_2414[%gather3A_2427] in [0] : vector<16xi32>, vector<16xi32> -> vector<16xi32>
    %sub3A_2429 = arith.constant 7 : i32
    %sub3A_2430 = vector.broadcast %sub3A_2429 : i32 to vector<16xi32>
    %sub3A_2431 = arith.subi %iota3A, %sub3A_2430 : vector<16xi32>
    %max3A_2432 = arith.maxsi %sub3A_2431, %broadcast_in_dim3A_6 : vector<16xi32>
    %min3A_2433 = arith.minsi %max3A_2432, %add3A_9 : vector<16xi32>
    %mul3A_2434 = arith.muli %gather3A_2428, %min3A_2433 : vector<16xi32>
    %add3A_2435 = arith.addi %add3A_2414, %mul3A_2434 : vector<16xi32>
    %add3A_2436 = arith.addi %add3A_1570, %gather3A_1563 : vector<16xi32>
    %add3A_2437 = arith.addi %add3A_2436, %add3A_2435 : vector<16xi32>
    %sub3A_2438 = arith.subi %add3A_2437, %add3A_9 : vector<16xi32>
    %mul3A_2439 = arith.muli %sub3A_2351, %sub3A_2438 : vector<16xi32>
    %add3A_2440 = arith.addi %add3A_2330, %mul3A_2439 : vector<16xi32>
    %add3A_2441 = arith.constant 15 : i32
    %add3A_2442 = vector.broadcast %add3A_2441 : i32 to vector<16xi32>
    %add3A_2443 = arith.addi %broadcast_in_dim3A_6, %add3A_2442 : vector<16xi32>
    %lt3A_2444 = arith.constant 0 : i32
    %lt3A_2445 = vector.broadcast %lt3A_2444 : i32 to vector<16xi32>
    %lt3A_2446 = arith.cmpi slt, %add3A_2443, %lt3A_2445 : vector<16xi32>
    %add3A_2447 = arith.constant 16 : i32
    %add3A_2448 = vector.broadcast %add3A_2447 : i32 to vector<16xi32>
    %add3A_2449 = arith.addi %add3A_2443, %add3A_2448 : vector<16xi32>
    %select_n3A_2450 = arith.select %lt3A_2446, %add3A_2449, %add3A_2443 : vector<16xi1>, vector<16xi32>
    %broadcast_in_dim3A_2451 = vector.shape_cast %select_n3A_2450 : vector<16xi32> to vector<16x1xi32>
    %gather3A_2452 = vector.shape_cast %broadcast_in_dim3A_2451 : vector<16x1xi32> to vector<16xi32>
    %gather3A_2453 = tpu.dynamic_gather %add3A_2435[%gather3A_2452] in [0] : vector<16xi32>, vector<16xi32> -> vector<16xi32>
    %add3A_2454 = arith.addi %gather3A_1563, %gather3A_2453 : vector<16xi32>
    %swap3A = arith.constant 0 : index
    %swap3A_2455 = tpu.vector_load %arg8[%swap3A] {strides = array<i32>} : memref<64xi32, #tpu.memory_space<vmem>>, vector<16xi32>,
    %swap3A_2456 = vector.shape_cast %swap3A_2455 : vector<16xi32> to vector<16xi32>
    %swap3A_2457 = vector.shape_cast %add3A_2440 : vector<16xi32> to vector<16xi32>
    tpu.vector_store %arg8[%swap3A], %swap3A_2457 {strides = array<i32>} : memref<64xi32, #tpu.memory_space<vmem>>, vector<16xi32>,
    %add3A_2458 = arith.constant 16 : i32
    %add3A_2459 = arith.addi %mul3A_2, %add3A_2458 : i32
    %get3A_2460 = arith.index_cast %add3A_2459 : i32 to index
    %get3A_2461 = tpu.vector_load %arg7[%get3A_2460] {strides = array<i32>} : memref<2048xi32, #tpu.memory_space<vmem>>, vector<16xi32>,
    %get3A_2462 = vector.shape_cast %get3A_2461 : vector<16xi32> to vector<16xi32>
    %add3A_2463 = arith.constant 0 : i32
    %add3A_2464 = vector.broadcast %add3A_2463 : i32 to vector<16xi32>
    %add3A_2465 = arith.addi %broadcast_in_dim3A_6, %add3A_2464 : vector<16xi32>
    %sub3A_2466 = arith.subi %get3A_2462, %add3A_2465 : vector<16xi32>
    %abs3A_2467 = math.absi %sub3A_2466 : vector<16xi32>
    %min3A_2468 = arith.minsi %abs3A_2467, %add3A_9 : vector<16xi32>
    %sub3A_2469 = arith.subi %add3A_9, %min3A_2468 : vector<16xi32>
    %sub3A_2470 = arith.constant 1 : i32
    %sub3A_2471 = vector.broadcast %sub3A_2470 : i32 to vector<16xi32>
    %sub3A_2472 = arith.subi %iota3A, %sub3A_2471 : vector<16xi32>
    %max3A_2473 = arith.maxsi %sub3A_2472, %broadcast_in_dim3A_6 : vector<16xi32>
    %lt3A_2474 = arith.constant 0 : i32
    %lt3A_2475 = vector.broadcast %lt3A_2474 : i32 to vector<16xi32>
    %lt3A_2476 = arith.cmpi slt, %max3A_2473, %lt3A_2475 : vector<16xi32>
    %add3A_2477 = arith.constant 16 : i32
    %add3A_2478 = vector.broadcast %add3A_2477 : i32 to vector<16xi32>
    %add3A_2479 = arith.addi %max3A_2473, %add3A_2478 : vector<16xi32>
    %select_n3A_2480 = arith.select %lt3A_2476, %add3A_2479, %max3A_2473 : vector<16xi1>, vector<16xi32>
    %broadcast_in_dim3A_2481 = vector.shape_cast %select_n3A_2480 : vector<16xi32> to vector<16x1xi32>
    %gather3A_2482 = vector.shape_cast %broadcast_in_dim3A_2481 : vector<16x1xi32> to vector<16xi32>
    %gather3A_2483 = tpu.dynamic_gather %sub3A_2469[%gather3A_2482] in [0] : vector<16xi32>, vector<16xi32> -> vector<16xi32>
    %sub3A_2484 = arith.constant 0 : i32
    %sub3A_2485 = vector.broadcast %sub3A_2484 : i32 to vector<16xi32>
    %sub3A_2486 = arith.subi %iota3A, %sub3A_2485 : vector<16xi32>
    %max3A_2487 = arith.maxsi %sub3A_2486, %broadcast_in_dim3A_6 : vector<16xi32>
    %min3A_2488 = arith.minsi %max3A_2487, %add3A_9 : vector<16xi32>
    %mul3A_2489 = arith.muli %gather3A_2483, %min3A_2488 : vector<16xi32>
    %add3A_2490 = arith.addi %sub3A_2469, %mul3A_2489 : vector<16xi32>
    %sub3A_2491 = arith.constant 2 : i32
    %sub3A_2492 = vector.broadcast %sub3A_2491 : i32 to vector<16xi32>
    %sub3A_2493 = arith.subi %iota3A, %sub3A_2492 : vector<16xi32>
    %max3A_2494 = arith.maxsi %sub3A_2493, %broadcast_in_dim3A_6 : vector<16xi32>
    %lt3A_2495 = arith.constant 0 : i32
    %lt3A_2496 = vector.broadcast %lt3A_2495 : i32 to vector<16xi32>
    %lt3A_2497 = arith.cmpi slt, %max3A_2494, %lt3A_2496 : vector<16xi32>
    %add3A_2498 = arith.constant 16 : i32
    %add3A_2499 = vector.broadcast %add3A_2498 : i32 to vector<16xi32>
    %add3A_2500 = arith.addi %max3A_2494, %add3A_2499 : vector<16xi32>
    %select_n3A_2501 = arith.select %lt3A_2497, %add3A_2500, %max3A_2494 : vector<16xi1>, vector<16xi32>
    %broadcast_in_dim3A_2502 = vector.shape_cast %select_n3A_2501 : vector<16xi32> to vector<16x1xi32>
    %gather3A_2503 = vector.shape_cast %broadcast_in_dim3A_2502 : vector<16x1xi32> to vector<16xi32>
    %gather3A_2504 = tpu.dynamic_gather %add3A_2490[%gather3A_2503] in [0] : vector<16xi32>, vector<16xi32> -> vector<16xi32>
    %sub3A_2505 = arith.constant 1 : i32
    %sub3A_2506 = vector.broadcast %sub3A_2505 : i32 to vector<16xi32>
    %sub3A_2507 = arith.subi %iota3A, %sub3A_2506 : vector<16xi32>
    %max3A_2508 = arith.maxsi %sub3A_2507, %broadcast_in_dim3A_6 : vector<16xi32>
    %min3A_2509 = arith.minsi %max3A_2508, %add3A_9 : vector<16xi32>
    %mul3A_2510 = arith.muli %gather3A_2504, %min3A_2509 : vector<16xi32>
    %add3A_2511 = arith.addi %add3A_2490, %mul3A_2510 : vector<16xi32>
    %sub3A_2512 = arith.constant 4 : i32
    %sub3A_2513 = vector.broadcast %sub3A_2512 : i32 to vector<16xi32>
    %sub3A_2514 = arith.subi %iota3A, %sub3A_2513 : vector<16xi32>
    %max3A_2515 = arith.maxsi %sub3A_2514, %broadcast_in_dim3A_6 : vector<16xi32>
    %lt3A_2516 = arith.constant 0 : i32
    %lt3A_2517 = vector.broadcast %lt3A_2516 : i32 to vector<16xi32>
    %lt3A_2518 = arith.cmpi slt, %max3A_2515, %lt3A_2517 : vector<16xi32>
    %add3A_2519 = arith.constant 16 : i32
    %add3A_2520 = vector.broadcast %add3A_2519 : i32 to vector<16xi32>
    %add3A_2521 = arith.addi %max3A_2515, %add3A_2520 : vector<16xi32>
    %select_n3A_2522 = arith.select %lt3A_2518, %add3A_2521, %max3A_2515 : vector<16xi1>, vector<16xi32>
    %broadcast_in_dim3A_2523 = vector.shape_cast %select_n3A_2522 : vector<16xi32> to vector<16x1xi32>
    %gather3A_2524 = vector.shape_cast %broadcast_in_dim3A_2523 : vector<16x1xi32> to vector<16xi32>
    %gather3A_2525 = tpu.dynamic_gather %add3A_2511[%gather3A_2524] in [0] : vector<16xi32>, vector<16xi32> -> vector<16xi32>
    %sub3A_2526 = arith.constant 3 : i32
    %sub3A_2527 = vector.broadcast %sub3A_2526 : i32 to vector<16xi32>
    %sub3A_2528 = arith.subi %iota3A, %sub3A_2527 : vector<16xi32>
    %max3A_2529 = arith.maxsi %sub3A_2528, %broadcast_in_dim3A_6 : vector<16xi32>
    %min3A_2530 = arith.minsi %max3A_2529, %add3A_9 : vector<16xi32>
    %mul3A_2531 = arith.muli %gather3A_2525, %min3A_2530 : vector<16xi32>
    %add3A_2532 = arith.addi %add3A_2511, %mul3A_2531 : vector<16xi32>
    %sub3A_2533 = arith.constant 8 : i32
    %sub3A_2534 = vector.broadcast %sub3A_2533 : i32 to vector<16xi32>
    %sub3A_2535 = arith.subi %iota3A, %sub3A_2534 : vector<16xi32>
    %max3A_2536 = arith.maxsi %sub3A_2535, %broadcast_in_dim3A_6 : vector<16xi32>
    %lt3A_2537 = arith.constant 0 : i32
    %lt3A_2538 = vector.broadcast %lt3A_2537 : i32 to vector<16xi32>
    %lt3A_2539 = arith.cmpi slt, %max3A_2536, %lt3A_2538 : vector<16xi32>
    %add3A_2540 = arith.constant 16 : i32
    %add3A_2541 = vector.broadcast %add3A_2540 : i32 to vector<16xi32>
    %add3A_2542 = arith.addi %max3A_2536, %add3A_2541 : vector<16xi32>
    %select_n3A_2543 = arith.select %lt3A_2539, %add3A_2542, %max3A_2536 : vector<16xi1>, vector<16xi32>
    %broadcast_in_dim3A_2544 = vector.shape_cast %select_n3A_2543 : vector<16xi32> to vector<16x1xi32>
    %gather3A_2545 = vector.shape_cast %broadcast_in_dim3A_2544 : vector<16x1xi32> to vector<16xi32>
    %gather3A_2546 = tpu.dynamic_gather %add3A_2532[%gather3A_2545] in [0] : vector<16xi32>, vector<16xi32> -> vector<16xi32>
    %sub3A_2547 = arith.constant 7 : i32
    %sub3A_2548 = vector.broadcast %sub3A_2547 : i32 to vector<16xi32>
    %sub3A_2549 = arith.subi %iota3A, %sub3A_2548 : vector<16xi32>
    %max3A_2550 = arith.maxsi %sub3A_2549, %broadcast_in_dim3A_6 : vector<16xi32>
    %min3A_2551 = arith.minsi %max3A_2550, %add3A_9 : vector<16xi32>
    %mul3A_2552 = arith.muli %gather3A_2546, %min3A_2551 : vector<16xi32>
    %add3A_2553 = arith.addi %add3A_2532, %mul3A_2552 : vector<16xi32>
    %add3A_2554 = arith.addi %broadcast_in_dim3A_6, %add3A_1684 : vector<16xi32>
    %add3A_2555 = arith.addi %add3A_2554, %add3A_2553 : vector<16xi32>
    %sub3A_2556 = arith.subi %add3A_2555, %add3A_9 : vector<16xi32>
    %mul3A_2557 = arith.muli %sub3A_2469, %sub3A_2556 : vector<16xi32>
    %add3A_2558 = arith.addi %broadcast_in_dim3A_6, %mul3A_2557 : vector<16xi32>
    %add3A_2559 = arith.constant 15 : i32
    %add3A_2560 = vector.broadcast %add3A_2559 : i32 to vector<16xi32>
    %add3A_2561 = arith.addi %broadcast_in_dim3A_6, %add3A_2560 : vector<16xi32>
    %lt3A_2562 = arith.constant 0 : i32
    %lt3A_2563 = vector.broadcast %lt3A_2562 : i32 to vector<16xi32>
    %lt3A_2564 = arith.cmpi slt, %add3A_2561, %lt3A_2563 : vector<16xi32>
    %add3A_2565 = arith.constant 16 : i32
    %add3A_2566 = vector.broadcast %add3A_2565 : i32 to vector<16xi32>
    %add3A_2567 = arith.addi %add3A_2561, %add3A_2566 : vector<16xi32>
    %select_n3A_2568 = arith.select %lt3A_2564, %add3A_2567, %add3A_2561 : vector<16xi1>, vector<16xi32>
    %broadcast_in_dim3A_2569 = vector.shape_cast %select_n3A_2568 : vector<16xi32> to vector<16x1xi32>
    %gather3A_2570 = vector.shape_cast %broadcast_in_dim3A_2569 : vector<16x1xi32> to vector<16xi32>
    %gather3A_2571 = tpu.dynamic_gather %add3A_2553[%gather3A_2570] in [0] : vector<16xi32>, vector<16xi32> -> vector<16xi32>
    %add3A_2572 = arith.addi %add3A_1684, %gather3A_2571 : vector<16xi32>
    %add3A_2573 = arith.constant 1 : i32
    %add3A_2574 = vector.broadcast %add3A_2573 : i32 to vector<16xi32>
    %add3A_2575 = arith.addi %broadcast_in_dim3A_6, %add3A_2574 : vector<16xi32>
    %sub3A_2576 = arith.subi %get3A_2462, %add3A_2575 : vector<16xi32>
    %abs3A_2577 = math.absi %sub3A_2576 : vector<16xi32>
    %min3A_2578 = arith.minsi %abs3A_2577, %add3A_9 : vector<16xi32>
    %sub3A_2579 = arith.subi %add3A_9, %min3A_2578 : vector<16xi32>
    %sub3A_2580 = arith.constant 1 : i32
    %sub3A_2581 = vector.broadcast %sub3A_2580 : i32 to vector<16xi32>
    %sub3A_2582 = arith.subi %iota3A, %sub3A_2581 : vector<16xi32>
    %max3A_2583 = arith.maxsi %sub3A_2582, %broadcast_in_dim3A_6 : vector<16xi32>
    %lt3A_2584 = arith.constant 0 : i32
    %lt3A_2585 = vector.broadcast %lt3A_2584 : i32 to vector<16xi32>
    %lt3A_2586 = arith.cmpi slt, %max3A_2583, %lt3A_2585 : vector<16xi32>
    %add3A_2587 = arith.constant 16 : i32
    %add3A_2588 = vector.broadcast %add3A_2587 : i32 to vector<16xi32>
    %add3A_2589 = arith.addi %max3A_2583, %add3A_2588 : vector<16xi32>
    %select_n3A_2590 = arith.select %lt3A_2586, %add3A_2589, %max3A_2583 : vector<16xi1>, vector<16xi32>
    %broadcast_in_dim3A_2591 = vector.shape_cast %select_n3A_2590 : vector<16xi32> to vector<16x1xi32>
    %gather3A_2592 = vector.shape_cast %broadcast_in_dim3A_2591 : vector<16x1xi32> to vector<16xi32>
    %gather3A_2593 = tpu.dynamic_gather %sub3A_2579[%gather3A_2592] in [0] : vector<16xi32>, vector<16xi32> -> vector<16xi32>
    %sub3A_2594 = arith.constant 0 : i32
    %sub3A_2595 = vector.broadcast %sub3A_2594 : i32 to vector<16xi32>
    %sub3A_2596 = arith.subi %iota3A, %sub3A_2595 : vector<16xi32>
    %max3A_2597 = arith.maxsi %sub3A_2596, %broadcast_in_dim3A_6 : vector<16xi32>
    %min3A_2598 = arith.minsi %max3A_2597, %add3A_9 : vector<16xi32>
    %mul3A_2599 = arith.muli %gather3A_2593, %min3A_2598 : vector<16xi32>
    %add3A_2600 = arith.addi %sub3A_2579, %mul3A_2599 : vector<16xi32>
    %sub3A_2601 = arith.constant 2 : i32
    %sub3A_2602 = vector.broadcast %sub3A_2601 : i32 to vector<16xi32>
    %sub3A_2603 = arith.subi %iota3A, %sub3A_2602 : vector<16xi32>
    %max3A_2604 = arith.maxsi %sub3A_2603, %broadcast_in_dim3A_6 : vector<16xi32>
    %lt3A_2605 = arith.constant 0 : i32
    %lt3A_2606 = vector.broadcast %lt3A_2605 : i32 to vector<16xi32>
    %lt3A_2607 = arith.cmpi slt, %max3A_2604, %lt3A_2606 : vector<16xi32>
    %add3A_2608 = arith.constant 16 : i32
    %add3A_2609 = vector.broadcast %add3A_2608 : i32 to vector<16xi32>
    %add3A_2610 = arith.addi %max3A_2604, %add3A_2609 : vector<16xi32>
    %select_n3A_2611 = arith.select %lt3A_2607, %add3A_2610, %max3A_2604 : vector<16xi1>, vector<16xi32>
    %broadcast_in_dim3A_2612 = vector.shape_cast %select_n3A_2611 : vector<16xi32> to vector<16x1xi32>
    %gather3A_2613 = vector.shape_cast %broadcast_in_dim3A_2612 : vector<16x1xi32> to vector<16xi32>
    %gather3A_2614 = tpu.dynamic_gather %add3A_2600[%gather3A_2613] in [0] : vector<16xi32>, vector<16xi32> -> vector<16xi32>
    %sub3A_2615 = arith.constant 1 : i32
    %sub3A_2616 = vector.broadcast %sub3A_2615 : i32 to vector<16xi32>
    %sub3A_2617 = arith.subi %iota3A, %sub3A_2616 : vector<16xi32>
    %max3A_2618 = arith.maxsi %sub3A_2617, %broadcast_in_dim3A_6 : vector<16xi32>
    %min3A_2619 = arith.minsi %max3A_2618, %add3A_9 : vector<16xi32>
    %mul3A_2620 = arith.muli %gather3A_2614, %min3A_2619 : vector<16xi32>
    %add3A_2621 = arith.addi %add3A_2600, %mul3A_2620 : vector<16xi32>
    %sub3A_2622 = arith.constant 4 : i32
    %sub3A_2623 = vector.broadcast %sub3A_2622 : i32 to vector<16xi32>
    %sub3A_2624 = arith.subi %iota3A, %sub3A_2623 : vector<16xi32>
    %max3A_2625 = arith.maxsi %sub3A_2624, %broadcast_in_dim3A_6 : vector<16xi32>
    %lt3A_2626 = arith.constant 0 : i32
    %lt3A_2627 = vector.broadcast %lt3A_2626 : i32 to vector<16xi32>
    %lt3A_2628 = arith.cmpi slt, %max3A_2625, %lt3A_2627 : vector<16xi32>
    %add3A_2629 = arith.constant 16 : i32
    %add3A_2630 = vector.broadcast %add3A_2629 : i32 to vector<16xi32>
    %add3A_2631 = arith.addi %max3A_2625, %add3A_2630 : vector<16xi32>
    %select_n3A_2632 = arith.select %lt3A_2628, %add3A_2631, %max3A_2625 : vector<16xi1>, vector<16xi32>
    %broadcast_in_dim3A_2633 = vector.shape_cast %select_n3A_2632 : vector<16xi32> to vector<16x1xi32>
    %gather3A_2634 = vector.shape_cast %broadcast_in_dim3A_2633 : vector<16x1xi32> to vector<16xi32>
    %gather3A_2635 = tpu.dynamic_gather %add3A_2621[%gather3A_2634] in [0] : vector<16xi32>, vector<16xi32> -> vector<16xi32>
    %sub3A_2636 = arith.constant 3 : i32
    %sub3A_2637 = vector.broadcast %sub3A_2636 : i32 to vector<16xi32>
    %sub3A_2638 = arith.subi %iota3A, %sub3A_2637 : vector<16xi32>
    %max3A_2639 = arith.maxsi %sub3A_2638, %broadcast_in_dim3A_6 : vector<16xi32>
    %min3A_2640 = arith.minsi %max3A_2639, %add3A_9 : vector<16xi32>
    %mul3A_2641 = arith.muli %gather3A_2635, %min3A_2640 : vector<16xi32>
    %add3A_2642 = arith.addi %add3A_2621, %mul3A_2641 : vector<16xi32>
    %sub3A_2643 = arith.constant 8 : i32
    %sub3A_2644 = vector.broadcast %sub3A_2643 : i32 to vector<16xi32>
    %sub3A_2645 = arith.subi %iota3A, %sub3A_2644 : vector<16xi32>
    %max3A_2646 = arith.maxsi %sub3A_2645, %broadcast_in_dim3A_6 : vector<16xi32>
    %lt3A_2647 = arith.constant 0 : i32
    %lt3A_2648 = vector.broadcast %lt3A_2647 : i32 to vector<16xi32>
    %lt3A_2649 = arith.cmpi slt, %max3A_2646, %lt3A_2648 : vector<16xi32>
    %add3A_2650 = arith.constant 16 : i32
    %add3A_2651 = vector.broadcast %add3A_2650 : i32 to vector<16xi32>
    %add3A_2652 = arith.addi %max3A_2646, %add3A_2651 : vector<16xi32>
    %select_n3A_2653 = arith.select %lt3A_2649, %add3A_2652, %max3A_2646 : vector<16xi1>, vector<16xi32>
    %broadcast_in_dim3A_2654 = vector.shape_cast %select_n3A_2653 : vector<16xi32> to vector<16x1xi32>
    %gather3A_2655 = vector.shape_cast %broadcast_in_dim3A_2654 : vector<16x1xi32> to vector<16xi32>
    %gather3A_2656 = tpu.dynamic_gather %add3A_2642[%gather3A_2655] in [0] : vector<16xi32>, vector<16xi32> -> vector<16xi32>
    %sub3A_2657 = arith.constant 7 : i32
    %sub3A_2658 = vector.broadcast %sub3A_2657 : i32 to vector<16xi32>
    %sub3A_2659 = arith.subi %iota3A, %sub3A_2658 : vector<16xi32>
    %max3A_2660 = arith.maxsi %sub3A_2659, %broadcast_in_dim3A_6 : vector<16xi32>
    %min3A_2661 = arith.minsi %max3A_2660, %add3A_9 : vector<16xi32>
    %mul3A_2662 = arith.muli %gather3A_2656, %min3A_2661 : vector<16xi32>
    %add3A_2663 = arith.addi %add3A_2642, %mul3A_2662 : vector<16xi32>
    %add3A_2664 = arith.addi %add3A_1564, %add3A_1794 : vector<16xi32>
    %add3A_2665 = arith.addi %add3A_2664, %add3A_2663 : vector<16xi32>
    %sub3A_2666 = arith.subi %add3A_2665, %add3A_9 : vector<16xi32>
    %mul3A_2667 = arith.muli %sub3A_2579, %sub3A_2666 : vector<16xi32>
    %add3A_2668 = arith.addi %add3A_2558, %mul3A_2667 : vector<16xi32>
    %add3A_2669 = arith.constant 15 : i32
    %add3A_2670 = vector.broadcast %add3A_2669 : i32 to vector<16xi32>
    %add3A_2671 = arith.addi %broadcast_in_dim3A_6, %add3A_2670 : vector<16xi32>
    %lt3A_2672 = arith.constant 0 : i32
    %lt3A_2673 = vector.broadcast %lt3A_2672 : i32 to vector<16xi32>
    %lt3A_2674 = arith.cmpi slt, %add3A_2671, %lt3A_2673 : vector<16xi32>
    %add3A_2675 = arith.constant 16 : i32
    %add3A_2676 = vector.broadcast %add3A_2675 : i32 to vector<16xi32>
    %add3A_2677 = arith.addi %add3A_2671, %add3A_2676 : vector<16xi32>
    %select_n3A_2678 = arith.select %lt3A_2674, %add3A_2677, %add3A_2671 : vector<16xi1>, vector<16xi32>
    %broadcast_in_dim3A_2679 = vector.shape_cast %select_n3A_2678 : vector<16xi32> to vector<16x1xi32>
    %gather3A_2680 = vector.shape_cast %broadcast_in_dim3A_2679 : vector<16x1xi32> to vector<16xi32>
    %gather3A_2681 = tpu.dynamic_gather %add3A_2663[%gather3A_2680] in [0] : vector<16xi32>, vector<16xi32> -> vector<16xi32>
    %add3A_2682 = arith.addi %add3A_1794, %gather3A_2681 : vector<16xi32>
    %add3A_2683 = arith.constant 2 : i32
    %add3A_2684 = vector.broadcast %add3A_2683 : i32 to vector<16xi32>
    %add3A_2685 = arith.addi %broadcast_in_dim3A_6, %add3A_2684 : vector<16xi32>
    %sub3A_2686 = arith.subi %get3A_2462, %add3A_2685 : vector<16xi32>
    %abs3A_2687 = math.absi %sub3A_2686 : vector<16xi32>
    %min3A_2688 = arith.minsi %abs3A_2687, %add3A_9 : vector<16xi32>
    %sub3A_2689 = arith.subi %add3A_9, %min3A_2688 : vector<16xi32>
    %sub3A_2690 = arith.constant 1 : i32
    %sub3A_2691 = vector.broadcast %sub3A_2690 : i32 to vector<16xi32>
    %sub3A_2692 = arith.subi %iota3A, %sub3A_2691 : vector<16xi32>
    %max3A_2693 = arith.maxsi %sub3A_2692, %broadcast_in_dim3A_6 : vector<16xi32>
    %lt3A_2694 = arith.constant 0 : i32
    %lt3A_2695 = vector.broadcast %lt3A_2694 : i32 to vector<16xi32>
    %lt3A_2696 = arith.cmpi slt, %max3A_2693, %lt3A_2695 : vector<16xi32>
    %add3A_2697 = arith.constant 16 : i32
    %add3A_2698 = vector.broadcast %add3A_2697 : i32 to vector<16xi32>
    %add3A_2699 = arith.addi %max3A_2693, %add3A_2698 : vector<16xi32>
    %select_n3A_2700 = arith.select %lt3A_2696, %add3A_2699, %max3A_2693 : vector<16xi1>, vector<16xi32>
    %broadcast_in_dim3A_2701 = vector.shape_cast %select_n3A_2700 : vector<16xi32> to vector<16x1xi32>
    %gather3A_2702 = vector.shape_cast %broadcast_in_dim3A_2701 : vector<16x1xi32> to vector<16xi32>
    %gather3A_2703 = tpu.dynamic_gather %sub3A_2689[%gather3A_2702] in [0] : vector<16xi32>, vector<16xi32> -> vector<16xi32>
    %sub3A_2704 = arith.constant 0 : i32
    %sub3A_2705 = vector.broadcast %sub3A_2704 : i32 to vector<16xi32>
    %sub3A_2706 = arith.subi %iota3A, %sub3A_2705 : vector<16xi32>
    %max3A_2707 = arith.maxsi %sub3A_2706, %broadcast_in_dim3A_6 : vector<16xi32>
    %min3A_2708 = arith.minsi %max3A_2707, %add3A_9 : vector<16xi32>
    %mul3A_2709 = arith.muli %gather3A_2703, %min3A_2708 : vector<16xi32>
    %add3A_2710 = arith.addi %sub3A_2689, %mul3A_2709 : vector<16xi32>
    %sub3A_2711 = arith.constant 2 : i32
    %sub3A_2712 = vector.broadcast %sub3A_2711 : i32 to vector<16xi32>
    %sub3A_2713 = arith.subi %iota3A, %sub3A_2712 : vector<16xi32>
    %max3A_2714 = arith.maxsi %sub3A_2713, %broadcast_in_dim3A_6 : vector<16xi32>
    %lt3A_2715 = arith.constant 0 : i32
    %lt3A_2716 = vector.broadcast %lt3A_2715 : i32 to vector<16xi32>
    %lt3A_2717 = arith.cmpi slt, %max3A_2714, %lt3A_2716 : vector<16xi32>
    %add3A_2718 = arith.constant 16 : i32
    %add3A_2719 = vector.broadcast %add3A_2718 : i32 to vector<16xi32>
    %add3A_2720 = arith.addi %max3A_2714, %add3A_2719 : vector<16xi32>
    %select_n3A_2721 = arith.select %lt3A_2717, %add3A_2720, %max3A_2714 : vector<16xi1>, vector<16xi32>
    %broadcast_in_dim3A_2722 = vector.shape_cast %select_n3A_2721 : vector<16xi32> to vector<16x1xi32>
    %gather3A_2723 = vector.shape_cast %broadcast_in_dim3A_2722 : vector<16x1xi32> to vector<16xi32>
    %gather3A_2724 = tpu.dynamic_gather %add3A_2710[%gather3A_2723] in [0] : vector<16xi32>, vector<16xi32> -> vector<16xi32>
    %sub3A_2725 = arith.constant 1 : i32
    %sub3A_2726 = vector.broadcast %sub3A_2725 : i32 to vector<16xi32>
    %sub3A_2727 = arith.subi %iota3A, %sub3A_2726 : vector<16xi32>
    %max3A_2728 = arith.maxsi %sub3A_2727, %broadcast_in_dim3A_6 : vector<16xi32>
    %min3A_2729 = arith.minsi %max3A_2728, %add3A_9 : vector<16xi32>
    %mul3A_2730 = arith.muli %gather3A_2724, %min3A_2729 : vector<16xi32>
    %add3A_2731 = arith.addi %add3A_2710, %mul3A_2730 : vector<16xi32>
    %sub3A_2732 = arith.constant 4 : i32
    %sub3A_2733 = vector.broadcast %sub3A_2732 : i32 to vector<16xi32>
    %sub3A_2734 = arith.subi %iota3A, %sub3A_2733 : vector<16xi32>
    %max3A_2735 = arith.maxsi %sub3A_2734, %broadcast_in_dim3A_6 : vector<16xi32>
    %lt3A_2736 = arith.constant 0 : i32
    %lt3A_2737 = vector.broadcast %lt3A_2736 : i32 to vector<16xi32>
    %lt3A_2738 = arith.cmpi slt, %max3A_2735, %lt3A_2737 : vector<16xi32>
    %add3A_2739 = arith.constant 16 : i32
    %add3A_2740 = vector.broadcast %add3A_2739 : i32 to vector<16xi32>
    %add3A_2741 = arith.addi %max3A_2735, %add3A_2740 : vector<16xi32>
    %select_n3A_2742 = arith.select %lt3A_2738, %add3A_2741, %max3A_2735 : vector<16xi1>, vector<16xi32>
    %broadcast_in_dim3A_2743 = vector.shape_cast %select_n3A_2742 : vector<16xi32> to vector<16x1xi32>
    %gather3A_2744 = vector.shape_cast %broadcast_in_dim3A_2743 : vector<16x1xi32> to vector<16xi32>
    %gather3A_2745 = tpu.dynamic_gather %add3A_2731[%gather3A_2744] in [0] : vector<16xi32>, vector<16xi32> -> vector<16xi32>
    %sub3A_2746 = arith.constant 3 : i32
    %sub3A_2747 = vector.broadcast %sub3A_2746 : i32 to vector<16xi32>
    %sub3A_2748 = arith.subi %iota3A, %sub3A_2747 : vector<16xi32>
    %max3A_2749 = arith.maxsi %sub3A_2748, %broadcast_in_dim3A_6 : vector<16xi32>
    %min3A_2750 = arith.minsi %max3A_2749, %add3A_9 : vector<16xi32>
    %mul3A_2751 = arith.muli %gather3A_2745, %min3A_2750 : vector<16xi32>
    %add3A_2752 = arith.addi %add3A_2731, %mul3A_2751 : vector<16xi32>
    %sub3A_2753 = arith.constant 8 : i32
    %sub3A_2754 = vector.broadcast %sub3A_2753 : i32 to vector<16xi32>
    %sub3A_2755 = arith.subi %iota3A, %sub3A_2754 : vector<16xi32>
    %max3A_2756 = arith.maxsi %sub3A_2755, %broadcast_in_dim3A_6 : vector<16xi32>
    %lt3A_2757 = arith.constant 0 : i32
    %lt3A_2758 = vector.broadcast %lt3A_2757 : i32 to vector<16xi32>
    %lt3A_2759 = arith.cmpi slt, %max3A_2756, %lt3A_2758 : vector<16xi32>
    %add3A_2760 = arith.constant 16 : i32
    %add3A_2761 = vector.broadcast %add3A_2760 : i32 to vector<16xi32>
    %add3A_2762 = arith.addi %max3A_2756, %add3A_2761 : vector<16xi32>
    %select_n3A_2763 = arith.select %lt3A_2759, %add3A_2762, %max3A_2756 : vector<16xi1>, vector<16xi32>
    %broadcast_in_dim3A_2764 = vector.shape_cast %select_n3A_2763 : vector<16xi32> to vector<16x1xi32>
    %gather3A_2765 = vector.shape_cast %broadcast_in_dim3A_2764 : vector<16x1xi32> to vector<16xi32>
    %gather3A_2766 = tpu.dynamic_gather %add3A_2752[%gather3A_2765] in [0] : vector<16xi32>, vector<16xi32> -> vector<16xi32>
    %sub3A_2767 = arith.constant 7 : i32
    %sub3A_2768 = vector.broadcast %sub3A_2767 : i32 to vector<16xi32>
    %sub3A_2769 = arith.subi %iota3A, %sub3A_2768 : vector<16xi32>
    %max3A_2770 = arith.maxsi %sub3A_2769, %broadcast_in_dim3A_6 : vector<16xi32>
    %min3A_2771 = arith.minsi %max3A_2770, %add3A_9 : vector<16xi32>
    %mul3A_2772 = arith.muli %gather3A_2766, %min3A_2771 : vector<16xi32>
    %add3A_2773 = arith.addi %add3A_2752, %mul3A_2772 : vector<16xi32>
    %add3A_2774 = arith.addi %add3A_1565, %add3A_1904 : vector<16xi32>
    %add3A_2775 = arith.addi %add3A_2774, %add3A_2773 : vector<16xi32>
    %sub3A_2776 = arith.subi %add3A_2775, %add3A_9 : vector<16xi32>
    %mul3A_2777 = arith.muli %sub3A_2689, %sub3A_2776 : vector<16xi32>
    %add3A_2778 = arith.addi %add3A_2668, %mul3A_2777 : vector<16xi32>
    %add3A_2779 = arith.constant 15 : i32
    %add3A_2780 = vector.broadcast %add3A_2779 : i32 to vector<16xi32>
    %add3A_2781 = arith.addi %broadcast_in_dim3A_6, %add3A_2780 : vector<16xi32>
    %lt3A_2782 = arith.constant 0 : i32
    %lt3A_2783 = vector.broadcast %lt3A_2782 : i32 to vector<16xi32>
    %lt3A_2784 = arith.cmpi slt, %add3A_2781, %lt3A_2783 : vector<16xi32>
    %add3A_2785 = arith.constant 16 : i32
    %add3A_2786 = vector.broadcast %add3A_2785 : i32 to vector<16xi32>
    %add3A_2787 = arith.addi %add3A_2781, %add3A_2786 : vector<16xi32>
    %select_n3A_2788 = arith.select %lt3A_2784, %add3A_2787, %add3A_2781 : vector<16xi1>, vector<16xi32>
    %broadcast_in_dim3A_2789 = vector.shape_cast %select_n3A_2788 : vector<16xi32> to vector<16x1xi32>
    %gather3A_2790 = vector.shape_cast %broadcast_in_dim3A_2789 : vector<16x1xi32> to vector<16xi32>
    %gather3A_2791 = tpu.dynamic_gather %add3A_2773[%gather3A_2790] in [0] : vector<16xi32>, vector<16xi32> -> vector<16xi32>
    %add3A_2792 = arith.addi %add3A_1904, %gather3A_2791 : vector<16xi32>
    %add3A_2793 = arith.constant 3 : i32
    %add3A_2794 = vector.broadcast %add3A_2793 : i32 to vector<16xi32>
    %add3A_2795 = arith.addi %broadcast_in_dim3A_6, %add3A_2794 : vector<16xi32>
    %sub3A_2796 = arith.subi %get3A_2462, %add3A_2795 : vector<16xi32>
    %abs3A_2797 = math.absi %sub3A_2796 : vector<16xi32>
    %min3A_2798 = arith.minsi %abs3A_2797, %add3A_9 : vector<16xi32>
    %sub3A_2799 = arith.subi %add3A_9, %min3A_2798 : vector<16xi32>
    %sub3A_2800 = arith.constant 1 : i32
    %sub3A_2801 = vector.broadcast %sub3A_2800 : i32 to vector<16xi32>
    %sub3A_2802 = arith.subi %iota3A, %sub3A_2801 : vector<16xi32>
    %max3A_2803 = arith.maxsi %sub3A_2802, %broadcast_in_dim3A_6 : vector<16xi32>
    %lt3A_2804 = arith.constant 0 : i32
    %lt3A_2805 = vector.broadcast %lt3A_2804 : i32 to vector<16xi32>
    %lt3A_2806 = arith.cmpi slt, %max3A_2803, %lt3A_2805 : vector<16xi32>
    %add3A_2807 = arith.constant 16 : i32
    %add3A_2808 = vector.broadcast %add3A_2807 : i32 to vector<16xi32>
    %add3A_2809 = arith.addi %max3A_2803, %add3A_2808 : vector<16xi32>
    %select_n3A_2810 = arith.select %lt3A_2806, %add3A_2809, %max3A_2803 : vector<16xi1>, vector<16xi32>
    %broadcast_in_dim3A_2811 = vector.shape_cast %select_n3A_2810 : vector<16xi32> to vector<16x1xi32>
    %gather3A_2812 = vector.shape_cast %broadcast_in_dim3A_2811 : vector<16x1xi32> to vector<16xi32>
    %gather3A_2813 = tpu.dynamic_gather %sub3A_2799[%gather3A_2812] in [0] : vector<16xi32>, vector<16xi32> -> vector<16xi32>
    %sub3A_2814 = arith.constant 0 : i32
    %sub3A_2815 = vector.broadcast %sub3A_2814 : i32 to vector<16xi32>
    %sub3A_2816 = arith.subi %iota3A, %sub3A_2815 : vector<16xi32>
    %max3A_2817 = arith.maxsi %sub3A_2816, %broadcast_in_dim3A_6 : vector<16xi32>
    %min3A_2818 = arith.minsi %max3A_2817, %add3A_9 : vector<16xi32>
    %mul3A_2819 = arith.muli %gather3A_2813, %min3A_2818 : vector<16xi32>
    %add3A_2820 = arith.addi %sub3A_2799, %mul3A_2819 : vector<16xi32>
    %sub3A_2821 = arith.constant 2 : i32
    %sub3A_2822 = vector.broadcast %sub3A_2821 : i32 to vector<16xi32>
    %sub3A_2823 = arith.subi %iota3A, %sub3A_2822 : vector<16xi32>
    %max3A_2824 = arith.maxsi %sub3A_2823, %broadcast_in_dim3A_6 : vector<16xi32>
    %lt3A_2825 = arith.constant 0 : i32
    %lt3A_2826 = vector.broadcast %lt3A_2825 : i32 to vector<16xi32>
    %lt3A_2827 = arith.cmpi slt, %max3A_2824, %lt3A_2826 : vector<16xi32>
    %add3A_2828 = arith.constant 16 : i32
    %add3A_2829 = vector.broadcast %add3A_2828 : i32 to vector<16xi32>
    %add3A_2830 = arith.addi %max3A_2824, %add3A_2829 : vector<16xi32>
    %select_n3A_2831 = arith.select %lt3A_2827, %add3A_2830, %max3A_2824 : vector<16xi1>, vector<16xi32>
    %broadcast_in_dim3A_2832 = vector.shape_cast %select_n3A_2831 : vector<16xi32> to vector<16x1xi32>
    %gather3A_2833 = vector.shape_cast %broadcast_in_dim3A_2832 : vector<16x1xi32> to vector<16xi32>
    %gather3A_2834 = tpu.dynamic_gather %add3A_2820[%gather3A_2833] in [0] : vector<16xi32>, vector<16xi32> -> vector<16xi32>
    %sub3A_2835 = arith.constant 1 : i32
    %sub3A_2836 = vector.broadcast %sub3A_2835 : i32 to vector<16xi32>
    %sub3A_2837 = arith.subi %iota3A, %sub3A_2836 : vector<16xi32>
    %max3A_2838 = arith.maxsi %sub3A_2837, %broadcast_in_dim3A_6 : vector<16xi32>
    %min3A_2839 = arith.minsi %max3A_2838, %add3A_9 : vector<16xi32>
    %mul3A_2840 = arith.muli %gather3A_2834, %min3A_2839 : vector<16xi32>
    %add3A_2841 = arith.addi %add3A_2820, %mul3A_2840 : vector<16xi32>
    %sub3A_2842 = arith.constant 4 : i32
    %sub3A_2843 = vector.broadcast %sub3A_2842 : i32 to vector<16xi32>
    %sub3A_2844 = arith.subi %iota3A, %sub3A_2843 : vector<16xi32>
    %max3A_2845 = arith.maxsi %sub3A_2844, %broadcast_in_dim3A_6 : vector<16xi32>
    %lt3A_2846 = arith.constant 0 : i32
    %lt3A_2847 = vector.broadcast %lt3A_2846 : i32 to vector<16xi32>
    %lt3A_2848 = arith.cmpi slt, %max3A_2845, %lt3A_2847 : vector<16xi32>
    %add3A_2849 = arith.constant 16 : i32
    %add3A_2850 = vector.broadcast %add3A_2849 : i32 to vector<16xi32>
    %add3A_2851 = arith.addi %max3A_2845, %add3A_2850 : vector<16xi32>
    %select_n3A_2852 = arith.select %lt3A_2848, %add3A_2851, %max3A_2845 : vector<16xi1>, vector<16xi32>
    %broadcast_in_dim3A_2853 = vector.shape_cast %select_n3A_2852 : vector<16xi32> to vector<16x1xi32>
    %gather3A_2854 = vector.shape_cast %broadcast_in_dim3A_2853 : vector<16x1xi32> to vector<16xi32>
    %gather3A_2855 = tpu.dynamic_gather %add3A_2841[%gather3A_2854] in [0] : vector<16xi32>, vector<16xi32> -> vector<16xi32>
    %sub3A_2856 = arith.constant 3 : i32
    %sub3A_2857 = vector.broadcast %sub3A_2856 : i32 to vector<16xi32>
    %sub3A_2858 = arith.subi %iota3A, %sub3A_2857 : vector<16xi32>
    %max3A_2859 = arith.maxsi %sub3A_2858, %broadcast_in_dim3A_6 : vector<16xi32>
    %min3A_2860 = arith.minsi %max3A_2859, %add3A_9 : vector<16xi32>
    %mul3A_2861 = arith.muli %gather3A_2855, %min3A_2860 : vector<16xi32>
    %add3A_2862 = arith.addi %add3A_2841, %mul3A_2861 : vector<16xi32>
    %sub3A_2863 = arith.constant 8 : i32
    %sub3A_2864 = vector.broadcast %sub3A_2863 : i32 to vector<16xi32>
    %sub3A_2865 = arith.subi %iota3A, %sub3A_2864 : vector<16xi32>
    %max3A_2866 = arith.maxsi %sub3A_2865, %broadcast_in_dim3A_6 : vector<16xi32>
    %lt3A_2867 = arith.constant 0 : i32
    %lt3A_2868 = vector.broadcast %lt3A_2867 : i32 to vector<16xi32>
    %lt3A_2869 = arith.cmpi slt, %max3A_2866, %lt3A_2868 : vector<16xi32>
    %add3A_2870 = arith.constant 16 : i32
    %add3A_2871 = vector.broadcast %add3A_2870 : i32 to vector<16xi32>
    %add3A_2872 = arith.addi %max3A_2866, %add3A_2871 : vector<16xi32>
    %select_n3A_2873 = arith.select %lt3A_2869, %add3A_2872, %max3A_2866 : vector<16xi1>, vector<16xi32>
    %broadcast_in_dim3A_2874 = vector.shape_cast %select_n3A_2873 : vector<16xi32> to vector<16x1xi32>
    %gather3A_2875 = vector.shape_cast %broadcast_in_dim3A_2874 : vector<16x1xi32> to vector<16xi32>
    %gather3A_2876 = tpu.dynamic_gather %add3A_2862[%gather3A_2875] in [0] : vector<16xi32>, vector<16xi32> -> vector<16xi32>
    %sub3A_2877 = arith.constant 7 : i32
    %sub3A_2878 = vector.broadcast %sub3A_2877 : i32 to vector<16xi32>
    %sub3A_2879 = arith.subi %iota3A, %sub3A_2878 : vector<16xi32>
    %max3A_2880 = arith.maxsi %sub3A_2879, %broadcast_in_dim3A_6 : vector<16xi32>
    %min3A_2881 = arith.minsi %max3A_2880, %add3A_9 : vector<16xi32>
    %mul3A_2882 = arith.muli %gather3A_2876, %min3A_2881 : vector<16xi32>
    %add3A_2883 = arith.addi %add3A_2862, %mul3A_2882 : vector<16xi32>
    %add3A_2884 = arith.addi %add3A_1566, %add3A_2014 : vector<16xi32>
    %add3A_2885 = arith.addi %add3A_2884, %add3A_2883 : vector<16xi32>
    %sub3A_2886 = arith.subi %add3A_2885, %add3A_9 : vector<16xi32>
    %mul3A_2887 = arith.muli %sub3A_2799, %sub3A_2886 : vector<16xi32>
    %add3A_2888 = arith.addi %add3A_2778, %mul3A_2887 : vector<16xi32>
    %add3A_2889 = arith.constant 15 : i32
    %add3A_2890 = vector.broadcast %add3A_2889 : i32 to vector<16xi32>
    %add3A_2891 = arith.addi %broadcast_in_dim3A_6, %add3A_2890 : vector<16xi32>
    %lt3A_2892 = arith.constant 0 : i32
    %lt3A_2893 = vector.broadcast %lt3A_2892 : i32 to vector<16xi32>
    %lt3A_2894 = arith.cmpi slt, %add3A_2891, %lt3A_2893 : vector<16xi32>
    %add3A_2895 = arith.constant 16 : i32
    %add3A_2896 = vector.broadcast %add3A_2895 : i32 to vector<16xi32>
    %add3A_2897 = arith.addi %add3A_2891, %add3A_2896 : vector<16xi32>
    %select_n3A_2898 = arith.select %lt3A_2894, %add3A_2897, %add3A_2891 : vector<16xi1>, vector<16xi32>
    %broadcast_in_dim3A_2899 = vector.shape_cast %select_n3A_2898 : vector<16xi32> to vector<16x1xi32>
    %gather3A_2900 = vector.shape_cast %broadcast_in_dim3A_2899 : vector<16x1xi32> to vector<16xi32>
    %gather3A_2901 = tpu.dynamic_gather %add3A_2883[%gather3A_2900] in [0] : vector<16xi32>, vector<16xi32> -> vector<16xi32>
    %add3A_2902 = arith.addi %add3A_2014, %gather3A_2901 : vector<16xi32>
    %add3A_2903 = arith.constant 4 : i32
    %add3A_2904 = vector.broadcast %add3A_2903 : i32 to vector<16xi32>
    %add3A_2905 = arith.addi %broadcast_in_dim3A_6, %add3A_2904 : vector<16xi32>
    %sub3A_2906 = arith.subi %get3A_2462, %add3A_2905 : vector<16xi32>
    %abs3A_2907 = math.absi %sub3A_2906 : vector<16xi32>
    %min3A_2908 = arith.minsi %abs3A_2907, %add3A_9 : vector<16xi32>
    %sub3A_2909 = arith.subi %add3A_9, %min3A_2908 : vector<16xi32>
    %sub3A_2910 = arith.constant 1 : i32
    %sub3A_2911 = vector.broadcast %sub3A_2910 : i32 to vector<16xi32>
    %sub3A_2912 = arith.subi %iota3A, %sub3A_2911 : vector<16xi32>
    %max3A_2913 = arith.maxsi %sub3A_2912, %broadcast_in_dim3A_6 : vector<16xi32>
    %lt3A_2914 = arith.constant 0 : i32
    %lt3A_2915 = vector.broadcast %lt3A_2914 : i32 to vector<16xi32>
    %lt3A_2916 = arith.cmpi slt, %max3A_2913, %lt3A_2915 : vector<16xi32>
    %add3A_2917 = arith.constant 16 : i32
    %add3A_2918 = vector.broadcast %add3A_2917 : i32 to vector<16xi32>
    %add3A_2919 = arith.addi %max3A_2913, %add3A_2918 : vector<16xi32>
    %select_n3A_2920 = arith.select %lt3A_2916, %add3A_2919, %max3A_2913 : vector<16xi1>, vector<16xi32>
    %broadcast_in_dim3A_2921 = vector.shape_cast %select_n3A_2920 : vector<16xi32> to vector<16x1xi32>
    %gather3A_2922 = vector.shape_cast %broadcast_in_dim3A_2921 : vector<16x1xi32> to vector<16xi32>
    %gather3A_2923 = tpu.dynamic_gather %sub3A_2909[%gather3A_2922] in [0] : vector<16xi32>, vector<16xi32> -> vector<16xi32>
    %sub3A_2924 = arith.constant 0 : i32
    %sub3A_2925 = vector.broadcast %sub3A_2924 : i32 to vector<16xi32>
    %sub3A_2926 = arith.subi %iota3A, %sub3A_2925 : vector<16xi32>
    %max3A_2927 = arith.maxsi %sub3A_2926, %broadcast_in_dim3A_6 : vector<16xi32>
    %min3A_2928 = arith.minsi %max3A_2927, %add3A_9 : vector<16xi32>
    %mul3A_2929 = arith.muli %gather3A_2923, %min3A_2928 : vector<16xi32>
    %add3A_2930 = arith.addi %sub3A_2909, %mul3A_2929 : vector<16xi32>
    %sub3A_2931 = arith.constant 2 : i32
    %sub3A_2932 = vector.broadcast %sub3A_2931 : i32 to vector<16xi32>
    %sub3A_2933 = arith.subi %iota3A, %sub3A_2932 : vector<16xi32>
    %max3A_2934 = arith.maxsi %sub3A_2933, %broadcast_in_dim3A_6 : vector<16xi32>
    %lt3A_2935 = arith.constant 0 : i32
    %lt3A_2936 = vector.broadcast %lt3A_2935 : i32 to vector<16xi32>
    %lt3A_2937 = arith.cmpi slt, %max3A_2934, %lt3A_2936 : vector<16xi32>
    %add3A_2938 = arith.constant 16 : i32
    %add3A_2939 = vector.broadcast %add3A_2938 : i32 to vector<16xi32>
    %add3A_2940 = arith.addi %max3A_2934, %add3A_2939 : vector<16xi32>
    %select_n3A_2941 = arith.select %lt3A_2937, %add3A_2940, %max3A_2934 : vector<16xi1>, vector<16xi32>
    %broadcast_in_dim3A_2942 = vector.shape_cast %select_n3A_2941 : vector<16xi32> to vector<16x1xi32>
    %gather3A_2943 = vector.shape_cast %broadcast_in_dim3A_2942 : vector<16x1xi32> to vector<16xi32>
    %gather3A_2944 = tpu.dynamic_gather %add3A_2930[%gather3A_2943] in [0] : vector<16xi32>, vector<16xi32> -> vector<16xi32>
    %sub3A_2945 = arith.constant 1 : i32
    %sub3A_2946 = vector.broadcast %sub3A_2945 : i32 to vector<16xi32>
    %sub3A_2947 = arith.subi %iota3A, %sub3A_2946 : vector<16xi32>
    %max3A_2948 = arith.maxsi %sub3A_2947, %broadcast_in_dim3A_6 : vector<16xi32>
    %min3A_2949 = arith.minsi %max3A_2948, %add3A_9 : vector<16xi32>
    %mul3A_2950 = arith.muli %gather3A_2944, %min3A_2949 : vector<16xi32>
    %add3A_2951 = arith.addi %add3A_2930, %mul3A_2950 : vector<16xi32>
    %sub3A_2952 = arith.constant 4 : i32
    %sub3A_2953 = vector.broadcast %sub3A_2952 : i32 to vector<16xi32>
    %sub3A_2954 = arith.subi %iota3A, %sub3A_2953 : vector<16xi32>
    %max3A_2955 = arith.maxsi %sub3A_2954, %broadcast_in_dim3A_6 : vector<16xi32>
    %lt3A_2956 = arith.constant 0 : i32
    %lt3A_2957 = vector.broadcast %lt3A_2956 : i32 to vector<16xi32>
    %lt3A_2958 = arith.cmpi slt, %max3A_2955, %lt3A_2957 : vector<16xi32>
    %add3A_2959 = arith.constant 16 : i32
    %add3A_2960 = vector.broadcast %add3A_2959 : i32 to vector<16xi32>
    %add3A_2961 = arith.addi %max3A_2955, %add3A_2960 : vector<16xi32>
    %select_n3A_2962 = arith.select %lt3A_2958, %add3A_2961, %max3A_2955 : vector<16xi1>, vector<16xi32>
    %broadcast_in_dim3A_2963 = vector.shape_cast %select_n3A_2962 : vector<16xi32> to vector<16x1xi32>
    %gather3A_2964 = vector.shape_cast %broadcast_in_dim3A_2963 : vector<16x1xi32> to vector<16xi32>
    %gather3A_2965 = tpu.dynamic_gather %add3A_2951[%gather3A_2964] in [0] : vector<16xi32>, vector<16xi32> -> vector<16xi32>
    %sub3A_2966 = arith.constant 3 : i32
    %sub3A_2967 = vector.broadcast %sub3A_2966 : i32 to vector<16xi32>
    %sub3A_2968 = arith.subi %iota3A, %sub3A_2967 : vector<16xi32>
    %max3A_2969 = arith.maxsi %sub3A_2968, %broadcast_in_dim3A_6 : vector<16xi32>
    %min3A_2970 = arith.minsi %max3A_2969, %add3A_9 : vector<16xi32>
    %mul3A_2971 = arith.muli %gather3A_2965, %min3A_2970 : vector<16xi32>
    %add3A_2972 = arith.addi %add3A_2951, %mul3A_2971 : vector<16xi32>
    %sub3A_2973 = arith.constant 8 : i32
    %sub3A_2974 = vector.broadcast %sub3A_2973 : i32 to vector<16xi32>
    %sub3A_2975 = arith.subi %iota3A, %sub3A_2974 : vector<16xi32>
    %max3A_2976 = arith.maxsi %sub3A_2975, %broadcast_in_dim3A_6 : vector<16xi32>
    %lt3A_2977 = arith.constant 0 : i32
    %lt3A_2978 = vector.broadcast %lt3A_2977 : i32 to vector<16xi32>
    %lt3A_2979 = arith.cmpi slt, %max3A_2976, %lt3A_2978 : vector<16xi32>
    %add3A_2980 = arith.constant 16 : i32
    %add3A_2981 = vector.broadcast %add3A_2980 : i32 to vector<16xi32>
    %add3A_2982 = arith.addi %max3A_2976, %add3A_2981 : vector<16xi32>
    %select_n3A_2983 = arith.select %lt3A_2979, %add3A_2982, %max3A_2976 : vector<16xi1>, vector<16xi32>
    %broadcast_in_dim3A_2984 = vector.shape_cast %select_n3A_2983 : vector<16xi32> to vector<16x1xi32>
    %gather3A_2985 = vector.shape_cast %broadcast_in_dim3A_2984 : vector<16x1xi32> to vector<16xi32>
    %gather3A_2986 = tpu.dynamic_gather %add3A_2972[%gather3A_2985] in [0] : vector<16xi32>, vector<16xi32> -> vector<16xi32>
    %sub3A_2987 = arith.constant 7 : i32
    %sub3A_2988 = vector.broadcast %sub3A_2987 : i32 to vector<16xi32>
    %sub3A_2989 = arith.subi %iota3A, %sub3A_2988 : vector<16xi32>
    %max3A_2990 = arith.maxsi %sub3A_2989, %broadcast_in_dim3A_6 : vector<16xi32>
    %min3A_2991 = arith.minsi %max3A_2990, %add3A_9 : vector<16xi32>
    %mul3A_2992 = arith.muli %gather3A_2986, %min3A_2991 : vector<16xi32>
    %add3A_2993 = arith.addi %add3A_2972, %mul3A_2992 : vector<16xi32>
    %add3A_2994 = arith.addi %add3A_1567, %add3A_2124 : vector<16xi32>
    %add3A_2995 = arith.addi %add3A_2994, %add3A_2993 : vector<16xi32>
    %sub3A_2996 = arith.subi %add3A_2995, %add3A_9 : vector<16xi32>
    %mul3A_2997 = arith.muli %sub3A_2909, %sub3A_2996 : vector<16xi32>
    %add3A_2998 = arith.addi %add3A_2888, %mul3A_2997 : vector<16xi32>
    %add3A_2999 = arith.constant 15 : i32
    %add3A_3000 = vector.broadcast %add3A_2999 : i32 to vector<16xi32>
    %add3A_3001 = arith.addi %broadcast_in_dim3A_6, %add3A_3000 : vector<16xi32>
    %lt3A_3002 = arith.constant 0 : i32
    %lt3A_3003 = vector.broadcast %lt3A_3002 : i32 to vector<16xi32>
    %lt3A_3004 = arith.cmpi slt, %add3A_3001, %lt3A_3003 : vector<16xi32>
    %add3A_3005 = arith.constant 16 : i32
    %add3A_3006 = vector.broadcast %add3A_3005 : i32 to vector<16xi32>
    %add3A_3007 = arith.addi %add3A_3001, %add3A_3006 : vector<16xi32>
    %select_n3A_3008 = arith.select %lt3A_3004, %add3A_3007, %add3A_3001 : vector<16xi1>, vector<16xi32>
    %broadcast_in_dim3A_3009 = vector.shape_cast %select_n3A_3008 : vector<16xi32> to vector<16x1xi32>
    %gather3A_3010 = vector.shape_cast %broadcast_in_dim3A_3009 : vector<16x1xi32> to vector<16xi32>
    %gather3A_3011 = tpu.dynamic_gather %add3A_2993[%gather3A_3010] in [0] : vector<16xi32>, vector<16xi32> -> vector<16xi32>
    %add3A_3012 = arith.addi %add3A_2124, %gather3A_3011 : vector<16xi32>
    %add3A_3013 = arith.constant 5 : i32
    %add3A_3014 = vector.broadcast %add3A_3013 : i32 to vector<16xi32>
    %add3A_3015 = arith.addi %broadcast_in_dim3A_6, %add3A_3014 : vector<16xi32>
    %sub3A_3016 = arith.subi %get3A_2462, %add3A_3015 : vector<16xi32>
    %abs3A_3017 = math.absi %sub3A_3016 : vector<16xi32>
    %min3A_3018 = arith.minsi %abs3A_3017, %add3A_9 : vector<16xi32>
    %sub3A_3019 = arith.subi %add3A_9, %min3A_3018 : vector<16xi32>
    %sub3A_3020 = arith.constant 1 : i32
    %sub3A_3021 = vector.broadcast %sub3A_3020 : i32 to vector<16xi32>
    %sub3A_3022 = arith.subi %iota3A, %sub3A_3021 : vector<16xi32>
    %max3A_3023 = arith.maxsi %sub3A_3022, %broadcast_in_dim3A_6 : vector<16xi32>
    %lt3A_3024 = arith.constant 0 : i32
    %lt3A_3025 = vector.broadcast %lt3A_3024 : i32 to vector<16xi32>
    %lt3A_3026 = arith.cmpi slt, %max3A_3023, %lt3A_3025 : vector<16xi32>
    %add3A_3027 = arith.constant 16 : i32
    %add3A_3028 = vector.broadcast %add3A_3027 : i32 to vector<16xi32>
    %add3A_3029 = arith.addi %max3A_3023, %add3A_3028 : vector<16xi32>
    %select_n3A_3030 = arith.select %lt3A_3026, %add3A_3029, %max3A_3023 : vector<16xi1>, vector<16xi32>
    %broadcast_in_dim3A_3031 = vector.shape_cast %select_n3A_3030 : vector<16xi32> to vector<16x1xi32>
    %gather3A_3032 = vector.shape_cast %broadcast_in_dim3A_3031 : vector<16x1xi32> to vector<16xi32>
    %gather3A_3033 = tpu.dynamic_gather %sub3A_3019[%gather3A_3032] in [0] : vector<16xi32>, vector<16xi32> -> vector<16xi32>
    %sub3A_3034 = arith.constant 0 : i32
    %sub3A_3035 = vector.broadcast %sub3A_3034 : i32 to vector<16xi32>
    %sub3A_3036 = arith.subi %iota3A, %sub3A_3035 : vector<16xi32>
    %max3A_3037 = arith.maxsi %sub3A_3036, %broadcast_in_dim3A_6 : vector<16xi32>
    %min3A_3038 = arith.minsi %max3A_3037, %add3A_9 : vector<16xi32>
    %mul3A_3039 = arith.muli %gather3A_3033, %min3A_3038 : vector<16xi32>
    %add3A_3040 = arith.addi %sub3A_3019, %mul3A_3039 : vector<16xi32>
    %sub3A_3041 = arith.constant 2 : i32
    %sub3A_3042 = vector.broadcast %sub3A_3041 : i32 to vector<16xi32>
    %sub3A_3043 = arith.subi %iota3A, %sub3A_3042 : vector<16xi32>
    %max3A_3044 = arith.maxsi %sub3A_3043, %broadcast_in_dim3A_6 : vector<16xi32>
    %lt3A_3045 = arith.constant 0 : i32
    %lt3A_3046 = vector.broadcast %lt3A_3045 : i32 to vector<16xi32>
    %lt3A_3047 = arith.cmpi slt, %max3A_3044, %lt3A_3046 : vector<16xi32>
    %add3A_3048 = arith.constant 16 : i32
    %add3A_3049 = vector.broadcast %add3A_3048 : i32 to vector<16xi32>
    %add3A_3050 = arith.addi %max3A_3044, %add3A_3049 : vector<16xi32>
    %select_n3A_3051 = arith.select %lt3A_3047, %add3A_3050, %max3A_3044 : vector<16xi1>, vector<16xi32>
    %broadcast_in_dim3A_3052 = vector.shape_cast %select_n3A_3051 : vector<16xi32> to vector<16x1xi32>
    %gather3A_3053 = vector.shape_cast %broadcast_in_dim3A_3052 : vector<16x1xi32> to vector<16xi32>
    %gather3A_3054 = tpu.dynamic_gather %add3A_3040[%gather3A_3053] in [0] : vector<16xi32>, vector<16xi32> -> vector<16xi32>
    %sub3A_3055 = arith.constant 1 : i32
    %sub3A_3056 = vector.broadcast %sub3A_3055 : i32 to vector<16xi32>
    %sub3A_3057 = arith.subi %iota3A, %sub3A_3056 : vector<16xi32>
    %max3A_3058 = arith.maxsi %sub3A_3057, %broadcast_in_dim3A_6 : vector<16xi32>
    %min3A_3059 = arith.minsi %max3A_3058, %add3A_9 : vector<16xi32>
    %mul3A_3060 = arith.muli %gather3A_3054, %min3A_3059 : vector<16xi32>
    %add3A_3061 = arith.addi %add3A_3040, %mul3A_3060 : vector<16xi32>
    %sub3A_3062 = arith.constant 4 : i32
    %sub3A_3063 = vector.broadcast %sub3A_3062 : i32 to vector<16xi32>
    %sub3A_3064 = arith.subi %iota3A, %sub3A_3063 : vector<16xi32>
    %max3A_3065 = arith.maxsi %sub3A_3064, %broadcast_in_dim3A_6 : vector<16xi32>
    %lt3A_3066 = arith.constant 0 : i32
    %lt3A_3067 = vector.broadcast %lt3A_3066 : i32 to vector<16xi32>
    %lt3A_3068 = arith.cmpi slt, %max3A_3065, %lt3A_3067 : vector<16xi32>
    %add3A_3069 = arith.constant 16 : i32
    %add3A_3070 = vector.broadcast %add3A_3069 : i32 to vector<16xi32>
    %add3A_3071 = arith.addi %max3A_3065, %add3A_3070 : vector<16xi32>
    %select_n3A_3072 = arith.select %lt3A_3068, %add3A_3071, %max3A_3065 : vector<16xi1>, vector<16xi32>
    %broadcast_in_dim3A_3073 = vector.shape_cast %select_n3A_3072 : vector<16xi32> to vector<16x1xi32>
    %gather3A_3074 = vector.shape_cast %broadcast_in_dim3A_3073 : vector<16x1xi32> to vector<16xi32>
    %gather3A_3075 = tpu.dynamic_gather %add3A_3061[%gather3A_3074] in [0] : vector<16xi32>, vector<16xi32> -> vector<16xi32>
    %sub3A_3076 = arith.constant 3 : i32
    %sub3A_3077 = vector.broadcast %sub3A_3076 : i32 to vector<16xi32>
    %sub3A_3078 = arith.subi %iota3A, %sub3A_3077 : vector<16xi32>
    %max3A_3079 = arith.maxsi %sub3A_3078, %broadcast_in_dim3A_6 : vector<16xi32>
    %min3A_3080 = arith.minsi %max3A_3079, %add3A_9 : vector<16xi32>
    %mul3A_3081 = arith.muli %gather3A_3075, %min3A_3080 : vector<16xi32>
    %add3A_3082 = arith.addi %add3A_3061, %mul3A_3081 : vector<16xi32>
    %sub3A_3083 = arith.constant 8 : i32
    %sub3A_3084 = vector.broadcast %sub3A_3083 : i32 to vector<16xi32>
    %sub3A_3085 = arith.subi %iota3A, %sub3A_3084 : vector<16xi32>
    %max3A_3086 = arith.maxsi %sub3A_3085, %broadcast_in_dim3A_6 : vector<16xi32>
    %lt3A_3087 = arith.constant 0 : i32
    %lt3A_3088 = vector.broadcast %lt3A_3087 : i32 to vector<16xi32>
    %lt3A_3089 = arith.cmpi slt, %max3A_3086, %lt3A_3088 : vector<16xi32>
    %add3A_3090 = arith.constant 16 : i32
    %add3A_3091 = vector.broadcast %add3A_3090 : i32 to vector<16xi32>
    %add3A_3092 = arith.addi %max3A_3086, %add3A_3091 : vector<16xi32>
    %select_n3A_3093 = arith.select %lt3A_3089, %add3A_3092, %max3A_3086 : vector<16xi1>, vector<16xi32>
    %broadcast_in_dim3A_3094 = vector.shape_cast %select_n3A_3093 : vector<16xi32> to vector<16x1xi32>
    %gather3A_3095 = vector.shape_cast %broadcast_in_dim3A_3094 : vector<16x1xi32> to vector<16xi32>
    %gather3A_3096 = tpu.dynamic_gather %add3A_3082[%gather3A_3095] in [0] : vector<16xi32>, vector<16xi32> -> vector<16xi32>
    %sub3A_3097 = arith.constant 7 : i32
    %sub3A_3098 = vector.broadcast %sub3A_3097 : i32 to vector<16xi32>
    %sub3A_3099 = arith.subi %iota3A, %sub3A_3098 : vector<16xi32>
    %max3A_3100 = arith.maxsi %sub3A_3099, %broadcast_in_dim3A_6 : vector<16xi32>
    %min3A_3101 = arith.minsi %max3A_3100, %add3A_9 : vector<16xi32>
    %mul3A_3102 = arith.muli %gather3A_3096, %min3A_3101 : vector<16xi32>
    %add3A_3103 = arith.addi %add3A_3082, %mul3A_3102 : vector<16xi32>
    %add3A_3104 = arith.addi %add3A_1568, %add3A_2234 : vector<16xi32>
    %add3A_3105 = arith.addi %add3A_3104, %add3A_3103 : vector<16xi32>
    %sub3A_3106 = arith.subi %add3A_3105, %add3A_9 : vector<16xi32>
    %mul3A_3107 = arith.muli %sub3A_3019, %sub3A_3106 : vector<16xi32>
    %add3A_3108 = arith.addi %add3A_2998, %mul3A_3107 : vector<16xi32>
    %add3A_3109 = arith.constant 15 : i32
    %add3A_3110 = vector.broadcast %add3A_3109 : i32 to vector<16xi32>
    %add3A_3111 = arith.addi %broadcast_in_dim3A_6, %add3A_3110 : vector<16xi32>
    %lt3A_3112 = arith.constant 0 : i32
    %lt3A_3113 = vector.broadcast %lt3A_3112 : i32 to vector<16xi32>
    %lt3A_3114 = arith.cmpi slt, %add3A_3111, %lt3A_3113 : vector<16xi32>
    %add3A_3115 = arith.constant 16 : i32
    %add3A_3116 = vector.broadcast %add3A_3115 : i32 to vector<16xi32>
    %add3A_3117 = arith.addi %add3A_3111, %add3A_3116 : vector<16xi32>
    %select_n3A_3118 = arith.select %lt3A_3114, %add3A_3117, %add3A_3111 : vector<16xi1>, vector<16xi32>
    %broadcast_in_dim3A_3119 = vector.shape_cast %select_n3A_3118 : vector<16xi32> to vector<16x1xi32>
    %gather3A_3120 = vector.shape_cast %broadcast_in_dim3A_3119 : vector<16x1xi32> to vector<16xi32>
    %gather3A_3121 = tpu.dynamic_gather %add3A_3103[%gather3A_3120] in [0] : vector<16xi32>, vector<16xi32> -> vector<16xi32>
    %add3A_3122 = arith.addi %add3A_2234, %gather3A_3121 : vector<16xi32>
    %add3A_3123 = arith.constant 6 : i32
    %add3A_3124 = vector.broadcast %add3A_3123 : i32 to vector<16xi32>
    %add3A_3125 = arith.addi %broadcast_in_dim3A_6, %add3A_3124 : vector<16xi32>
    %sub3A_3126 = arith.subi %get3A_2462, %add3A_3125 : vector<16xi32>
    %abs3A_3127 = math.absi %sub3A_3126 : vector<16xi32>
    %min3A_3128 = arith.minsi %abs3A_3127, %add3A_9 : vector<16xi32>
    %sub3A_3129 = arith.subi %add3A_9, %min3A_3128 : vector<16xi32>
    %sub3A_3130 = arith.constant 1 : i32
    %sub3A_3131 = vector.broadcast %sub3A_3130 : i32 to vector<16xi32>
    %sub3A_3132 = arith.subi %iota3A, %sub3A_3131 : vector<16xi32>
    %max3A_3133 = arith.maxsi %sub3A_3132, %broadcast_in_dim3A_6 : vector<16xi32>
    %lt3A_3134 = arith.constant 0 : i32
    %lt3A_3135 = vector.broadcast %lt3A_3134 : i32 to vector<16xi32>
    %lt3A_3136 = arith.cmpi slt, %max3A_3133, %lt3A_3135 : vector<16xi32>
    %add3A_3137 = arith.constant 16 : i32
    %add3A_3138 = vector.broadcast %add3A_3137 : i32 to vector<16xi32>
    %add3A_3139 = arith.addi %max3A_3133, %add3A_3138 : vector<16xi32>
    %select_n3A_3140 = arith.select %lt3A_3136, %add3A_3139, %max3A_3133 : vector<16xi1>, vector<16xi32>
    %broadcast_in_dim3A_3141 = vector.shape_cast %select_n3A_3140 : vector<16xi32> to vector<16x1xi32>
    %gather3A_3142 = vector.shape_cast %broadcast_in_dim3A_3141 : vector<16x1xi32> to vector<16xi32>
    %gather3A_3143 = tpu.dynamic_gather %sub3A_3129[%gather3A_3142] in [0] : vector<16xi32>, vector<16xi32> -> vector<16xi32>
    %sub3A_3144 = arith.constant 0 : i32
    %sub3A_3145 = vector.broadcast %sub3A_3144 : i32 to vector<16xi32>
    %sub3A_3146 = arith.subi %iota3A, %sub3A_3145 : vector<16xi32>
    %max3A_3147 = arith.maxsi %sub3A_3146, %broadcast_in_dim3A_6 : vector<16xi32>
    %min3A_3148 = arith.minsi %max3A_3147, %add3A_9 : vector<16xi32>
    %mul3A_3149 = arith.muli %gather3A_3143, %min3A_3148 : vector<16xi32>
    %add3A_3150 = arith.addi %sub3A_3129, %mul3A_3149 : vector<16xi32>
    %sub3A_3151 = arith.constant 2 : i32
    %sub3A_3152 = vector.broadcast %sub3A_3151 : i32 to vector<16xi32>
    %sub3A_3153 = arith.subi %iota3A, %sub3A_3152 : vector<16xi32>
    %max3A_3154 = arith.maxsi %sub3A_3153, %broadcast_in_dim3A_6 : vector<16xi32>
    %lt3A_3155 = arith.constant 0 : i32
    %lt3A_3156 = vector.broadcast %lt3A_3155 : i32 to vector<16xi32>
    %lt3A_3157 = arith.cmpi slt, %max3A_3154, %lt3A_3156 : vector<16xi32>
    %add3A_3158 = arith.constant 16 : i32
    %add3A_3159 = vector.broadcast %add3A_3158 : i32 to vector<16xi32>
    %add3A_3160 = arith.addi %max3A_3154, %add3A_3159 : vector<16xi32>
    %select_n3A_3161 = arith.select %lt3A_3157, %add3A_3160, %max3A_3154 : vector<16xi1>, vector<16xi32>
    %broadcast_in_dim3A_3162 = vector.shape_cast %select_n3A_3161 : vector<16xi32> to vector<16x1xi32>
    %gather3A_3163 = vector.shape_cast %broadcast_in_dim3A_3162 : vector<16x1xi32> to vector<16xi32>
    %gather3A_3164 = tpu.dynamic_gather %add3A_3150[%gather3A_3163] in [0] : vector<16xi32>, vector<16xi32> -> vector<16xi32>
    %sub3A_3165 = arith.constant 1 : i32
    %sub3A_3166 = vector.broadcast %sub3A_3165 : i32 to vector<16xi32>
    %sub3A_3167 = arith.subi %iota3A, %sub3A_3166 : vector<16xi32>
    %max3A_3168 = arith.maxsi %sub3A_3167, %broadcast_in_dim3A_6 : vector<16xi32>
    %min3A_3169 = arith.minsi %max3A_3168, %add3A_9 : vector<16xi32>
    %mul3A_3170 = arith.muli %gather3A_3164, %min3A_3169 : vector<16xi32>
    %add3A_3171 = arith.addi %add3A_3150, %mul3A_3170 : vector<16xi32>
    %sub3A_3172 = arith.constant 4 : i32
    %sub3A_3173 = vector.broadcast %sub3A_3172 : i32 to vector<16xi32>
    %sub3A_3174 = arith.subi %iota3A, %sub3A_3173 : vector<16xi32>
    %max3A_3175 = arith.maxsi %sub3A_3174, %broadcast_in_dim3A_6 : vector<16xi32>
    %lt3A_3176 = arith.constant 0 : i32
    %lt3A_3177 = vector.broadcast %lt3A_3176 : i32 to vector<16xi32>
    %lt3A_3178 = arith.cmpi slt, %max3A_3175, %lt3A_3177 : vector<16xi32>
    %add3A_3179 = arith.constant 16 : i32
    %add3A_3180 = vector.broadcast %add3A_3179 : i32 to vector<16xi32>
    %add3A_3181 = arith.addi %max3A_3175, %add3A_3180 : vector<16xi32>
    %select_n3A_3182 = arith.select %lt3A_3178, %add3A_3181, %max3A_3175 : vector<16xi1>, vector<16xi32>
    %broadcast_in_dim3A_3183 = vector.shape_cast %select_n3A_3182 : vector<16xi32> to vector<16x1xi32>
    %gather3A_3184 = vector.shape_cast %broadcast_in_dim3A_3183 : vector<16x1xi32> to vector<16xi32>
    %gather3A_3185 = tpu.dynamic_gather %add3A_3171[%gather3A_3184] in [0] : vector<16xi32>, vector<16xi32> -> vector<16xi32>
    %sub3A_3186 = arith.constant 3 : i32
    %sub3A_3187 = vector.broadcast %sub3A_3186 : i32 to vector<16xi32>
    %sub3A_3188 = arith.subi %iota3A, %sub3A_3187 : vector<16xi32>
    %max3A_3189 = arith.maxsi %sub3A_3188, %broadcast_in_dim3A_6 : vector<16xi32>
    %min3A_3190 = arith.minsi %max3A_3189, %add3A_9 : vector<16xi32>
    %mul3A_3191 = arith.muli %gather3A_3185, %min3A_3190 : vector<16xi32>
    %add3A_3192 = arith.addi %add3A_3171, %mul3A_3191 : vector<16xi32>
    %sub3A_3193 = arith.constant 8 : i32
    %sub3A_3194 = vector.broadcast %sub3A_3193 : i32 to vector<16xi32>
    %sub3A_3195 = arith.subi %iota3A, %sub3A_3194 : vector<16xi32>
    %max3A_3196 = arith.maxsi %sub3A_3195, %broadcast_in_dim3A_6 : vector<16xi32>
    %lt3A_3197 = arith.constant 0 : i32
    %lt3A_3198 = vector.broadcast %lt3A_3197 : i32 to vector<16xi32>
    %lt3A_3199 = arith.cmpi slt, %max3A_3196, %lt3A_3198 : vector<16xi32>
    %add3A_3200 = arith.constant 16 : i32
    %add3A_3201 = vector.broadcast %add3A_3200 : i32 to vector<16xi32>
    %add3A_3202 = arith.addi %max3A_3196, %add3A_3201 : vector<16xi32>
    %select_n3A_3203 = arith.select %lt3A_3199, %add3A_3202, %max3A_3196 : vector<16xi1>, vector<16xi32>
    %broadcast_in_dim3A_3204 = vector.shape_cast %select_n3A_3203 : vector<16xi32> to vector<16x1xi32>
    %gather3A_3205 = vector.shape_cast %broadcast_in_dim3A_3204 : vector<16x1xi32> to vector<16xi32>
    %gather3A_3206 = tpu.dynamic_gather %add3A_3192[%gather3A_3205] in [0] : vector<16xi32>, vector<16xi32> -> vector<16xi32>
    %sub3A_3207 = arith.constant 7 : i32
    %sub3A_3208 = vector.broadcast %sub3A_3207 : i32 to vector<16xi32>
    %sub3A_3209 = arith.subi %iota3A, %sub3A_3208 : vector<16xi32>
    %max3A_3210 = arith.maxsi %sub3A_3209, %broadcast_in_dim3A_6 : vector<16xi32>
    %min3A_3211 = arith.minsi %max3A_3210, %add3A_9 : vector<16xi32>
    %mul3A_3212 = arith.muli %gather3A_3206, %min3A_3211 : vector<16xi32>
    %add3A_3213 = arith.addi %add3A_3192, %mul3A_3212 : vector<16xi32>
    %add3A_3214 = arith.addi %add3A_1569, %add3A_2344 : vector<16xi32>
    %add3A_3215 = arith.addi %add3A_3214, %add3A_3213 : vector<16xi32>
    %sub3A_3216 = arith.subi %add3A_3215, %add3A_9 : vector<16xi32>
    %mul3A_3217 = arith.muli %sub3A_3129, %sub3A_3216 : vector<16xi32>
    %add3A_3218 = arith.addi %add3A_3108, %mul3A_3217 : vector<16xi32>
    %add3A_3219 = arith.constant 15 : i32
    %add3A_3220 = vector.broadcast %add3A_3219 : i32 to vector<16xi32>
    %add3A_3221 = arith.addi %broadcast_in_dim3A_6, %add3A_3220 : vector<16xi32>
    %lt3A_3222 = arith.constant 0 : i32
    %lt3A_3223 = vector.broadcast %lt3A_3222 : i32 to vector<16xi32>
    %lt3A_3224 = arith.cmpi slt, %add3A_3221, %lt3A_3223 : vector<16xi32>
    %add3A_3225 = arith.constant 16 : i32
    %add3A_3226 = vector.broadcast %add3A_3225 : i32 to vector<16xi32>
    %add3A_3227 = arith.addi %add3A_3221, %add3A_3226 : vector<16xi32>
    %select_n3A_3228 = arith.select %lt3A_3224, %add3A_3227, %add3A_3221 : vector<16xi1>, vector<16xi32>
    %broadcast_in_dim3A_3229 = vector.shape_cast %select_n3A_3228 : vector<16xi32> to vector<16x1xi32>
    %gather3A_3230 = vector.shape_cast %broadcast_in_dim3A_3229 : vector<16x1xi32> to vector<16xi32>
    %gather3A_3231 = tpu.dynamic_gather %add3A_3213[%gather3A_3230] in [0] : vector<16xi32>, vector<16xi32> -> vector<16xi32>
    %add3A_3232 = arith.addi %add3A_2344, %gather3A_3231 : vector<16xi32>
    %add3A_3233 = arith.constant 7 : i32
    %add3A_3234 = vector.broadcast %add3A_3233 : i32 to vector<16xi32>
    %add3A_3235 = arith.addi %broadcast_in_dim3A_6, %add3A_3234 : vector<16xi32>
    %sub3A_3236 = arith.subi %get3A_2462, %add3A_3235 : vector<16xi32>
    %abs3A_3237 = math.absi %sub3A_3236 : vector<16xi32>
    %min3A_3238 = arith.minsi %abs3A_3237, %add3A_9 : vector<16xi32>
    %sub3A_3239 = arith.subi %add3A_9, %min3A_3238 : vector<16xi32>
    %sub3A_3240 = arith.constant 1 : i32
    %sub3A_3241 = vector.broadcast %sub3A_3240 : i32 to vector<16xi32>
    %sub3A_3242 = arith.subi %iota3A, %sub3A_3241 : vector<16xi32>
    %max3A_3243 = arith.maxsi %sub3A_3242, %broadcast_in_dim3A_6 : vector<16xi32>
    %lt3A_3244 = arith.constant 0 : i32
    %lt3A_3245 = vector.broadcast %lt3A_3244 : i32 to vector<16xi32>
    %lt3A_3246 = arith.cmpi slt, %max3A_3243, %lt3A_3245 : vector<16xi32>
    %add3A_3247 = arith.constant 16 : i32
    %add3A_3248 = vector.broadcast %add3A_3247 : i32 to vector<16xi32>
    %add3A_3249 = arith.addi %max3A_3243, %add3A_3248 : vector<16xi32>
    %select_n3A_3250 = arith.select %lt3A_3246, %add3A_3249, %max3A_3243 : vector<16xi1>, vector<16xi32>
    %broadcast_in_dim3A_3251 = vector.shape_cast %select_n3A_3250 : vector<16xi32> to vector<16x1xi32>
    %gather3A_3252 = vector.shape_cast %broadcast_in_dim3A_3251 : vector<16x1xi32> to vector<16xi32>
    %gather3A_3253 = tpu.dynamic_gather %sub3A_3239[%gather3A_3252] in [0] : vector<16xi32>, vector<16xi32> -> vector<16xi32>
    %sub3A_3254 = arith.constant 0 : i32
    %sub3A_3255 = vector.broadcast %sub3A_3254 : i32 to vector<16xi32>
    %sub3A_3256 = arith.subi %iota3A, %sub3A_3255 : vector<16xi32>
    %max3A_3257 = arith.maxsi %sub3A_3256, %broadcast_in_dim3A_6 : vector<16xi32>
    %min3A_3258 = arith.minsi %max3A_3257, %add3A_9 : vector<16xi32>
    %mul3A_3259 = arith.muli %gather3A_3253, %min3A_3258 : vector<16xi32>
    %add3A_3260 = arith.addi %sub3A_3239, %mul3A_3259 : vector<16xi32>
    %sub3A_3261 = arith.constant 2 : i32
    %sub3A_3262 = vector.broadcast %sub3A_3261 : i32 to vector<16xi32>
    %sub3A_3263 = arith.subi %iota3A, %sub3A_3262 : vector<16xi32>
    %max3A_3264 = arith.maxsi %sub3A_3263, %broadcast_in_dim3A_6 : vector<16xi32>
    %lt3A_3265 = arith.constant 0 : i32
    %lt3A_3266 = vector.broadcast %lt3A_3265 : i32 to vector<16xi32>
    %lt3A_3267 = arith.cmpi slt, %max3A_3264, %lt3A_3266 : vector<16xi32>
    %add3A_3268 = arith.constant 16 : i32
    %add3A_3269 = vector.broadcast %add3A_3268 : i32 to vector<16xi32>
    %add3A_3270 = arith.addi %max3A_3264, %add3A_3269 : vector<16xi32>
    %select_n3A_3271 = arith.select %lt3A_3267, %add3A_3270, %max3A_3264 : vector<16xi1>, vector<16xi32>
    %broadcast_in_dim3A_3272 = vector.shape_cast %select_n3A_3271 : vector<16xi32> to vector<16x1xi32>
    %gather3A_3273 = vector.shape_cast %broadcast_in_dim3A_3272 : vector<16x1xi32> to vector<16xi32>
    %gather3A_3274 = tpu.dynamic_gather %add3A_3260[%gather3A_3273] in [0] : vector<16xi32>, vector<16xi32> -> vector<16xi32>
    %sub3A_3275 = arith.constant 1 : i32
    %sub3A_3276 = vector.broadcast %sub3A_3275 : i32 to vector<16xi32>
    %sub3A_3277 = arith.subi %iota3A, %sub3A_3276 : vector<16xi32>
    %max3A_3278 = arith.maxsi %sub3A_3277, %broadcast_in_dim3A_6 : vector<16xi32>
    %min3A_3279 = arith.minsi %max3A_3278, %add3A_9 : vector<16xi32>
    %mul3A_3280 = arith.muli %gather3A_3274, %min3A_3279 : vector<16xi32>
    %add3A_3281 = arith.addi %add3A_3260, %mul3A_3280 : vector<16xi32>
    %sub3A_3282 = arith.constant 4 : i32
    %sub3A_3283 = vector.broadcast %sub3A_3282 : i32 to vector<16xi32>
    %sub3A_3284 = arith.subi %iota3A, %sub3A_3283 : vector<16xi32>
    %max3A_3285 = arith.maxsi %sub3A_3284, %broadcast_in_dim3A_6 : vector<16xi32>
    %lt3A_3286 = arith.constant 0 : i32
    %lt3A_3287 = vector.broadcast %lt3A_3286 : i32 to vector<16xi32>
    %lt3A_3288 = arith.cmpi slt, %max3A_3285, %lt3A_3287 : vector<16xi32>
    %add3A_3289 = arith.constant 16 : i32
    %add3A_3290 = vector.broadcast %add3A_3289 : i32 to vector<16xi32>
    %add3A_3291 = arith.addi %max3A_3285, %add3A_3290 : vector<16xi32>
    %select_n3A_3292 = arith.select %lt3A_3288, %add3A_3291, %max3A_3285 : vector<16xi1>, vector<16xi32>
    %broadcast_in_dim3A_3293 = vector.shape_cast %select_n3A_3292 : vector<16xi32> to vector<16x1xi32>
    %gather3A_3294 = vector.shape_cast %broadcast_in_dim3A_3293 : vector<16x1xi32> to vector<16xi32>
    %gather3A_3295 = tpu.dynamic_gather %add3A_3281[%gather3A_3294] in [0] : vector<16xi32>, vector<16xi32> -> vector<16xi32>
    %sub3A_3296 = arith.constant 3 : i32
    %sub3A_3297 = vector.broadcast %sub3A_3296 : i32 to vector<16xi32>
    %sub3A_3298 = arith.subi %iota3A, %sub3A_3297 : vector<16xi32>
    %max3A_3299 = arith.maxsi %sub3A_3298, %broadcast_in_dim3A_6 : vector<16xi32>
    %min3A_3300 = arith.minsi %max3A_3299, %add3A_9 : vector<16xi32>
    %mul3A_3301 = arith.muli %gather3A_3295, %min3A_3300 : vector<16xi32>
    %add3A_3302 = arith.addi %add3A_3281, %mul3A_3301 : vector<16xi32>
    %sub3A_3303 = arith.constant 8 : i32
    %sub3A_3304 = vector.broadcast %sub3A_3303 : i32 to vector<16xi32>
    %sub3A_3305 = arith.subi %iota3A, %sub3A_3304 : vector<16xi32>
    %max3A_3306 = arith.maxsi %sub3A_3305, %broadcast_in_dim3A_6 : vector<16xi32>
    %lt3A_3307 = arith.constant 0 : i32
    %lt3A_3308 = vector.broadcast %lt3A_3307 : i32 to vector<16xi32>
    %lt3A_3309 = arith.cmpi slt, %max3A_3306, %lt3A_3308 : vector<16xi32>
    %add3A_3310 = arith.constant 16 : i32
    %add3A_3311 = vector.broadcast %add3A_3310 : i32 to vector<16xi32>
    %add3A_3312 = arith.addi %max3A_3306, %add3A_3311 : vector<16xi32>
    %select_n3A_3313 = arith.select %lt3A_3309, %add3A_3312, %max3A_3306 : vector<16xi1>, vector<16xi32>
    %broadcast_in_dim3A_3314 = vector.shape_cast %select_n3A_3313 : vector<16xi32> to vector<16x1xi32>
    %gather3A_3315 = vector.shape_cast %broadcast_in_dim3A_3314 : vector<16x1xi32> to vector<16xi32>
    %gather3A_3316 = tpu.dynamic_gather %add3A_3302[%gather3A_3315] in [0] : vector<16xi32>, vector<16xi32> -> vector<16xi32>
    %sub3A_3317 = arith.constant 7 : i32
    %sub3A_3318 = vector.broadcast %sub3A_3317 : i32 to vector<16xi32>
    %sub3A_3319 = arith.subi %iota3A, %sub3A_3318 : vector<16xi32>
    %max3A_3320 = arith.maxsi %sub3A_3319, %broadcast_in_dim3A_6 : vector<16xi32>
    %min3A_3321 = arith.minsi %max3A_3320, %add3A_9 : vector<16xi32>
    %mul3A_3322 = arith.muli %gather3A_3316, %min3A_3321 : vector<16xi32>
    %add3A_3323 = arith.addi %add3A_3302, %mul3A_3322 : vector<16xi32>
    %add3A_3324 = arith.addi %add3A_1570, %add3A_2454 : vector<16xi32>
    %add3A_3325 = arith.addi %add3A_3324, %add3A_3323 : vector<16xi32>
    %sub3A_3326 = arith.subi %add3A_3325, %add3A_9 : vector<16xi32>
    %mul3A_3327 = arith.muli %sub3A_3239, %sub3A_3326 : vector<16xi32>
    %add3A_3328 = arith.addi %add3A_3218, %mul3A_3327 : vector<16xi32>
    %add3A_3329 = arith.constant 15 : i32
    %add3A_3330 = vector.broadcast %add3A_3329 : i32 to vector<16xi32>
    %add3A_3331 = arith.addi %broadcast_in_dim3A_6, %add3A_3330 : vector<16xi32>
    %lt3A_3332 = arith.constant 0 : i32
    %lt3A_3333 = vector.broadcast %lt3A_3332 : i32 to vector<16xi32>
    %lt3A_3334 = arith.cmpi slt, %add3A_3331, %lt3A_3333 : vector<16xi32>
    %add3A_3335 = arith.constant 16 : i32
    %add3A_3336 = vector.broadcast %add3A_3335 : i32 to vector<16xi32>
    %add3A_3337 = arith.addi %add3A_3331, %add3A_3336 : vector<16xi32>
    %select_n3A_3338 = arith.select %lt3A_3334, %add3A_3337, %add3A_3331 : vector<16xi1>, vector<16xi32>
    %broadcast_in_dim3A_3339 = vector.shape_cast %select_n3A_3338 : vector<16xi32> to vector<16x1xi32>
    %gather3A_3340 = vector.shape_cast %broadcast_in_dim3A_3339 : vector<16x1xi32> to vector<16xi32>
    %gather3A_3341 = tpu.dynamic_gather %add3A_3323[%gather3A_3340] in [0] : vector<16xi32>, vector<16xi32> -> vector<16xi32>
    %add3A_3342 = arith.addi %add3A_2454, %gather3A_3341 : vector<16xi32>
    %swap3A_3343 = arith.constant 16 : index
    %swap3A_3344 = tpu.vector_load %arg8[%swap3A_3343] {strides = array<i32>} : memref<64xi32, #tpu.memory_space<vmem>>, vector<16xi32>,
    %swap3A_3345 = vector.shape_cast %swap3A_3344 : vector<16xi32> to vector<16xi32>
    %swap3A_3346 = vector.shape_cast %add3A_3328 : vector<16xi32> to vector<16xi32>
    tpu.vector_store %arg8[%swap3A_3343], %swap3A_3346 {strides = array<i32>} : memref<64xi32, #tpu.memory_space<vmem>>, vector<16xi32>,
    %add3A_3347 = arith.constant 32 : i32
    %add3A_3348 = arith.addi %mul3A_2, %add3A_3347 : i32
    %get3A_3349 = arith.index_cast %add3A_3348 : i32 to index
    %get3A_3350 = tpu.vector_load %arg7[%get3A_3349] {strides = array<i32>} : memref<2048xi32, #tpu.memory_space<vmem>>, vector<16xi32>,
    %get3A_3351 = vector.shape_cast %get3A_3350 : vector<16xi32> to vector<16xi32>
    %add3A_3352 = arith.constant 0 : i32
    %add3A_3353 = vector.broadcast %add3A_3352 : i32 to vector<16xi32>
    %add3A_3354 = arith.addi %broadcast_in_dim3A_6, %add3A_3353 : vector<16xi32>
    %sub3A_3355 = arith.subi %get3A_3351, %add3A_3354 : vector<16xi32>
    %abs3A_3356 = math.absi %sub3A_3355 : vector<16xi32>
    %min3A_3357 = arith.minsi %abs3A_3356, %add3A_9 : vector<16xi32>
    %sub3A_3358 = arith.subi %add3A_9, %min3A_3357 : vector<16xi32>
    %sub3A_3359 = arith.constant 1 : i32
    %sub3A_3360 = vector.broadcast %sub3A_3359 : i32 to vector<16xi32>
    %sub3A_3361 = arith.subi %iota3A, %sub3A_3360 : vector<16xi32>
    %max3A_3362 = arith.maxsi %sub3A_3361, %broadcast_in_dim3A_6 : vector<16xi32>
    %lt3A_3363 = arith.constant 0 : i32
    %lt3A_3364 = vector.broadcast %lt3A_3363 : i32 to vector<16xi32>
    %lt3A_3365 = arith.cmpi slt, %max3A_3362, %lt3A_3364 : vector<16xi32>
    %add3A_3366 = arith.constant 16 : i32
    %add3A_3367 = vector.broadcast %add3A_3366 : i32 to vector<16xi32>
    %add3A_3368 = arith.addi %max3A_3362, %add3A_3367 : vector<16xi32>
    %select_n3A_3369 = arith.select %lt3A_3365, %add3A_3368, %max3A_3362 : vector<16xi1>, vector<16xi32>
    %broadcast_in_dim3A_3370 = vector.shape_cast %select_n3A_3369 : vector<16xi32> to vector<16x1xi32>
    %gather3A_3371 = vector.shape_cast %broadcast_in_dim3A_3370 : vector<16x1xi32> to vector<16xi32>
    %gather3A_3372 = tpu.dynamic_gather %sub3A_3358[%gather3A_3371] in [0] : vector<16xi32>, vector<16xi32> -> vector<16xi32>
    %sub3A_3373 = arith.constant 0 : i32
    %sub3A_3374 = vector.broadcast %sub3A_3373 : i32 to vector<16xi32>
    %sub3A_3375 = arith.subi %iota3A, %sub3A_3374 : vector<16xi32>
    %max3A_3376 = arith.maxsi %sub3A_3375, %broadcast_in_dim3A_6 : vector<16xi32>
    %min3A_3377 = arith.minsi %max3A_3376, %add3A_9 : vector<16xi32>
    %mul3A_3378 = arith.muli %gather3A_3372, %min3A_3377 : vector<16xi32>
    %add3A_3379 = arith.addi %sub3A_3358, %mul3A_3378 : vector<16xi32>
    %sub3A_3380 = arith.constant 2 : i32
    %sub3A_3381 = vector.broadcast %sub3A_3380 : i32 to vector<16xi32>
    %sub3A_3382 = arith.subi %iota3A, %sub3A_3381 : vector<16xi32>
    %max3A_3383 = arith.maxsi %sub3A_3382, %broadcast_in_dim3A_6 : vector<16xi32>
    %lt3A_3384 = arith.constant 0 : i32
    %lt3A_3385 = vector.broadcast %lt3A_3384 : i32 to vector<16xi32>
    %lt3A_3386 = arith.cmpi slt, %max3A_3383, %lt3A_3385 : vector<16xi32>
    %add3A_3387 = arith.constant 16 : i32
    %add3A_3388 = vector.broadcast %add3A_3387 : i32 to vector<16xi32>
    %add3A_3389 = arith.addi %max3A_3383, %add3A_3388 : vector<16xi32>
    %select_n3A_3390 = arith.select %lt3A_3386, %add3A_3389, %max3A_3383 : vector<16xi1>, vector<16xi32>
    %broadcast_in_dim3A_3391 = vector.shape_cast %select_n3A_3390 : vector<16xi32> to vector<16x1xi32>
    %gather3A_3392 = vector.shape_cast %broadcast_in_dim3A_3391 : vector<16x1xi32> to vector<16xi32>
    %gather3A_3393 = tpu.dynamic_gather %add3A_3379[%gather3A_3392] in [0] : vector<16xi32>, vector<16xi32> -> vector<16xi32>
    %sub3A_3394 = arith.constant 1 : i32
    %sub3A_3395 = vector.broadcast %sub3A_3394 : i32 to vector<16xi32>
    %sub3A_3396 = arith.subi %iota3A, %sub3A_3395 : vector<16xi32>
    %max3A_3397 = arith.maxsi %sub3A_3396, %broadcast_in_dim3A_6 : vector<16xi32>
    %min3A_3398 = arith.minsi %max3A_3397, %add3A_9 : vector<16xi32>
    %mul3A_3399 = arith.muli %gather3A_3393, %min3A_3398 : vector<16xi32>
    %add3A_3400 = arith.addi %add3A_3379, %mul3A_3399 : vector<16xi32>
    %sub3A_3401 = arith.constant 4 : i32
    %sub3A_3402 = vector.broadcast %sub3A_3401 : i32 to vector<16xi32>
    %sub3A_3403 = arith.subi %iota3A, %sub3A_3402 : vector<16xi32>
    %max3A_3404 = arith.maxsi %sub3A_3403, %broadcast_in_dim3A_6 : vector<16xi32>
    %lt3A_3405 = arith.constant 0 : i32
    %lt3A_3406 = vector.broadcast %lt3A_3405 : i32 to vector<16xi32>
    %lt3A_3407 = arith.cmpi slt, %max3A_3404, %lt3A_3406 : vector<16xi32>
    %add3A_3408 = arith.constant 16 : i32
    %add3A_3409 = vector.broadcast %add3A_3408 : i32 to vector<16xi32>
    %add3A_3410 = arith.addi %max3A_3404, %add3A_3409 : vector<16xi32>
    %select_n3A_3411 = arith.select %lt3A_3407, %add3A_3410, %max3A_3404 : vector<16xi1>, vector<16xi32>
    %broadcast_in_dim3A_3412 = vector.shape_cast %select_n3A_3411 : vector<16xi32> to vector<16x1xi32>
    %gather3A_3413 = vector.shape_cast %broadcast_in_dim3A_3412 : vector<16x1xi32> to vector<16xi32>
    %gather3A_3414 = tpu.dynamic_gather %add3A_3400[%gather3A_3413] in [0] : vector<16xi32>, vector<16xi32> -> vector<16xi32>
    %sub3A_3415 = arith.constant 3 : i32
    %sub3A_3416 = vector.broadcast %sub3A_3415 : i32 to vector<16xi32>
    %sub3A_3417 = arith.subi %iota3A, %sub3A_3416 : vector<16xi32>
    %max3A_3418 = arith.maxsi %sub3A_3417, %broadcast_in_dim3A_6 : vector<16xi32>
    %min3A_3419 = arith.minsi %max3A_3418, %add3A_9 : vector<16xi32>
    %mul3A_3420 = arith.muli %gather3A_3414, %min3A_3419 : vector<16xi32>
    %add3A_3421 = arith.addi %add3A_3400, %mul3A_3420 : vector<16xi32>
    %sub3A_3422 = arith.constant 8 : i32
    %sub3A_3423 = vector.broadcast %sub3A_3422 : i32 to vector<16xi32>
    %sub3A_3424 = arith.subi %iota3A, %sub3A_3423 : vector<16xi32>
    %max3A_3425 = arith.maxsi %sub3A_3424, %broadcast_in_dim3A_6 : vector<16xi32>
    %lt3A_3426 = arith.constant 0 : i32
    %lt3A_3427 = vector.broadcast %lt3A_3426 : i32 to vector<16xi32>
    %lt3A_3428 = arith.cmpi slt, %max3A_3425, %lt3A_3427 : vector<16xi32>
    %add3A_3429 = arith.constant 16 : i32
    %add3A_3430 = vector.broadcast %add3A_3429 : i32 to vector<16xi32>
    %add3A_3431 = arith.addi %max3A_3425, %add3A_3430 : vector<16xi32>
    %select_n3A_3432 = arith.select %lt3A_3428, %add3A_3431, %max3A_3425 : vector<16xi1>, vector<16xi32>
    %broadcast_in_dim3A_3433 = vector.shape_cast %select_n3A_3432 : vector<16xi32> to vector<16x1xi32>
    %gather3A_3434 = vector.shape_cast %broadcast_in_dim3A_3433 : vector<16x1xi32> to vector<16xi32>
    %gather3A_3435 = tpu.dynamic_gather %add3A_3421[%gather3A_3434] in [0] : vector<16xi32>, vector<16xi32> -> vector<16xi32>
    %sub3A_3436 = arith.constant 7 : i32
    %sub3A_3437 = vector.broadcast %sub3A_3436 : i32 to vector<16xi32>
    %sub3A_3438 = arith.subi %iota3A, %sub3A_3437 : vector<16xi32>
    %max3A_3439 = arith.maxsi %sub3A_3438, %broadcast_in_dim3A_6 : vector<16xi32>
    %min3A_3440 = arith.minsi %max3A_3439, %add3A_9 : vector<16xi32>
    %mul3A_3441 = arith.muli %gather3A_3435, %min3A_3440 : vector<16xi32>
    %add3A_3442 = arith.addi %add3A_3421, %mul3A_3441 : vector<16xi32>
    %add3A_3443 = arith.addi %broadcast_in_dim3A_6, %add3A_2572 : vector<16xi32>
    %add3A_3444 = arith.addi %add3A_3443, %add3A_3442 : vector<16xi32>
    %sub3A_3445 = arith.subi %add3A_3444, %add3A_9 : vector<16xi32>
    %mul3A_3446 = arith.muli %sub3A_3358, %sub3A_3445 : vector<16xi32>
    %add3A_3447 = arith.addi %broadcast_in_dim3A_6, %mul3A_3446 : vector<16xi32>
    %add3A_3448 = arith.constant 15 : i32
    %add3A_3449 = vector.broadcast %add3A_3448 : i32 to vector<16xi32>
    %add3A_3450 = arith.addi %broadcast_in_dim3A_6, %add3A_3449 : vector<16xi32>
    %lt3A_3451 = arith.constant 0 : i32
    %lt3A_3452 = vector.broadcast %lt3A_3451 : i32 to vector<16xi32>
    %lt3A_3453 = arith.cmpi slt, %add3A_3450, %lt3A_3452 : vector<16xi32>
    %add3A_3454 = arith.constant 16 : i32
    %add3A_3455 = vector.broadcast %add3A_3454 : i32 to vector<16xi32>
    %add3A_3456 = arith.addi %add3A_3450, %add3A_3455 : vector<16xi32>
    %select_n3A_3457 = arith.select %lt3A_3453, %add3A_3456, %add3A_3450 : vector<16xi1>, vector<16xi32>
    %broadcast_in_dim3A_3458 = vector.shape_cast %select_n3A_3457 : vector<16xi32> to vector<16x1xi32>
    %gather3A_3459 = vector.shape_cast %broadcast_in_dim3A_3458 : vector<16x1xi32> to vector<16xi32>
    %gather3A_3460 = tpu.dynamic_gather %add3A_3442[%gather3A_3459] in [0] : vector<16xi32>, vector<16xi32> -> vector<16xi32>
    %add3A_3461 = arith.addi %add3A_2572, %gather3A_3460 : vector<16xi32>
    %add3A_3462 = arith.constant 1 : i32
    %add3A_3463 = vector.broadcast %add3A_3462 : i32 to vector<16xi32>
    %add3A_3464 = arith.addi %broadcast_in_dim3A_6, %add3A_3463 : vector<16xi32>
    %sub3A_3465 = arith.subi %get3A_3351, %add3A_3464 : vector<16xi32>
    %abs3A_3466 = math.absi %sub3A_3465 : vector<16xi32>
    %min3A_3467 = arith.minsi %abs3A_3466, %add3A_9 : vector<16xi32>
    %sub3A_3468 = arith.subi %add3A_9, %min3A_3467 : vector<16xi32>
    %sub3A_3469 = arith.constant 1 : i32
    %sub3A_3470 = vector.broadcast %sub3A_3469 : i32 to vector<16xi32>
    %sub3A_3471 = arith.subi %iota3A, %sub3A_3470 : vector<16xi32>
    %max3A_3472 = arith.maxsi %sub3A_3471, %broadcast_in_dim3A_6 : vector<16xi32>
    %lt3A_3473 = arith.constant 0 : i32
    %lt3A_3474 = vector.broadcast %lt3A_3473 : i32 to vector<16xi32>
    %lt3A_3475 = arith.cmpi slt, %max3A_3472, %lt3A_3474 : vector<16xi32>
    %add3A_3476 = arith.constant 16 : i32
    %add3A_3477 = vector.broadcast %add3A_3476 : i32 to vector<16xi32>
    %add3A_3478 = arith.addi %max3A_3472, %add3A_3477 : vector<16xi32>
    %select_n3A_3479 = arith.select %lt3A_3475, %add3A_3478, %max3A_3472 : vector<16xi1>, vector<16xi32>
    %broadcast_in_dim3A_3480 = vector.shape_cast %select_n3A_3479 : vector<16xi32> to vector<16x1xi32>
    %gather3A_3481 = vector.shape_cast %broadcast_in_dim3A_3480 : vector<16x1xi32> to vector<16xi32>
    %gather3A_3482 = tpu.dynamic_gather %sub3A_3468[%gather3A_3481] in [0] : vector<16xi32>, vector<16xi32> -> vector<16xi32>
    %sub3A_3483 = arith.constant 0 : i32
    %sub3A_3484 = vector.broadcast %sub3A_3483 : i32 to vector<16xi32>
    %sub3A_3485 = arith.subi %iota3A, %sub3A_3484 : vector<16xi32>
    %max3A_3486 = arith.maxsi %sub3A_3485, %broadcast_in_dim3A_6 : vector<16xi32>
    %min3A_3487 = arith.minsi %max3A_3486, %add3A_9 : vector<16xi32>
    %mul3A_3488 = arith.muli %gather3A_3482, %min3A_3487 : vector<16xi32>
    %add3A_3489 = arith.addi %sub3A_3468, %mul3A_3488 : vector<16xi32>
    %sub3A_3490 = arith.constant 2 : i32
    %sub3A_3491 = vector.broadcast %sub3A_3490 : i32 to vector<16xi32>
    %sub3A_3492 = arith.subi %iota3A, %sub3A_3491 : vector<16xi32>
    %max3A_3493 = arith.maxsi %sub3A_3492, %broadcast_in_dim3A_6 : vector<16xi32>
    %lt3A_3494 = arith.constant 0 : i32
    %lt3A_3495 = vector.broadcast %lt3A_3494 : i32 to vector<16xi32>
    %lt3A_3496 = arith.cmpi slt, %max3A_3493, %lt3A_3495 : vector<16xi32>
    %add3A_3497 = arith.constant 16 : i32
    %add3A_3498 = vector.broadcast %add3A_3497 : i32 to vector<16xi32>
    %add3A_3499 = arith.addi %max3A_3493, %add3A_3498 : vector<16xi32>
    %select_n3A_3500 = arith.select %lt3A_3496, %add3A_3499, %max3A_3493 : vector<16xi1>, vector<16xi32>
    %broadcast_in_dim3A_3501 = vector.shape_cast %select_n3A_3500 : vector<16xi32> to vector<16x1xi32>
    %gather3A_3502 = vector.shape_cast %broadcast_in_dim3A_3501 : vector<16x1xi32> to vector<16xi32>
    %gather3A_3503 = tpu.dynamic_gather %add3A_3489[%gather3A_3502] in [0] : vector<16xi32>, vector<16xi32> -> vector<16xi32>
    %sub3A_3504 = arith.constant 1 : i32
    %sub3A_3505 = vector.broadcast %sub3A_3504 : i32 to vector<16xi32>
    %sub3A_3506 = arith.subi %iota3A, %sub3A_3505 : vector<16xi32>
    %max3A_3507 = arith.maxsi %sub3A_3506, %broadcast_in_dim3A_6 : vector<16xi32>
    %min3A_3508 = arith.minsi %max3A_3507, %add3A_9 : vector<16xi32>
    %mul3A_3509 = arith.muli %gather3A_3503, %min3A_3508 : vector<16xi32>
    %add3A_3510 = arith.addi %add3A_3489, %mul3A_3509 : vector<16xi32>
    %sub3A_3511 = arith.constant 4 : i32
    %sub3A_3512 = vector.broadcast %sub3A_3511 : i32 to vector<16xi32>
    %sub3A_3513 = arith.subi %iota3A, %sub3A_3512 : vector<16xi32>
    %max3A_3514 = arith.maxsi %sub3A_3513, %broadcast_in_dim3A_6 : vector<16xi32>
    %lt3A_3515 = arith.constant 0 : i32
    %lt3A_3516 = vector.broadcast %lt3A_3515 : i32 to vector<16xi32>
    %lt3A_3517 = arith.cmpi slt, %max3A_3514, %lt3A_3516 : vector<16xi32>
    %add3A_3518 = arith.constant 16 : i32
    %add3A_3519 = vector.broadcast %add3A_3518 : i32 to vector<16xi32>
    %add3A_3520 = arith.addi %max3A_3514, %add3A_3519 : vector<16xi32>
    %select_n3A_3521 = arith.select %lt3A_3517, %add3A_3520, %max3A_3514 : vector<16xi1>, vector<16xi32>
    %broadcast_in_dim3A_3522 = vector.shape_cast %select_n3A_3521 : vector<16xi32> to vector<16x1xi32>
    %gather3A_3523 = vector.shape_cast %broadcast_in_dim3A_3522 : vector<16x1xi32> to vector<16xi32>
    %gather3A_3524 = tpu.dynamic_gather %add3A_3510[%gather3A_3523] in [0] : vector<16xi32>, vector<16xi32> -> vector<16xi32>
    %sub3A_3525 = arith.constant 3 : i32
    %sub3A_3526 = vector.broadcast %sub3A_3525 : i32 to vector<16xi32>
    %sub3A_3527 = arith.subi %iota3A, %sub3A_3526 : vector<16xi32>
    %max3A_3528 = arith.maxsi %sub3A_3527, %broadcast_in_dim3A_6 : vector<16xi32>
    %min3A_3529 = arith.minsi %max3A_3528, %add3A_9 : vector<16xi32>
    %mul3A_3530 = arith.muli %gather3A_3524, %min3A_3529 : vector<16xi32>
    %add3A_3531 = arith.addi %add3A_3510, %mul3A_3530 : vector<16xi32>
    %sub3A_3532 = arith.constant 8 : i32
    %sub3A_3533 = vector.broadcast %sub3A_3532 : i32 to vector<16xi32>
    %sub3A_3534 = arith.subi %iota3A, %sub3A_3533 : vector<16xi32>
    %max3A_3535 = arith.maxsi %sub3A_3534, %broadcast_in_dim3A_6 : vector<16xi32>
    %lt3A_3536 = arith.constant 0 : i32
    %lt3A_3537 = vector.broadcast %lt3A_3536 : i32 to vector<16xi32>
    %lt3A_3538 = arith.cmpi slt, %max3A_3535, %lt3A_3537 : vector<16xi32>
    %add3A_3539 = arith.constant 16 : i32
    %add3A_3540 = vector.broadcast %add3A_3539 : i32 to vector<16xi32>
    %add3A_3541 = arith.addi %max3A_3535, %add3A_3540 : vector<16xi32>
    %select_n3A_3542 = arith.select %lt3A_3538, %add3A_3541, %max3A_3535 : vector<16xi1>, vector<16xi32>
    %broadcast_in_dim3A_3543 = vector.shape_cast %select_n3A_3542 : vector<16xi32> to vector<16x1xi32>
    %gather3A_3544 = vector.shape_cast %broadcast_in_dim3A_3543 : vector<16x1xi32> to vector<16xi32>
    %gather3A_3545 = tpu.dynamic_gather %add3A_3531[%gather3A_3544] in [0] : vector<16xi32>, vector<16xi32> -> vector<16xi32>
    %sub3A_3546 = arith.constant 7 : i32
    %sub3A_3547 = vector.broadcast %sub3A_3546 : i32 to vector<16xi32>
    %sub3A_3548 = arith.subi %iota3A, %sub3A_3547 : vector<16xi32>
    %max3A_3549 = arith.maxsi %sub3A_3548, %broadcast_in_dim3A_6 : vector<16xi32>
    %min3A_3550 = arith.minsi %max3A_3549, %add3A_9 : vector<16xi32>
    %mul3A_3551 = arith.muli %gather3A_3545, %min3A_3550 : vector<16xi32>
    %add3A_3552 = arith.addi %add3A_3531, %mul3A_3551 : vector<16xi32>
    %add3A_3553 = arith.addi %add3A_1564, %add3A_2682 : vector<16xi32>
    %add3A_3554 = arith.addi %add3A_3553, %add3A_3552 : vector<16xi32>
    %sub3A_3555 = arith.subi %add3A_3554, %add3A_9 : vector<16xi32>
    %mul3A_3556 = arith.muli %sub3A_3468, %sub3A_3555 : vector<16xi32>
    %add3A_3557 = arith.addi %add3A_3447, %mul3A_3556 : vector<16xi32>
    %add3A_3558 = arith.constant 15 : i32
    %add3A_3559 = vector.broadcast %add3A_3558 : i32 to vector<16xi32>
    %add3A_3560 = arith.addi %broadcast_in_dim3A_6, %add3A_3559 : vector<16xi32>
    %lt3A_3561 = arith.constant 0 : i32
    %lt3A_3562 = vector.broadcast %lt3A_3561 : i32 to vector<16xi32>
    %lt3A_3563 = arith.cmpi slt, %add3A_3560, %lt3A_3562 : vector<16xi32>
    %add3A_3564 = arith.constant 16 : i32
    %add3A_3565 = vector.broadcast %add3A_3564 : i32 to vector<16xi32>
    %add3A_3566 = arith.addi %add3A_3560, %add3A_3565 : vector<16xi32>
    %select_n3A_3567 = arith.select %lt3A_3563, %add3A_3566, %add3A_3560 : vector<16xi1>, vector<16xi32>
    %broadcast_in_dim3A_3568 = vector.shape_cast %select_n3A_3567 : vector<16xi32> to vector<16x1xi32>
    %gather3A_3569 = vector.shape_cast %broadcast_in_dim3A_3568 : vector<16x1xi32> to vector<16xi32>
    %gather3A_3570 = tpu.dynamic_gather %add3A_3552[%gather3A_3569] in [0] : vector<16xi32>, vector<16xi32> -> vector<16xi32>
    %add3A_3571 = arith.addi %add3A_2682, %gather3A_3570 : vector<16xi32>
    %add3A_3572 = arith.constant 2 : i32
    %add3A_3573 = vector.broadcast %add3A_3572 : i32 to vector<16xi32>
    %add3A_3574 = arith.addi %broadcast_in_dim3A_6, %add3A_3573 : vector<16xi32>
    %sub3A_3575 = arith.subi %get3A_3351, %add3A_3574 : vector<16xi32>
    %abs3A_3576 = math.absi %sub3A_3575 : vector<16xi32>
    %min3A_3577 = arith.minsi %abs3A_3576, %add3A_9 : vector<16xi32>
    %sub3A_3578 = arith.subi %add3A_9, %min3A_3577 : vector<16xi32>
    %sub3A_3579 = arith.constant 1 : i32
    %sub3A_3580 = vector.broadcast %sub3A_3579 : i32 to vector<16xi32>
    %sub3A_3581 = arith.subi %iota3A, %sub3A_3580 : vector<16xi32>
    %max3A_3582 = arith.maxsi %sub3A_3581, %broadcast_in_dim3A_6 : vector<16xi32>
    %lt3A_3583 = arith.constant 0 : i32
    %lt3A_3584 = vector.broadcast %lt3A_3583 : i32 to vector<16xi32>
    %lt3A_3585 = arith.cmpi slt, %max3A_3582, %lt3A_3584 : vector<16xi32>
    %add3A_3586 = arith.constant 16 : i32
    %add3A_3587 = vector.broadcast %add3A_3586 : i32 to vector<16xi32>
    %add3A_3588 = arith.addi %max3A_3582, %add3A_3587 : vector<16xi32>
    %select_n3A_3589 = arith.select %lt3A_3585, %add3A_3588, %max3A_3582 : vector<16xi1>, vector<16xi32>
    %broadcast_in_dim3A_3590 = vector.shape_cast %select_n3A_3589 : vector<16xi32> to vector<16x1xi32>
    %gather3A_3591 = vector.shape_cast %broadcast_in_dim3A_3590 : vector<16x1xi32> to vector<16xi32>
    %gather3A_3592 = tpu.dynamic_gather %sub3A_3578[%gather3A_3591] in [0] : vector<16xi32>, vector<16xi32> -> vector<16xi32>
    %sub3A_3593 = arith.constant 0 : i32
    %sub3A_3594 = vector.broadcast %sub3A_3593 : i32 to vector<16xi32>
    %sub3A_3595 = arith.subi %iota3A, %sub3A_3594 : vector<16xi32>
    %max3A_3596 = arith.maxsi %sub3A_3595, %broadcast_in_dim3A_6 : vector<16xi32>
    %min3A_3597 = arith.minsi %max3A_3596, %add3A_9 : vector<16xi32>
    %mul3A_3598 = arith.muli %gather3A_3592, %min3A_3597 : vector<16xi32>
    %add3A_3599 = arith.addi %sub3A_3578, %mul3A_3598 : vector<16xi32>
    %sub3A_3600 = arith.constant 2 : i32
    %sub3A_3601 = vector.broadcast %sub3A_3600 : i32 to vector<16xi32>
    %sub3A_3602 = arith.subi %iota3A, %sub3A_3601 : vector<16xi32>
    %max3A_3603 = arith.maxsi %sub3A_3602, %broadcast_in_dim3A_6 : vector<16xi32>
    %lt3A_3604 = arith.constant 0 : i32
    %lt3A_3605 = vector.broadcast %lt3A_3604 : i32 to vector<16xi32>
    %lt3A_3606 = arith.cmpi slt, %max3A_3603, %lt3A_3605 : vector<16xi32>
    %add3A_3607 = arith.constant 16 : i32
    %add3A_3608 = vector.broadcast %add3A_3607 : i32 to vector<16xi32>
    %add3A_3609 = arith.addi %max3A_3603, %add3A_3608 : vector<16xi32>
    %select_n3A_3610 = arith.select %lt3A_3606, %add3A_3609, %max3A_3603 : vector<16xi1>, vector<16xi32>
    %broadcast_in_dim3A_3611 = vector.shape_cast %select_n3A_3610 : vector<16xi32> to vector<16x1xi32>
    %gather3A_3612 = vector.shape_cast %broadcast_in_dim3A_3611 : vector<16x1xi32> to vector<16xi32>
    %gather3A_3613 = tpu.dynamic_gather %add3A_3599[%gather3A_3612] in [0] : vector<16xi32>, vector<16xi32> -> vector<16xi32>
    %sub3A_3614 = arith.constant 1 : i32
    %sub3A_3615 = vector.broadcast %sub3A_3614 : i32 to vector<16xi32>
    %sub3A_3616 = arith.subi %iota3A, %sub3A_3615 : vector<16xi32>
    %max3A_3617 = arith.maxsi %sub3A_3616, %broadcast_in_dim3A_6 : vector<16xi32>
    %min3A_3618 = arith.minsi %max3A_3617, %add3A_9 : vector<16xi32>
    %mul3A_3619 = arith.muli %gather3A_3613, %min3A_3618 : vector<16xi32>
    %add3A_3620 = arith.addi %add3A_3599, %mul3A_3619 : vector<16xi32>
    %sub3A_3621 = arith.constant 4 : i32
    %sub3A_3622 = vector.broadcast %sub3A_3621 : i32 to vector<16xi32>
    %sub3A_3623 = arith.subi %iota3A, %sub3A_3622 : vector<16xi32>
    %max3A_3624 = arith.maxsi %sub3A_3623, %broadcast_in_dim3A_6 : vector<16xi32>
    %lt3A_3625 = arith.constant 0 : i32
    %lt3A_3626 = vector.broadcast %lt3A_3625 : i32 to vector<16xi32>
    %lt3A_3627 = arith.cmpi slt, %max3A_3624, %lt3A_3626 : vector<16xi32>
    %add3A_3628 = arith.constant 16 : i32
    %add3A_3629 = vector.broadcast %add3A_3628 : i32 to vector<16xi32>
    %add3A_3630 = arith.addi %max3A_3624, %add3A_3629 : vector<16xi32>
    %select_n3A_3631 = arith.select %lt3A_3627, %add3A_3630, %max3A_3624 : vector<16xi1>, vector<16xi32>
    %broadcast_in_dim3A_3632 = vector.shape_cast %select_n3A_3631 : vector<16xi32> to vector<16x1xi32>
    %gather3A_3633 = vector.shape_cast %broadcast_in_dim3A_3632 : vector<16x1xi32> to vector<16xi32>
    %gather3A_3634 = tpu.dynamic_gather %add3A_3620[%gather3A_3633] in [0] : vector<16xi32>, vector<16xi32> -> vector<16xi32>
    %sub3A_3635 = arith.constant 3 : i32
    %sub3A_3636 = vector.broadcast %sub3A_3635 : i32 to vector<16xi32>
    %sub3A_3637 = arith.subi %iota3A, %sub3A_3636 : vector<16xi32>
    %max3A_3638 = arith.maxsi %sub3A_3637, %broadcast_in_dim3A_6 : vector<16xi32>
    %min3A_3639 = arith.minsi %max3A_3638, %add3A_9 : vector<16xi32>
    %mul3A_3640 = arith.muli %gather3A_3634, %min3A_3639 : vector<16xi32>
    %add3A_3641 = arith.addi %add3A_3620, %mul3A_3640 : vector<16xi32>
    %sub3A_3642 = arith.constant 8 : i32
    %sub3A_3643 = vector.broadcast %sub3A_3642 : i32 to vector<16xi32>
    %sub3A_3644 = arith.subi %iota3A, %sub3A_3643 : vector<16xi32>
    %max3A_3645 = arith.maxsi %sub3A_3644, %broadcast_in_dim3A_6 : vector<16xi32>
    %lt3A_3646 = arith.constant 0 : i32
    %lt3A_3647 = vector.broadcast %lt3A_3646 : i32 to vector<16xi32>
    %lt3A_3648 = arith.cmpi slt, %max3A_3645, %lt3A_3647 : vector<16xi32>
    %add3A_3649 = arith.constant 16 : i32
    %add3A_3650 = vector.broadcast %add3A_3649 : i32 to vector<16xi32>
    %add3A_3651 = arith.addi %max3A_3645, %add3A_3650 : vector<16xi32>
    %select_n3A_3652 = arith.select %lt3A_3648, %add3A_3651, %max3A_3645 : vector<16xi1>, vector<16xi32>
    %broadcast_in_dim3A_3653 = vector.shape_cast %select_n3A_3652 : vector<16xi32> to vector<16x1xi32>
    %gather3A_3654 = vector.shape_cast %broadcast_in_dim3A_3653 : vector<16x1xi32> to vector<16xi32>
    %gather3A_3655 = tpu.dynamic_gather %add3A_3641[%gather3A_3654] in [0] : vector<16xi32>, vector<16xi32> -> vector<16xi32>
    %sub3A_3656 = arith.constant 7 : i32
    %sub3A_3657 = vector.broadcast %sub3A_3656 : i32 to vector<16xi32>
    %sub3A_3658 = arith.subi %iota3A, %sub3A_3657 : vector<16xi32>
    %max3A_3659 = arith.maxsi %sub3A_3658, %broadcast_in_dim3A_6 : vector<16xi32>
    %min3A_3660 = arith.minsi %max3A_3659, %add3A_9 : vector<16xi32>
    %mul3A_3661 = arith.muli %gather3A_3655, %min3A_3660 : vector<16xi32>
    %add3A_3662 = arith.addi %add3A_3641, %mul3A_3661 : vector<16xi32>
    %add3A_3663 = arith.addi %add3A_1565, %add3A_2792 : vector<16xi32>
    %add3A_3664 = arith.addi %add3A_3663, %add3A_3662 : vector<16xi32>
    %sub3A_3665 = arith.subi %add3A_3664, %add3A_9 : vector<16xi32>
    %mul3A_3666 = arith.muli %sub3A_3578, %sub3A_3665 : vector<16xi32>
    %add3A_3667 = arith.addi %add3A_3557, %mul3A_3666 : vector<16xi32>
    %add3A_3668 = arith.constant 15 : i32
    %add3A_3669 = vector.broadcast %add3A_3668 : i32 to vector<16xi32>
    %add3A_3670 = arith.addi %broadcast_in_dim3A_6, %add3A_3669 : vector<16xi32>
    %lt3A_3671 = arith.constant 0 : i32
    %lt3A_3672 = vector.broadcast %lt3A_3671 : i32 to vector<16xi32>
    %lt3A_3673 = arith.cmpi slt, %add3A_3670, %lt3A_3672 : vector<16xi32>
    %add3A_3674 = arith.constant 16 : i32
    %add3A_3675 = vector.broadcast %add3A_3674 : i32 to vector<16xi32>
    %add3A_3676 = arith.addi %add3A_3670, %add3A_3675 : vector<16xi32>
    %select_n3A_3677 = arith.select %lt3A_3673, %add3A_3676, %add3A_3670 : vector<16xi1>, vector<16xi32>
    %broadcast_in_dim3A_3678 = vector.shape_cast %select_n3A_3677 : vector<16xi32> to vector<16x1xi32>
    %gather3A_3679 = vector.shape_cast %broadcast_in_dim3A_3678 : vector<16x1xi32> to vector<16xi32>
    %gather3A_3680 = tpu.dynamic_gather %add3A_3662[%gather3A_3679] in [0] : vector<16xi32>, vector<16xi32> -> vector<16xi32>
    %add3A_3681 = arith.addi %add3A_2792, %gather3A_3680 : vector<16xi32>
    %add3A_3682 = arith.constant 3 : i32
    %add3A_3683 = vector.broadcast %add3A_3682 : i32 to vector<16xi32>
    %add3A_3684 = arith.addi %broadcast_in_dim3A_6, %add3A_3683 : vector<16xi32>
    %sub3A_3685 = arith.subi %get3A_3351, %add3A_3684 : vector<16xi32>
    %abs3A_3686 = math.absi %sub3A_3685 : vector<16xi32>
    %min3A_3687 = arith.minsi %abs3A_3686, %add3A_9 : vector<16xi32>
    %sub3A_3688 = arith.subi %add3A_9, %min3A_3687 : vector<16xi32>
    %sub3A_3689 = arith.constant 1 : i32
    %sub3A_3690 = vector.broadcast %sub3A_3689 : i32 to vector<16xi32>
    %sub3A_3691 = arith.subi %iota3A, %sub3A_3690 : vector<16xi32>
    %max3A_3692 = arith.maxsi %sub3A_3691, %broadcast_in_dim3A_6 : vector<16xi32>
    %lt3A_3693 = arith.constant 0 : i32
    %lt3A_3694 = vector.broadcast %lt3A_3693 : i32 to vector<16xi32>
    %lt3A_3695 = arith.cmpi slt, %max3A_3692, %lt3A_3694 : vector<16xi32>
    %add3A_3696 = arith.constant 16 : i32
    %add3A_3697 = vector.broadcast %add3A_3696 : i32 to vector<16xi32>
    %add3A_3698 = arith.addi %max3A_3692, %add3A_3697 : vector<16xi32>
    %select_n3A_3699 = arith.select %lt3A_3695, %add3A_3698, %max3A_3692 : vector<16xi1>, vector<16xi32>
    %broadcast_in_dim3A_3700 = vector.shape_cast %select_n3A_3699 : vector<16xi32> to vector<16x1xi32>
    %gather3A_3701 = vector.shape_cast %broadcast_in_dim3A_3700 : vector<16x1xi32> to vector<16xi32>
    %gather3A_3702 = tpu.dynamic_gather %sub3A_3688[%gather3A_3701] in [0] : vector<16xi32>, vector<16xi32> -> vector<16xi32>
    %sub3A_3703 = arith.constant 0 : i32
    %sub3A_3704 = vector.broadcast %sub3A_3703 : i32 to vector<16xi32>
    %sub3A_3705 = arith.subi %iota3A, %sub3A_3704 : vector<16xi32>
    %max3A_3706 = arith.maxsi %sub3A_3705, %broadcast_in_dim3A_6 : vector<16xi32>
    %min3A_3707 = arith.minsi %max3A_3706, %add3A_9 : vector<16xi32>
    %mul3A_3708 = arith.muli %gather3A_3702, %min3A_3707 : vector<16xi32>
    %add3A_3709 = arith.addi %sub3A_3688, %mul3A_3708 : vector<16xi32>
    %sub3A_3710 = arith.constant 2 : i32
    %sub3A_3711 = vector.broadcast %sub3A_3710 : i32 to vector<16xi32>
    %sub3A_3712 = arith.subi %iota3A, %sub3A_3711 : vector<16xi32>
    %max3A_3713 = arith.maxsi %sub3A_3712, %broadcast_in_dim3A_6 : vector<16xi32>
    %lt3A_3714 = arith.constant 0 : i32
    %lt3A_3715 = vector.broadcast %lt3A_3714 : i32 to vector<16xi32>
    %lt3A_3716 = arith.cmpi slt, %max3A_3713, %lt3A_3715 : vector<16xi32>
    %add3A_3717 = arith.constant 16 : i32
    %add3A_3718 = vector.broadcast %add3A_3717 : i32 to vector<16xi32>
    %add3A_3719 = arith.addi %max3A_3713, %add3A_3718 : vector<16xi32>
    %select_n3A_3720 = arith.select %lt3A_3716, %add3A_3719, %max3A_3713 : vector<16xi1>, vector<16xi32>
    %broadcast_in_dim3A_3721 = vector.shape_cast %select_n3A_3720 : vector<16xi32> to vector<16x1xi32>
    %gather3A_3722 = vector.shape_cast %broadcast_in_dim3A_3721 : vector<16x1xi32> to vector<16xi32>
    %gather3A_3723 = tpu.dynamic_gather %add3A_3709[%gather3A_3722] in [0] : vector<16xi32>, vector<16xi32> -> vector<16xi32>
    %sub3A_3724 = arith.constant 1 : i32
    %sub3A_3725 = vector.broadcast %sub3A_3724 : i32 to vector<16xi32>
    %sub3A_3726 = arith.subi %iota3A, %sub3A_3725 : vector<16xi32>
    %max3A_3727 = arith.maxsi %sub3A_3726, %broadcast_in_dim3A_6 : vector<16xi32>
    %min3A_3728 = arith.minsi %max3A_3727, %add3A_9 : vector<16xi32>
    %mul3A_3729 = arith.muli %gather3A_3723, %min3A_3728 : vector<16xi32>
    %add3A_3730 = arith.addi %add3A_3709, %mul3A_3729 : vector<16xi32>
    %sub3A_3731 = arith.constant 4 : i32
    %sub3A_3732 = vector.broadcast %sub3A_3731 : i32 to vector<16xi32>
    %sub3A_3733 = arith.subi %iota3A, %sub3A_3732 : vector<16xi32>
    %max3A_3734 = arith.maxsi %sub3A_3733, %broadcast_in_dim3A_6 : vector<16xi32>
    %lt3A_3735 = arith.constant 0 : i32
    %lt3A_3736 = vector.broadcast %lt3A_3735 : i32 to vector<16xi32>
    %lt3A_3737 = arith.cmpi slt, %max3A_3734, %lt3A_3736 : vector<16xi32>
    %add3A_3738 = arith.constant 16 : i32
    %add3A_3739 = vector.broadcast %add3A_3738 : i32 to vector<16xi32>
    %add3A_3740 = arith.addi %max3A_3734, %add3A_3739 : vector<16xi32>
    %select_n3A_3741 = arith.select %lt3A_3737, %add3A_3740, %max3A_3734 : vector<16xi1>, vector<16xi32>
    %broadcast_in_dim3A_3742 = vector.shape_cast %select_n3A_3741 : vector<16xi32> to vector<16x1xi32>
    %gather3A_3743 = vector.shape_cast %broadcast_in_dim3A_3742 : vector<16x1xi32> to vector<16xi32>
    %gather3A_3744 = tpu.dynamic_gather %add3A_3730[%gather3A_3743] in [0] : vector<16xi32>, vector<16xi32> -> vector<16xi32>
    %sub3A_3745 = arith.constant 3 : i32
    %sub3A_3746 = vector.broadcast %sub3A_3745 : i32 to vector<16xi32>
    %sub3A_3747 = arith.subi %iota3A, %sub3A_3746 : vector<16xi32>
    %max3A_3748 = arith.maxsi %sub3A_3747, %broadcast_in_dim3A_6 : vector<16xi32>
    %min3A_3749 = arith.minsi %max3A_3748, %add3A_9 : vector<16xi32>
    %mul3A_3750 = arith.muli %gather3A_3744, %min3A_3749 : vector<16xi32>
    %add3A_3751 = arith.addi %add3A_3730, %mul3A_3750 : vector<16xi32>
    %sub3A_3752 = arith.constant 8 : i32
    %sub3A_3753 = vector.broadcast %sub3A_3752 : i32 to vector<16xi32>
    %sub3A_3754 = arith.subi %iota3A, %sub3A_3753 : vector<16xi32>
    %max3A_3755 = arith.maxsi %sub3A_3754, %broadcast_in_dim3A_6 : vector<16xi32>
    %lt3A_3756 = arith.constant 0 : i32
    %lt3A_3757 = vector.broadcast %lt3A_3756 : i32 to vector<16xi32>
    %lt3A_3758 = arith.cmpi slt, %max3A_3755, %lt3A_3757 : vector<16xi32>
    %add3A_3759 = arith.constant 16 : i32
    %add3A_3760 = vector.broadcast %add3A_3759 : i32 to vector<16xi32>
    %add3A_3761 = arith.addi %max3A_3755, %add3A_3760 : vector<16xi32>
    %select_n3A_3762 = arith.select %lt3A_3758, %add3A_3761, %max3A_3755 : vector<16xi1>, vector<16xi32>
    %broadcast_in_dim3A_3763 = vector.shape_cast %select_n3A_3762 : vector<16xi32> to vector<16x1xi32>
    %gather3A_3764 = vector.shape_cast %broadcast_in_dim3A_3763 : vector<16x1xi32> to vector<16xi32>
    %gather3A_3765 = tpu.dynamic_gather %add3A_3751[%gather3A_3764] in [0] : vector<16xi32>, vector<16xi32> -> vector<16xi32>
    %sub3A_3766 = arith.constant 7 : i32
    %sub3A_3767 = vector.broadcast %sub3A_3766 : i32 to vector<16xi32>
    %sub3A_3768 = arith.subi %iota3A, %sub3A_3767 : vector<16xi32>
    %max3A_3769 = arith.maxsi %sub3A_3768, %broadcast_in_dim3A_6 : vector<16xi32>
    %min3A_3770 = arith.minsi %max3A_3769, %add3A_9 : vector<16xi32>
    %mul3A_3771 = arith.muli %gather3A_3765, %min3A_3770 : vector<16xi32>
    %add3A_3772 = arith.addi %add3A_3751, %mul3A_3771 : vector<16xi32>
    %add3A_3773 = arith.addi %add3A_1566, %add3A_2902 : vector<16xi32>
    %add3A_3774 = arith.addi %add3A_3773, %add3A_3772 : vector<16xi32>
    %sub3A_3775 = arith.subi %add3A_3774, %add3A_9 : vector<16xi32>
    %mul3A_3776 = arith.muli %sub3A_3688, %sub3A_3775 : vector<16xi32>
    %add3A_3777 = arith.addi %add3A_3667, %mul3A_3776 : vector<16xi32>
    %add3A_3778 = arith.constant 15 : i32
    %add3A_3779 = vector.broadcast %add3A_3778 : i32 to vector<16xi32>
    %add3A_3780 = arith.addi %broadcast_in_dim3A_6, %add3A_3779 : vector<16xi32>
    %lt3A_3781 = arith.constant 0 : i32
    %lt3A_3782 = vector.broadcast %lt3A_3781 : i32 to vector<16xi32>
    %lt3A_3783 = arith.cmpi slt, %add3A_3780, %lt3A_3782 : vector<16xi32>
    %add3A_3784 = arith.constant 16 : i32
    %add3A_3785 = vector.broadcast %add3A_3784 : i32 to vector<16xi32>
    %add3A_3786 = arith.addi %add3A_3780, %add3A_3785 : vector<16xi32>
    %select_n3A_3787 = arith.select %lt3A_3783, %add3A_3786, %add3A_3780 : vector<16xi1>, vector<16xi32>
    %broadcast_in_dim3A_3788 = vector.shape_cast %select_n3A_3787 : vector<16xi32> to vector<16x1xi32>
    %gather3A_3789 = vector.shape_cast %broadcast_in_dim3A_3788 : vector<16x1xi32> to vector<16xi32>
    %gather3A_3790 = tpu.dynamic_gather %add3A_3772[%gather3A_3789] in [0] : vector<16xi32>, vector<16xi32> -> vector<16xi32>
    %add3A_3791 = arith.addi %add3A_2902, %gather3A_3790 : vector<16xi32>
    %add3A_3792 = arith.constant 4 : i32
    %add3A_3793 = vector.broadcast %add3A_3792 : i32 to vector<16xi32>
    %add3A_3794 = arith.addi %broadcast_in_dim3A_6, %add3A_3793 : vector<16xi32>
    %sub3A_3795 = arith.subi %get3A_3351, %add3A_3794 : vector<16xi32>
    %abs3A_3796 = math.absi %sub3A_3795 : vector<16xi32>
    %min3A_3797 = arith.minsi %abs3A_3796, %add3A_9 : vector<16xi32>
    %sub3A_3798 = arith.subi %add3A_9, %min3A_3797 : vector<16xi32>
    %sub3A_3799 = arith.constant 1 : i32
    %sub3A_3800 = vector.broadcast %sub3A_3799 : i32 to vector<16xi32>
    %sub3A_3801 = arith.subi %iota3A, %sub3A_3800 : vector<16xi32>
    %max3A_3802 = arith.maxsi %sub3A_3801, %broadcast_in_dim3A_6 : vector<16xi32>
    %lt3A_3803 = arith.constant 0 : i32
    %lt3A_3804 = vector.broadcast %lt3A_3803 : i32 to vector<16xi32>
    %lt3A_3805 = arith.cmpi slt, %max3A_3802, %lt3A_3804 : vector<16xi32>
    %add3A_3806 = arith.constant 16 : i32
    %add3A_3807 = vector.broadcast %add3A_3806 : i32 to vector<16xi32>
    %add3A_3808 = arith.addi %max3A_3802, %add3A_3807 : vector<16xi32>
    %select_n3A_3809 = arith.select %lt3A_3805, %add3A_3808, %max3A_3802 : vector<16xi1>, vector<16xi32>
    %broadcast_in_dim3A_3810 = vector.shape_cast %select_n3A_3809 : vector<16xi32> to vector<16x1xi32>
    %gather3A_3811 = vector.shape_cast %broadcast_in_dim3A_3810 : vector<16x1xi32> to vector<16xi32>
    %gather3A_3812 = tpu.dynamic_gather %sub3A_3798[%gather3A_3811] in [0] : vector<16xi32>, vector<16xi32> -> vector<16xi32>
    %sub3A_3813 = arith.constant 0 : i32
    %sub3A_3814 = vector.broadcast %sub3A_3813 : i32 to vector<16xi32>
    %sub3A_3815 = arith.subi %iota3A, %sub3A_3814 : vector<16xi32>
    %max3A_3816 = arith.maxsi %sub3A_3815, %broadcast_in_dim3A_6 : vector<16xi32>
    %min3A_3817 = arith.minsi %max3A_3816, %add3A_9 : vector<16xi32>
    %mul3A_3818 = arith.muli %gather3A_3812, %min3A_3817 : vector<16xi32>
    %add3A_3819 = arith.addi %sub3A_3798, %mul3A_3818 : vector<16xi32>
    %sub3A_3820 = arith.constant 2 : i32
    %sub3A_3821 = vector.broadcast %sub3A_3820 : i32 to vector<16xi32>
    %sub3A_3822 = arith.subi %iota3A, %sub3A_3821 : vector<16xi32>
    %max3A_3823 = arith.maxsi %sub3A_3822, %broadcast_in_dim3A_6 : vector<16xi32>
    %lt3A_3824 = arith.constant 0 : i32
    %lt3A_3825 = vector.broadcast %lt3A_3824 : i32 to vector<16xi32>
    %lt3A_3826 = arith.cmpi slt, %max3A_3823, %lt3A_3825 : vector<16xi32>
    %add3A_3827 = arith.constant 16 : i32
    %add3A_3828 = vector.broadcast %add3A_3827 : i32 to vector<16xi32>
    %add3A_3829 = arith.addi %max3A_3823, %add3A_3828 : vector<16xi32>
    %select_n3A_3830 = arith.select %lt3A_3826, %add3A_3829, %max3A_3823 : vector<16xi1>, vector<16xi32>
    %broadcast_in_dim3A_3831 = vector.shape_cast %select_n3A_3830 : vector<16xi32> to vector<16x1xi32>
    %gather3A_3832 = vector.shape_cast %broadcast_in_dim3A_3831 : vector<16x1xi32> to vector<16xi32>
    %gather3A_3833 = tpu.dynamic_gather %add3A_3819[%gather3A_3832] in [0] : vector<16xi32>, vector<16xi32> -> vector<16xi32>
    %sub3A_3834 = arith.constant 1 : i32
    %sub3A_3835 = vector.broadcast %sub3A_3834 : i32 to vector<16xi32>
    %sub3A_3836 = arith.subi %iota3A, %sub3A_3835 : vector<16xi32>
    %max3A_3837 = arith.maxsi %sub3A_3836, %broadcast_in_dim3A_6 : vector<16xi32>
    %min3A_3838 = arith.minsi %max3A_3837, %add3A_9 : vector<16xi32>
    %mul3A_3839 = arith.muli %gather3A_3833, %min3A_3838 : vector<16xi32>
    %add3A_3840 = arith.addi %add3A_3819, %mul3A_3839 : vector<16xi32>
    %sub3A_3841 = arith.constant 4 : i32
    %sub3A_3842 = vector.broadcast %sub3A_3841 : i32 to vector<16xi32>
    %sub3A_3843 = arith.subi %iota3A, %sub3A_3842 : vector<16xi32>
    %max3A_3844 = arith.maxsi %sub3A_3843, %broadcast_in_dim3A_6 : vector<16xi32>
    %lt3A_3845 = arith.constant 0 : i32
    %lt3A_3846 = vector.broadcast %lt3A_3845 : i32 to vector<16xi32>
    %lt3A_3847 = arith.cmpi slt, %max3A_3844, %lt3A_3846 : vector<16xi32>
    %add3A_3848 = arith.constant 16 : i32
    %add3A_3849 = vector.broadcast %add3A_3848 : i32 to vector<16xi32>
    %add3A_3850 = arith.addi %max3A_3844, %add3A_3849 : vector<16xi32>
    %select_n3A_3851 = arith.select %lt3A_3847, %add3A_3850, %max3A_3844 : vector<16xi1>, vector<16xi32>
    %broadcast_in_dim3A_3852 = vector.shape_cast %select_n3A_3851 : vector<16xi32> to vector<16x1xi32>
    %gather3A_3853 = vector.shape_cast %broadcast_in_dim3A_3852 : vector<16x1xi32> to vector<16xi32>
    %gather3A_3854 = tpu.dynamic_gather %add3A_3840[%gather3A_3853] in [0] : vector<16xi32>, vector<16xi32> -> vector<16xi32>
    %sub3A_3855 = arith.constant 3 : i32
    %sub3A_3856 = vector.broadcast %sub3A_3855 : i32 to vector<16xi32>
    %sub3A_3857 = arith.subi %iota3A, %sub3A_3856 : vector<16xi32>
    %max3A_3858 = arith.maxsi %sub3A_3857, %broadcast_in_dim3A_6 : vector<16xi32>
    %min3A_3859 = arith.minsi %max3A_3858, %add3A_9 : vector<16xi32>
    %mul3A_3860 = arith.muli %gather3A_3854, %min3A_3859 : vector<16xi32>
    %add3A_3861 = arith.addi %add3A_3840, %mul3A_3860 : vector<16xi32>
    %sub3A_3862 = arith.constant 8 : i32
    %sub3A_3863 = vector.broadcast %sub3A_3862 : i32 to vector<16xi32>
    %sub3A_3864 = arith.subi %iota3A, %sub3A_3863 : vector<16xi32>
    %max3A_3865 = arith.maxsi %sub3A_3864, %broadcast_in_dim3A_6 : vector<16xi32>
    %lt3A_3866 = arith.constant 0 : i32
    %lt3A_3867 = vector.broadcast %lt3A_3866 : i32 to vector<16xi32>
    %lt3A_3868 = arith.cmpi slt, %max3A_3865, %lt3A_3867 : vector<16xi32>
    %add3A_3869 = arith.constant 16 : i32
    %add3A_3870 = vector.broadcast %add3A_3869 : i32 to vector<16xi32>
    %add3A_3871 = arith.addi %max3A_3865, %add3A_3870 : vector<16xi32>
    %select_n3A_3872 = arith.select %lt3A_3868, %add3A_3871, %max3A_3865 : vector<16xi1>, vector<16xi32>
    %broadcast_in_dim3A_3873 = vector.shape_cast %select_n3A_3872 : vector<16xi32> to vector<16x1xi32>
    %gather3A_3874 = vector.shape_cast %broadcast_in_dim3A_3873 : vector<16x1xi32> to vector<16xi32>
    %gather3A_3875 = tpu.dynamic_gather %add3A_3861[%gather3A_3874] in [0] : vector<16xi32>, vector<16xi32> -> vector<16xi32>
    %sub3A_3876 = arith.constant 7 : i32
    %sub3A_3877 = vector.broadcast %sub3A_3876 : i32 to vector<16xi32>
    %sub3A_3878 = arith.subi %iota3A, %sub3A_3877 : vector<16xi32>
    %max3A_3879 = arith.maxsi %sub3A_3878, %broadcast_in_dim3A_6 : vector<16xi32>
    %min3A_3880 = arith.minsi %max3A_3879, %add3A_9 : vector<16xi32>
    %mul3A_3881 = arith.muli %gather3A_3875, %min3A_3880 : vector<16xi32>
    %add3A_3882 = arith.addi %add3A_3861, %mul3A_3881 : vector<16xi32>
    %add3A_3883 = arith.addi %add3A_1567, %add3A_3012 : vector<16xi32>
    %add3A_3884 = arith.addi %add3A_3883, %add3A_3882 : vector<16xi32>
    %sub3A_3885 = arith.subi %add3A_3884, %add3A_9 : vector<16xi32>
    %mul3A_3886 = arith.muli %sub3A_3798, %sub3A_3885 : vector<16xi32>
    %add3A_3887 = arith.addi %add3A_3777, %mul3A_3886 : vector<16xi32>
    %add3A_3888 = arith.constant 15 : i32
    %add3A_3889 = vector.broadcast %add3A_3888 : i32 to vector<16xi32>
    %add3A_3890 = arith.addi %broadcast_in_dim3A_6, %add3A_3889 : vector<16xi32>
    %lt3A_3891 = arith.constant 0 : i32
    %lt3A_3892 = vector.broadcast %lt3A_3891 : i32 to vector<16xi32>
    %lt3A_3893 = arith.cmpi slt, %add3A_3890, %lt3A_3892 : vector<16xi32>
    %add3A_3894 = arith.constant 16 : i32
    %add3A_3895 = vector.broadcast %add3A_3894 : i32 to vector<16xi32>
    %add3A_3896 = arith.addi %add3A_3890, %add3A_3895 : vector<16xi32>
    %select_n3A_3897 = arith.select %lt3A_3893, %add3A_3896, %add3A_3890 : vector<16xi1>, vector<16xi32>
    %broadcast_in_dim3A_3898 = vector.shape_cast %select_n3A_3897 : vector<16xi32> to vector<16x1xi32>
    %gather3A_3899 = vector.shape_cast %broadcast_in_dim3A_3898 : vector<16x1xi32> to vector<16xi32>
    %gather3A_3900 = tpu.dynamic_gather %add3A_3882[%gather3A_3899] in [0] : vector<16xi32>, vector<16xi32> -> vector<16xi32>
    %add3A_3901 = arith.addi %add3A_3012, %gather3A_3900 : vector<16xi32>
    %add3A_3902 = arith.constant 5 : i32
    %add3A_3903 = vector.broadcast %add3A_3902 : i32 to vector<16xi32>
    %add3A_3904 = arith.addi %broadcast_in_dim3A_6, %add3A_3903 : vector<16xi32>
    %sub3A_3905 = arith.subi %get3A_3351, %add3A_3904 : vector<16xi32>
    %abs3A_3906 = math.absi %sub3A_3905 : vector<16xi32>
    %min3A_3907 = arith.minsi %abs3A_3906, %add3A_9 : vector<16xi32>
    %sub3A_3908 = arith.subi %add3A_9, %min3A_3907 : vector<16xi32>
    %sub3A_3909 = arith.constant 1 : i32
    %sub3A_3910 = vector.broadcast %sub3A_3909 : i32 to vector<16xi32>
    %sub3A_3911 = arith.subi %iota3A, %sub3A_3910 : vector<16xi32>
    %max3A_3912 = arith.maxsi %sub3A_3911, %broadcast_in_dim3A_6 : vector<16xi32>
    %lt3A_3913 = arith.constant 0 : i32
    %lt3A_3914 = vector.broadcast %lt3A_3913 : i32 to vector<16xi32>
    %lt3A_3915 = arith.cmpi slt, %max3A_3912, %lt3A_3914 : vector<16xi32>
    %add3A_3916 = arith.constant 16 : i32
    %add3A_3917 = vector.broadcast %add3A_3916 : i32 to vector<16xi32>
    %add3A_3918 = arith.addi %max3A_3912, %add3A_3917 : vector<16xi32>
    %select_n3A_3919 = arith.select %lt3A_3915, %add3A_3918, %max3A_3912 : vector<16xi1>, vector<16xi32>
    %broadcast_in_dim3A_3920 = vector.shape_cast %select_n3A_3919 : vector<16xi32> to vector<16x1xi32>
    %gather3A_3921 = vector.shape_cast %broadcast_in_dim3A_3920 : vector<16x1xi32> to vector<16xi32>
    %gather3A_3922 = tpu.dynamic_gather %sub3A_3908[%gather3A_3921] in [0] : vector<16xi32>, vector<16xi32> -> vector<16xi32>
    %sub3A_3923 = arith.constant 0 : i32
    %sub3A_3924 = vector.broadcast %sub3A_3923 : i32 to vector<16xi32>
    %sub3A_3925 = arith.subi %iota3A, %sub3A_3924 : vector<16xi32>
    %max3A_3926 = arith.maxsi %sub3A_3925, %broadcast_in_dim3A_6 : vector<16xi32>
    %min3A_3927 = arith.minsi %max3A_3926, %add3A_9 : vector<16xi32>
    %mul3A_3928 = arith.muli %gather3A_3922, %min3A_3927 : vector<16xi32>
    %add3A_3929 = arith.addi %sub3A_3908, %mul3A_3928 : vector<16xi32>
    %sub3A_3930 = arith.constant 2 : i32
    %sub3A_3931 = vector.broadcast %sub3A_3930 : i32 to vector<16xi32>
    %sub3A_3932 = arith.subi %iota3A, %sub3A_3931 : vector<16xi32>
    %max3A_3933 = arith.maxsi %sub3A_3932, %broadcast_in_dim3A_6 : vector<16xi32>
    %lt3A_3934 = arith.constant 0 : i32
    %lt3A_3935 = vector.broadcast %lt3A_3934 : i32 to vector<16xi32>
    %lt3A_3936 = arith.cmpi slt, %max3A_3933, %lt3A_3935 : vector<16xi32>
    %add3A_3937 = arith.constant 16 : i32
    %add3A_3938 = vector.broadcast %add3A_3937 : i32 to vector<16xi32>
    %add3A_3939 = arith.addi %max3A_3933, %add3A_3938 : vector<16xi32>
    %select_n3A_3940 = arith.select %lt3A_3936, %add3A_3939, %max3A_3933 : vector<16xi1>, vector<16xi32>
    %broadcast_in_dim3A_3941 = vector.shape_cast %select_n3A_3940 : vector<16xi32> to vector<16x1xi32>
    %gather3A_3942 = vector.shape_cast %broadcast_in_dim3A_3941 : vector<16x1xi32> to vector<16xi32>
    %gather3A_3943 = tpu.dynamic_gather %add3A_3929[%gather3A_3942] in [0] : vector<16xi32>, vector<16xi32> -> vector<16xi32>
    %sub3A_3944 = arith.constant 1 : i32
    %sub3A_3945 = vector.broadcast %sub3A_3944 : i32 to vector<16xi32>
    %sub3A_3946 = arith.subi %iota3A, %sub3A_3945 : vector<16xi32>
    %max3A_3947 = arith.maxsi %sub3A_3946, %broadcast_in_dim3A_6 : vector<16xi32>
    %min3A_3948 = arith.minsi %max3A_3947, %add3A_9 : vector<16xi32>
    %mul3A_3949 = arith.muli %gather3A_3943, %min3A_3948 : vector<16xi32>
    %add3A_3950 = arith.addi %add3A_3929, %mul3A_3949 : vector<16xi32>
    %sub3A_3951 = arith.constant 4 : i32
    %sub3A_3952 = vector.broadcast %sub3A_3951 : i32 to vector<16xi32>
    %sub3A_3953 = arith.subi %iota3A, %sub3A_3952 : vector<16xi32>
    %max3A_3954 = arith.maxsi %sub3A_3953, %broadcast_in_dim3A_6 : vector<16xi32>
    %lt3A_3955 = arith.constant 0 : i32
    %lt3A_3956 = vector.broadcast %lt3A_3955 : i32 to vector<16xi32>
    %lt3A_3957 = arith.cmpi slt, %max3A_3954, %lt3A_3956 : vector<16xi32>
    %add3A_3958 = arith.constant 16 : i32
    %add3A_3959 = vector.broadcast %add3A_3958 : i32 to vector<16xi32>
    %add3A_3960 = arith.addi %max3A_3954, %add3A_3959 : vector<16xi32>
    %select_n3A_3961 = arith.select %lt3A_3957, %add3A_3960, %max3A_3954 : vector<16xi1>, vector<16xi32>
    %broadcast_in_dim3A_3962 = vector.shape_cast %select_n3A_3961 : vector<16xi32> to vector<16x1xi32>
    %gather3A_3963 = vector.shape_cast %broadcast_in_dim3A_3962 : vector<16x1xi32> to vector<16xi32>
    %gather3A_3964 = tpu.dynamic_gather %add3A_3950[%gather3A_3963] in [0] : vector<16xi32>, vector<16xi32> -> vector<16xi32>
    %sub3A_3965 = arith.constant 3 : i32
    %sub3A_3966 = vector.broadcast %sub3A_3965 : i32 to vector<16xi32>
    %sub3A_3967 = arith.subi %iota3A, %sub3A_3966 : vector<16xi32>
    %max3A_3968 = arith.maxsi %sub3A_3967, %broadcast_in_dim3A_6 : vector<16xi32>
    %min3A_3969 = arith.minsi %max3A_3968, %add3A_9 : vector<16xi32>
    %mul3A_3970 = arith.muli %gather3A_3964, %min3A_3969 : vector<16xi32>
    %add3A_3971 = arith.addi %add3A_3950, %mul3A_3970 : vector<16xi32>
    %sub3A_3972 = arith.constant 8 : i32
    %sub3A_3973 = vector.broadcast %sub3A_3972 : i32 to vector<16xi32>
    %sub3A_3974 = arith.subi %iota3A, %sub3A_3973 : vector<16xi32>
    %max3A_3975 = arith.maxsi %sub3A_3974, %broadcast_in_dim3A_6 : vector<16xi32>
    %lt3A_3976 = arith.constant 0 : i32
    %lt3A_3977 = vector.broadcast %lt3A_3976 : i32 to vector<16xi32>
    %lt3A_3978 = arith.cmpi slt, %max3A_3975, %lt3A_3977 : vector<16xi32>
    %add3A_3979 = arith.constant 16 : i32
    %add3A_3980 = vector.broadcast %add3A_3979 : i32 to vector<16xi32>
    %add3A_3981 = arith.addi %max3A_3975, %add3A_3980 : vector<16xi32>
    %select_n3A_3982 = arith.select %lt3A_3978, %add3A_3981, %max3A_3975 : vector<16xi1>, vector<16xi32>
    %broadcast_in_dim3A_3983 = vector.shape_cast %select_n3A_3982 : vector<16xi32> to vector<16x1xi32>
    %gather3A_3984 = vector.shape_cast %broadcast_in_dim3A_3983 : vector<16x1xi32> to vector<16xi32>
    %gather3A_3985 = tpu.dynamic_gather %add3A_3971[%gather3A_3984] in [0] : vector<16xi32>, vector<16xi32> -> vector<16xi32>
    %sub3A_3986 = arith.constant 7 : i32
    %sub3A_3987 = vector.broadcast %sub3A_3986 : i32 to vector<16xi32>
    %sub3A_3988 = arith.subi %iota3A, %sub3A_3987 : vector<16xi32>
    %max3A_3989 = arith.maxsi %sub3A_3988, %broadcast_in_dim3A_6 : vector<16xi32>
    %min3A_3990 = arith.minsi %max3A_3989, %add3A_9 : vector<16xi32>
    %mul3A_3991 = arith.muli %gather3A_3985, %min3A_3990 : vector<16xi32>
    %add3A_3992 = arith.addi %add3A_3971, %mul3A_3991 : vector<16xi32>
    %add3A_3993 = arith.addi %add3A_1568, %add3A_3122 : vector<16xi32>
    %add3A_3994 = arith.addi %add3A_3993, %add3A_3992 : vector<16xi32>
    %sub3A_3995 = arith.subi %add3A_3994, %add3A_9 : vector<16xi32>
    %mul3A_3996 = arith.muli %sub3A_3908, %sub3A_3995 : vector<16xi32>
    %add3A_3997 = arith.addi %add3A_3887, %mul3A_3996 : vector<16xi32>
    %add3A_3998 = arith.constant 15 : i32
    %add3A_3999 = vector.broadcast %add3A_3998 : i32 to vector<16xi32>
    %add3A_4000 = arith.addi %broadcast_in_dim3A_6, %add3A_3999 : vector<16xi32>
    %lt3A_4001 = arith.constant 0 : i32
    %lt3A_4002 = vector.broadcast %lt3A_4001 : i32 to vector<16xi32>
    %lt3A_4003 = arith.cmpi slt, %add3A_4000, %lt3A_4002 : vector<16xi32>
    %add3A_4004 = arith.constant 16 : i32
    %add3A_4005 = vector.broadcast %add3A_4004 : i32 to vector<16xi32>
    %add3A_4006 = arith.addi %add3A_4000, %add3A_4005 : vector<16xi32>
    %select_n3A_4007 = arith.select %lt3A_4003, %add3A_4006, %add3A_4000 : vector<16xi1>, vector<16xi32>
    %broadcast_in_dim3A_4008 = vector.shape_cast %select_n3A_4007 : vector<16xi32> to vector<16x1xi32>
    %gather3A_4009 = vector.shape_cast %broadcast_in_dim3A_4008 : vector<16x1xi32> to vector<16xi32>
    %gather3A_4010 = tpu.dynamic_gather %add3A_3992[%gather3A_4009] in [0] : vector<16xi32>, vector<16xi32> -> vector<16xi32>
    %add3A_4011 = arith.addi %add3A_3122, %gather3A_4010 : vector<16xi32>
    %add3A_4012 = arith.constant 6 : i32
    %add3A_4013 = vector.broadcast %add3A_4012 : i32 to vector<16xi32>
    %add3A_4014 = arith.addi %broadcast_in_dim3A_6, %add3A_4013 : vector<16xi32>
    %sub3A_4015 = arith.subi %get3A_3351, %add3A_4014 : vector<16xi32>
    %abs3A_4016 = math.absi %sub3A_4015 : vector<16xi32>
    %min3A_4017 = arith.minsi %abs3A_4016, %add3A_9 : vector<16xi32>
    %sub3A_4018 = arith.subi %add3A_9, %min3A_4017 : vector<16xi32>
    %sub3A_4019 = arith.constant 1 : i32
    %sub3A_4020 = vector.broadcast %sub3A_4019 : i32 to vector<16xi32>
    %sub3A_4021 = arith.subi %iota3A, %sub3A_4020 : vector<16xi32>
    %max3A_4022 = arith.maxsi %sub3A_4021, %broadcast_in_dim3A_6 : vector<16xi32>
    %lt3A_4023 = arith.constant 0 : i32
    %lt3A_4024 = vector.broadcast %lt3A_4023 : i32 to vector<16xi32>
    %lt3A_4025 = arith.cmpi slt, %max3A_4022, %lt3A_4024 : vector<16xi32>
    %add3A_4026 = arith.constant 16 : i32
    %add3A_4027 = vector.broadcast %add3A_4026 : i32 to vector<16xi32>
    %add3A_4028 = arith.addi %max3A_4022, %add3A_4027 : vector<16xi32>
    %select_n3A_4029 = arith.select %lt3A_4025, %add3A_4028, %max3A_4022 : vector<16xi1>, vector<16xi32>
    %broadcast_in_dim3A_4030 = vector.shape_cast %select_n3A_4029 : vector<16xi32> to vector<16x1xi32>
    %gather3A_4031 = vector.shape_cast %broadcast_in_dim3A_4030 : vector<16x1xi32> to vector<16xi32>
    %gather3A_4032 = tpu.dynamic_gather %sub3A_4018[%gather3A_4031] in [0] : vector<16xi32>, vector<16xi32> -> vector<16xi32>
    %sub3A_4033 = arith.constant 0 : i32
    %sub3A_4034 = vector.broadcast %sub3A_4033 : i32 to vector<16xi32>
    %sub3A_4035 = arith.subi %iota3A, %sub3A_4034 : vector<16xi32>
    %max3A_4036 = arith.maxsi %sub3A_4035, %broadcast_in_dim3A_6 : vector<16xi32>
    %min3A_4037 = arith.minsi %max3A_4036, %add3A_9 : vector<16xi32>
    %mul3A_4038 = arith.muli %gather3A_4032, %min3A_4037 : vector<16xi32>
    %add3A_4039 = arith.addi %sub3A_4018, %mul3A_4038 : vector<16xi32>
    %sub3A_4040 = arith.constant 2 : i32
    %sub3A_4041 = vector.broadcast %sub3A_4040 : i32 to vector<16xi32>
    %sub3A_4042 = arith.subi %iota3A, %sub3A_4041 : vector<16xi32>
    %max3A_4043 = arith.maxsi %sub3A_4042, %broadcast_in_dim3A_6 : vector<16xi32>
    %lt3A_4044 = arith.constant 0 : i32
    %lt3A_4045 = vector.broadcast %lt3A_4044 : i32 to vector<16xi32>
    %lt3A_4046 = arith.cmpi slt, %max3A_4043, %lt3A_4045 : vector<16xi32>
    %add3A_4047 = arith.constant 16 : i32
    %add3A_4048 = vector.broadcast %add3A_4047 : i32 to vector<16xi32>
    %add3A_4049 = arith.addi %max3A_4043, %add3A_4048 : vector<16xi32>
    %select_n3A_4050 = arith.select %lt3A_4046, %add3A_4049, %max3A_4043 : vector<16xi1>, vector<16xi32>
    %broadcast_in_dim3A_4051 = vector.shape_cast %select_n3A_4050 : vector<16xi32> to vector<16x1xi32>
    %gather3A_4052 = vector.shape_cast %broadcast_in_dim3A_4051 : vector<16x1xi32> to vector<16xi32>
    %gather3A_4053 = tpu.dynamic_gather %add3A_4039[%gather3A_4052] in [0] : vector<16xi32>, vector<16xi32> -> vector<16xi32>
    %sub3A_4054 = arith.constant 1 : i32
    %sub3A_4055 = vector.broadcast %sub3A_4054 : i32 to vector<16xi32>
    %sub3A_4056 = arith.subi %iota3A, %sub3A_4055 : vector<16xi32>
    %max3A_4057 = arith.maxsi %sub3A_4056, %broadcast_in_dim3A_6 : vector<16xi32>
    %min3A_4058 = arith.minsi %max3A_4057, %add3A_9 : vector<16xi32>
    %mul3A_4059 = arith.muli %gather3A_4053, %min3A_4058 : vector<16xi32>
    %add3A_4060 = arith.addi %add3A_4039, %mul3A_4059 : vector<16xi32>
    %sub3A_4061 = arith.constant 4 : i32
    %sub3A_4062 = vector.broadcast %sub3A_4061 : i32 to vector<16xi32>
    %sub3A_4063 = arith.subi %iota3A, %sub3A_4062 : vector<16xi32>
    %max3A_4064 = arith.maxsi %sub3A_4063, %broadcast_in_dim3A_6 : vector<16xi32>
    %lt3A_4065 = arith.constant 0 : i32
    %lt3A_4066 = vector.broadcast %lt3A_4065 : i32 to vector<16xi32>
    %lt3A_4067 = arith.cmpi slt, %max3A_4064, %lt3A_4066 : vector<16xi32>
    %add3A_4068 = arith.constant 16 : i32
    %add3A_4069 = vector.broadcast %add3A_4068 : i32 to vector<16xi32>
    %add3A_4070 = arith.addi %max3A_4064, %add3A_4069 : vector<16xi32>
    %select_n3A_4071 = arith.select %lt3A_4067, %add3A_4070, %max3A_4064 : vector<16xi1>, vector<16xi32>
    %broadcast_in_dim3A_4072 = vector.shape_cast %select_n3A_4071 : vector<16xi32> to vector<16x1xi32>
    %gather3A_4073 = vector.shape_cast %broadcast_in_dim3A_4072 : vector<16x1xi32> to vector<16xi32>
    %gather3A_4074 = tpu.dynamic_gather %add3A_4060[%gather3A_4073] in [0] : vector<16xi32>, vector<16xi32> -> vector<16xi32>
    %sub3A_4075 = arith.constant 3 : i32
    %sub3A_4076 = vector.broadcast %sub3A_4075 : i32 to vector<16xi32>
    %sub3A_4077 = arith.subi %iota3A, %sub3A_4076 : vector<16xi32>
    %max3A_4078 = arith.maxsi %sub3A_4077, %broadcast_in_dim3A_6 : vector<16xi32>
    %min3A_4079 = arith.minsi %max3A_4078, %add3A_9 : vector<16xi32>
    %mul3A_4080 = arith.muli %gather3A_4074, %min3A_4079 : vector<16xi32>
    %add3A_4081 = arith.addi %add3A_4060, %mul3A_4080 : vector<16xi32>
    %sub3A_4082 = arith.constant 8 : i32
    %sub3A_4083 = vector.broadcast %sub3A_4082 : i32 to vector<16xi32>
    %sub3A_4084 = arith.subi %iota3A, %sub3A_4083 : vector<16xi32>
    %max3A_4085 = arith.maxsi %sub3A_4084, %broadcast_in_dim3A_6 : vector<16xi32>
    %lt3A_4086 = arith.constant 0 : i32
    %lt3A_4087 = vector.broadcast %lt3A_4086 : i32 to vector<16xi32>
    %lt3A_4088 = arith.cmpi slt, %max3A_4085, %lt3A_4087 : vector<16xi32>
    %add3A_4089 = arith.constant 16 : i32
    %add3A_4090 = vector.broadcast %add3A_4089 : i32 to vector<16xi32>
    %add3A_4091 = arith.addi %max3A_4085, %add3A_4090 : vector<16xi32>
    %select_n3A_4092 = arith.select %lt3A_4088, %add3A_4091, %max3A_4085 : vector<16xi1>, vector<16xi32>
    %broadcast_in_dim3A_4093 = vector.shape_cast %select_n3A_4092 : vector<16xi32> to vector<16x1xi32>
    %gather3A_4094 = vector.shape_cast %broadcast_in_dim3A_4093 : vector<16x1xi32> to vector<16xi32>
    %gather3A_4095 = tpu.dynamic_gather %add3A_4081[%gather3A_4094] in [0] : vector<16xi32>, vector<16xi32> -> vector<16xi32>
    %sub3A_4096 = arith.constant 7 : i32
    %sub3A_4097 = vector.broadcast %sub3A_4096 : i32 to vector<16xi32>
    %sub3A_4098 = arith.subi %iota3A, %sub3A_4097 : vector<16xi32>
    %max3A_4099 = arith.maxsi %sub3A_4098, %broadcast_in_dim3A_6 : vector<16xi32>
    %min3A_4100 = arith.minsi %max3A_4099, %add3A_9 : vector<16xi32>
    %mul3A_4101 = arith.muli %gather3A_4095, %min3A_4100 : vector<16xi32>
    %add3A_4102 = arith.addi %add3A_4081, %mul3A_4101 : vector<16xi32>
    %add3A_4103 = arith.addi %add3A_1569, %add3A_3232 : vector<16xi32>
    %add3A_4104 = arith.addi %add3A_4103, %add3A_4102 : vector<16xi32>
    %sub3A_4105 = arith.subi %add3A_4104, %add3A_9 : vector<16xi32>
    %mul3A_4106 = arith.muli %sub3A_4018, %sub3A_4105 : vector<16xi32>
    %add3A_4107 = arith.addi %add3A_3997, %mul3A_4106 : vector<16xi32>
    %add3A_4108 = arith.constant 15 : i32
    %add3A_4109 = vector.broadcast %add3A_4108 : i32 to vector<16xi32>
    %add3A_4110 = arith.addi %broadcast_in_dim3A_6, %add3A_4109 : vector<16xi32>
    %lt3A_4111 = arith.constant 0 : i32
    %lt3A_4112 = vector.broadcast %lt3A_4111 : i32 to vector<16xi32>
    %lt3A_4113 = arith.cmpi slt, %add3A_4110, %lt3A_4112 : vector<16xi32>
    %add3A_4114 = arith.constant 16 : i32
    %add3A_4115 = vector.broadcast %add3A_4114 : i32 to vector<16xi32>
    %add3A_4116 = arith.addi %add3A_4110, %add3A_4115 : vector<16xi32>
    %select_n3A_4117 = arith.select %lt3A_4113, %add3A_4116, %add3A_4110 : vector<16xi1>, vector<16xi32>
    %broadcast_in_dim3A_4118 = vector.shape_cast %select_n3A_4117 : vector<16xi32> to vector<16x1xi32>
    %gather3A_4119 = vector.shape_cast %broadcast_in_dim3A_4118 : vector<16x1xi32> to vector<16xi32>
    %gather3A_4120 = tpu.dynamic_gather %add3A_4102[%gather3A_4119] in [0] : vector<16xi32>, vector<16xi32> -> vector<16xi32>
    %add3A_4121 = arith.addi %add3A_3232, %gather3A_4120 : vector<16xi32>
    %add3A_4122 = arith.constant 7 : i32
    %add3A_4123 = vector.broadcast %add3A_4122 : i32 to vector<16xi32>
    %add3A_4124 = arith.addi %broadcast_in_dim3A_6, %add3A_4123 : vector<16xi32>
    %sub3A_4125 = arith.subi %get3A_3351, %add3A_4124 : vector<16xi32>
    %abs3A_4126 = math.absi %sub3A_4125 : vector<16xi32>
    %min3A_4127 = arith.minsi %abs3A_4126, %add3A_9 : vector<16xi32>
    %sub3A_4128 = arith.subi %add3A_9, %min3A_4127 : vector<16xi32>
    %sub3A_4129 = arith.constant 1 : i32
    %sub3A_4130 = vector.broadcast %sub3A_4129 : i32 to vector<16xi32>
    %sub3A_4131 = arith.subi %iota3A, %sub3A_4130 : vector<16xi32>
    %max3A_4132 = arith.maxsi %sub3A_4131, %broadcast_in_dim3A_6 : vector<16xi32>
    %lt3A_4133 = arith.constant 0 : i32
    %lt3A_4134 = vector.broadcast %lt3A_4133 : i32 to vector<16xi32>
    %lt3A_4135 = arith.cmpi slt, %max3A_4132, %lt3A_4134 : vector<16xi32>
    %add3A_4136 = arith.constant 16 : i32
    %add3A_4137 = vector.broadcast %add3A_4136 : i32 to vector<16xi32>
    %add3A_4138 = arith.addi %max3A_4132, %add3A_4137 : vector<16xi32>
    %select_n3A_4139 = arith.select %lt3A_4135, %add3A_4138, %max3A_4132 : vector<16xi1>, vector<16xi32>
    %broadcast_in_dim3A_4140 = vector.shape_cast %select_n3A_4139 : vector<16xi32> to vector<16x1xi32>
    %gather3A_4141 = vector.shape_cast %broadcast_in_dim3A_4140 : vector<16x1xi32> to vector<16xi32>
    %gather3A_4142 = tpu.dynamic_gather %sub3A_4128[%gather3A_4141] in [0] : vector<16xi32>, vector<16xi32> -> vector<16xi32>
    %sub3A_4143 = arith.constant 0 : i32
    %sub3A_4144 = vector.broadcast %sub3A_4143 : i32 to vector<16xi32>
    %sub3A_4145 = arith.subi %iota3A, %sub3A_4144 : vector<16xi32>
    %max3A_4146 = arith.maxsi %sub3A_4145, %broadcast_in_dim3A_6 : vector<16xi32>
    %min3A_4147 = arith.minsi %max3A_4146, %add3A_9 : vector<16xi32>
    %mul3A_4148 = arith.muli %gather3A_4142, %min3A_4147 : vector<16xi32>
    %add3A_4149 = arith.addi %sub3A_4128, %mul3A_4148 : vector<16xi32>
    %sub3A_4150 = arith.constant 2 : i32
    %sub3A_4151 = vector.broadcast %sub3A_4150 : i32 to vector<16xi32>
    %sub3A_4152 = arith.subi %iota3A, %sub3A_4151 : vector<16xi32>
    %max3A_4153 = arith.maxsi %sub3A_4152, %broadcast_in_dim3A_6 : vector<16xi32>
    %lt3A_4154 = arith.constant 0 : i32
    %lt3A_4155 = vector.broadcast %lt3A_4154 : i32 to vector<16xi32>
    %lt3A_4156 = arith.cmpi slt, %max3A_4153, %lt3A_4155 : vector<16xi32>
    %add3A_4157 = arith.constant 16 : i32
    %add3A_4158 = vector.broadcast %add3A_4157 : i32 to vector<16xi32>
    %add3A_4159 = arith.addi %max3A_4153, %add3A_4158 : vector<16xi32>
    %select_n3A_4160 = arith.select %lt3A_4156, %add3A_4159, %max3A_4153 : vector<16xi1>, vector<16xi32>
    %broadcast_in_dim3A_4161 = vector.shape_cast %select_n3A_4160 : vector<16xi32> to vector<16x1xi32>
    %gather3A_4162 = vector.shape_cast %broadcast_in_dim3A_4161 : vector<16x1xi32> to vector<16xi32>
    %gather3A_4163 = tpu.dynamic_gather %add3A_4149[%gather3A_4162] in [0] : vector<16xi32>, vector<16xi32> -> vector<16xi32>
    %sub3A_4164 = arith.constant 1 : i32
    %sub3A_4165 = vector.broadcast %sub3A_4164 : i32 to vector<16xi32>
    %sub3A_4166 = arith.subi %iota3A, %sub3A_4165 : vector<16xi32>
    %max3A_4167 = arith.maxsi %sub3A_4166, %broadcast_in_dim3A_6 : vector<16xi32>
    %min3A_4168 = arith.minsi %max3A_4167, %add3A_9 : vector<16xi32>
    %mul3A_4169 = arith.muli %gather3A_4163, %min3A_4168 : vector<16xi32>
    %add3A_4170 = arith.addi %add3A_4149, %mul3A_4169 : vector<16xi32>
    %sub3A_4171 = arith.constant 4 : i32
    %sub3A_4172 = vector.broadcast %sub3A_4171 : i32 to vector<16xi32>
    %sub3A_4173 = arith.subi %iota3A, %sub3A_4172 : vector<16xi32>
    %max3A_4174 = arith.maxsi %sub3A_4173, %broadcast_in_dim3A_6 : vector<16xi32>
    %lt3A_4175 = arith.constant 0 : i32
    %lt3A_4176 = vector.broadcast %lt3A_4175 : i32 to vector<16xi32>
    %lt3A_4177 = arith.cmpi slt, %max3A_4174, %lt3A_4176 : vector<16xi32>
    %add3A_4178 = arith.constant 16 : i32
    %add3A_4179 = vector.broadcast %add3A_4178 : i32 to vector<16xi32>
    %add3A_4180 = arith.addi %max3A_4174, %add3A_4179 : vector<16xi32>
    %select_n3A_4181 = arith.select %lt3A_4177, %add3A_4180, %max3A_4174 : vector<16xi1>, vector<16xi32>
    %broadcast_in_dim3A_4182 = vector.shape_cast %select_n3A_4181 : vector<16xi32> to vector<16x1xi32>
    %gather3A_4183 = vector.shape_cast %broadcast_in_dim3A_4182 : vector<16x1xi32> to vector<16xi32>
    %gather3A_4184 = tpu.dynamic_gather %add3A_4170[%gather3A_4183] in [0] : vector<16xi32>, vector<16xi32> -> vector<16xi32>
    %sub3A_4185 = arith.constant 3 : i32
    %sub3A_4186 = vector.broadcast %sub3A_4185 : i32 to vector<16xi32>
    %sub3A_4187 = arith.subi %iota3A, %sub3A_4186 : vector<16xi32>
    %max3A_4188 = arith.maxsi %sub3A_4187, %broadcast_in_dim3A_6 : vector<16xi32>
    %min3A_4189 = arith.minsi %max3A_4188, %add3A_9 : vector<16xi32>
    %mul3A_4190 = arith.muli %gather3A_4184, %min3A_4189 : vector<16xi32>
    %add3A_4191 = arith.addi %add3A_4170, %mul3A_4190 : vector<16xi32>
    %sub3A_4192 = arith.constant 8 : i32
    %sub3A_4193 = vector.broadcast %sub3A_4192 : i32 to vector<16xi32>
    %sub3A_4194 = arith.subi %iota3A, %sub3A_4193 : vector<16xi32>
    %max3A_4195 = arith.maxsi %sub3A_4194, %broadcast_in_dim3A_6 : vector<16xi32>
    %lt3A_4196 = arith.constant 0 : i32
    %lt3A_4197 = vector.broadcast %lt3A_4196 : i32 to vector<16xi32>
    %lt3A_4198 = arith.cmpi slt, %max3A_4195, %lt3A_4197 : vector<16xi32>
    %add3A_4199 = arith.constant 16 : i32
    %add3A_4200 = vector.broadcast %add3A_4199 : i32 to vector<16xi32>
    %add3A_4201 = arith.addi %max3A_4195, %add3A_4200 : vector<16xi32>
    %select_n3A_4202 = arith.select %lt3A_4198, %add3A_4201, %max3A_4195 : vector<16xi1>, vector<16xi32>
    %broadcast_in_dim3A_4203 = vector.shape_cast %select_n3A_4202 : vector<16xi32> to vector<16x1xi32>
    %gather3A_4204 = vector.shape_cast %broadcast_in_dim3A_4203 : vector<16x1xi32> to vector<16xi32>
    %gather3A_4205 = tpu.dynamic_gather %add3A_4191[%gather3A_4204] in [0] : vector<16xi32>, vector<16xi32> -> vector<16xi32>
    %sub3A_4206 = arith.constant 7 : i32
    %sub3A_4207 = vector.broadcast %sub3A_4206 : i32 to vector<16xi32>
    %sub3A_4208 = arith.subi %iota3A, %sub3A_4207 : vector<16xi32>
    %max3A_4209 = arith.maxsi %sub3A_4208, %broadcast_in_dim3A_6 : vector<16xi32>
    %min3A_4210 = arith.minsi %max3A_4209, %add3A_9 : vector<16xi32>
    %mul3A_4211 = arith.muli %gather3A_4205, %min3A_4210 : vector<16xi32>
    %add3A_4212 = arith.addi %add3A_4191, %mul3A_4211 : vector<16xi32>
    %add3A_4213 = arith.addi %add3A_1570, %add3A_3342 : vector<16xi32>
    %add3A_4214 = arith.addi %add3A_4213, %add3A_4212 : vector<16xi32>
    %sub3A_4215 = arith.subi %add3A_4214, %add3A_9 : vector<16xi32>
    %mul3A_4216 = arith.muli %sub3A_4128, %sub3A_4215 : vector<16xi32>
    %add3A_4217 = arith.addi %add3A_4107, %mul3A_4216 : vector<16xi32>
    %add3A_4218 = arith.constant 15 : i32
    %add3A_4219 = vector.broadcast %add3A_4218 : i32 to vector<16xi32>
    %add3A_4220 = arith.addi %broadcast_in_dim3A_6, %add3A_4219 : vector<16xi32>
    %lt3A_4221 = arith.constant 0 : i32
    %lt3A_4222 = vector.broadcast %lt3A_4221 : i32 to vector<16xi32>
    %lt3A_4223 = arith.cmpi slt, %add3A_4220, %lt3A_4222 : vector<16xi32>
    %add3A_4224 = arith.constant 16 : i32
    %add3A_4225 = vector.broadcast %add3A_4224 : i32 to vector<16xi32>
    %add3A_4226 = arith.addi %add3A_4220, %add3A_4225 : vector<16xi32>
    %select_n3A_4227 = arith.select %lt3A_4223, %add3A_4226, %add3A_4220 : vector<16xi1>, vector<16xi32>
    %broadcast_in_dim3A_4228 = vector.shape_cast %select_n3A_4227 : vector<16xi32> to vector<16x1xi32>
    %gather3A_4229 = vector.shape_cast %broadcast_in_dim3A_4228 : vector<16x1xi32> to vector<16xi32>
    %gather3A_4230 = tpu.dynamic_gather %add3A_4212[%gather3A_4229] in [0] : vector<16xi32>, vector<16xi32> -> vector<16xi32>
    %add3A_4231 = arith.addi %add3A_3342, %gather3A_4230 : vector<16xi32>
    %swap3A_4232 = arith.constant 32 : index
    %swap3A_4233 = tpu.vector_load %arg8[%swap3A_4232] {strides = array<i32>} : memref<64xi32, #tpu.memory_space<vmem>>, vector<16xi32>,
    %swap3A_4234 = vector.shape_cast %swap3A_4233 : vector<16xi32> to vector<16xi32>
    %swap3A_4235 = vector.shape_cast %add3A_4217 : vector<16xi32> to vector<16xi32>
    tpu.vector_store %arg8[%swap3A_4232], %swap3A_4235 {strides = array<i32>} : memref<64xi32, #tpu.memory_space<vmem>>, vector<16xi32>,
    %add3A_4236 = arith.constant 48 : i32
    %add3A_4237 = arith.addi %mul3A_2, %add3A_4236 : i32
    %get3A_4238 = arith.index_cast %add3A_4237 : i32 to index
    %get3A_4239 = tpu.vector_load %arg7[%get3A_4238] {strides = array<i32>} : memref<2048xi32, #tpu.memory_space<vmem>>, vector<16xi32>,
    %get3A_4240 = vector.shape_cast %get3A_4239 : vector<16xi32> to vector<16xi32>
    %add3A_4241 = arith.constant 0 : i32
    %add3A_4242 = vector.broadcast %add3A_4241 : i32 to vector<16xi32>
    %add3A_4243 = arith.addi %broadcast_in_dim3A_6, %add3A_4242 : vector<16xi32>
    %sub3A_4244 = arith.subi %get3A_4240, %add3A_4243 : vector<16xi32>
    %abs3A_4245 = math.absi %sub3A_4244 : vector<16xi32>
    %min3A_4246 = arith.minsi %abs3A_4245, %add3A_9 : vector<16xi32>
    %sub3A_4247 = arith.subi %add3A_9, %min3A_4246 : vector<16xi32>
    %sub3A_4248 = arith.constant 1 : i32
    %sub3A_4249 = vector.broadcast %sub3A_4248 : i32 to vector<16xi32>
    %sub3A_4250 = arith.subi %iota3A, %sub3A_4249 : vector<16xi32>
    %max3A_4251 = arith.maxsi %sub3A_4250, %broadcast_in_dim3A_6 : vector<16xi32>
    %lt3A_4252 = arith.constant 0 : i32
    %lt3A_4253 = vector.broadcast %lt3A_4252 : i32 to vector<16xi32>
    %lt3A_4254 = arith.cmpi slt, %max3A_4251, %lt3A_4253 : vector<16xi32>
    %add3A_4255 = arith.constant 16 : i32
    %add3A_4256 = vector.broadcast %add3A_4255 : i32 to vector<16xi32>
    %add3A_4257 = arith.addi %max3A_4251, %add3A_4256 : vector<16xi32>
    %select_n3A_4258 = arith.select %lt3A_4254, %add3A_4257, %max3A_4251 : vector<16xi1>, vector<16xi32>
    %broadcast_in_dim3A_4259 = vector.shape_cast %select_n3A_4258 : vector<16xi32> to vector<16x1xi32>
    %gather3A_4260 = vector.shape_cast %broadcast_in_dim3A_4259 : vector<16x1xi32> to vector<16xi32>
    %gather3A_4261 = tpu.dynamic_gather %sub3A_4247[%gather3A_4260] in [0] : vector<16xi32>, vector<16xi32> -> vector<16xi32>
    %sub3A_4262 = arith.constant 0 : i32
    %sub3A_4263 = vector.broadcast %sub3A_4262 : i32 to vector<16xi32>
    %sub3A_4264 = arith.subi %iota3A, %sub3A_4263 : vector<16xi32>
    %max3A_4265 = arith.maxsi %sub3A_4264, %broadcast_in_dim3A_6 : vector<16xi32>
    %min3A_4266 = arith.minsi %max3A_4265, %add3A_9 : vector<16xi32>
    %mul3A_4267 = arith.muli %gather3A_4261, %min3A_4266 : vector<16xi32>
    %add3A_4268 = arith.addi %sub3A_4247, %mul3A_4267 : vector<16xi32>
    %sub3A_4269 = arith.constant 2 : i32
    %sub3A_4270 = vector.broadcast %sub3A_4269 : i32 to vector<16xi32>
    %sub3A_4271 = arith.subi %iota3A, %sub3A_4270 : vector<16xi32>
    %max3A_4272 = arith.maxsi %sub3A_4271, %broadcast_in_dim3A_6 : vector<16xi32>
    %lt3A_4273 = arith.constant 0 : i32
    %lt3A_4274 = vector.broadcast %lt3A_4273 : i32 to vector<16xi32>
    %lt3A_4275 = arith.cmpi slt, %max3A_4272, %lt3A_4274 : vector<16xi32>
    %add3A_4276 = arith.constant 16 : i32
    %add3A_4277 = vector.broadcast %add3A_4276 : i32 to vector<16xi32>
    %add3A_4278 = arith.addi %max3A_4272, %add3A_4277 : vector<16xi32>
    %select_n3A_4279 = arith.select %lt3A_4275, %add3A_4278, %max3A_4272 : vector<16xi1>, vector<16xi32>
    %broadcast_in_dim3A_4280 = vector.shape_cast %select_n3A_4279 : vector<16xi32> to vector<16x1xi32>
    %gather3A_4281 = vector.shape_cast %broadcast_in_dim3A_4280 : vector<16x1xi32> to vector<16xi32>
    %gather3A_4282 = tpu.dynamic_gather %add3A_4268[%gather3A_4281] in [0] : vector<16xi32>, vector<16xi32> -> vector<16xi32>
    %sub3A_4283 = arith.constant 1 : i32
    %sub3A_4284 = vector.broadcast %sub3A_4283 : i32 to vector<16xi32>
    %sub3A_4285 = arith.subi %iota3A, %sub3A_4284 : vector<16xi32>
    %max3A_4286 = arith.maxsi %sub3A_4285, %broadcast_in_dim3A_6 : vector<16xi32>
    %min3A_4287 = arith.minsi %max3A_4286, %add3A_9 : vector<16xi32>
    %mul3A_4288 = arith.muli %gather3A_4282, %min3A_4287 : vector<16xi32>
    %add3A_4289 = arith.addi %add3A_4268, %mul3A_4288 : vector<16xi32>
    %sub3A_4290 = arith.constant 4 : i32
    %sub3A_4291 = vector.broadcast %sub3A_4290 : i32 to vector<16xi32>
    %sub3A_4292 = arith.subi %iota3A, %sub3A_4291 : vector<16xi32>
    %max3A_4293 = arith.maxsi %sub3A_4292, %broadcast_in_dim3A_6 : vector<16xi32>
    %lt3A_4294 = arith.constant 0 : i32
    %lt3A_4295 = vector.broadcast %lt3A_4294 : i32 to vector<16xi32>
    %lt3A_4296 = arith.cmpi slt, %max3A_4293, %lt3A_4295 : vector<16xi32>
    %add3A_4297 = arith.constant 16 : i32
    %add3A_4298 = vector.broadcast %add3A_4297 : i32 to vector<16xi32>
    %add3A_4299 = arith.addi %max3A_4293, %add3A_4298 : vector<16xi32>
    %select_n3A_4300 = arith.select %lt3A_4296, %add3A_4299, %max3A_4293 : vector<16xi1>, vector<16xi32>
    %broadcast_in_dim3A_4301 = vector.shape_cast %select_n3A_4300 : vector<16xi32> to vector<16x1xi32>
    %gather3A_4302 = vector.shape_cast %broadcast_in_dim3A_4301 : vector<16x1xi32> to vector<16xi32>
    %gather3A_4303 = tpu.dynamic_gather %add3A_4289[%gather3A_4302] in [0] : vector<16xi32>, vector<16xi32> -> vector<16xi32>
    %sub3A_4304 = arith.constant 3 : i32
    %sub3A_4305 = vector.broadcast %sub3A_4304 : i32 to vector<16xi32>
    %sub3A_4306 = arith.subi %iota3A, %sub3A_4305 : vector<16xi32>
    %max3A_4307 = arith.maxsi %sub3A_4306, %broadcast_in_dim3A_6 : vector<16xi32>
    %min3A_4308 = arith.minsi %max3A_4307, %add3A_9 : vector<16xi32>
    %mul3A_4309 = arith.muli %gather3A_4303, %min3A_4308 : vector<16xi32>
    %add3A_4310 = arith.addi %add3A_4289, %mul3A_4309 : vector<16xi32>
    %sub3A_4311 = arith.constant 8 : i32
    %sub3A_4312 = vector.broadcast %sub3A_4311 : i32 to vector<16xi32>
    %sub3A_4313 = arith.subi %iota3A, %sub3A_4312 : vector<16xi32>
    %max3A_4314 = arith.maxsi %sub3A_4313, %broadcast_in_dim3A_6 : vector<16xi32>
    %lt3A_4315 = arith.constant 0 : i32
    %lt3A_4316 = vector.broadcast %lt3A_4315 : i32 to vector<16xi32>
    %lt3A_4317 = arith.cmpi slt, %max3A_4314, %lt3A_4316 : vector<16xi32>
    %add3A_4318 = arith.constant 16 : i32
    %add3A_4319 = vector.broadcast %add3A_4318 : i32 to vector<16xi32>
    %add3A_4320 = arith.addi %max3A_4314, %add3A_4319 : vector<16xi32>
    %select_n3A_4321 = arith.select %lt3A_4317, %add3A_4320, %max3A_4314 : vector<16xi1>, vector<16xi32>
    %broadcast_in_dim3A_4322 = vector.shape_cast %select_n3A_4321 : vector<16xi32> to vector<16x1xi32>
    %gather3A_4323 = vector.shape_cast %broadcast_in_dim3A_4322 : vector<16x1xi32> to vector<16xi32>
    %gather3A_4324 = tpu.dynamic_gather %add3A_4310[%gather3A_4323] in [0] : vector<16xi32>, vector<16xi32> -> vector<16xi32>
    %sub3A_4325 = arith.constant 7 : i32
    %sub3A_4326 = vector.broadcast %sub3A_4325 : i32 to vector<16xi32>
    %sub3A_4327 = arith.subi %iota3A, %sub3A_4326 : vector<16xi32>
    %max3A_4328 = arith.maxsi %sub3A_4327, %broadcast_in_dim3A_6 : vector<16xi32>
    %min3A_4329 = arith.minsi %max3A_4328, %add3A_9 : vector<16xi32>
    %mul3A_4330 = arith.muli %gather3A_4324, %min3A_4329 : vector<16xi32>
    %add3A_4331 = arith.addi %add3A_4310, %mul3A_4330 : vector<16xi32>
    %add3A_4332 = arith.addi %broadcast_in_dim3A_6, %add3A_3461 : vector<16xi32>
    %add3A_4333 = arith.addi %add3A_4332, %add3A_4331 : vector<16xi32>
    %sub3A_4334 = arith.subi %add3A_4333, %add3A_9 : vector<16xi32>
    %mul3A_4335 = arith.muli %sub3A_4247, %sub3A_4334 : vector<16xi32>
    %add3A_4336 = arith.addi %broadcast_in_dim3A_6, %mul3A_4335 : vector<16xi32>
    %add3A_4337 = arith.constant 15 : i32
    %add3A_4338 = vector.broadcast %add3A_4337 : i32 to vector<16xi32>
    %add3A_4339 = arith.addi %broadcast_in_dim3A_6, %add3A_4338 : vector<16xi32>
    %lt3A_4340 = arith.constant 0 : i32
    %lt3A_4341 = vector.broadcast %lt3A_4340 : i32 to vector<16xi32>
    %lt3A_4342 = arith.cmpi slt, %add3A_4339, %lt3A_4341 : vector<16xi32>
    %add3A_4343 = arith.constant 16 : i32
    %add3A_4344 = vector.broadcast %add3A_4343 : i32 to vector<16xi32>
    %add3A_4345 = arith.addi %add3A_4339, %add3A_4344 : vector<16xi32>
    %select_n3A_4346 = arith.select %lt3A_4342, %add3A_4345, %add3A_4339 : vector<16xi1>, vector<16xi32>
    %broadcast_in_dim3A_4347 = vector.shape_cast %select_n3A_4346 : vector<16xi32> to vector<16x1xi32>
    %gather3A_4348 = vector.shape_cast %broadcast_in_dim3A_4347 : vector<16x1xi32> to vector<16xi32>
    %gather3A_4349 = tpu.dynamic_gather %add3A_4331[%gather3A_4348] in [0] : vector<16xi32>, vector<16xi32> -> vector<16xi32>
    %add3A_4350 = arith.addi %add3A_3461, %gather3A_4349 : vector<16xi32>
    %add3A_4351 = arith.constant 1 : i32
    %add3A_4352 = vector.broadcast %add3A_4351 : i32 to vector<16xi32>
    %add3A_4353 = arith.addi %broadcast_in_dim3A_6, %add3A_4352 : vector<16xi32>
    %sub3A_4354 = arith.subi %get3A_4240, %add3A_4353 : vector<16xi32>
    %abs3A_4355 = math.absi %sub3A_4354 : vector<16xi32>
    %min3A_4356 = arith.minsi %abs3A_4355, %add3A_9 : vector<16xi32>
    %sub3A_4357 = arith.subi %add3A_9, %min3A_4356 : vector<16xi32>
    %sub3A_4358 = arith.constant 1 : i32
    %sub3A_4359 = vector.broadcast %sub3A_4358 : i32 to vector<16xi32>
    %sub3A_4360 = arith.subi %iota3A, %sub3A_4359 : vector<16xi32>
    %max3A_4361 = arith.maxsi %sub3A_4360, %broadcast_in_dim3A_6 : vector<16xi32>
    %lt3A_4362 = arith.constant 0 : i32
    %lt3A_4363 = vector.broadcast %lt3A_4362 : i32 to vector<16xi32>
    %lt3A_4364 = arith.cmpi slt, %max3A_4361, %lt3A_4363 : vector<16xi32>
    %add3A_4365 = arith.constant 16 : i32
    %add3A_4366 = vector.broadcast %add3A_4365 : i32 to vector<16xi32>
    %add3A_4367 = arith.addi %max3A_4361, %add3A_4366 : vector<16xi32>
    %select_n3A_4368 = arith.select %lt3A_4364, %add3A_4367, %max3A_4361 : vector<16xi1>, vector<16xi32>
    %broadcast_in_dim3A_4369 = vector.shape_cast %select_n3A_4368 : vector<16xi32> to vector<16x1xi32>
    %gather3A_4370 = vector.shape_cast %broadcast_in_dim3A_4369 : vector<16x1xi32> to vector<16xi32>
    %gather3A_4371 = tpu.dynamic_gather %sub3A_4357[%gather3A_4370] in [0] : vector<16xi32>, vector<16xi32> -> vector<16xi32>
    %sub3A_4372 = arith.constant 0 : i32
    %sub3A_4373 = vector.broadcast %sub3A_4372 : i32 to vector<16xi32>
    %sub3A_4374 = arith.subi %iota3A, %sub3A_4373 : vector<16xi32>
    %max3A_4375 = arith.maxsi %sub3A_4374, %broadcast_in_dim3A_6 : vector<16xi32>
    %min3A_4376 = arith.minsi %max3A_4375, %add3A_9 : vector<16xi32>
    %mul3A_4377 = arith.muli %gather3A_4371, %min3A_4376 : vector<16xi32>
    %add3A_4378 = arith.addi %sub3A_4357, %mul3A_4377 : vector<16xi32>
    %sub3A_4379 = arith.constant 2 : i32
    %sub3A_4380 = vector.broadcast %sub3A_4379 : i32 to vector<16xi32>
    %sub3A_4381 = arith.subi %iota3A, %sub3A_4380 : vector<16xi32>
    %max3A_4382 = arith.maxsi %sub3A_4381, %broadcast_in_dim3A_6 : vector<16xi32>
    %lt3A_4383 = arith.constant 0 : i32
    %lt3A_4384 = vector.broadcast %lt3A_4383 : i32 to vector<16xi32>
    %lt3A_4385 = arith.cmpi slt, %max3A_4382, %lt3A_4384 : vector<16xi32>
    %add3A_4386 = arith.constant 16 : i32
    %add3A_4387 = vector.broadcast %add3A_4386 : i32 to vector<16xi32>
    %add3A_4388 = arith.addi %max3A_4382, %add3A_4387 : vector<16xi32>
    %select_n3A_4389 = arith.select %lt3A_4385, %add3A_4388, %max3A_4382 : vector<16xi1>, vector<16xi32>
    %broadcast_in_dim3A_4390 = vector.shape_cast %select_n3A_4389 : vector<16xi32> to vector<16x1xi32>
    %gather3A_4391 = vector.shape_cast %broadcast_in_dim3A_4390 : vector<16x1xi32> to vector<16xi32>
    %gather3A_4392 = tpu.dynamic_gather %add3A_4378[%gather3A_4391] in [0] : vector<16xi32>, vector<16xi32> -> vector<16xi32>
    %sub3A_4393 = arith.constant 1 : i32
    %sub3A_4394 = vector.broadcast %sub3A_4393 : i32 to vector<16xi32>
    %sub3A_4395 = arith.subi %iota3A, %sub3A_4394 : vector<16xi32>
    %max3A_4396 = arith.maxsi %sub3A_4395, %broadcast_in_dim3A_6 : vector<16xi32>
    %min3A_4397 = arith.minsi %max3A_4396, %add3A_9 : vector<16xi32>
    %mul3A_4398 = arith.muli %gather3A_4392, %min3A_4397 : vector<16xi32>
    %add3A_4399 = arith.addi %add3A_4378, %mul3A_4398 : vector<16xi32>
    %sub3A_4400 = arith.constant 4 : i32
    %sub3A_4401 = vector.broadcast %sub3A_4400 : i32 to vector<16xi32>
    %sub3A_4402 = arith.subi %iota3A, %sub3A_4401 : vector<16xi32>
    %max3A_4403 = arith.maxsi %sub3A_4402, %broadcast_in_dim3A_6 : vector<16xi32>
    %lt3A_4404 = arith.constant 0 : i32
    %lt3A_4405 = vector.broadcast %lt3A_4404 : i32 to vector<16xi32>
    %lt3A_4406 = arith.cmpi slt, %max3A_4403, %lt3A_4405 : vector<16xi32>
    %add3A_4407 = arith.constant 16 : i32
    %add3A_4408 = vector.broadcast %add3A_4407 : i32 to vector<16xi32>
    %add3A_4409 = arith.addi %max3A_4403, %add3A_4408 : vector<16xi32>
    %select_n3A_4410 = arith.select %lt3A_4406, %add3A_4409, %max3A_4403 : vector<16xi1>, vector<16xi32>
    %broadcast_in_dim3A_4411 = vector.shape_cast %select_n3A_4410 : vector<16xi32> to vector<16x1xi32>
    %gather3A_4412 = vector.shape_cast %broadcast_in_dim3A_4411 : vector<16x1xi32> to vector<16xi32>
    %gather3A_4413 = tpu.dynamic_gather %add3A_4399[%gather3A_4412] in [0] : vector<16xi32>, vector<16xi32> -> vector<16xi32>
    %sub3A_4414 = arith.constant 3 : i32
    %sub3A_4415 = vector.broadcast %sub3A_4414 : i32 to vector<16xi32>
    %sub3A_4416 = arith.subi %iota3A, %sub3A_4415 : vector<16xi32>
    %max3A_4417 = arith.maxsi %sub3A_4416, %broadcast_in_dim3A_6 : vector<16xi32>
    %min3A_4418 = arith.minsi %max3A_4417, %add3A_9 : vector<16xi32>
    %mul3A_4419 = arith.muli %gather3A_4413, %min3A_4418 : vector<16xi32>
    %add3A_4420 = arith.addi %add3A_4399, %mul3A_4419 : vector<16xi32>
    %sub3A_4421 = arith.constant 8 : i32
    %sub3A_4422 = vector.broadcast %sub3A_4421 : i32 to vector<16xi32>
    %sub3A_4423 = arith.subi %iota3A, %sub3A_4422 : vector<16xi32>
    %max3A_4424 = arith.maxsi %sub3A_4423, %broadcast_in_dim3A_6 : vector<16xi32>
    %lt3A_4425 = arith.constant 0 : i32
    %lt3A_4426 = vector.broadcast %lt3A_4425 : i32 to vector<16xi32>
    %lt3A_4427 = arith.cmpi slt, %max3A_4424, %lt3A_4426 : vector<16xi32>
    %add3A_4428 = arith.constant 16 : i32
    %add3A_4429 = vector.broadcast %add3A_4428 : i32 to vector<16xi32>
    %add3A_4430 = arith.addi %max3A_4424, %add3A_4429 : vector<16xi32>
    %select_n3A_4431 = arith.select %lt3A_4427, %add3A_4430, %max3A_4424 : vector<16xi1>, vector<16xi32>
    %broadcast_in_dim3A_4432 = vector.shape_cast %select_n3A_4431 : vector<16xi32> to vector<16x1xi32>
    %gather3A_4433 = vector.shape_cast %broadcast_in_dim3A_4432 : vector<16x1xi32> to vector<16xi32>
    %gather3A_4434 = tpu.dynamic_gather %add3A_4420[%gather3A_4433] in [0] : vector<16xi32>, vector<16xi32> -> vector<16xi32>
    %sub3A_4435 = arith.constant 7 : i32
    %sub3A_4436 = vector.broadcast %sub3A_4435 : i32 to vector<16xi32>
    %sub3A_4437 = arith.subi %iota3A, %sub3A_4436 : vector<16xi32>
    %max3A_4438 = arith.maxsi %sub3A_4437, %broadcast_in_dim3A_6 : vector<16xi32>
    %min3A_4439 = arith.minsi %max3A_4438, %add3A_9 : vector<16xi32>
    %mul3A_4440 = arith.muli %gather3A_4434, %min3A_4439 : vector<16xi32>
    %add3A_4441 = arith.addi %add3A_4420, %mul3A_4440 : vector<16xi32>
    %add3A_4442 = arith.addi %add3A_1564, %add3A_3571 : vector<16xi32>
    %add3A_4443 = arith.addi %add3A_4442, %add3A_4441 : vector<16xi32>
    %sub3A_4444 = arith.subi %add3A_4443, %add3A_9 : vector<16xi32>
    %mul3A_4445 = arith.muli %sub3A_4357, %sub3A_4444 : vector<16xi32>
    %add3A_4446 = arith.addi %add3A_4336, %mul3A_4445 : vector<16xi32>
    %add3A_4447 = arith.constant 15 : i32
    %add3A_4448 = vector.broadcast %add3A_4447 : i32 to vector<16xi32>
    %add3A_4449 = arith.addi %broadcast_in_dim3A_6, %add3A_4448 : vector<16xi32>
    %lt3A_4450 = arith.constant 0 : i32
    %lt3A_4451 = vector.broadcast %lt3A_4450 : i32 to vector<16xi32>
    %lt3A_4452 = arith.cmpi slt, %add3A_4449, %lt3A_4451 : vector<16xi32>
    %add3A_4453 = arith.constant 16 : i32
    %add3A_4454 = vector.broadcast %add3A_4453 : i32 to vector<16xi32>
    %add3A_4455 = arith.addi %add3A_4449, %add3A_4454 : vector<16xi32>
    %select_n3A_4456 = arith.select %lt3A_4452, %add3A_4455, %add3A_4449 : vector<16xi1>, vector<16xi32>
    %broadcast_in_dim3A_4457 = vector.shape_cast %select_n3A_4456 : vector<16xi32> to vector<16x1xi32>
    %gather3A_4458 = vector.shape_cast %broadcast_in_dim3A_4457 : vector<16x1xi32> to vector<16xi32>
    %gather3A_4459 = tpu.dynamic_gather %add3A_4441[%gather3A_4458] in [0] : vector<16xi32>, vector<16xi32> -> vector<16xi32>
    %add3A_4460 = arith.addi %add3A_3571, %gather3A_4459 : vector<16xi32>
    %add3A_4461 = arith.constant 2 : i32
    %add3A_4462 = vector.broadcast %add3A_4461 : i32 to vector<16xi32>
    %add3A_4463 = arith.addi %broadcast_in_dim3A_6, %add3A_4462 : vector<16xi32>
    %sub3A_4464 = arith.subi %get3A_4240, %add3A_4463 : vector<16xi32>
    %abs3A_4465 = math.absi %sub3A_4464 : vector<16xi32>
    %min3A_4466 = arith.minsi %abs3A_4465, %add3A_9 : vector<16xi32>
    %sub3A_4467 = arith.subi %add3A_9, %min3A_4466 : vector<16xi32>
    %sub3A_4468 = arith.constant 1 : i32
    %sub3A_4469 = vector.broadcast %sub3A_4468 : i32 to vector<16xi32>
    %sub3A_4470 = arith.subi %iota3A, %sub3A_4469 : vector<16xi32>
    %max3A_4471 = arith.maxsi %sub3A_4470, %broadcast_in_dim3A_6 : vector<16xi32>
    %lt3A_4472 = arith.constant 0 : i32
    %lt3A_4473 = vector.broadcast %lt3A_4472 : i32 to vector<16xi32>
    %lt3A_4474 = arith.cmpi slt, %max3A_4471, %lt3A_4473 : vector<16xi32>
    %add3A_4475 = arith.constant 16 : i32
    %add3A_4476 = vector.broadcast %add3A_4475 : i32 to vector<16xi32>
    %add3A_4477 = arith.addi %max3A_4471, %add3A_4476 : vector<16xi32>
    %select_n3A_4478 = arith.select %lt3A_4474, %add3A_4477, %max3A_4471 : vector<16xi1>, vector<16xi32>
    %broadcast_in_dim3A_4479 = vector.shape_cast %select_n3A_4478 : vector<16xi32> to vector<16x1xi32>
    %gather3A_4480 = vector.shape_cast %broadcast_in_dim3A_4479 : vector<16x1xi32> to vector<16xi32>
    %gather3A_4481 = tpu.dynamic_gather %sub3A_4467[%gather3A_4480] in [0] : vector<16xi32>, vector<16xi32> -> vector<16xi32>
    %sub3A_4482 = arith.constant 0 : i32
    %sub3A_4483 = vector.broadcast %sub3A_4482 : i32 to vector<16xi32>
    %sub3A_4484 = arith.subi %iota3A, %sub3A_4483 : vector<16xi32>
    %max3A_4485 = arith.maxsi %sub3A_4484, %broadcast_in_dim3A_6 : vector<16xi32>
    %min3A_4486 = arith.minsi %max3A_4485, %add3A_9 : vector<16xi32>
    %mul3A_4487 = arith.muli %gather3A_4481, %min3A_4486 : vector<16xi32>
    %add3A_4488 = arith.addi %sub3A_4467, %mul3A_4487 : vector<16xi32>
    %sub3A_4489 = arith.constant 2 : i32
    %sub3A_4490 = vector.broadcast %sub3A_4489 : i32 to vector<16xi32>
    %sub3A_4491 = arith.subi %iota3A, %sub3A_4490 : vector<16xi32>
    %max3A_4492 = arith.maxsi %sub3A_4491, %broadcast_in_dim3A_6 : vector<16xi32>
    %lt3A_4493 = arith.constant 0 : i32
    %lt3A_4494 = vector.broadcast %lt3A_4493 : i32 to vector<16xi32>
    %lt3A_4495 = arith.cmpi slt, %max3A_4492, %lt3A_4494 : vector<16xi32>
    %add3A_4496 = arith.constant 16 : i32
    %add3A_4497 = vector.broadcast %add3A_4496 : i32 to vector<16xi32>
    %add3A_4498 = arith.addi %max3A_4492, %add3A_4497 : vector<16xi32>
    %select_n3A_4499 = arith.select %lt3A_4495, %add3A_4498, %max3A_4492 : vector<16xi1>, vector<16xi32>
    %broadcast_in_dim3A_4500 = vector.shape_cast %select_n3A_4499 : vector<16xi32> to vector<16x1xi32>
    %gather3A_4501 = vector.shape_cast %broadcast_in_dim3A_4500 : vector<16x1xi32> to vector<16xi32>
    %gather3A_4502 = tpu.dynamic_gather %add3A_4488[%gather3A_4501] in [0] : vector<16xi32>, vector<16xi32> -> vector<16xi32>
    %sub3A_4503 = arith.constant 1 : i32
    %sub3A_4504 = vector.broadcast %sub3A_4503 : i32 to vector<16xi32>
    %sub3A_4505 = arith.subi %iota3A, %sub3A_4504 : vector<16xi32>
    %max3A_4506 = arith.maxsi %sub3A_4505, %broadcast_in_dim3A_6 : vector<16xi32>
    %min3A_4507 = arith.minsi %max3A_4506, %add3A_9 : vector<16xi32>
    %mul3A_4508 = arith.muli %gather3A_4502, %min3A_4507 : vector<16xi32>
    %add3A_4509 = arith.addi %add3A_4488, %mul3A_4508 : vector<16xi32>
    %sub3A_4510 = arith.constant 4 : i32
    %sub3A_4511 = vector.broadcast %sub3A_4510 : i32 to vector<16xi32>
    %sub3A_4512 = arith.subi %iota3A, %sub3A_4511 : vector<16xi32>
    %max3A_4513 = arith.maxsi %sub3A_4512, %broadcast_in_dim3A_6 : vector<16xi32>
    %lt3A_4514 = arith.constant 0 : i32
    %lt3A_4515 = vector.broadcast %lt3A_4514 : i32 to vector<16xi32>
    %lt3A_4516 = arith.cmpi slt, %max3A_4513, %lt3A_4515 : vector<16xi32>
    %add3A_4517 = arith.constant 16 : i32
    %add3A_4518 = vector.broadcast %add3A_4517 : i32 to vector<16xi32>
    %add3A_4519 = arith.addi %max3A_4513, %add3A_4518 : vector<16xi32>
    %select_n3A_4520 = arith.select %lt3A_4516, %add3A_4519, %max3A_4513 : vector<16xi1>, vector<16xi32>
    %broadcast_in_dim3A_4521 = vector.shape_cast %select_n3A_4520 : vector<16xi32> to vector<16x1xi32>
    %gather3A_4522 = vector.shape_cast %broadcast_in_dim3A_4521 : vector<16x1xi32> to vector<16xi32>
    %gather3A_4523 = tpu.dynamic_gather %add3A_4509[%gather3A_4522] in [0] : vector<16xi32>, vector<16xi32> -> vector<16xi32>
    %sub3A_4524 = arith.constant 3 : i32
    %sub3A_4525 = vector.broadcast %sub3A_4524 : i32 to vector<16xi32>
    %sub3A_4526 = arith.subi %iota3A, %sub3A_4525 : vector<16xi32>
    %max3A_4527 = arith.maxsi %sub3A_4526, %broadcast_in_dim3A_6 : vector<16xi32>
    %min3A_4528 = arith.minsi %max3A_4527, %add3A_9 : vector<16xi32>
    %mul3A_4529 = arith.muli %gather3A_4523, %min3A_4528 : vector<16xi32>
    %add3A_4530 = arith.addi %add3A_4509, %mul3A_4529 : vector<16xi32>
    %sub3A_4531 = arith.constant 8 : i32
    %sub3A_4532 = vector.broadcast %sub3A_4531 : i32 to vector<16xi32>
    %sub3A_4533 = arith.subi %iota3A, %sub3A_4532 : vector<16xi32>
    %max3A_4534 = arith.maxsi %sub3A_4533, %broadcast_in_dim3A_6 : vector<16xi32>
    %lt3A_4535 = arith.constant 0 : i32
    %lt3A_4536 = vector.broadcast %lt3A_4535 : i32 to vector<16xi32>
    %lt3A_4537 = arith.cmpi slt, %max3A_4534, %lt3A_4536 : vector<16xi32>
    %add3A_4538 = arith.constant 16 : i32
    %add3A_4539 = vector.broadcast %add3A_4538 : i32 to vector<16xi32>
    %add3A_4540 = arith.addi %max3A_4534, %add3A_4539 : vector<16xi32>
    %select_n3A_4541 = arith.select %lt3A_4537, %add3A_4540, %max3A_4534 : vector<16xi1>, vector<16xi32>
    %broadcast_in_dim3A_4542 = vector.shape_cast %select_n3A_4541 : vector<16xi32> to vector<16x1xi32>
    %gather3A_4543 = vector.shape_cast %broadcast_in_dim3A_4542 : vector<16x1xi32> to vector<16xi32>
    %gather3A_4544 = tpu.dynamic_gather %add3A_4530[%gather3A_4543] in [0] : vector<16xi32>, vector<16xi32> -> vector<16xi32>
    %sub3A_4545 = arith.constant 7 : i32
    %sub3A_4546 = vector.broadcast %sub3A_4545 : i32 to vector<16xi32>
    %sub3A_4547 = arith.subi %iota3A, %sub3A_4546 : vector<16xi32>
    %max3A_4548 = arith.maxsi %sub3A_4547, %broadcast_in_dim3A_6 : vector<16xi32>
    %min3A_4549 = arith.minsi %max3A_4548, %add3A_9 : vector<16xi32>
    %mul3A_4550 = arith.muli %gather3A_4544, %min3A_4549 : vector<16xi32>
    %add3A_4551 = arith.addi %add3A_4530, %mul3A_4550 : vector<16xi32>
    %add3A_4552 = arith.addi %add3A_1565, %add3A_3681 : vector<16xi32>
    %add3A_4553 = arith.addi %add3A_4552, %add3A_4551 : vector<16xi32>
    %sub3A_4554 = arith.subi %add3A_4553, %add3A_9 : vector<16xi32>
    %mul3A_4555 = arith.muli %sub3A_4467, %sub3A_4554 : vector<16xi32>
    %add3A_4556 = arith.addi %add3A_4446, %mul3A_4555 : vector<16xi32>
    %add3A_4557 = arith.constant 15 : i32
    %add3A_4558 = vector.broadcast %add3A_4557 : i32 to vector<16xi32>
    %add3A_4559 = arith.addi %broadcast_in_dim3A_6, %add3A_4558 : vector<16xi32>
    %lt3A_4560 = arith.constant 0 : i32
    %lt3A_4561 = vector.broadcast %lt3A_4560 : i32 to vector<16xi32>
    %lt3A_4562 = arith.cmpi slt, %add3A_4559, %lt3A_4561 : vector<16xi32>
    %add3A_4563 = arith.constant 16 : i32
    %add3A_4564 = vector.broadcast %add3A_4563 : i32 to vector<16xi32>
    %add3A_4565 = arith.addi %add3A_4559, %add3A_4564 : vector<16xi32>
    %select_n3A_4566 = arith.select %lt3A_4562, %add3A_4565, %add3A_4559 : vector<16xi1>, vector<16xi32>
    %broadcast_in_dim3A_4567 = vector.shape_cast %select_n3A_4566 : vector<16xi32> to vector<16x1xi32>
    %gather3A_4568 = vector.shape_cast %broadcast_in_dim3A_4567 : vector<16x1xi32> to vector<16xi32>
    %gather3A_4569 = tpu.dynamic_gather %add3A_4551[%gather3A_4568] in [0] : vector<16xi32>, vector<16xi32> -> vector<16xi32>
    %add3A_4570 = arith.addi %add3A_3681, %gather3A_4569 : vector<16xi32>
    %add3A_4571 = arith.constant 3 : i32
    %add3A_4572 = vector.broadcast %add3A_4571 : i32 to vector<16xi32>
    %add3A_4573 = arith.addi %broadcast_in_dim3A_6, %add3A_4572 : vector<16xi32>
    %sub3A_4574 = arith.subi %get3A_4240, %add3A_4573 : vector<16xi32>
    %abs3A_4575 = math.absi %sub3A_4574 : vector<16xi32>
    %min3A_4576 = arith.minsi %abs3A_4575, %add3A_9 : vector<16xi32>
    %sub3A_4577 = arith.subi %add3A_9, %min3A_4576 : vector<16xi32>
    %sub3A_4578 = arith.constant 1 : i32
    %sub3A_4579 = vector.broadcast %sub3A_4578 : i32 to vector<16xi32>
    %sub3A_4580 = arith.subi %iota3A, %sub3A_4579 : vector<16xi32>
    %max3A_4581 = arith.maxsi %sub3A_4580, %broadcast_in_dim3A_6 : vector<16xi32>
    %lt3A_4582 = arith.constant 0 : i32
    %lt3A_4583 = vector.broadcast %lt3A_4582 : i32 to vector<16xi32>
    %lt3A_4584 = arith.cmpi slt, %max3A_4581, %lt3A_4583 : vector<16xi32>
    %add3A_4585 = arith.constant 16 : i32
    %add3A_4586 = vector.broadcast %add3A_4585 : i32 to vector<16xi32>
    %add3A_4587 = arith.addi %max3A_4581, %add3A_4586 : vector<16xi32>
    %select_n3A_4588 = arith.select %lt3A_4584, %add3A_4587, %max3A_4581 : vector<16xi1>, vector<16xi32>
    %broadcast_in_dim3A_4589 = vector.shape_cast %select_n3A_4588 : vector<16xi32> to vector<16x1xi32>
    %gather3A_4590 = vector.shape_cast %broadcast_in_dim3A_4589 : vector<16x1xi32> to vector<16xi32>
    %gather3A_4591 = tpu.dynamic_gather %sub3A_4577[%gather3A_4590] in [0] : vector<16xi32>, vector<16xi32> -> vector<16xi32>
    %sub3A_4592 = arith.constant 0 : i32
    %sub3A_4593 = vector.broadcast %sub3A_4592 : i32 to vector<16xi32>
    %sub3A_4594 = arith.subi %iota3A, %sub3A_4593 : vector<16xi32>
    %max3A_4595 = arith.maxsi %sub3A_4594, %broadcast_in_dim3A_6 : vector<16xi32>
    %min3A_4596 = arith.minsi %max3A_4595, %add3A_9 : vector<16xi32>
    %mul3A_4597 = arith.muli %gather3A_4591, %min3A_4596 : vector<16xi32>
    %add3A_4598 = arith.addi %sub3A_4577, %mul3A_4597 : vector<16xi32>
    %sub3A_4599 = arith.constant 2 : i32
    %sub3A_4600 = vector.broadcast %sub3A_4599 : i32 to vector<16xi32>
    %sub3A_4601 = arith.subi %iota3A, %sub3A_4600 : vector<16xi32>
    %max3A_4602 = arith.maxsi %sub3A_4601, %broadcast_in_dim3A_6 : vector<16xi32>
    %lt3A_4603 = arith.constant 0 : i32
    %lt3A_4604 = vector.broadcast %lt3A_4603 : i32 to vector<16xi32>
    %lt3A_4605 = arith.cmpi slt, %max3A_4602, %lt3A_4604 : vector<16xi32>
    %add3A_4606 = arith.constant 16 : i32
    %add3A_4607 = vector.broadcast %add3A_4606 : i32 to vector<16xi32>
    %add3A_4608 = arith.addi %max3A_4602, %add3A_4607 : vector<16xi32>
    %select_n3A_4609 = arith.select %lt3A_4605, %add3A_4608, %max3A_4602 : vector<16xi1>, vector<16xi32>
    %broadcast_in_dim3A_4610 = vector.shape_cast %select_n3A_4609 : vector<16xi32> to vector<16x1xi32>
    %gather3A_4611 = vector.shape_cast %broadcast_in_dim3A_4610 : vector<16x1xi32> to vector<16xi32>
    %gather3A_4612 = tpu.dynamic_gather %add3A_4598[%gather3A_4611] in [0] : vector<16xi32>, vector<16xi32> -> vector<16xi32>
    %sub3A_4613 = arith.constant 1 : i32
    %sub3A_4614 = vector.broadcast %sub3A_4613 : i32 to vector<16xi32>
    %sub3A_4615 = arith.subi %iota3A, %sub3A_4614 : vector<16xi32>
    %max3A_4616 = arith.maxsi %sub3A_4615, %broadcast_in_dim3A_6 : vector<16xi32>
    %min3A_4617 = arith.minsi %max3A_4616, %add3A_9 : vector<16xi32>
    %mul3A_4618 = arith.muli %gather3A_4612, %min3A_4617 : vector<16xi32>
    %add3A_4619 = arith.addi %add3A_4598, %mul3A_4618 : vector<16xi32>
    %sub3A_4620 = arith.constant 4 : i32
    %sub3A_4621 = vector.broadcast %sub3A_4620 : i32 to vector<16xi32>
    %sub3A_4622 = arith.subi %iota3A, %sub3A_4621 : vector<16xi32>
    %max3A_4623 = arith.maxsi %sub3A_4622, %broadcast_in_dim3A_6 : vector<16xi32>
    %lt3A_4624 = arith.constant 0 : i32
    %lt3A_4625 = vector.broadcast %lt3A_4624 : i32 to vector<16xi32>
    %lt3A_4626 = arith.cmpi slt, %max3A_4623, %lt3A_4625 : vector<16xi32>
    %add3A_4627 = arith.constant 16 : i32
    %add3A_4628 = vector.broadcast %add3A_4627 : i32 to vector<16xi32>
    %add3A_4629 = arith.addi %max3A_4623, %add3A_4628 : vector<16xi32>
    %select_n3A_4630 = arith.select %lt3A_4626, %add3A_4629, %max3A_4623 : vector<16xi1>, vector<16xi32>
    %broadcast_in_dim3A_4631 = vector.shape_cast %select_n3A_4630 : vector<16xi32> to vector<16x1xi32>
    %gather3A_4632 = vector.shape_cast %broadcast_in_dim3A_4631 : vector<16x1xi32> to vector<16xi32>
    %gather3A_4633 = tpu.dynamic_gather %add3A_4619[%gather3A_4632] in [0] : vector<16xi32>, vector<16xi32> -> vector<16xi32>
    %sub3A_4634 = arith.constant 3 : i32
    %sub3A_4635 = vector.broadcast %sub3A_4634 : i32 to vector<16xi32>
    %sub3A_4636 = arith.subi %iota3A, %sub3A_4635 : vector<16xi32>
    %max3A_4637 = arith.maxsi %sub3A_4636, %broadcast_in_dim3A_6 : vector<16xi32>
    %min3A_4638 = arith.minsi %max3A_4637, %add3A_9 : vector<16xi32>
    %mul3A_4639 = arith.muli %gather3A_4633, %min3A_4638 : vector<16xi32>
    %add3A_4640 = arith.addi %add3A_4619, %mul3A_4639 : vector<16xi32>
    %sub3A_4641 = arith.constant 8 : i32
    %sub3A_4642 = vector.broadcast %sub3A_4641 : i32 to vector<16xi32>
    %sub3A_4643 = arith.subi %iota3A, %sub3A_4642 : vector<16xi32>
    %max3A_4644 = arith.maxsi %sub3A_4643, %broadcast_in_dim3A_6 : vector<16xi32>
    %lt3A_4645 = arith.constant 0 : i32
    %lt3A_4646 = vector.broadcast %lt3A_4645 : i32 to vector<16xi32>
    %lt3A_4647 = arith.cmpi slt, %max3A_4644, %lt3A_4646 : vector<16xi32>
    %add3A_4648 = arith.constant 16 : i32
    %add3A_4649 = vector.broadcast %add3A_4648 : i32 to vector<16xi32>
    %add3A_4650 = arith.addi %max3A_4644, %add3A_4649 : vector<16xi32>
    %select_n3A_4651 = arith.select %lt3A_4647, %add3A_4650, %max3A_4644 : vector<16xi1>, vector<16xi32>
    %broadcast_in_dim3A_4652 = vector.shape_cast %select_n3A_4651 : vector<16xi32> to vector<16x1xi32>
    %gather3A_4653 = vector.shape_cast %broadcast_in_dim3A_4652 : vector<16x1xi32> to vector<16xi32>
    %gather3A_4654 = tpu.dynamic_gather %add3A_4640[%gather3A_4653] in [0] : vector<16xi32>, vector<16xi32> -> vector<16xi32>
    %sub3A_4655 = arith.constant 7 : i32
    %sub3A_4656 = vector.broadcast %sub3A_4655 : i32 to vector<16xi32>
    %sub3A_4657 = arith.subi %iota3A, %sub3A_4656 : vector<16xi32>
    %max3A_4658 = arith.maxsi %sub3A_4657, %broadcast_in_dim3A_6 : vector<16xi32>
    %min3A_4659 = arith.minsi %max3A_4658, %add3A_9 : vector<16xi32>
    %mul3A_4660 = arith.muli %gather3A_4654, %min3A_4659 : vector<16xi32>
    %add3A_4661 = arith.addi %add3A_4640, %mul3A_4660 : vector<16xi32>
    %add3A_4662 = arith.addi %add3A_1566, %add3A_3791 : vector<16xi32>
    %add3A_4663 = arith.addi %add3A_4662, %add3A_4661 : vector<16xi32>
    %sub3A_4664 = arith.subi %add3A_4663, %add3A_9 : vector<16xi32>
    %mul3A_4665 = arith.muli %sub3A_4577, %sub3A_4664 : vector<16xi32>
    %add3A_4666 = arith.addi %add3A_4556, %mul3A_4665 : vector<16xi32>
    %add3A_4667 = arith.constant 15 : i32
    %add3A_4668 = vector.broadcast %add3A_4667 : i32 to vector<16xi32>
    %add3A_4669 = arith.addi %broadcast_in_dim3A_6, %add3A_4668 : vector<16xi32>
    %lt3A_4670 = arith.constant 0 : i32
    %lt3A_4671 = vector.broadcast %lt3A_4670 : i32 to vector<16xi32>
    %lt3A_4672 = arith.cmpi slt, %add3A_4669, %lt3A_4671 : vector<16xi32>
    %add3A_4673 = arith.constant 16 : i32
    %add3A_4674 = vector.broadcast %add3A_4673 : i32 to vector<16xi32>
    %add3A_4675 = arith.addi %add3A_4669, %add3A_4674 : vector<16xi32>
    %select_n3A_4676 = arith.select %lt3A_4672, %add3A_4675, %add3A_4669 : vector<16xi1>, vector<16xi32>
    %broadcast_in_dim3A_4677 = vector.shape_cast %select_n3A_4676 : vector<16xi32> to vector<16x1xi32>
    %gather3A_4678 = vector.shape_cast %broadcast_in_dim3A_4677 : vector<16x1xi32> to vector<16xi32>
    %gather3A_4679 = tpu.dynamic_gather %add3A_4661[%gather3A_4678] in [0] : vector<16xi32>, vector<16xi32> -> vector<16xi32>
    %add3A_4680 = arith.addi %add3A_3791, %gather3A_4679 : vector<16xi32>
    %add3A_4681 = arith.constant 4 : i32
    %add3A_4682 = vector.broadcast %add3A_4681 : i32 to vector<16xi32>
    %add3A_4683 = arith.addi %broadcast_in_dim3A_6, %add3A_4682 : vector<16xi32>
    %sub3A_4684 = arith.subi %get3A_4240, %add3A_4683 : vector<16xi32>
    %abs3A_4685 = math.absi %sub3A_4684 : vector<16xi32>
    %min3A_4686 = arith.minsi %abs3A_4685, %add3A_9 : vector<16xi32>
    %sub3A_4687 = arith.subi %add3A_9, %min3A_4686 : vector<16xi32>
    %sub3A_4688 = arith.constant 1 : i32
    %sub3A_4689 = vector.broadcast %sub3A_4688 : i32 to vector<16xi32>
    %sub3A_4690 = arith.subi %iota3A, %sub3A_4689 : vector<16xi32>
    %max3A_4691 = arith.maxsi %sub3A_4690, %broadcast_in_dim3A_6 : vector<16xi32>
    %lt3A_4692 = arith.constant 0 : i32
    %lt3A_4693 = vector.broadcast %lt3A_4692 : i32 to vector<16xi32>
    %lt3A_4694 = arith.cmpi slt, %max3A_4691, %lt3A_4693 : vector<16xi32>
    %add3A_4695 = arith.constant 16 : i32
    %add3A_4696 = vector.broadcast %add3A_4695 : i32 to vector<16xi32>
    %add3A_4697 = arith.addi %max3A_4691, %add3A_4696 : vector<16xi32>
    %select_n3A_4698 = arith.select %lt3A_4694, %add3A_4697, %max3A_4691 : vector<16xi1>, vector<16xi32>
    %broadcast_in_dim3A_4699 = vector.shape_cast %select_n3A_4698 : vector<16xi32> to vector<16x1xi32>
    %gather3A_4700 = vector.shape_cast %broadcast_in_dim3A_4699 : vector<16x1xi32> to vector<16xi32>
    %gather3A_4701 = tpu.dynamic_gather %sub3A_4687[%gather3A_4700] in [0] : vector<16xi32>, vector<16xi32> -> vector<16xi32>
    %sub3A_4702 = arith.constant 0 : i32
    %sub3A_4703 = vector.broadcast %sub3A_4702 : i32 to vector<16xi32>
    %sub3A_4704 = arith.subi %iota3A, %sub3A_4703 : vector<16xi32>
    %max3A_4705 = arith.maxsi %sub3A_4704, %broadcast_in_dim3A_6 : vector<16xi32>
    %min3A_4706 = arith.minsi %max3A_4705, %add3A_9 : vector<16xi32>
    %mul3A_4707 = arith.muli %gather3A_4701, %min3A_4706 : vector<16xi32>
    %add3A_4708 = arith.addi %sub3A_4687, %mul3A_4707 : vector<16xi32>
    %sub3A_4709 = arith.constant 2 : i32
    %sub3A_4710 = vector.broadcast %sub3A_4709 : i32 to vector<16xi32>
    %sub3A_4711 = arith.subi %iota3A, %sub3A_4710 : vector<16xi32>
    %max3A_4712 = arith.maxsi %sub3A_4711, %broadcast_in_dim3A_6 : vector<16xi32>
    %lt3A_4713 = arith.constant 0 : i32
    %lt3A_4714 = vector.broadcast %lt3A_4713 : i32 to vector<16xi32>
    %lt3A_4715 = arith.cmpi slt, %max3A_4712, %lt3A_4714 : vector<16xi32>
    %add3A_4716 = arith.constant 16 : i32
    %add3A_4717 = vector.broadcast %add3A_4716 : i32 to vector<16xi32>
    %add3A_4718 = arith.addi %max3A_4712, %add3A_4717 : vector<16xi32>
    %select_n3A_4719 = arith.select %lt3A_4715, %add3A_4718, %max3A_4712 : vector<16xi1>, vector<16xi32>
    %broadcast_in_dim3A_4720 = vector.shape_cast %select_n3A_4719 : vector<16xi32> to vector<16x1xi32>
    %gather3A_4721 = vector.shape_cast %broadcast_in_dim3A_4720 : vector<16x1xi32> to vector<16xi32>
    %gather3A_4722 = tpu.dynamic_gather %add3A_4708[%gather3A_4721] in [0] : vector<16xi32>, vector<16xi32> -> vector<16xi32>
    %sub3A_4723 = arith.constant 1 : i32
    %sub3A_4724 = vector.broadcast %sub3A_4723 : i32 to vector<16xi32>
    %sub3A_4725 = arith.subi %iota3A, %sub3A_4724 : vector<16xi32>
    %max3A_4726 = arith.maxsi %sub3A_4725, %broadcast_in_dim3A_6 : vector<16xi32>
    %min3A_4727 = arith.minsi %max3A_4726, %add3A_9 : vector<16xi32>
    %mul3A_4728 = arith.muli %gather3A_4722, %min3A_4727 : vector<16xi32>
    %add3A_4729 = arith.addi %add3A_4708, %mul3A_4728 : vector<16xi32>
    %sub3A_4730 = arith.constant 4 : i32
    %sub3A_4731 = vector.broadcast %sub3A_4730 : i32 to vector<16xi32>
    %sub3A_4732 = arith.subi %iota3A, %sub3A_4731 : vector<16xi32>
    %max3A_4733 = arith.maxsi %sub3A_4732, %broadcast_in_dim3A_6 : vector<16xi32>
    %lt3A_4734 = arith.constant 0 : i32
    %lt3A_4735 = vector.broadcast %lt3A_4734 : i32 to vector<16xi32>
    %lt3A_4736 = arith.cmpi slt, %max3A_4733, %lt3A_4735 : vector<16xi32>
    %add3A_4737 = arith.constant 16 : i32
    %add3A_4738 = vector.broadcast %add3A_4737 : i32 to vector<16xi32>
    %add3A_4739 = arith.addi %max3A_4733, %add3A_4738 : vector<16xi32>
    %select_n3A_4740 = arith.select %lt3A_4736, %add3A_4739, %max3A_4733 : vector<16xi1>, vector<16xi32>
    %broadcast_in_dim3A_4741 = vector.shape_cast %select_n3A_4740 : vector<16xi32> to vector<16x1xi32>
    %gather3A_4742 = vector.shape_cast %broadcast_in_dim3A_4741 : vector<16x1xi32> to vector<16xi32>
    %gather3A_4743 = tpu.dynamic_gather %add3A_4729[%gather3A_4742] in [0] : vector<16xi32>, vector<16xi32> -> vector<16xi32>
    %sub3A_4744 = arith.constant 3 : i32
    %sub3A_4745 = vector.broadcast %sub3A_4744 : i32 to vector<16xi32>
    %sub3A_4746 = arith.subi %iota3A, %sub3A_4745 : vector<16xi32>
    %max3A_4747 = arith.maxsi %sub3A_4746, %broadcast_in_dim3A_6 : vector<16xi32>
    %min3A_4748 = arith.minsi %max3A_4747, %add3A_9 : vector<16xi32>
    %mul3A_4749 = arith.muli %gather3A_4743, %min3A_4748 : vector<16xi32>
    %add3A_4750 = arith.addi %add3A_4729, %mul3A_4749 : vector<16xi32>
    %sub3A_4751 = arith.constant 8 : i32
    %sub3A_4752 = vector.broadcast %sub3A_4751 : i32 to vector<16xi32>
    %sub3A_4753 = arith.subi %iota3A, %sub3A_4752 : vector<16xi32>
    %max3A_4754 = arith.maxsi %sub3A_4753, %broadcast_in_dim3A_6 : vector<16xi32>
    %lt3A_4755 = arith.constant 0 : i32
    %lt3A_4756 = vector.broadcast %lt3A_4755 : i32 to vector<16xi32>
    %lt3A_4757 = arith.cmpi slt, %max3A_4754, %lt3A_4756 : vector<16xi32>
    %add3A_4758 = arith.constant 16 : i32
    %add3A_4759 = vector.broadcast %add3A_4758 : i32 to vector<16xi32>
    %add3A_4760 = arith.addi %max3A_4754, %add3A_4759 : vector<16xi32>
    %select_n3A_4761 = arith.select %lt3A_4757, %add3A_4760, %max3A_4754 : vector<16xi1>, vector<16xi32>
    %broadcast_in_dim3A_4762 = vector.shape_cast %select_n3A_4761 : vector<16xi32> to vector<16x1xi32>
    %gather3A_4763 = vector.shape_cast %broadcast_in_dim3A_4762 : vector<16x1xi32> to vector<16xi32>
    %gather3A_4764 = tpu.dynamic_gather %add3A_4750[%gather3A_4763] in [0] : vector<16xi32>, vector<16xi32> -> vector<16xi32>
    %sub3A_4765 = arith.constant 7 : i32
    %sub3A_4766 = vector.broadcast %sub3A_4765 : i32 to vector<16xi32>
    %sub3A_4767 = arith.subi %iota3A, %sub3A_4766 : vector<16xi32>
    %max3A_4768 = arith.maxsi %sub3A_4767, %broadcast_in_dim3A_6 : vector<16xi32>
    %min3A_4769 = arith.minsi %max3A_4768, %add3A_9 : vector<16xi32>
    %mul3A_4770 = arith.muli %gather3A_4764, %min3A_4769 : vector<16xi32>
    %add3A_4771 = arith.addi %add3A_4750, %mul3A_4770 : vector<16xi32>
    %add3A_4772 = arith.addi %add3A_1567, %add3A_3901 : vector<16xi32>
    %add3A_4773 = arith.addi %add3A_4772, %add3A_4771 : vector<16xi32>
    %sub3A_4774 = arith.subi %add3A_4773, %add3A_9 : vector<16xi32>
    %mul3A_4775 = arith.muli %sub3A_4687, %sub3A_4774 : vector<16xi32>
    %add3A_4776 = arith.addi %add3A_4666, %mul3A_4775 : vector<16xi32>
    %add3A_4777 = arith.constant 15 : i32
    %add3A_4778 = vector.broadcast %add3A_4777 : i32 to vector<16xi32>
    %add3A_4779 = arith.addi %broadcast_in_dim3A_6, %add3A_4778 : vector<16xi32>
    %lt3A_4780 = arith.constant 0 : i32
    %lt3A_4781 = vector.broadcast %lt3A_4780 : i32 to vector<16xi32>
    %lt3A_4782 = arith.cmpi slt, %add3A_4779, %lt3A_4781 : vector<16xi32>
    %add3A_4783 = arith.constant 16 : i32
    %add3A_4784 = vector.broadcast %add3A_4783 : i32 to vector<16xi32>
    %add3A_4785 = arith.addi %add3A_4779, %add3A_4784 : vector<16xi32>
    %select_n3A_4786 = arith.select %lt3A_4782, %add3A_4785, %add3A_4779 : vector<16xi1>, vector<16xi32>
    %broadcast_in_dim3A_4787 = vector.shape_cast %select_n3A_4786 : vector<16xi32> to vector<16x1xi32>
    %gather3A_4788 = vector.shape_cast %broadcast_in_dim3A_4787 : vector<16x1xi32> to vector<16xi32>
    %gather3A_4789 = tpu.dynamic_gather %add3A_4771[%gather3A_4788] in [0] : vector<16xi32>, vector<16xi32> -> vector<16xi32>
    %add3A_4790 = arith.addi %add3A_3901, %gather3A_4789 : vector<16xi32>
    %add3A_4791 = arith.constant 5 : i32
    %add3A_4792 = vector.broadcast %add3A_4791 : i32 to vector<16xi32>
    %add3A_4793 = arith.addi %broadcast_in_dim3A_6, %add3A_4792 : vector<16xi32>
    %sub3A_4794 = arith.subi %get3A_4240, %add3A_4793 : vector<16xi32>
    %abs3A_4795 = math.absi %sub3A_4794 : vector<16xi32>
    %min3A_4796 = arith.minsi %abs3A_4795, %add3A_9 : vector<16xi32>
    %sub3A_4797 = arith.subi %add3A_9, %min3A_4796 : vector<16xi32>
    %sub3A_4798 = arith.constant 1 : i32
    %sub3A_4799 = vector.broadcast %sub3A_4798 : i32 to vector<16xi32>
    %sub3A_4800 = arith.subi %iota3A, %sub3A_4799 : vector<16xi32>
    %max3A_4801 = arith.maxsi %sub3A_4800, %broadcast_in_dim3A_6 : vector<16xi32>
    %lt3A_4802 = arith.constant 0 : i32
    %lt3A_4803 = vector.broadcast %lt3A_4802 : i32 to vector<16xi32>
    %lt3A_4804 = arith.cmpi slt, %max3A_4801, %lt3A_4803 : vector<16xi32>
    %add3A_4805 = arith.constant 16 : i32
    %add3A_4806 = vector.broadcast %add3A_4805 : i32 to vector<16xi32>
    %add3A_4807 = arith.addi %max3A_4801, %add3A_4806 : vector<16xi32>
    %select_n3A_4808 = arith.select %lt3A_4804, %add3A_4807, %max3A_4801 : vector<16xi1>, vector<16xi32>
    %broadcast_in_dim3A_4809 = vector.shape_cast %select_n3A_4808 : vector<16xi32> to vector<16x1xi32>
    %gather3A_4810 = vector.shape_cast %broadcast_in_dim3A_4809 : vector<16x1xi32> to vector<16xi32>
    %gather3A_4811 = tpu.dynamic_gather %sub3A_4797[%gather3A_4810] in [0] : vector<16xi32>, vector<16xi32> -> vector<16xi32>
    %sub3A_4812 = arith.constant 0 : i32
    %sub3A_4813 = vector.broadcast %sub3A_4812 : i32 to vector<16xi32>
    %sub3A_4814 = arith.subi %iota3A, %sub3A_4813 : vector<16xi32>
    %max3A_4815 = arith.maxsi %sub3A_4814, %broadcast_in_dim3A_6 : vector<16xi32>
    %min3A_4816 = arith.minsi %max3A_4815, %add3A_9 : vector<16xi32>
    %mul3A_4817 = arith.muli %gather3A_4811, %min3A_4816 : vector<16xi32>
    %add3A_4818 = arith.addi %sub3A_4797, %mul3A_4817 : vector<16xi32>
    %sub3A_4819 = arith.constant 2 : i32
    %sub3A_4820 = vector.broadcast %sub3A_4819 : i32 to vector<16xi32>
    %sub3A_4821 = arith.subi %iota3A, %sub3A_4820 : vector<16xi32>
    %max3A_4822 = arith.maxsi %sub3A_4821, %broadcast_in_dim3A_6 : vector<16xi32>
    %lt3A_4823 = arith.constant 0 : i32
    %lt3A_4824 = vector.broadcast %lt3A_4823 : i32 to vector<16xi32>
    %lt3A_4825 = arith.cmpi slt, %max3A_4822, %lt3A_4824 : vector<16xi32>
    %add3A_4826 = arith.constant 16 : i32
    %add3A_4827 = vector.broadcast %add3A_4826 : i32 to vector<16xi32>
    %add3A_4828 = arith.addi %max3A_4822, %add3A_4827 : vector<16xi32>
    %select_n3A_4829 = arith.select %lt3A_4825, %add3A_4828, %max3A_4822 : vector<16xi1>, vector<16xi32>
    %broadcast_in_dim3A_4830 = vector.shape_cast %select_n3A_4829 : vector<16xi32> to vector<16x1xi32>
    %gather3A_4831 = vector.shape_cast %broadcast_in_dim3A_4830 : vector<16x1xi32> to vector<16xi32>
    %gather3A_4832 = tpu.dynamic_gather %add3A_4818[%gather3A_4831] in [0] : vector<16xi32>, vector<16xi32> -> vector<16xi32>
    %sub3A_4833 = arith.constant 1 : i32
    %sub3A_4834 = vector.broadcast %sub3A_4833 : i32 to vector<16xi32>
    %sub3A_4835 = arith.subi %iota3A, %sub3A_4834 : vector<16xi32>
    %max3A_4836 = arith.maxsi %sub3A_4835, %broadcast_in_dim3A_6 : vector<16xi32>
    %min3A_4837 = arith.minsi %max3A_4836, %add3A_9 : vector<16xi32>
    %mul3A_4838 = arith.muli %gather3A_4832, %min3A_4837 : vector<16xi32>
    %add3A_4839 = arith.addi %add3A_4818, %mul3A_4838 : vector<16xi32>
    %sub3A_4840 = arith.constant 4 : i32
    %sub3A_4841 = vector.broadcast %sub3A_4840 : i32 to vector<16xi32>
    %sub3A_4842 = arith.subi %iota3A, %sub3A_4841 : vector<16xi32>
    %max3A_4843 = arith.maxsi %sub3A_4842, %broadcast_in_dim3A_6 : vector<16xi32>
    %lt3A_4844 = arith.constant 0 : i32
    %lt3A_4845 = vector.broadcast %lt3A_4844 : i32 to vector<16xi32>
    %lt3A_4846 = arith.cmpi slt, %max3A_4843, %lt3A_4845 : vector<16xi32>
    %add3A_4847 = arith.constant 16 : i32
    %add3A_4848 = vector.broadcast %add3A_4847 : i32 to vector<16xi32>
    %add3A_4849 = arith.addi %max3A_4843, %add3A_4848 : vector<16xi32>
    %select_n3A_4850 = arith.select %lt3A_4846, %add3A_4849, %max3A_4843 : vector<16xi1>, vector<16xi32>
    %broadcast_in_dim3A_4851 = vector.shape_cast %select_n3A_4850 : vector<16xi32> to vector<16x1xi32>
    %gather3A_4852 = vector.shape_cast %broadcast_in_dim3A_4851 : vector<16x1xi32> to vector<16xi32>
    %gather3A_4853 = tpu.dynamic_gather %add3A_4839[%gather3A_4852] in [0] : vector<16xi32>, vector<16xi32> -> vector<16xi32>
    %sub3A_4854 = arith.constant 3 : i32
    %sub3A_4855 = vector.broadcast %sub3A_4854 : i32 to vector<16xi32>
    %sub3A_4856 = arith.subi %iota3A, %sub3A_4855 : vector<16xi32>
    %max3A_4857 = arith.maxsi %sub3A_4856, %broadcast_in_dim3A_6 : vector<16xi32>
    %min3A_4858 = arith.minsi %max3A_4857, %add3A_9 : vector<16xi32>
    %mul3A_4859 = arith.muli %gather3A_4853, %min3A_4858 : vector<16xi32>
    %add3A_4860 = arith.addi %add3A_4839, %mul3A_4859 : vector<16xi32>
    %sub3A_4861 = arith.constant 8 : i32
    %sub3A_4862 = vector.broadcast %sub3A_4861 : i32 to vector<16xi32>
    %sub3A_4863 = arith.subi %iota3A, %sub3A_4862 : vector<16xi32>
    %max3A_4864 = arith.maxsi %sub3A_4863, %broadcast_in_dim3A_6 : vector<16xi32>
    %lt3A_4865 = arith.constant 0 : i32
    %lt3A_4866 = vector.broadcast %lt3A_4865 : i32 to vector<16xi32>
    %lt3A_4867 = arith.cmpi slt, %max3A_4864, %lt3A_4866 : vector<16xi32>
    %add3A_4868 = arith.constant 16 : i32
    %add3A_4869 = vector.broadcast %add3A_4868 : i32 to vector<16xi32>
    %add3A_4870 = arith.addi %max3A_4864, %add3A_4869 : vector<16xi32>
    %select_n3A_4871 = arith.select %lt3A_4867, %add3A_4870, %max3A_4864 : vector<16xi1>, vector<16xi32>
    %broadcast_in_dim3A_4872 = vector.shape_cast %select_n3A_4871 : vector<16xi32> to vector<16x1xi32>
    %gather3A_4873 = vector.shape_cast %broadcast_in_dim3A_4872 : vector<16x1xi32> to vector<16xi32>
    %gather3A_4874 = tpu.dynamic_gather %add3A_4860[%gather3A_4873] in [0] : vector<16xi32>, vector<16xi32> -> vector<16xi32>
    %sub3A_4875 = arith.constant 7 : i32
    %sub3A_4876 = vector.broadcast %sub3A_4875 : i32 to vector<16xi32>
    %sub3A_4877 = arith.subi %iota3A, %sub3A_4876 : vector<16xi32>
    %max3A_4878 = arith.maxsi %sub3A_4877, %broadcast_in_dim3A_6 : vector<16xi32>
    %min3A_4879 = arith.minsi %max3A_4878, %add3A_9 : vector<16xi32>
    %mul3A_4880 = arith.muli %gather3A_4874, %min3A_4879 : vector<16xi32>
    %add3A_4881 = arith.addi %add3A_4860, %mul3A_4880 : vector<16xi32>
    %add3A_4882 = arith.addi %add3A_1568, %add3A_4011 : vector<16xi32>
    %add3A_4883 = arith.addi %add3A_4882, %add3A_4881 : vector<16xi32>
    %sub3A_4884 = arith.subi %add3A_4883, %add3A_9 : vector<16xi32>
    %mul3A_4885 = arith.muli %sub3A_4797, %sub3A_4884 : vector<16xi32>
    %add3A_4886 = arith.addi %add3A_4776, %mul3A_4885 : vector<16xi32>
    %add3A_4887 = arith.constant 15 : i32
    %add3A_4888 = vector.broadcast %add3A_4887 : i32 to vector<16xi32>
    %add3A_4889 = arith.addi %broadcast_in_dim3A_6, %add3A_4888 : vector<16xi32>
    %lt3A_4890 = arith.constant 0 : i32
    %lt3A_4891 = vector.broadcast %lt3A_4890 : i32 to vector<16xi32>
    %lt3A_4892 = arith.cmpi slt, %add3A_4889, %lt3A_4891 : vector<16xi32>
    %add3A_4893 = arith.constant 16 : i32
    %add3A_4894 = vector.broadcast %add3A_4893 : i32 to vector<16xi32>
    %add3A_4895 = arith.addi %add3A_4889, %add3A_4894 : vector<16xi32>
    %select_n3A_4896 = arith.select %lt3A_4892, %add3A_4895, %add3A_4889 : vector<16xi1>, vector<16xi32>
    %broadcast_in_dim3A_4897 = vector.shape_cast %select_n3A_4896 : vector<16xi32> to vector<16x1xi32>
    %gather3A_4898 = vector.shape_cast %broadcast_in_dim3A_4897 : vector<16x1xi32> to vector<16xi32>
    %gather3A_4899 = tpu.dynamic_gather %add3A_4881[%gather3A_4898] in [0] : vector<16xi32>, vector<16xi32> -> vector<16xi32>
    %add3A_4900 = arith.addi %add3A_4011, %gather3A_4899 : vector<16xi32>
    %add3A_4901 = arith.constant 6 : i32
    %add3A_4902 = vector.broadcast %add3A_4901 : i32 to vector<16xi32>
    %add3A_4903 = arith.addi %broadcast_in_dim3A_6, %add3A_4902 : vector<16xi32>
    %sub3A_4904 = arith.subi %get3A_4240, %add3A_4903 : vector<16xi32>
    %abs3A_4905 = math.absi %sub3A_4904 : vector<16xi32>
    %min3A_4906 = arith.minsi %abs3A_4905, %add3A_9 : vector<16xi32>
    %sub3A_4907 = arith.subi %add3A_9, %min3A_4906 : vector<16xi32>
    %sub3A_4908 = arith.constant 1 : i32
    %sub3A_4909 = vector.broadcast %sub3A_4908 : i32 to vector<16xi32>
    %sub3A_4910 = arith.subi %iota3A, %sub3A_4909 : vector<16xi32>
    %max3A_4911 = arith.maxsi %sub3A_4910, %broadcast_in_dim3A_6 : vector<16xi32>
    %lt3A_4912 = arith.constant 0 : i32
    %lt3A_4913 = vector.broadcast %lt3A_4912 : i32 to vector<16xi32>
    %lt3A_4914 = arith.cmpi slt, %max3A_4911, %lt3A_4913 : vector<16xi32>
    %add3A_4915 = arith.constant 16 : i32
    %add3A_4916 = vector.broadcast %add3A_4915 : i32 to vector<16xi32>
    %add3A_4917 = arith.addi %max3A_4911, %add3A_4916 : vector<16xi32>
    %select_n3A_4918 = arith.select %lt3A_4914, %add3A_4917, %max3A_4911 : vector<16xi1>, vector<16xi32>
    %broadcast_in_dim3A_4919 = vector.shape_cast %select_n3A_4918 : vector<16xi32> to vector<16x1xi32>
    %gather3A_4920 = vector.shape_cast %broadcast_in_dim3A_4919 : vector<16x1xi32> to vector<16xi32>
    %gather3A_4921 = tpu.dynamic_gather %sub3A_4907[%gather3A_4920] in [0] : vector<16xi32>, vector<16xi32> -> vector<16xi32>
    %sub3A_4922 = arith.constant 0 : i32
    %sub3A_4923 = vector.broadcast %sub3A_4922 : i32 to vector<16xi32>
    %sub3A_4924 = arith.subi %iota3A, %sub3A_4923 : vector<16xi32>
    %max3A_4925 = arith.maxsi %sub3A_4924, %broadcast_in_dim3A_6 : vector<16xi32>
    %min3A_4926 = arith.minsi %max3A_4925, %add3A_9 : vector<16xi32>
    %mul3A_4927 = arith.muli %gather3A_4921, %min3A_4926 : vector<16xi32>
    %add3A_4928 = arith.addi %sub3A_4907, %mul3A_4927 : vector<16xi32>
    %sub3A_4929 = arith.constant 2 : i32
    %sub3A_4930 = vector.broadcast %sub3A_4929 : i32 to vector<16xi32>
    %sub3A_4931 = arith.subi %iota3A, %sub3A_4930 : vector<16xi32>
    %max3A_4932 = arith.maxsi %sub3A_4931, %broadcast_in_dim3A_6 : vector<16xi32>
    %lt3A_4933 = arith.constant 0 : i32
    %lt3A_4934 = vector.broadcast %lt3A_4933 : i32 to vector<16xi32>
    %lt3A_4935 = arith.cmpi slt, %max3A_4932, %lt3A_4934 : vector<16xi32>
    %add3A_4936 = arith.constant 16 : i32
    %add3A_4937 = vector.broadcast %add3A_4936 : i32 to vector<16xi32>
    %add3A_4938 = arith.addi %max3A_4932, %add3A_4937 : vector<16xi32>
    %select_n3A_4939 = arith.select %lt3A_4935, %add3A_4938, %max3A_4932 : vector<16xi1>, vector<16xi32>
    %broadcast_in_dim3A_4940 = vector.shape_cast %select_n3A_4939 : vector<16xi32> to vector<16x1xi32>
    %gather3A_4941 = vector.shape_cast %broadcast_in_dim3A_4940 : vector<16x1xi32> to vector<16xi32>
    %gather3A_4942 = tpu.dynamic_gather %add3A_4928[%gather3A_4941] in [0] : vector<16xi32>, vector<16xi32> -> vector<16xi32>
    %sub3A_4943 = arith.constant 1 : i32
    %sub3A_4944 = vector.broadcast %sub3A_4943 : i32 to vector<16xi32>
    %sub3A_4945 = arith.subi %iota3A, %sub3A_4944 : vector<16xi32>
    %max3A_4946 = arith.maxsi %sub3A_4945, %broadcast_in_dim3A_6 : vector<16xi32>
    %min3A_4947 = arith.minsi %max3A_4946, %add3A_9 : vector<16xi32>
    %mul3A_4948 = arith.muli %gather3A_4942, %min3A_4947 : vector<16xi32>
    %add3A_4949 = arith.addi %add3A_4928, %mul3A_4948 : vector<16xi32>
    %sub3A_4950 = arith.constant 4 : i32
    %sub3A_4951 = vector.broadcast %sub3A_4950 : i32 to vector<16xi32>
    %sub3A_4952 = arith.subi %iota3A, %sub3A_4951 : vector<16xi32>
    %max3A_4953 = arith.maxsi %sub3A_4952, %broadcast_in_dim3A_6 : vector<16xi32>
    %lt3A_4954 = arith.constant 0 : i32
    %lt3A_4955 = vector.broadcast %lt3A_4954 : i32 to vector<16xi32>
    %lt3A_4956 = arith.cmpi slt, %max3A_4953, %lt3A_4955 : vector<16xi32>
    %add3A_4957 = arith.constant 16 : i32
    %add3A_4958 = vector.broadcast %add3A_4957 : i32 to vector<16xi32>
    %add3A_4959 = arith.addi %max3A_4953, %add3A_4958 : vector<16xi32>
    %select_n3A_4960 = arith.select %lt3A_4956, %add3A_4959, %max3A_4953 : vector<16xi1>, vector<16xi32>
    %broadcast_in_dim3A_4961 = vector.shape_cast %select_n3A_4960 : vector<16xi32> to vector<16x1xi32>
    %gather3A_4962 = vector.shape_cast %broadcast_in_dim3A_4961 : vector<16x1xi32> to vector<16xi32>
    %gather3A_4963 = tpu.dynamic_gather %add3A_4949[%gather3A_4962] in [0] : vector<16xi32>, vector<16xi32> -> vector<16xi32>
    %sub3A_4964 = arith.constant 3 : i32
    %sub3A_4965 = vector.broadcast %sub3A_4964 : i32 to vector<16xi32>
    %sub3A_4966 = arith.subi %iota3A, %sub3A_4965 : vector<16xi32>
    %max3A_4967 = arith.maxsi %sub3A_4966, %broadcast_in_dim3A_6 : vector<16xi32>
    %min3A_4968 = arith.minsi %max3A_4967, %add3A_9 : vector<16xi32>
    %mul3A_4969 = arith.muli %gather3A_4963, %min3A_4968 : vector<16xi32>
    %add3A_4970 = arith.addi %add3A_4949, %mul3A_4969 : vector<16xi32>
    %sub3A_4971 = arith.constant 8 : i32
    %sub3A_4972 = vector.broadcast %sub3A_4971 : i32 to vector<16xi32>
    %sub3A_4973 = arith.subi %iota3A, %sub3A_4972 : vector<16xi32>
    %max3A_4974 = arith.maxsi %sub3A_4973, %broadcast_in_dim3A_6 : vector<16xi32>
    %lt3A_4975 = arith.constant 0 : i32
    %lt3A_4976 = vector.broadcast %lt3A_4975 : i32 to vector<16xi32>
    %lt3A_4977 = arith.cmpi slt, %max3A_4974, %lt3A_4976 : vector<16xi32>
    %add3A_4978 = arith.constant 16 : i32
    %add3A_4979 = vector.broadcast %add3A_4978 : i32 to vector<16xi32>
    %add3A_4980 = arith.addi %max3A_4974, %add3A_4979 : vector<16xi32>
    %select_n3A_4981 = arith.select %lt3A_4977, %add3A_4980, %max3A_4974 : vector<16xi1>, vector<16xi32>
    %broadcast_in_dim3A_4982 = vector.shape_cast %select_n3A_4981 : vector<16xi32> to vector<16x1xi32>
    %gather3A_4983 = vector.shape_cast %broadcast_in_dim3A_4982 : vector<16x1xi32> to vector<16xi32>
    %gather3A_4984 = tpu.dynamic_gather %add3A_4970[%gather3A_4983] in [0] : vector<16xi32>, vector<16xi32> -> vector<16xi32>
    %sub3A_4985 = arith.constant 7 : i32
    %sub3A_4986 = vector.broadcast %sub3A_4985 : i32 to vector<16xi32>
    %sub3A_4987 = arith.subi %iota3A, %sub3A_4986 : vector<16xi32>
    %max3A_4988 = arith.maxsi %sub3A_4987, %broadcast_in_dim3A_6 : vector<16xi32>
    %min3A_4989 = arith.minsi %max3A_4988, %add3A_9 : vector<16xi32>
    %mul3A_4990 = arith.muli %gather3A_4984, %min3A_4989 : vector<16xi32>
    %add3A_4991 = arith.addi %add3A_4970, %mul3A_4990 : vector<16xi32>
    %add3A_4992 = arith.addi %add3A_1569, %add3A_4121 : vector<16xi32>
    %add3A_4993 = arith.addi %add3A_4992, %add3A_4991 : vector<16xi32>
    %sub3A_4994 = arith.subi %add3A_4993, %add3A_9 : vector<16xi32>
    %mul3A_4995 = arith.muli %sub3A_4907, %sub3A_4994 : vector<16xi32>
    %add3A_4996 = arith.addi %add3A_4886, %mul3A_4995 : vector<16xi32>
    %add3A_4997 = arith.constant 15 : i32
    %add3A_4998 = vector.broadcast %add3A_4997 : i32 to vector<16xi32>
    %add3A_4999 = arith.addi %broadcast_in_dim3A_6, %add3A_4998 : vector<16xi32>
    %lt3A_5000 = arith.constant 0 : i32
    %lt3A_5001 = vector.broadcast %lt3A_5000 : i32 to vector<16xi32>
    %lt3A_5002 = arith.cmpi slt, %add3A_4999, %lt3A_5001 : vector<16xi32>
    %add3A_5003 = arith.constant 16 : i32
    %add3A_5004 = vector.broadcast %add3A_5003 : i32 to vector<16xi32>
    %add3A_5005 = arith.addi %add3A_4999, %add3A_5004 : vector<16xi32>
    %select_n3A_5006 = arith.select %lt3A_5002, %add3A_5005, %add3A_4999 : vector<16xi1>, vector<16xi32>
    %broadcast_in_dim3A_5007 = vector.shape_cast %select_n3A_5006 : vector<16xi32> to vector<16x1xi32>
    %gather3A_5008 = vector.shape_cast %broadcast_in_dim3A_5007 : vector<16x1xi32> to vector<16xi32>
    %gather3A_5009 = tpu.dynamic_gather %add3A_4991[%gather3A_5008] in [0] : vector<16xi32>, vector<16xi32> -> vector<16xi32>
    %add3A_5010 = arith.addi %add3A_4121, %gather3A_5009 : vector<16xi32>
    %add3A_5011 = arith.constant 7 : i32
    %add3A_5012 = vector.broadcast %add3A_5011 : i32 to vector<16xi32>
    %add3A_5013 = arith.addi %broadcast_in_dim3A_6, %add3A_5012 : vector<16xi32>
    %sub3A_5014 = arith.subi %get3A_4240, %add3A_5013 : vector<16xi32>
    %abs3A_5015 = math.absi %sub3A_5014 : vector<16xi32>
    %min3A_5016 = arith.minsi %abs3A_5015, %add3A_9 : vector<16xi32>
    %sub3A_5017 = arith.subi %add3A_9, %min3A_5016 : vector<16xi32>
    %sub3A_5018 = arith.constant 1 : i32
    %sub3A_5019 = vector.broadcast %sub3A_5018 : i32 to vector<16xi32>
    %sub3A_5020 = arith.subi %iota3A, %sub3A_5019 : vector<16xi32>
    %max3A_5021 = arith.maxsi %sub3A_5020, %broadcast_in_dim3A_6 : vector<16xi32>
    %lt3A_5022 = arith.constant 0 : i32
    %lt3A_5023 = vector.broadcast %lt3A_5022 : i32 to vector<16xi32>
    %lt3A_5024 = arith.cmpi slt, %max3A_5021, %lt3A_5023 : vector<16xi32>
    %add3A_5025 = arith.constant 16 : i32
    %add3A_5026 = vector.broadcast %add3A_5025 : i32 to vector<16xi32>
    %add3A_5027 = arith.addi %max3A_5021, %add3A_5026 : vector<16xi32>
    %select_n3A_5028 = arith.select %lt3A_5024, %add3A_5027, %max3A_5021 : vector<16xi1>, vector<16xi32>
    %broadcast_in_dim3A_5029 = vector.shape_cast %select_n3A_5028 : vector<16xi32> to vector<16x1xi32>
    %gather3A_5030 = vector.shape_cast %broadcast_in_dim3A_5029 : vector<16x1xi32> to vector<16xi32>
    %gather3A_5031 = tpu.dynamic_gather %sub3A_5017[%gather3A_5030] in [0] : vector<16xi32>, vector<16xi32> -> vector<16xi32>
    %sub3A_5032 = arith.constant 0 : i32
    %sub3A_5033 = vector.broadcast %sub3A_5032 : i32 to vector<16xi32>
    %sub3A_5034 = arith.subi %iota3A, %sub3A_5033 : vector<16xi32>
    %max3A_5035 = arith.maxsi %sub3A_5034, %broadcast_in_dim3A_6 : vector<16xi32>
    %min3A_5036 = arith.minsi %max3A_5035, %add3A_9 : vector<16xi32>
    %mul3A_5037 = arith.muli %gather3A_5031, %min3A_5036 : vector<16xi32>
    %add3A_5038 = arith.addi %sub3A_5017, %mul3A_5037 : vector<16xi32>
    %sub3A_5039 = arith.constant 2 : i32
    %sub3A_5040 = vector.broadcast %sub3A_5039 : i32 to vector<16xi32>
    %sub3A_5041 = arith.subi %iota3A, %sub3A_5040 : vector<16xi32>
    %max3A_5042 = arith.maxsi %sub3A_5041, %broadcast_in_dim3A_6 : vector<16xi32>
    %lt3A_5043 = arith.constant 0 : i32
    %lt3A_5044 = vector.broadcast %lt3A_5043 : i32 to vector<16xi32>
    %lt3A_5045 = arith.cmpi slt, %max3A_5042, %lt3A_5044 : vector<16xi32>
    %add3A_5046 = arith.constant 16 : i32
    %add3A_5047 = vector.broadcast %add3A_5046 : i32 to vector<16xi32>
    %add3A_5048 = arith.addi %max3A_5042, %add3A_5047 : vector<16xi32>
    %select_n3A_5049 = arith.select %lt3A_5045, %add3A_5048, %max3A_5042 : vector<16xi1>, vector<16xi32>
    %broadcast_in_dim3A_5050 = vector.shape_cast %select_n3A_5049 : vector<16xi32> to vector<16x1xi32>
    %gather3A_5051 = vector.shape_cast %broadcast_in_dim3A_5050 : vector<16x1xi32> to vector<16xi32>
    %gather3A_5052 = tpu.dynamic_gather %add3A_5038[%gather3A_5051] in [0] : vector<16xi32>, vector<16xi32> -> vector<16xi32>
    %sub3A_5053 = arith.constant 1 : i32
    %sub3A_5054 = vector.broadcast %sub3A_5053 : i32 to vector<16xi32>
    %sub3A_5055 = arith.subi %iota3A, %sub3A_5054 : vector<16xi32>
    %max3A_5056 = arith.maxsi %sub3A_5055, %broadcast_in_dim3A_6 : vector<16xi32>
    %min3A_5057 = arith.minsi %max3A_5056, %add3A_9 : vector<16xi32>
    %mul3A_5058 = arith.muli %gather3A_5052, %min3A_5057 : vector<16xi32>
    %add3A_5059 = arith.addi %add3A_5038, %mul3A_5058 : vector<16xi32>
    %sub3A_5060 = arith.constant 4 : i32
    %sub3A_5061 = vector.broadcast %sub3A_5060 : i32 to vector<16xi32>
    %sub3A_5062 = arith.subi %iota3A, %sub3A_5061 : vector<16xi32>
    %max3A_5063 = arith.maxsi %sub3A_5062, %broadcast_in_dim3A_6 : vector<16xi32>
    %lt3A_5064 = arith.constant 0 : i32
    %lt3A_5065 = vector.broadcast %lt3A_5064 : i32 to vector<16xi32>
    %lt3A_5066 = arith.cmpi slt, %max3A_5063, %lt3A_5065 : vector<16xi32>
    %add3A_5067 = arith.constant 16 : i32
    %add3A_5068 = vector.broadcast %add3A_5067 : i32 to vector<16xi32>
    %add3A_5069 = arith.addi %max3A_5063, %add3A_5068 : vector<16xi32>
    %select_n3A_5070 = arith.select %lt3A_5066, %add3A_5069, %max3A_5063 : vector<16xi1>, vector<16xi32>
    %broadcast_in_dim3A_5071 = vector.shape_cast %select_n3A_5070 : vector<16xi32> to vector<16x1xi32>
    %gather3A_5072 = vector.shape_cast %broadcast_in_dim3A_5071 : vector<16x1xi32> to vector<16xi32>
    %gather3A_5073 = tpu.dynamic_gather %add3A_5059[%gather3A_5072] in [0] : vector<16xi32>, vector<16xi32> -> vector<16xi32>
    %sub3A_5074 = arith.constant 3 : i32
    %sub3A_5075 = vector.broadcast %sub3A_5074 : i32 to vector<16xi32>
    %sub3A_5076 = arith.subi %iota3A, %sub3A_5075 : vector<16xi32>
    %max3A_5077 = arith.maxsi %sub3A_5076, %broadcast_in_dim3A_6 : vector<16xi32>
    %min3A_5078 = arith.minsi %max3A_5077, %add3A_9 : vector<16xi32>
    %mul3A_5079 = arith.muli %gather3A_5073, %min3A_5078 : vector<16xi32>
    %add3A_5080 = arith.addi %add3A_5059, %mul3A_5079 : vector<16xi32>
    %sub3A_5081 = arith.constant 8 : i32
    %sub3A_5082 = vector.broadcast %sub3A_5081 : i32 to vector<16xi32>
    %sub3A_5083 = arith.subi %iota3A, %sub3A_5082 : vector<16xi32>
    %max3A_5084 = arith.maxsi %sub3A_5083, %broadcast_in_dim3A_6 : vector<16xi32>
    %lt3A_5085 = arith.constant 0 : i32
    %lt3A_5086 = vector.broadcast %lt3A_5085 : i32 to vector<16xi32>
    %lt3A_5087 = arith.cmpi slt, %max3A_5084, %lt3A_5086 : vector<16xi32>
    %add3A_5088 = arith.constant 16 : i32
    %add3A_5089 = vector.broadcast %add3A_5088 : i32 to vector<16xi32>
    %add3A_5090 = arith.addi %max3A_5084, %add3A_5089 : vector<16xi32>
    %select_n3A_5091 = arith.select %lt3A_5087, %add3A_5090, %max3A_5084 : vector<16xi1>, vector<16xi32>
    %broadcast_in_dim3A_5092 = vector.shape_cast %select_n3A_5091 : vector<16xi32> to vector<16x1xi32>
    %gather3A_5093 = vector.shape_cast %broadcast_in_dim3A_5092 : vector<16x1xi32> to vector<16xi32>
    %gather3A_5094 = tpu.dynamic_gather %add3A_5080[%gather3A_5093] in [0] : vector<16xi32>, vector<16xi32> -> vector<16xi32>
    %sub3A_5095 = arith.constant 7 : i32
    %sub3A_5096 = vector.broadcast %sub3A_5095 : i32 to vector<16xi32>
    %sub3A_5097 = arith.subi %iota3A, %sub3A_5096 : vector<16xi32>
    %max3A_5098 = arith.maxsi %sub3A_5097, %broadcast_in_dim3A_6 : vector<16xi32>
    %min3A_5099 = arith.minsi %max3A_5098, %add3A_9 : vector<16xi32>
    %mul3A_5100 = arith.muli %gather3A_5094, %min3A_5099 : vector<16xi32>
    %add3A_5101 = arith.addi %add3A_5080, %mul3A_5100 : vector<16xi32>
    %add3A_5102 = arith.addi %add3A_1570, %add3A_4231 : vector<16xi32>
    %add3A_5103 = arith.addi %add3A_5102, %add3A_5101 : vector<16xi32>
    %sub3A_5104 = arith.subi %add3A_5103, %add3A_9 : vector<16xi32>
    %mul3A_5105 = arith.muli %sub3A_5017, %sub3A_5104 : vector<16xi32>
    %add3A_5106 = arith.addi %add3A_4996, %mul3A_5105 : vector<16xi32>
    %add3A_5107 = arith.constant 15 : i32
    %add3A_5108 = vector.broadcast %add3A_5107 : i32 to vector<16xi32>
    %add3A_5109 = arith.addi %broadcast_in_dim3A_6, %add3A_5108 : vector<16xi32>
    %lt3A_5110 = arith.constant 0 : i32
    %lt3A_5111 = vector.broadcast %lt3A_5110 : i32 to vector<16xi32>
    %lt3A_5112 = arith.cmpi slt, %add3A_5109, %lt3A_5111 : vector<16xi32>
    %add3A_5113 = arith.constant 16 : i32
    %add3A_5114 = vector.broadcast %add3A_5113 : i32 to vector<16xi32>
    %add3A_5115 = arith.addi %add3A_5109, %add3A_5114 : vector<16xi32>
    %select_n3A_5116 = arith.select %lt3A_5112, %add3A_5115, %add3A_5109 : vector<16xi1>, vector<16xi32>
    %broadcast_in_dim3A_5117 = vector.shape_cast %select_n3A_5116 : vector<16xi32> to vector<16x1xi32>
    %gather3A_5118 = vector.shape_cast %broadcast_in_dim3A_5117 : vector<16x1xi32> to vector<16xi32>
    %gather3A_5119 = tpu.dynamic_gather %add3A_5101[%gather3A_5118] in [0] : vector<16xi32>, vector<16xi32> -> vector<16xi32>
    %add3A_5120 = arith.addi %add3A_4231, %gather3A_5119 : vector<16xi32>
    %swap3A_5121 = arith.constant 48 : index
    %swap3A_5122 = tpu.vector_load %arg8[%swap3A_5121] {strides = array<i32>} : memref<64xi32, #tpu.memory_space<vmem>>, vector<16xi32>,
    %swap3A_5123 = vector.shape_cast %swap3A_5122 : vector<16xi32> to vector<16xi32>
    %swap3A_5124 = vector.shape_cast %add3A_5106 : vector<16xi32> to vector<16xi32>
    tpu.vector_store %arg8[%swap3A_5121], %swap3A_5124 {strides = array<i32>} : memref<64xi32, #tpu.memory_space<vmem>>, vector<16xi32>,
    %dma_start3A_5125 = tpu.memref_slice %arg5[%mul3A_2] : memref<2048xi32, #tpu.memory_space<hbm>> -> memref<64xi32, #tpu.memory_space<hbm>>
    %dma_start3A_5126 = tpu.memref_slice %arg5[%mul3A_2] : memref<2048xi32, #tpu.memory_space<hbm>> -> memref<64xi32, #tpu.memory_space<hbm>>
    tpu.enqueue_dma source(%arg8 : memref<64xi32, #tpu.memory_space<vmem>>) target(%dma_start3A_5126 : memref<64xi32, #tpu.memory_space<hbm>>) target_semaphore(%arg12 : memref<!tpu.dma_semaphore, #tpu.memory_space<semaphore_mem>>)
    %eq3A = arith.constant 0 : i32
    %eq3A_5127 = arith.cmpi eq, %add3A, %eq3A : i32
    %convert_element_type3A = arith.extui %eq3A_5127 : i1 to i32
    %cond3A = arith.constant 0 : i32
    %cond3A_5128 = arith.cmpi ne, %convert_element_type3A, %cond3A : i32
    scf.if %cond3A_5128 {
      %add3A_5140 = arith.constant 0 : i32
      %add3A_5141 = vector.broadcast %add3A_5140 : i32 to vector<16xi32>
      %add3A_5142 = arith.addi %broadcast_in_dim3A_6, %add3A_5141 : vector<16xi32>
      %sub3A_5143 = arith.subi %iota3A, %add3A_5142 : vector<16xi32>
      %abs3A_5144 = math.absi %sub3A_5143 : vector<16xi32>
      %min3A_5145 = arith.minsi %abs3A_5144, %add3A_9 : vector<16xi32>
      %sub3A_5146 = arith.subi %add3A_9, %min3A_5145 : vector<16xi32>
      %mul3A_5147 = arith.muli %sub3A_5146, %broadcast_in_dim3A_6 : vector<16xi32>
      %add3A_5148 = arith.addi %broadcast_in_dim3A_6, %mul3A_5147 : vector<16xi32>
      %add3A_5149 = arith.constant 1 : i32
      %add3A_5150 = vector.broadcast %add3A_5149 : i32 to vector<16xi32>
      %add3A_5151 = arith.addi %broadcast_in_dim3A_6, %add3A_5150 : vector<16xi32>
      %sub3A_5152 = arith.subi %iota3A, %add3A_5151 : vector<16xi32>
      %abs3A_5153 = math.absi %sub3A_5152 : vector<16xi32>
      %min3A_5154 = arith.minsi %abs3A_5153, %add3A_9 : vector<16xi32>
      %sub3A_5155 = arith.subi %add3A_9, %min3A_5154 : vector<16xi32>
      %mul3A_5156 = arith.muli %sub3A_5155, %add3A_1564 : vector<16xi32>
      %add3A_5157 = arith.addi %add3A_5148, %mul3A_5156 : vector<16xi32>
      %add3A_5158 = arith.constant 2 : i32
      %add3A_5159 = vector.broadcast %add3A_5158 : i32 to vector<16xi32>
      %add3A_5160 = arith.addi %broadcast_in_dim3A_6, %add3A_5159 : vector<16xi32>
      %sub3A_5161 = arith.subi %iota3A, %add3A_5160 : vector<16xi32>
      %abs3A_5162 = math.absi %sub3A_5161 : vector<16xi32>
      %min3A_5163 = arith.minsi %abs3A_5162, %add3A_9 : vector<16xi32>
      %sub3A_5164 = arith.subi %add3A_9, %min3A_5163 : vector<16xi32>
      %mul3A_5165 = arith.muli %sub3A_5164, %add3A_1565 : vector<16xi32>
      %add3A_5166 = arith.addi %add3A_5157, %mul3A_5165 : vector<16xi32>
      %add3A_5167 = arith.constant 3 : i32
      %add3A_5168 = vector.broadcast %add3A_5167 : i32 to vector<16xi32>
      %add3A_5169 = arith.addi %broadcast_in_dim3A_6, %add3A_5168 : vector<16xi32>
      %sub3A_5170 = arith.subi %iota3A, %add3A_5169 : vector<16xi32>
      %abs3A_5171 = math.absi %sub3A_5170 : vector<16xi32>
      %min3A_5172 = arith.minsi %abs3A_5171, %add3A_9 : vector<16xi32>
      %sub3A_5173 = arith.subi %add3A_9, %min3A_5172 : vector<16xi32>
      %mul3A_5174 = arith.muli %sub3A_5173, %add3A_1566 : vector<16xi32>
      %add3A_5175 = arith.addi %add3A_5166, %mul3A_5174 : vector<16xi32>
      %add3A_5176 = arith.constant 4 : i32
      %add3A_5177 = vector.broadcast %add3A_5176 : i32 to vector<16xi32>
      %add3A_5178 = arith.addi %broadcast_in_dim3A_6, %add3A_5177 : vector<16xi32>
      %sub3A_5179 = arith.subi %iota3A, %add3A_5178 : vector<16xi32>
      %abs3A_5180 = math.absi %sub3A_5179 : vector<16xi32>
      %min3A_5181 = arith.minsi %abs3A_5180, %add3A_9 : vector<16xi32>
      %sub3A_5182 = arith.subi %add3A_9, %min3A_5181 : vector<16xi32>
      %mul3A_5183 = arith.muli %sub3A_5182, %add3A_1567 : vector<16xi32>
      %add3A_5184 = arith.addi %add3A_5175, %mul3A_5183 : vector<16xi32>
      %add3A_5185 = arith.constant 5 : i32
      %add3A_5186 = vector.broadcast %add3A_5185 : i32 to vector<16xi32>
      %add3A_5187 = arith.addi %broadcast_in_dim3A_6, %add3A_5186 : vector<16xi32>
      %sub3A_5188 = arith.subi %iota3A, %add3A_5187 : vector<16xi32>
      %abs3A_5189 = math.absi %sub3A_5188 : vector<16xi32>
      %min3A_5190 = arith.minsi %abs3A_5189, %add3A_9 : vector<16xi32>
      %sub3A_5191 = arith.subi %add3A_9, %min3A_5190 : vector<16xi32>
      %mul3A_5192 = arith.muli %sub3A_5191, %add3A_1568 : vector<16xi32>
      %add3A_5193 = arith.addi %add3A_5184, %mul3A_5192 : vector<16xi32>
      %add3A_5194 = arith.constant 6 : i32
      %add3A_5195 = vector.broadcast %add3A_5194 : i32 to vector<16xi32>
      %add3A_5196 = arith.addi %broadcast_in_dim3A_6, %add3A_5195 : vector<16xi32>
      %sub3A_5197 = arith.subi %iota3A, %add3A_5196 : vector<16xi32>
      %abs3A_5198 = math.absi %sub3A_5197 : vector<16xi32>
      %min3A_5199 = arith.minsi %abs3A_5198, %add3A_9 : vector<16xi32>
      %sub3A_5200 = arith.subi %add3A_9, %min3A_5199 : vector<16xi32>
      %mul3A_5201 = arith.muli %sub3A_5200, %add3A_1569 : vector<16xi32>
      %add3A_5202 = arith.addi %add3A_5193, %mul3A_5201 : vector<16xi32>
      %add3A_5203 = arith.constant 7 : i32
      %add3A_5204 = vector.broadcast %add3A_5203 : i32 to vector<16xi32>
      %add3A_5205 = arith.addi %broadcast_in_dim3A_6, %add3A_5204 : vector<16xi32>
      %sub3A_5206 = arith.subi %iota3A, %add3A_5205 : vector<16xi32>
      %abs3A_5207 = math.absi %sub3A_5206 : vector<16xi32>
      %min3A_5208 = arith.minsi %abs3A_5207, %add3A_9 : vector<16xi32>
      %sub3A_5209 = arith.subi %add3A_9, %min3A_5208 : vector<16xi32>
      %mul3A_5210 = arith.muli %sub3A_5209, %add3A_1570 : vector<16xi32>
      %add3A_5211 = arith.addi %add3A_5202, %mul3A_5210 : vector<16xi32>
      %add3A_5212 = arith.constant 8 : i32
      %add3A_5213 = vector.broadcast %add3A_5212 : i32 to vector<16xi32>
      %add3A_5214 = arith.addi %broadcast_in_dim3A_6, %add3A_5213 : vector<16xi32>
      %sub3A_5215 = arith.subi %iota3A, %add3A_5214 : vector<16xi32>
      %abs3A_5216 = math.absi %sub3A_5215 : vector<16xi32>
      %min3A_5217 = arith.minsi %abs3A_5216, %add3A_9 : vector<16xi32>
      %sub3A_5218 = arith.subi %add3A_9, %min3A_5217 : vector<16xi32>
      %mul3A_5219 = arith.muli %sub3A_5218, %add3A_1571 : vector<16xi32>
      %add3A_5220 = arith.addi %add3A_5211, %mul3A_5219 : vector<16xi32>
      %swap3A_5221 = arith.constant 0 : index
      %swap3A_5222 = tpu.vector_load %arg10[%swap3A_5221] {strides = array<i32>} : memref<16xi32, #tpu.memory_space<vmem>>, vector<16xi32>,
      %swap3A_5223 = vector.shape_cast %swap3A_5222 : vector<16xi32> to vector<16xi32>
      %swap3A_5224 = vector.shape_cast %add3A_5220 : vector<16xi32> to vector<16xi32>
      tpu.vector_store %arg10[%swap3A_5221], %swap3A_5224 {strides = array<i32>} : memref<16xi32, #tpu.memory_space<vmem>>, vector<16xi32>,
      "tpu.region"() ({
        %run_scoped3A = tpu.sem_alloc : memref<!tpu.dma_semaphore, #tpu.memory_space<semaphore_mem>>
        tpu.enqueue_dma source(%arg10 : memref<16xi32, #tpu.memory_space<vmem>>) target(%arg6 : memref<16xi32, #tpu.memory_space<hbm>>) target_semaphore(%run_scoped3A : memref<!tpu.dma_semaphore, #tpu.memory_space<semaphore_mem>>)
        tpu.wait_dma2 semaphore(%run_scoped3A : memref<!tpu.dma_semaphore, #tpu.memory_space<semaphore_mem>>) src(%arg10 : memref<16xi32, #tpu.memory_space<vmem>>) dst(%arg6 : memref<16xi32, #tpu.memory_space<hbm>>)
        tpu.yield
      }) : () -> ()
    } else {
    }
    %dma_wait3A = arith.constant 0 : i32
    %dma_wait3A_5129 = tpu.memref_slice %arg2[%mul3A_2, %dma_wait3A] : memref<2048x1024xf32, #tpu.memory_space<hbm>> -> memref<64x1024xf32, #tpu.memory_space<hbm>>
    %dma_wait3A_5130 = arith.constant 0 : i32
    %dma_wait3A_5131 = tpu.memref_slice %arg2[%mul3A_2, %dma_wait3A_5130] : memref<2048x1024xf32, #tpu.memory_space<hbm>> -> memref<64x1024xf32, #tpu.memory_space<hbm>>
    tpu.wait_dma2 semaphore(%arg11 : memref<!tpu.dma_semaphore, #tpu.memory_space<semaphore_mem>>) src(%dma_wait3A_5131 : memref<64x1024xf32, #tpu.memory_space<hbm>>) dst(%arg9 : memref<64x1024xf32, #tpu.memory_space<vmem>>)
    %dma_start3A_5132 = arith.constant 0 : i32
    %dma_start3A_5133 = arith.constant 0 : i32
    %dma_start3A_5134 = tpu.memref_slice %arg4[%dma_start3A_5132, %dma_start3A_5133] : memref<2048x1024xf32, #tpu.memory_space<hbm>> -> memref<2048x1024xf32, #tpu.memory_space<hbm>>
    tpu.enqueue_indirect_dma source(%arg9 : memref<64x1024xf32, #tpu.memory_space<vmem>>) target(%dma_start3A_5134 : memref<2048x1024xf32, #tpu.memory_space<hbm>>) offsets(%arg8 : memref<64xi32, #tpu.memory_space<vmem>>) semaphore(%arg13 : memref<!tpu.dma_semaphore, #tpu.memory_space<semaphore_mem>>)
    %dma_wait3A_5135 = arith.constant 0 : i32
    %dma_wait3A_5136 = arith.constant 0 : i32
    %dma_wait3A_5137 = tpu.memref_slice %arg4[%dma_wait3A_5135, %dma_wait3A_5136] : memref<2048x1024xf32, #tpu.memory_space<hbm>> -> memref<2048x1024xf32, #tpu.memory_space<hbm>>
    tpu.wait_indirect_dma semaphore(%arg13 : memref<!tpu.dma_semaphore, #tpu.memory_space<semaphore_mem>>) src(%arg9 : memref<64x1024xf32, #tpu.memory_space<vmem>>) dst(%dma_wait3A_5137 : memref<2048x1024xf32, #tpu.memory_space<hbm>>)
    %dma_wait3A_5138 = tpu.memref_slice %arg5[%mul3A_2] : memref<2048xi32, #tpu.memory_space<hbm>> -> memref<64xi32, #tpu.memory_space<hbm>>
    %dma_wait3A_5139 = tpu.memref_slice %arg5[%mul3A_2] : memref<2048xi32, #tpu.memory_space<hbm>> -> memref<64xi32, #tpu.memory_space<hbm>>
    tpu.wait_dma2 semaphore(%arg12 : memref<!tpu.dma_semaphore, #tpu.memory_space<semaphore_mem>>) src(%arg8 : memref<64xi32, #tpu.memory_space<vmem>>) dst(%dma_wait3A_5139 : memref<64xi32, #tpu.memory_space<hbm>>)
    return
  }
}

module attributes {stable_mosaic.version = 14 : i64} {
  func.func @_fused_body(%arg0: i32, %arg1: memref<16xi32, #tpu.memory_space<smem>>, %arg2: memref<256x1024xf32, #tpu.memory_space<vmem>>, %arg3: memref<8x512x1024xf32, #tpu.memory_space<vmem>>, %arg4: memref<1x1x256xi32, #tpu.memory_space<vmem>>, %arg5: memref<256x512xf32, #tpu.memory_space<vmem>>, %arg6: memref<2048x512xbf16, #tpu.memory_space<vmem>>, %arg7: memref<256x512xf32, #tpu.memory_space<vmem>>) attributes {dimension_semantics = [#tpu.dimension_semantics<arbitrary>], iteration_bounds = array<i64: 16>, scalar_prefetch = 0 : i64, scratch_operands = 2 : i64, tpu.core_type = #tpu.core_type<tc>, window_params = [{transform_indices = @transform_0, window_bounds = array<i64: 16>}, {transform_indices = @transform_1, window_bounds = array<i64: 256, 1024>}, {pipeline_mode = #tpu.pipeline_mode<synchronous>, transform_indices = @transform_2, window_bounds = array<i64: 8, 512, 1024>}, {transform_indices = @transform_3, window_bounds = array<i64: 1, 1, 256>}, {transform_indices = @transform_4, window_bounds = array<i64: 256, 512>}]} {
    %lt3A = arith.constant 8 : i32
    %lt3A_0 = arith.cmpi slt, %arg0, %lt3A : i32
    %convert_element_type3A = arith.extui %lt3A_0 : i1 to i32
    %cond3A = arith.constant 0 : i32
    %cond3A_1 = arith.cmpi ne, %convert_element_type3A, %cond3A : i32
    scf.if %cond3A_1 {
      %mul3A = arith.constant 256 : i32
      %mul3A_6 = arith.muli %arg0, %mul3A : i32
      %get3A = arith.constant 0 : index
      %get3A_7 = memref.load %arg1[%get3A] : memref<16xi32, #tpu.memory_space<smem>>
      %get3A_8 = arith.constant 1 : index
      %get3A_9 = memref.load %arg1[%get3A_8] : memref<16xi32, #tpu.memory_space<smem>>
      %add3A = arith.constant 256 : i32
      %add3A_10 = arith.addi %mul3A_6, %add3A : i32
      %lt3A_11 = arith.cmpi slt, %get3A_7, %add3A_10 : i32
      %gt3A = arith.cmpi sgt, %get3A_9, %mul3A_6 : i32
      %and3A = arith.andi %lt3A_11, %gt3A : i1
      %convert_element_type3A_12 = arith.extui %and3A : i1 to i32
      %cond3A_13 = arith.constant 0 : i32
      %cond3A_14 = arith.cmpi ne, %convert_element_type3A_12, %cond3A_13 : i32
      scf.if %cond3A_14 {
        %get3A_105 = arith.constant 0 : index
        %get3A_106 = arith.constant 0 : index
        %get3A_107 = vector.load %arg2[%get3A_105, %get3A_106] : memref<256x1024xf32, #tpu.memory_space<vmem>>, vector<256x1024xf32>
        %get3A_108 = arith.constant 0 : index
        %get3A_109 = arith.constant 0 : index
        %get3A_110 = arith.constant 0 : index
        %get3A_111 = vector.load %arg3[%get3A_108, %get3A_109, %get3A_110] : memref<8x512x1024xf32, #tpu.memory_space<vmem>>, vector<1x512x1024xf32>
        %get3A_112 = vector.shape_cast %get3A_111 : vector<1x512x1024xf32> to vector<512x1024xf32>
        %dot_general3A = arith.constant dense<0.000000e+00> : vector<256x512xf32>
        %dot_general3A_113 = tpu.matmul %get3A_107, %get3A_112, %dot_general3A {dimension_numbers = #tpu.dot_dimension_numbers<[1], [1], [0], [0], [0, 0, 1, 0], [], []>, transpose_lhs_hint = false} : vector<256x1024xf32>, vector<512x1024xf32>, vector<256x512xf32> -> vector<256x512xf32>
        %iota3A = tpu.iota {dimensions = array<i32: 0>} : vector<256x512xi32>
        %add3A_114 = vector.broadcast %mul3A_6 : i32 to vector<256x512xi32>
        %add3A_115 = arith.addi %add3A_114, %iota3A : vector<256x512xi32>
        %ge3A_116 = vector.broadcast %get3A_7 : i32 to vector<256x512xi32>
        %ge3A_117 = arith.cmpi sge, %add3A_115, %ge3A_116 : vector<256x512xi32>
        %lt3A_118 = vector.broadcast %get3A_9 : i32 to vector<256x512xi32>
        %lt3A_119 = arith.cmpi slt, %add3A_115, %lt3A_118 : vector<256x512xi32>
        %and3A_120 = arith.andi %ge3A_117, %lt3A_119 : vector<256x512xi1>
        %get3A_121 = arith.constant 0 : index
        %get3A_122 = arith.constant 0 : index
        %get3A_123 = vector.load %arg7[%get3A_121, %get3A_122] : memref<256x512xf32, #tpu.memory_space<vmem>>, vector<256x512xf32>
        %select_n3A = arith.select %and3A_120, %dot_general3A_113, %get3A_123 : vector<256x512xi1>, vector<256x512xf32>
        %swap3A_124 = arith.constant 0 : index
        %swap3A_125 = arith.constant 0 : index
        %swap3A_126 = vector.load %arg7[%swap3A_124, %swap3A_125] : memref<256x512xf32, #tpu.memory_space<vmem>>, vector<256x512xf32>
        tpu.vector_store %arg7[%swap3A_124, %swap3A_125], %select_n3A {strides = array<i32>} : memref<256x512xf32, #tpu.memory_space<vmem>>, vector<256x512xf32>,
      } else {
      }
      %get3A_15 = arith.constant 1 : index
      %get3A_16 = memref.load %arg1[%get3A_15] : memref<16xi32, #tpu.memory_space<smem>>
      %get3A_17 = arith.constant 2 : index
      %get3A_18 = memref.load %arg1[%get3A_17] : memref<16xi32, #tpu.memory_space<smem>>
      %add3A_19 = arith.constant 256 : i32
      %add3A_20 = arith.addi %mul3A_6, %add3A_19 : i32
      %lt3A_21 = arith.cmpi slt, %get3A_16, %add3A_20 : i32
      %gt3A_22 = arith.cmpi sgt, %get3A_18, %mul3A_6 : i32
      %and3A_23 = arith.andi %lt3A_21, %gt3A_22 : i1
      %convert_element_type3A_24 = arith.extui %and3A_23 : i1 to i32
      %cond3A_25 = arith.constant 0 : i32
      %cond3A_26 = arith.cmpi ne, %convert_element_type3A_24, %cond3A_25 : i32
      scf.if %cond3A_26 {
        %get3A_105 = arith.constant 0 : index
        %get3A_106 = arith.constant 0 : index
        %get3A_107 = vector.load %arg2[%get3A_105, %get3A_106] : memref<256x1024xf32, #tpu.memory_space<vmem>>, vector<256x1024xf32>
        %get3A_108 = arith.constant 1 : index
        %get3A_109 = arith.constant 0 : index
        %get3A_110 = arith.constant 0 : index
        %get3A_111 = vector.load %arg3[%get3A_108, %get3A_109, %get3A_110] : memref<8x512x1024xf32, #tpu.memory_space<vmem>>, vector<1x512x1024xf32>
        %get3A_112 = vector.shape_cast %get3A_111 : vector<1x512x1024xf32> to vector<512x1024xf32>
        %dot_general3A = arith.constant dense<0.000000e+00> : vector<256x512xf32>
        %dot_general3A_113 = tpu.matmul %get3A_107, %get3A_112, %dot_general3A {dimension_numbers = #tpu.dot_dimension_numbers<[1], [1], [0], [0], [0, 0, 1, 0], [], []>, transpose_lhs_hint = false} : vector<256x1024xf32>, vector<512x1024xf32>, vector<256x512xf32> -> vector<256x512xf32>
        %iota3A = tpu.iota {dimensions = array<i32: 0>} : vector<256x512xi32>
        %add3A_114 = vector.broadcast %mul3A_6 : i32 to vector<256x512xi32>
        %add3A_115 = arith.addi %add3A_114, %iota3A : vector<256x512xi32>
        %ge3A_116 = vector.broadcast %get3A_16 : i32 to vector<256x512xi32>
        %ge3A_117 = arith.cmpi sge, %add3A_115, %ge3A_116 : vector<256x512xi32>
        %lt3A_118 = vector.broadcast %get3A_18 : i32 to vector<256x512xi32>
        %lt3A_119 = arith.cmpi slt, %add3A_115, %lt3A_118 : vector<256x512xi32>
        %and3A_120 = arith.andi %ge3A_117, %lt3A_119 : vector<256x512xi1>
        %get3A_121 = arith.constant 0 : index
        %get3A_122 = arith.constant 0 : index
        %get3A_123 = vector.load %arg7[%get3A_121, %get3A_122] : memref<256x512xf32, #tpu.memory_space<vmem>>, vector<256x512xf32>
        %select_n3A = arith.select %and3A_120, %dot_general3A_113, %get3A_123 : vector<256x512xi1>, vector<256x512xf32>
        %swap3A_124 = arith.constant 0 : index
        %swap3A_125 = arith.constant 0 : index
        %swap3A_126 = vector.load %arg7[%swap3A_124, %swap3A_125] : memref<256x512xf32, #tpu.memory_space<vmem>>, vector<256x512xf32>
        tpu.vector_store %arg7[%swap3A_124, %swap3A_125], %select_n3A {strides = array<i32>} : memref<256x512xf32, #tpu.memory_space<vmem>>, vector<256x512xf32>,
      } else {
      }
      %get3A_27 = arith.constant 2 : index
      %get3A_28 = memref.load %arg1[%get3A_27] : memref<16xi32, #tpu.memory_space<smem>>
      %get3A_29 = arith.constant 3 : index
      %get3A_30 = memref.load %arg1[%get3A_29] : memref<16xi32, #tpu.memory_space<smem>>
      %add3A_31 = arith.constant 256 : i32
      %add3A_32 = arith.addi %mul3A_6, %add3A_31 : i32
      %lt3A_33 = arith.cmpi slt, %get3A_28, %add3A_32 : i32
      %gt3A_34 = arith.cmpi sgt, %get3A_30, %mul3A_6 : i32
      %and3A_35 = arith.andi %lt3A_33, %gt3A_34 : i1
      %convert_element_type3A_36 = arith.extui %and3A_35 : i1 to i32
      %cond3A_37 = arith.constant 0 : i32
      %cond3A_38 = arith.cmpi ne, %convert_element_type3A_36, %cond3A_37 : i32
      scf.if %cond3A_38 {
        %get3A_105 = arith.constant 0 : index
        %get3A_106 = arith.constant 0 : index
        %get3A_107 = vector.load %arg2[%get3A_105, %get3A_106] : memref<256x1024xf32, #tpu.memory_space<vmem>>, vector<256x1024xf32>
        %get3A_108 = arith.constant 2 : index
        %get3A_109 = arith.constant 0 : index
        %get3A_110 = arith.constant 0 : index
        %get3A_111 = vector.load %arg3[%get3A_108, %get3A_109, %get3A_110] : memref<8x512x1024xf32, #tpu.memory_space<vmem>>, vector<1x512x1024xf32>
        %get3A_112 = vector.shape_cast %get3A_111 : vector<1x512x1024xf32> to vector<512x1024xf32>
        %dot_general3A = arith.constant dense<0.000000e+00> : vector<256x512xf32>
        %dot_general3A_113 = tpu.matmul %get3A_107, %get3A_112, %dot_general3A {dimension_numbers = #tpu.dot_dimension_numbers<[1], [1], [0], [0], [0, 0, 1, 0], [], []>, transpose_lhs_hint = false} : vector<256x1024xf32>, vector<512x1024xf32>, vector<256x512xf32> -> vector<256x512xf32>
        %iota3A = tpu.iota {dimensions = array<i32: 0>} : vector<256x512xi32>
        %add3A_114 = vector.broadcast %mul3A_6 : i32 to vector<256x512xi32>
        %add3A_115 = arith.addi %add3A_114, %iota3A : vector<256x512xi32>
        %ge3A_116 = vector.broadcast %get3A_28 : i32 to vector<256x512xi32>
        %ge3A_117 = arith.cmpi sge, %add3A_115, %ge3A_116 : vector<256x512xi32>
        %lt3A_118 = vector.broadcast %get3A_30 : i32 to vector<256x512xi32>
        %lt3A_119 = arith.cmpi slt, %add3A_115, %lt3A_118 : vector<256x512xi32>
        %and3A_120 = arith.andi %ge3A_117, %lt3A_119 : vector<256x512xi1>
        %get3A_121 = arith.constant 0 : index
        %get3A_122 = arith.constant 0 : index
        %get3A_123 = vector.load %arg7[%get3A_121, %get3A_122] : memref<256x512xf32, #tpu.memory_space<vmem>>, vector<256x512xf32>
        %select_n3A = arith.select %and3A_120, %dot_general3A_113, %get3A_123 : vector<256x512xi1>, vector<256x512xf32>
        %swap3A_124 = arith.constant 0 : index
        %swap3A_125 = arith.constant 0 : index
        %swap3A_126 = vector.load %arg7[%swap3A_124, %swap3A_125] : memref<256x512xf32, #tpu.memory_space<vmem>>, vector<256x512xf32>
        tpu.vector_store %arg7[%swap3A_124, %swap3A_125], %select_n3A {strides = array<i32>} : memref<256x512xf32, #tpu.memory_space<vmem>>, vector<256x512xf32>,
      } else {
      }
      %get3A_39 = arith.constant 3 : index
      %get3A_40 = memref.load %arg1[%get3A_39] : memref<16xi32, #tpu.memory_space<smem>>
      %get3A_41 = arith.constant 4 : index
      %get3A_42 = memref.load %arg1[%get3A_41] : memref<16xi32, #tpu.memory_space<smem>>
      %add3A_43 = arith.constant 256 : i32
      %add3A_44 = arith.addi %mul3A_6, %add3A_43 : i32
      %lt3A_45 = arith.cmpi slt, %get3A_40, %add3A_44 : i32
      %gt3A_46 = arith.cmpi sgt, %get3A_42, %mul3A_6 : i32
      %and3A_47 = arith.andi %lt3A_45, %gt3A_46 : i1
      %convert_element_type3A_48 = arith.extui %and3A_47 : i1 to i32
      %cond3A_49 = arith.constant 0 : i32
      %cond3A_50 = arith.cmpi ne, %convert_element_type3A_48, %cond3A_49 : i32
      scf.if %cond3A_50 {
        %get3A_105 = arith.constant 0 : index
        %get3A_106 = arith.constant 0 : index
        %get3A_107 = vector.load %arg2[%get3A_105, %get3A_106] : memref<256x1024xf32, #tpu.memory_space<vmem>>, vector<256x1024xf32>
        %get3A_108 = arith.constant 3 : index
        %get3A_109 = arith.constant 0 : index
        %get3A_110 = arith.constant 0 : index
        %get3A_111 = vector.load %arg3[%get3A_108, %get3A_109, %get3A_110] : memref<8x512x1024xf32, #tpu.memory_space<vmem>>, vector<1x512x1024xf32>
        %get3A_112 = vector.shape_cast %get3A_111 : vector<1x512x1024xf32> to vector<512x1024xf32>
        %dot_general3A = arith.constant dense<0.000000e+00> : vector<256x512xf32>
        %dot_general3A_113 = tpu.matmul %get3A_107, %get3A_112, %dot_general3A {dimension_numbers = #tpu.dot_dimension_numbers<[1], [1], [0], [0], [0, 0, 1, 0], [], []>, transpose_lhs_hint = false} : vector<256x1024xf32>, vector<512x1024xf32>, vector<256x512xf32> -> vector<256x512xf32>
        %iota3A = tpu.iota {dimensions = array<i32: 0>} : vector<256x512xi32>
        %add3A_114 = vector.broadcast %mul3A_6 : i32 to vector<256x512xi32>
        %add3A_115 = arith.addi %add3A_114, %iota3A : vector<256x512xi32>
        %ge3A_116 = vector.broadcast %get3A_40 : i32 to vector<256x512xi32>
        %ge3A_117 = arith.cmpi sge, %add3A_115, %ge3A_116 : vector<256x512xi32>
        %lt3A_118 = vector.broadcast %get3A_42 : i32 to vector<256x512xi32>
        %lt3A_119 = arith.cmpi slt, %add3A_115, %lt3A_118 : vector<256x512xi32>
        %and3A_120 = arith.andi %ge3A_117, %lt3A_119 : vector<256x512xi1>
        %get3A_121 = arith.constant 0 : index
        %get3A_122 = arith.constant 0 : index
        %get3A_123 = vector.load %arg7[%get3A_121, %get3A_122] : memref<256x512xf32, #tpu.memory_space<vmem>>, vector<256x512xf32>
        %select_n3A = arith.select %and3A_120, %dot_general3A_113, %get3A_123 : vector<256x512xi1>, vector<256x512xf32>
        %swap3A_124 = arith.constant 0 : index
        %swap3A_125 = arith.constant 0 : index
        %swap3A_126 = vector.load %arg7[%swap3A_124, %swap3A_125] : memref<256x512xf32, #tpu.memory_space<vmem>>, vector<256x512xf32>
        tpu.vector_store %arg7[%swap3A_124, %swap3A_125], %select_n3A {strides = array<i32>} : memref<256x512xf32, #tpu.memory_space<vmem>>, vector<256x512xf32>,
      } else {
      }
      %get3A_51 = arith.constant 4 : index
      %get3A_52 = memref.load %arg1[%get3A_51] : memref<16xi32, #tpu.memory_space<smem>>
      %get3A_53 = arith.constant 5 : index
      %get3A_54 = memref.load %arg1[%get3A_53] : memref<16xi32, #tpu.memory_space<smem>>
      %add3A_55 = arith.constant 256 : i32
      %add3A_56 = arith.addi %mul3A_6, %add3A_55 : i32
      %lt3A_57 = arith.cmpi slt, %get3A_52, %add3A_56 : i32
      %gt3A_58 = arith.cmpi sgt, %get3A_54, %mul3A_6 : i32
      %and3A_59 = arith.andi %lt3A_57, %gt3A_58 : i1
      %convert_element_type3A_60 = arith.extui %and3A_59 : i1 to i32
      %cond3A_61 = arith.constant 0 : i32
      %cond3A_62 = arith.cmpi ne, %convert_element_type3A_60, %cond3A_61 : i32
      scf.if %cond3A_62 {
        %get3A_105 = arith.constant 0 : index
        %get3A_106 = arith.constant 0 : index
        %get3A_107 = vector.load %arg2[%get3A_105, %get3A_106] : memref<256x1024xf32, #tpu.memory_space<vmem>>, vector<256x1024xf32>
        %get3A_108 = arith.constant 4 : index
        %get3A_109 = arith.constant 0 : index
        %get3A_110 = arith.constant 0 : index
        %get3A_111 = vector.load %arg3[%get3A_108, %get3A_109, %get3A_110] : memref<8x512x1024xf32, #tpu.memory_space<vmem>>, vector<1x512x1024xf32>
        %get3A_112 = vector.shape_cast %get3A_111 : vector<1x512x1024xf32> to vector<512x1024xf32>
        %dot_general3A = arith.constant dense<0.000000e+00> : vector<256x512xf32>
        %dot_general3A_113 = tpu.matmul %get3A_107, %get3A_112, %dot_general3A {dimension_numbers = #tpu.dot_dimension_numbers<[1], [1], [0], [0], [0, 0, 1, 0], [], []>, transpose_lhs_hint = false} : vector<256x1024xf32>, vector<512x1024xf32>, vector<256x512xf32> -> vector<256x512xf32>
        %iota3A = tpu.iota {dimensions = array<i32: 0>} : vector<256x512xi32>
        %add3A_114 = vector.broadcast %mul3A_6 : i32 to vector<256x512xi32>
        %add3A_115 = arith.addi %add3A_114, %iota3A : vector<256x512xi32>
        %ge3A_116 = vector.broadcast %get3A_52 : i32 to vector<256x512xi32>
        %ge3A_117 = arith.cmpi sge, %add3A_115, %ge3A_116 : vector<256x512xi32>
        %lt3A_118 = vector.broadcast %get3A_54 : i32 to vector<256x512xi32>
        %lt3A_119 = arith.cmpi slt, %add3A_115, %lt3A_118 : vector<256x512xi32>
        %and3A_120 = arith.andi %ge3A_117, %lt3A_119 : vector<256x512xi1>
        %get3A_121 = arith.constant 0 : index
        %get3A_122 = arith.constant 0 : index
        %get3A_123 = vector.load %arg7[%get3A_121, %get3A_122] : memref<256x512xf32, #tpu.memory_space<vmem>>, vector<256x512xf32>
        %select_n3A = arith.select %and3A_120, %dot_general3A_113, %get3A_123 : vector<256x512xi1>, vector<256x512xf32>
        %swap3A_124 = arith.constant 0 : index
        %swap3A_125 = arith.constant 0 : index
        %swap3A_126 = vector.load %arg7[%swap3A_124, %swap3A_125] : memref<256x512xf32, #tpu.memory_space<vmem>>, vector<256x512xf32>
        tpu.vector_store %arg7[%swap3A_124, %swap3A_125], %select_n3A {strides = array<i32>} : memref<256x512xf32, #tpu.memory_space<vmem>>, vector<256x512xf32>,
      } else {
      }
      %get3A_63 = arith.constant 5 : index
      %get3A_64 = memref.load %arg1[%get3A_63] : memref<16xi32, #tpu.memory_space<smem>>
      %get3A_65 = arith.constant 6 : index
      %get3A_66 = memref.load %arg1[%get3A_65] : memref<16xi32, #tpu.memory_space<smem>>
      %add3A_67 = arith.constant 256 : i32
      %add3A_68 = arith.addi %mul3A_6, %add3A_67 : i32
      %lt3A_69 = arith.cmpi slt, %get3A_64, %add3A_68 : i32
      %gt3A_70 = arith.cmpi sgt, %get3A_66, %mul3A_6 : i32
      %and3A_71 = arith.andi %lt3A_69, %gt3A_70 : i1
      %convert_element_type3A_72 = arith.extui %and3A_71 : i1 to i32
      %cond3A_73 = arith.constant 0 : i32
      %cond3A_74 = arith.cmpi ne, %convert_element_type3A_72, %cond3A_73 : i32
      scf.if %cond3A_74 {
        %get3A_105 = arith.constant 0 : index
        %get3A_106 = arith.constant 0 : index
        %get3A_107 = vector.load %arg2[%get3A_105, %get3A_106] : memref<256x1024xf32, #tpu.memory_space<vmem>>, vector<256x1024xf32>
        %get3A_108 = arith.constant 5 : index
        %get3A_109 = arith.constant 0 : index
        %get3A_110 = arith.constant 0 : index
        %get3A_111 = vector.load %arg3[%get3A_108, %get3A_109, %get3A_110] : memref<8x512x1024xf32, #tpu.memory_space<vmem>>, vector<1x512x1024xf32>
        %get3A_112 = vector.shape_cast %get3A_111 : vector<1x512x1024xf32> to vector<512x1024xf32>
        %dot_general3A = arith.constant dense<0.000000e+00> : vector<256x512xf32>
        %dot_general3A_113 = tpu.matmul %get3A_107, %get3A_112, %dot_general3A {dimension_numbers = #tpu.dot_dimension_numbers<[1], [1], [0], [0], [0, 0, 1, 0], [], []>, transpose_lhs_hint = false} : vector<256x1024xf32>, vector<512x1024xf32>, vector<256x512xf32> -> vector<256x512xf32>
        %iota3A = tpu.iota {dimensions = array<i32: 0>} : vector<256x512xi32>
        %add3A_114 = vector.broadcast %mul3A_6 : i32 to vector<256x512xi32>
        %add3A_115 = arith.addi %add3A_114, %iota3A : vector<256x512xi32>
        %ge3A_116 = vector.broadcast %get3A_64 : i32 to vector<256x512xi32>
        %ge3A_117 = arith.cmpi sge, %add3A_115, %ge3A_116 : vector<256x512xi32>
        %lt3A_118 = vector.broadcast %get3A_66 : i32 to vector<256x512xi32>
        %lt3A_119 = arith.cmpi slt, %add3A_115, %lt3A_118 : vector<256x512xi32>
        %and3A_120 = arith.andi %ge3A_117, %lt3A_119 : vector<256x512xi1>
        %get3A_121 = arith.constant 0 : index
        %get3A_122 = arith.constant 0 : index
        %get3A_123 = vector.load %arg7[%get3A_121, %get3A_122] : memref<256x512xf32, #tpu.memory_space<vmem>>, vector<256x512xf32>
        %select_n3A = arith.select %and3A_120, %dot_general3A_113, %get3A_123 : vector<256x512xi1>, vector<256x512xf32>
        %swap3A_124 = arith.constant 0 : index
        %swap3A_125 = arith.constant 0 : index
        %swap3A_126 = vector.load %arg7[%swap3A_124, %swap3A_125] : memref<256x512xf32, #tpu.memory_space<vmem>>, vector<256x512xf32>
        tpu.vector_store %arg7[%swap3A_124, %swap3A_125], %select_n3A {strides = array<i32>} : memref<256x512xf32, #tpu.memory_space<vmem>>, vector<256x512xf32>,
      } else {
      }
      %get3A_75 = arith.constant 6 : index
      %get3A_76 = memref.load %arg1[%get3A_75] : memref<16xi32, #tpu.memory_space<smem>>
      %get3A_77 = arith.constant 7 : index
      %get3A_78 = memref.load %arg1[%get3A_77] : memref<16xi32, #tpu.memory_space<smem>>
      %add3A_79 = arith.constant 256 : i32
      %add3A_80 = arith.addi %mul3A_6, %add3A_79 : i32
      %lt3A_81 = arith.cmpi slt, %get3A_76, %add3A_80 : i32
      %gt3A_82 = arith.cmpi sgt, %get3A_78, %mul3A_6 : i32
      %and3A_83 = arith.andi %lt3A_81, %gt3A_82 : i1
      %convert_element_type3A_84 = arith.extui %and3A_83 : i1 to i32
      %cond3A_85 = arith.constant 0 : i32
      %cond3A_86 = arith.cmpi ne, %convert_element_type3A_84, %cond3A_85 : i32
      scf.if %cond3A_86 {
        %get3A_105 = arith.constant 0 : index
        %get3A_106 = arith.constant 0 : index
        %get3A_107 = vector.load %arg2[%get3A_105, %get3A_106] : memref<256x1024xf32, #tpu.memory_space<vmem>>, vector<256x1024xf32>
        %get3A_108 = arith.constant 6 : index
        %get3A_109 = arith.constant 0 : index
        %get3A_110 = arith.constant 0 : index
        %get3A_111 = vector.load %arg3[%get3A_108, %get3A_109, %get3A_110] : memref<8x512x1024xf32, #tpu.memory_space<vmem>>, vector<1x512x1024xf32>
        %get3A_112 = vector.shape_cast %get3A_111 : vector<1x512x1024xf32> to vector<512x1024xf32>
        %dot_general3A = arith.constant dense<0.000000e+00> : vector<256x512xf32>
        %dot_general3A_113 = tpu.matmul %get3A_107, %get3A_112, %dot_general3A {dimension_numbers = #tpu.dot_dimension_numbers<[1], [1], [0], [0], [0, 0, 1, 0], [], []>, transpose_lhs_hint = false} : vector<256x1024xf32>, vector<512x1024xf32>, vector<256x512xf32> -> vector<256x512xf32>
        %iota3A = tpu.iota {dimensions = array<i32: 0>} : vector<256x512xi32>
        %add3A_114 = vector.broadcast %mul3A_6 : i32 to vector<256x512xi32>
        %add3A_115 = arith.addi %add3A_114, %iota3A : vector<256x512xi32>
        %ge3A_116 = vector.broadcast %get3A_76 : i32 to vector<256x512xi32>
        %ge3A_117 = arith.cmpi sge, %add3A_115, %ge3A_116 : vector<256x512xi32>
        %lt3A_118 = vector.broadcast %get3A_78 : i32 to vector<256x512xi32>
        %lt3A_119 = arith.cmpi slt, %add3A_115, %lt3A_118 : vector<256x512xi32>
        %and3A_120 = arith.andi %ge3A_117, %lt3A_119 : vector<256x512xi1>
        %get3A_121 = arith.constant 0 : index
        %get3A_122 = arith.constant 0 : index
        %get3A_123 = vector.load %arg7[%get3A_121, %get3A_122] : memref<256x512xf32, #tpu.memory_space<vmem>>, vector<256x512xf32>
        %select_n3A = arith.select %and3A_120, %dot_general3A_113, %get3A_123 : vector<256x512xi1>, vector<256x512xf32>
        %swap3A_124 = arith.constant 0 : index
        %swap3A_125 = arith.constant 0 : index
        %swap3A_126 = vector.load %arg7[%swap3A_124, %swap3A_125] : memref<256x512xf32, #tpu.memory_space<vmem>>, vector<256x512xf32>
        tpu.vector_store %arg7[%swap3A_124, %swap3A_125], %select_n3A {strides = array<i32>} : memref<256x512xf32, #tpu.memory_space<vmem>>, vector<256x512xf32>,
      } else {
      }
      %get3A_87 = arith.constant 7 : index
      %get3A_88 = memref.load %arg1[%get3A_87] : memref<16xi32, #tpu.memory_space<smem>>
      %get3A_89 = arith.constant 8 : index
      %get3A_90 = memref.load %arg1[%get3A_89] : memref<16xi32, #tpu.memory_space<smem>>
      %add3A_91 = arith.constant 256 : i32
      %add3A_92 = arith.addi %mul3A_6, %add3A_91 : i32
      %lt3A_93 = arith.cmpi slt, %get3A_88, %add3A_92 : i32
      %gt3A_94 = arith.cmpi sgt, %get3A_90, %mul3A_6 : i32
      %and3A_95 = arith.andi %lt3A_93, %gt3A_94 : i1
      %convert_element_type3A_96 = arith.extui %and3A_95 : i1 to i32
      %cond3A_97 = arith.constant 0 : i32
      %cond3A_98 = arith.cmpi ne, %convert_element_type3A_96, %cond3A_97 : i32
      scf.if %cond3A_98 {
        %get3A_105 = arith.constant 0 : index
        %get3A_106 = arith.constant 0 : index
        %get3A_107 = vector.load %arg2[%get3A_105, %get3A_106] : memref<256x1024xf32, #tpu.memory_space<vmem>>, vector<256x1024xf32>
        %get3A_108 = arith.constant 7 : index
        %get3A_109 = arith.constant 0 : index
        %get3A_110 = arith.constant 0 : index
        %get3A_111 = vector.load %arg3[%get3A_108, %get3A_109, %get3A_110] : memref<8x512x1024xf32, #tpu.memory_space<vmem>>, vector<1x512x1024xf32>
        %get3A_112 = vector.shape_cast %get3A_111 : vector<1x512x1024xf32> to vector<512x1024xf32>
        %dot_general3A = arith.constant dense<0.000000e+00> : vector<256x512xf32>
        %dot_general3A_113 = tpu.matmul %get3A_107, %get3A_112, %dot_general3A {dimension_numbers = #tpu.dot_dimension_numbers<[1], [1], [0], [0], [0, 0, 1, 0], [], []>, transpose_lhs_hint = false} : vector<256x1024xf32>, vector<512x1024xf32>, vector<256x512xf32> -> vector<256x512xf32>
        %iota3A = tpu.iota {dimensions = array<i32: 0>} : vector<256x512xi32>
        %add3A_114 = vector.broadcast %mul3A_6 : i32 to vector<256x512xi32>
        %add3A_115 = arith.addi %add3A_114, %iota3A : vector<256x512xi32>
        %ge3A_116 = vector.broadcast %get3A_88 : i32 to vector<256x512xi32>
        %ge3A_117 = arith.cmpi sge, %add3A_115, %ge3A_116 : vector<256x512xi32>
        %lt3A_118 = vector.broadcast %get3A_90 : i32 to vector<256x512xi32>
        %lt3A_119 = arith.cmpi slt, %add3A_115, %lt3A_118 : vector<256x512xi32>
        %and3A_120 = arith.andi %ge3A_117, %lt3A_119 : vector<256x512xi1>
        %get3A_121 = arith.constant 0 : index
        %get3A_122 = arith.constant 0 : index
        %get3A_123 = vector.load %arg7[%get3A_121, %get3A_122] : memref<256x512xf32, #tpu.memory_space<vmem>>, vector<256x512xf32>
        %select_n3A = arith.select %and3A_120, %dot_general3A_113, %get3A_123 : vector<256x512xi1>, vector<256x512xf32>
        %swap3A_124 = arith.constant 0 : index
        %swap3A_125 = arith.constant 0 : index
        %swap3A_126 = vector.load %arg7[%swap3A_124, %swap3A_125] : memref<256x512xf32, #tpu.memory_space<vmem>>, vector<256x512xf32>
        tpu.vector_store %arg7[%swap3A_124, %swap3A_125], %select_n3A {strides = array<i32>} : memref<256x512xf32, #tpu.memory_space<vmem>>, vector<256x512xf32>,
      } else {
      }
      %get3A_99 = arith.constant 0 : index
      %get3A_100 = arith.constant 0 : index
      %get3A_101 = vector.load %arg7[%get3A_99, %get3A_100] : memref<256x512xf32, #tpu.memory_space<vmem>>, vector<256x512xf32>
      %convert_element_type3A_102 = arith.truncf %get3A_101 : vector<256x512xf32> to vector<256x512xbf16>
      %swap3A = arith.index_cast %mul3A_6 : i32 to index
      %swap3A_103 = arith.constant 0 : index
      %swap3A_104 = vector.load %arg6[%swap3A, %swap3A_103] : memref<2048x512xbf16, #tpu.memory_space<vmem>>, vector<256x512xbf16>
      tpu.vector_store %arg6[%swap3A, %swap3A_103], %convert_element_type3A_102 {strides = array<i32>} : memref<2048x512xbf16, #tpu.memory_space<vmem>>, vector<256x512xbf16>,
    } else {
    }
    %ge3A = arith.constant 8 : i32
    %ge3A_2 = arith.cmpi sge, %arg0, %ge3A : i32
    %convert_element_type3A_3 = arith.extui %ge3A_2 : i1 to i32
    %cond3A_4 = arith.constant 0 : i32
    %cond3A_5 = arith.cmpi ne, %convert_element_type3A_3, %cond3A_4 : i32
    scf.if %cond3A_5 {
      %get3A = arith.constant 0 : index
      %get3A_6 = arith.constant 0 : index
      %get3A_7 = arith.constant 0 : index
      %get3A_8 = vector.load %arg4[%get3A, %get3A_6, %get3A_7] : memref<1x1x256xi32, #tpu.memory_space<vmem>>, vector<1x1x256xi32>
      %get3A_9 = vector.shape_cast %get3A_8 : vector<1x1x256xi32> to vector<1x256xi32>
      %convert_element_type3A_10 = arith.sitofp %get3A_9 : vector<1x256xi32> to vector<1x256xf32>
      %iota3A = tpu.iota {dimensions = array<i32: 0>} : vector<256x256xi32>
      %iota3A_11 = tpu.iota {dimensions = array<i32: 1>} : vector<256x256xi32>
      %eq3A = arith.cmpi eq, %iota3A, %iota3A_11 : vector<256x256xi32>
      %convert_element_type3A_12 = arith.extui %eq3A : vector<256x256xi1> to vector<256x256xi32>
      %convert_element_type3A_13 = arith.sitofp %convert_element_type3A_12 : vector<256x256xi32> to vector<256x256xf32>
      %dot_general3A = arith.constant dense<0.000000e+00> : vector<256x1xf32>
      %dot_general3A_14 = tpu.matmul %convert_element_type3A_13, %convert_element_type3A_10, %dot_general3A {dimension_numbers = #tpu.dot_dimension_numbers<[1], [1], [0], [0], [0, 0, 1, 0], [], []>, transpose_lhs_hint = false} : vector<256x256xf32>, vector<1x256xf32>, vector<256x1xf32> -> vector<256x1xf32>
      %iota3A_15 = tpu.iota {dimensions = array<i32: 1>} : vector<256x2048xi32>
      %convert_element_type3A_16 = arith.sitofp %iota3A_15 : vector<256x2048xi32> to vector<256x2048xf32>
      %eq3A_17 = vector.broadcast %dot_general3A_14 : vector<256x1xf32> to vector<256x2048xf32>
      %eq3A_18 = arith.cmpf oeq, %convert_element_type3A_16, %eq3A_17 : vector<256x2048xf32>
      %convert_element_type3A_19 = arith.extui %eq3A_18 : vector<256x2048xi1> to vector<256x2048xi32>
      %convert_element_type3A_20 = arith.sitofp %convert_element_type3A_19 : vector<256x2048xi32> to vector<256x2048xf32>
      %convert_element_type3A_21 = arith.truncf %convert_element_type3A_20 : vector<256x2048xf32> to vector<256x2048xbf16>
      %get3A_22 = arith.constant 0 : index
      %get3A_23 = arith.constant 0 : index
      %get3A_24 = vector.load %arg6[%get3A_22, %get3A_23] : memref<2048x512xbf16, #tpu.memory_space<vmem>>, vector<2048x512xbf16>
      %dot_general3A_25 = arith.constant dense<0.000000e+00> : vector<256x512xf32>
      %dot_general3A_26 = tpu.matmul %convert_element_type3A_21, %get3A_24, %dot_general3A_25 {dimension_numbers = #tpu.dot_dimension_numbers<[1], [0], [0], [1], [0, 0, 1, 1], [], []>, transpose_lhs_hint = false} : vector<256x2048xbf16>, vector<2048x512xbf16>, vector<256x512xf32> -> vector<256x512xf32>
      %swap3A = arith.constant 0 : index
      %swap3A_27 = arith.constant 0 : index
      %swap3A_28 = vector.load %arg5[%swap3A, %swap3A_27] : memref<256x512xf32, #tpu.memory_space<vmem>>, vector<256x512xf32>
      tpu.vector_store %arg5[%swap3A, %swap3A_27], %dot_general3A_26 {strides = array<i32>} : memref<256x512xf32, #tpu.memory_space<vmem>>, vector<256x512xf32>,
    } else {
    }
    return
  }
  func.func @transform_0(%arg0: i32) -> i32 {
    %c0_i32 = arith.constant 0 : i32
    %c0_i32_0 = arith.constant 0 : i32
    return %c0_i32 : i32
  }
  func.func @transform_1(%arg0: i32) -> (i32, i32) {
    %min3A = arith.constant 7 : i32
    %min3A_0 = arith.minsi %arg0, %min3A : i32
    %c0_i32 = arith.constant 0 : i32
    %c0_i32_1 = arith.constant 0 : i32
    return %min3A_0, %c0_i32 : i32, i32
  }
  func.func @transform_2(%arg0: i32) -> (i32, i32, i32) {
    %c0_i32 = arith.constant 0 : i32
    %c0_i32_0 = arith.constant 0 : i32
    %c0_i32_1 = arith.constant 0 : i32
    %c0_i32_2 = arith.constant 0 : i32
    return %c0_i32, %c0_i32_0, %c0_i32_1 : i32, i32, i32
  }
  func.func @transform_3(%arg0: i32) -> (i32, i32, i32) {
    %sub3A = arith.constant 8 : i32
    %sub3A_0 = arith.subi %arg0, %sub3A : i32
    %max3A = arith.constant 0 : i32
    %max3A_1 = arith.maxsi %sub3A_0, %max3A : i32
    %c0_i32 = arith.constant 0 : i32
    %c0_i32_2 = arith.constant 0 : i32
    %c0_i32_3 = arith.constant 0 : i32
    return %max3A_1, %c0_i32, %c0_i32_2 : i32, i32, i32
  }
  func.func @transform_4(%arg0: i32) -> (i32, i32) {
    %sub3A = arith.constant 8 : i32
    %sub3A_0 = arith.subi %arg0, %sub3A : i32
    %max3A = arith.constant 0 : i32
    %max3A_1 = arith.maxsi %sub3A_0, %max3A : i32
    %c0_i32 = arith.constant 0 : i32
    %c0_i32_2 = arith.constant 0 : i32
    return %max3A_1, %c0_i32 : i32, i32
  }
}

</mosaic_0001>

<sc_bundles>
// kernel: kernel.4.cloned.1.call-start
scs
__scs_entry_jumppad:
0x0: {  	(pc) =	sbr.rel $0x88, $3  }
0x1: {  	(tag) =	ssettag $0x0;
	lr =	simm.s32 $0x1  }
0x2: {  	[smem:$0x3F9E] =	sst lr;
	_ =	strace $0xD0000000  }
0x3: {  	_ = 	snop  }
0x4: {  	_ = 	snop  }
0x5: {  	_ = 	snop  }
0x6: {  	_ = 	snop  }
0x7: {  	_ = 	snop  }
__scs_overlays_trampoline_lowered:
0x8: {  	[smem:$0x3FAD] =	sst s0  }
0x9: {  	[smem:$0x3FAE] =	sst s1  }
0xa: {  	[smem:$0x3FAF] =	sst s2  }
0xb: {  	[smem:$0x3FB0] =	sst s3  }
0xc: {  	[smem:$0x3FB1] =	sst s4  }
0xd: {  	[smem:$0x3FB2] =	sst s5  }
0xe: {  	[smem:$0x3FB3] =	sst s6  }
0xf: {  	[smem:$0x3FB4] =	sst s7  }
0x10: {  	[smem:$0x3FB5] =	sst s8  }
0x11: {  	[smem:$0x3FB6] =	sst s9;
	s0 =	simm.s32 @!p0 $0x0  }
0x12: {  	s1 =	sld [smem:$0x3F9C];
	s0 =	simm.s32 @p0 $0x1  }
0x13: {  	[smem:$0x3FB7] =	sst s0;
	s0 =	simm.s32 @!p1 $0x0  }
0x14: {  	s2 =	sld [smem:$0x3F9B];
	s0 =	simm.s32 @p1 $0x1  }
0x15: {  	[smem:$0x3FB8] =	sst s0;
	s0 =	simm.s32 @!p2 $0x0  }
0x16: {  	s3 =	sld [smem:$0x3FDB];
	s0 =	simm.s32 @p2 $0x1  }
0x17: {  	s4 =	simm.s32 $0x1BF5;
	[smem:$0x3FBA] =	sst s0  }
0x18: {  	s0 =	sld [smem:$0x3F9D];
	_ =	swait.ge [sflag:s4], $0x0  }
0x19: {  	s7 =	sld [smem:$0x3F9E]  }
0x1a: {  	s8 =	sadd.s32 $0xFFFFE003, lr  }
0x1b: {  	s9 =	sadd.s32 $0xFFFFFEF7, lr;
	s5 =	simm.s32 $0xFFFFFFFF;
	p2 =	slt.u32 s8, $0xFFFFF086  }
0x1c: {  	p1 =	slt.u32 s9, $0xF7A;
	s5 =	simm.s32 @!p2 $0x0  }
0x1d: {  	s5 =	simm.s32 @p1 $0x1;
	p0 =	seq.s32 s7, s2  }
0x1e: {  	s7 =	smul.u32 @!p0 $0xF7A, s2;
	p2 =	seq.s32 @!p0 s5, $0x0  }
0x1f: {  	s9 =	smul.u32 $0xF7A, s1;
	s8 =	simm.s32 @!p0 $0x1BF5;
	p2 =	por !p2, p0  }
0x20: {  	[sflag:s8] =	ssyncset.s32 @!p0 $0xFFFFF086;
	s6 =	sadd.s32 @!p0 s3, s7;
	s7 =	simm.s32 @!p0 $0x108  }
0x21: {  	s3 =	sadd.s32 s3, s9;
	s6 =	sadd.s32 @!p0 $0x88, s6;
	s7 =	simm.s32 @p2 $0x1082  }
0x22: {  	[simem:s7], [sflag:s8] =	dma.local @!p0 [hbm:s6], $0xF7A  }
0x23: {  	s9 =	sor.u32 $0xD0000000, s2;
	s6 =	simm.s32 $0x108;
	_ =	swait.ge @!p0 [sflag:s8], $0x0  }
0x24: {  	s3 =	sadd.s32 $0x88, s3;
	s6 =	simm.s32 @!p1 $0x1082;
	[sflag:s4] =	ssyncset.s32 $0xFFFFF086  }
0x25: {  	[simem:s6], [sflag:s4] =	dma.local [hbm:s3], $0xF7A  }
0x26: {  	[smem:$0x3F9E] =	sst s1;
	(tag) =	ssettag s2;
	_ =	strace s9  }
0x27: {  	s1 =	sld [smem:$0x3FAE]  }
0x28: {  	s2 =	sld [smem:$0x3FAF]  }
0x29: {  	s4 =	sld [smem:$0x3FB1]  }
0x2a: {  	p0 =	seq.s32 s5, $0x0;
	s5 =	sld [smem:$0x3FB2]  }
0x2b: {  	s6 =	sld [smem:$0x3FB3]  }
0x2c: {  	s7 =	sld [smem:$0x3FB4]  }
0x2d: {  	s3 =	simm.s32 $0x108;
	s8 =	sld [smem:$0x3FB5]  }
0x2e: {  	s3 =	simm.s32 @!p0 $0x1082;
	s9 =	sld [smem:$0x3FB6]  }
0x2f: {  	lr =	sadd.s32 s0, s3;
	s0 =	sld [smem:$0x3FAD]  }
0x30: {  	s3 =	sld [smem:$0x3FB0]  }
0x31: {  	[smem:$0x3FB9] =	sst s10  }
0x32: {  	s10 =	sld [smem:$0x3FB7];
	_ =	sdelay $0x3  }
0x33: {  	p0 =	seq.s32 s10, $0x1;
	s10 =	sld [smem:$0x3FB9];
	_ =	sdelay $0x3  }
0x34: {  	[smem:$0x3FB9] =	sst s10  }
0x35: {  	s10 =	sld [smem:$0x3FB8];
	_ =	sdelay $0x3  }
0x36: {  	p1 =	seq.s32 s10, $0x1;
	s10 =	sld [smem:$0x3FB9];
	_ =	sdelay $0x3  }
0x37: {  	[smem:$0x3FB9] =	sst s10  }
0x38: {  	s10 =	sld [smem:$0x3FBA]  }
0x39: {  	_ = 	snop;
	(pc) =	sbr.ind lr, $3  }
0x3a: {  	_ = 	snop  }
0x3b: {  	_ = 	snop  }
0x3c: {  	p2 =	seq.s32 s10, $0x1;
	s10 =	sld [smem:$0x3FB9]  }
0x3d: {  	_ =	shalt  }
0x3e: {  	_ =	shalt  }
0x3f: {  	_ =	shalt  }
0x40: {  	_ =	shalt  }
0x41: {  	_ =	shalt  }
0x42: {  	_ =	shalt  }
0x43: {  	_ =	shalt  }
0x44: {  	_ =	shalt  }
0x45: {  	_ =	shalt  }
0x46: {  	_ =	shalt  }
0x47: {  	_ =	shalt  }
0x48: {  	_ =	shalt  }
0x49: {  	_ =	shalt  }
0x4a: {  	_ =	shalt  }
0x4b: {  	_ =	shalt  }
0x4c: {  	_ =	shalt  }
0x4d: {  	_ =	shalt  }
0x4e: {  	_ =	shalt  }
0x4f: {  	_ =	shalt  }
0x50: {  	_ =	shalt  }
0x51: {  	_ =	shalt  }
0x52: {  	_ =	shalt  }
0x53: {  	_ =	shalt  }
0x54: {  	_ =	shalt  }
0x55: {  	_ =	shalt  }
0x56: {  	_ =	shalt  }
0x57: {  	_ =	shalt  }
0x58: {  	_ =	shalt  }
0x59: {  	_ =	shalt  }
0x5a: {  	_ =	shalt  }
0x5b: {  	_ =	shalt  }
0x5c: {  	_ =	shalt  }
0x5d: {  	_ =	shalt  }
0x5e: {  	_ =	shalt  }
0x5f: {  	_ =	shalt  }
0x60: {  	_ =	shalt  }
0x61: {  	_ =	shalt  }
0x62: {  	_ =	shalt  }
0x63: {  	_ =	shalt  }
0x64: {  	_ =	shalt  }
0x65: {  	_ =	shalt  }
0x66: {  	_ =	shalt  }
0x67: {  	_ =	shalt  }
0x68: {  	_ =	shalt  }
0x69: {  	_ =	shalt  }
0x6a: {  	_ =	shalt  }
0x6b: {  	_ =	shalt  }
0x6c: {  	_ =	shalt  }
0x6d: {  	_ =	shalt  }
0x6e: {  	_ =	shalt  }
0x6f: {  	_ =	shalt  }
0x70: {  	_ =	shalt  }
0x71: {  	_ =	shalt  }
0x72: {  	_ =	shalt  }
0x73: {  	_ =	shalt  }
0x74: {  	_ =	shalt  }
0x75: {  	_ =	shalt  }
0x76: {  	_ =	shalt  }
0x77: {  	_ =	shalt  }
0x78: {  	_ =	shalt  }
0x79: {  	_ =	shalt  }
0x7a: {  	_ =	shalt  }
0x7b: {  	_ =	shalt  }
0x7c: {  	_ =	shalt  }
0x7d: {  	_ =	shalt  }
0x7e: {  	_ =	shalt  }
0x7f: {  	_ =	shalt  }
0x80: {  	_ =	shalt  }
0x81: {  	_ =	shalt  }
0x82: {  	_ =	shalt  }
0x83: {  	_ =	shalt  }
0x84: {  	_ =	shalt  }
0x85: {  	_ =	shalt  }
0x86: {  	_ =	shalt  }
0x87: {  	_ =	shalt  }
.Lfunc_end0:
.L_simem_size_0:
called_computation_lowered:
.L_overlay_start_0:
0x88: {  	s2 =	sld [smem:$0x3FD9]  }
0x89: {  	s3 =	sld [smem:$0x3FFE];
	_ =	sdelay $0x1  }
0x8a: {  	s1 =	srdreg.scid  }
0x8b: {  	s0 =	sand.u32 $0x1, s1  }
0x8c: {  	s17 =	sshll.u32 s0, $0xA;
	s2 =	sadd.s32 s3, s2  }
0x8d: {  	s2 =	sadd.s32 s2, s17  }
0x8e: {  	[smem:$0x3FC5] =	sst s2  }
0x8f: {  	_ = 	snop  }
0x90: {  	s2 =	sld [smem:$0x3FC9]  }
0x91: {  	s18 =	sld [smem:$0x3FC8]  }
0x92: {  	s4 =	sld [smem:$0x3FD0];
	(tm) =	ssettm $0x1  }
0x93: {  	s5 =	sld [smem:$0x3FFB];
	_ =	sdelay $0x3  }
0x94: {  	_ =	strace s5  }
0x95: {  	s5 =	sld [smem:$0x3FFC];
	_ =	sdelay $0x3  }
0x96: {  	_ =	strace s5  }
0x97: {  	s5 =	sld [smem:$0x3FFD];
	_ =	sdelay $0x3  }
0x98: {  	_ =	strace s5  }
0x99: {  	_ =	strace $0x8FFFFFFF  }
0x9a: {  	s19 =	sld [smem:$0x3FDB];
	_ =	sdelay $0x1  }
0x9b: {  	s6 =	simm.s32 $_scs_section_size  }
0x9c: {  	s7 =	simm.s32 $_size__tile_overlayer_lowered;
	s8 =	simm.s32 $_tile_overlayer_lowered  }
0x9d: {  	s22 =	simm.s32 $0x1BFF;
	s21 =	sshll.u32 s8, $0x1;
	s5 =	sadd.s32 s6, s19  }
0x9e: {  	s9 =	simm.s32 $0x0;
	s20 =	sshll.u32 s7, $0x1;
	s7 =	sadd.s32 s21, s5  }
0x9f: {  	[timem:s9], [sflag:s22] =	dma.local [hbm:s7], s20  }
0xa0: {  	_ =	swait.ge [sflag:s22], s20  }
0xa1: {  	s6 =	ssub.s32 $0x0, s20;
	[sflag:s22] =	ssyncset.done $0x0  }
0xa2: {  	[sflag:s22] =	ssyncadd.s32 s6;
	_ =	sdelay $0x1  }
0xa3: {  	s23 =	simm.s32 $0x1B8B  }
0xa4: {  	_ =	swait.ge [sflag:s23], $0x1  }
0xa5: {  	[sflag:s23] =	ssyncset.done $0x0  }
0xa6: {  	s25 =	simm.s32 $0x1B8E;
	s24 =	sld [smem:$0x3FFE];
	[sflag:s23] =	ssyncadd.s32 $0xFFFFFFFF  }
0xa7: {  	s26 =	simm.s32 $execute0_lowered;
	[smem:$0x3FD2] =	sst s25  }
0xa8: {  	s7 =	sshll.u32 s26, $0x1;
	_ =	strace $0x80000046;
	[dreg:$0x1] =	wrdreg $0xFFFFFFFF  }
0xa9: {  	s28 =	simm.s32 $_size_execute0_lowered;
	s5 =	sadd.s32 s5, s7;
	[dreg:$0x0] =	wrdreg $0x0  }
0xaa: {  	s7 =	sshll.u32 s28, $0x1;
	[dreg:$0x2] =	wrdreg s5  }
0xab: {  	[dreg:$0x3] =	wrdreg s7  }
0xac: {  	[dreg:$0x4] =	wrdreg $0xC0  }
0xad: {  	_ =	task [dreg:s9], $0x5FFFF  }
0xae: {  	[dreg:$0x1] =	wrdreg $0xFFFFFFFF  }
0xaf: {  	[dreg:$0x0] =	wrdreg $0x60  }
0xb0: {  	[dreg:$0x2] =	wrdreg s2  }
0xb1: {  	[dreg:$0x3] =	wrdreg s18  }
0xb2: {  	[dreg:$0x4] =	wrdreg s24  }
0xb3: {  	[dreg:$0x5] =	wrdreg s4  }
0xb4: {  	[dreg:$0x6] =	wrdreg $0x9  }
0xb5: {  	_ =	task.clear_ibuf [dreg:s9], $0x7FFFF;
	_ =	strace $0x90000046  }
0xb6: {  	s29 =	simm.s32 $0x9;
	_ =	strace $0x80000048  }
0xb7: {  	_ =	swait.ge [sflag:s29], $0x1  }
0xb8: {  	[sflag:s29] =	ssyncadd.s32 $0xFFFFFFFF  }
0xb9: {  	_ =	strace $0x90000048  }
0xba: {  	_ =	sfence  }
0xbb: {  	s30 =	sld [smem:$0x0];
	_ =	sdelay $0x2  }
0xbc: {  	s31 =	sshll.u32 s1, $0xD;
	s1 =	sshrl.u32 s1, $0x2  }
0xbd: {  	s3 =	sand.u32 $0x4000, s31;
	s1 =	sadd.s32 s1, s30  }
0xbe: {  	s0 =	sor.u32 s3, s0;
	s1 =	sshll.u32 s1, $0x11  }
0xbf: {  	s0 =	sor.u32 s1, s0  }
0xc0: {  	s0 =	sadd.s32 $0x8F2B, s0  }
0xc1: {  	[sflag:s0] =	ssyncadd.remote.s32 $0x1  }
0xc2: {  	_ =	sfence.sel $0xFFFF  }
0xc3: {  	[dreg:$0x0] =	wrdreg $0xFFFFFFFF;
	(pc) =	sbr.abs _section_cstart, $3  }
0xc4: {  	[dreg:$0x1] =	wrdreg $0xFFFFFFFF  }
0xc5: {  	_ =	task.clear_ibuf [dreg:s9], $0x2FFFF;
	_ =	strace $0x9FFFFFFF  }
0xc6: {  	(tm) =	ssettm $0x7FFFFFFF  }
0xc7: {  	_ =	shalt  }
tec
execute0_lowered:
.L_overlay_start_1:
0x0: {  	(tag) =	ssettag $0x1  }
0x1: {  	v0 =	vimm.s32 $0xEDCBA987;
	v2 =	vimm.s32 $0x65432100;
	v1 =	vimm.s32 $0xFFFFFFFF  }
0x2: {  	v3 =	vimm.s32 $0xFFFFFFFD;
	v5 =	vimm.s32 $0xFFFFFFFB;
	v7 =	vimm.s32 $0xFFFFFFF9  }
0x3: {  	vm0 =	vcmask $0x300;
	v10 =	vimm.s32 $0x54321000;
	v11 =	vimm.s32 $0xBA987654  }
0x4: {  	v12 =	vimm.s32 $0x32100000;
	v14 =	vimm.s32 $0xE40000;
	v19 =	vlaneseq.u32  }
0x5: {  	v16 =	vimm.s32 $0xF;
	vm8 =	vmmov $0xffff;
	v4 =	vunpack.c.l.s4.s8 v0  }
0x6: {  	s0 =	rddreg [dreg:$0x0];
	v0 =	vimm.s32 $0x0;
	v6 =	vunpack.c.l.s4.s8 v2;
	v2 =	vimm.s32 $0xFFFFFFFE  }
0x7: {  	s1 =	rddreg [dreg:$0x2];
	v10 =	vunpack.c.l.s4.s8 v10;
	v11 =	vunpack.c.l.s4.s8 v11;
	v12 =	vunpack.c.l.s4.s8 v12  }
0x8: {  	s4 =	srdreg.scid;
	s7 =	stileid.u32;
	v14 =	vunpack.c.l.s2.s4 v14;
	v18 =	vshrl.u32 v19, $0x3;
	v17 =	vand.u32 $0x7, v19  }
0x9: {  	s3 =	rddreg [dreg:$0x3];
	s5 =	sand.u32 $0x1, s4;
	s7 =	sshll.u32 s7, $0x1;
	v19 =	vor.u32 $0x8, v19;
	v8 =	vunpack.c.0.s8.s32 v4;
	v4 =	vimm.s32 $0xFFFFFFFC  }
0xa: {  	s2 =	simm.s32 $0x0;
	s14 =	simm.s32 $0x880;
	s16 =	sor.u32 s5, s7;
	v9 =	vunpack.c.0.s8.s32 v6;
	v6 =	vimm.s32 $0xFFFFFFFA;
	v11 =	vunpack.c.0.s8.s32 v11  }
0xb: {  	s15 =	simm.s32 $0x4;
	s17 =	simm.s32 $0x1;
	p0 =	sne.s32 s16, $0x0;
	v10 =	vunpack.c.0.s8.s32 v10;
	v12 =	vunpack.c.0.s8.s32 v12;
	v14 =	vunpack.c.l.s4.s8 v14  }
0xc: {  	s22 =	simm.s32 $0xB880;
	s23 =	simm.s32 $0xC080;
	s24 =	simm.s32 $0xC880;
	vm1 =	vcmask @!p0 $0xB08;
	vm2 =	vcmask @!p0 $0xF0C;
	v8 =	vand.u32 $0xF, v8  }
0xd: {  	s28 =	simm.s32 $0xE080;
	s29 =	simm.s32 $0xE880;
	s30 =	simm.s32 $0xF080;
	vm3 =	vcmask @!p0 $0x1310;
	v8 =	vcombine.low v9, v8;
	v9 =	vimm.s32 $0xDCBA9876  }
0xe: {  	s31 =	simm.s32 $0xF880;
	[smem:$0x7FF] =	sst s2;
	s4 =	sadd.s32 $0xE00, s1;
	vm4 =	vcmask @!p0 $0x1714;
	v15 =	vand.u32 $0xF, v11;
	v9 =	vunpack.c.l.s4.s8 v9  }
0xf: {  	s10 =	sadd.s32 $0xF00, s1;
	s11 =	sadd.s32 $0x1000, s1;
	s12 =	sadd.s32 $0x1100, s1;
	v14 =	vunpack.c.0.s8.s32 v14;
	v12 =	vcombine.low v12, v15;
	v15 =	vimm.s32 $0x7060504  }
0x10: {  	_ =	strace $0x80000047;
	s6 =	ssub.s32 $0x2, s5;
	s5 =	sadd.s32 $0x40E00, s1;
	vm5 =	vcmask @!p0 $0x1B18;
	v15 =	vunpack.c.0.s8.s32 v15;
	v13 =	vunpack.c.0.s8.s32 v9  }
0x11: {  	s1 =	simm.s32 $0x2;
	s8 =	sshrl.u32 s6, $0x1;
	s25 =	sshll.u32 s16, $0xD;
	v14 =	vand.u32 $0x3, v14;
	v9 =	vsel vm0, $0x0, v1;
	vm0 =	vcmask $0x700  }
0x12: {  	s7 =	sshll.u32 s16, $0x2;
	s26 =	sshll.u32 s16, $0x3;
	s13 =	ssub.s32 s6, s8;
	v11 =	vsel vm0, $0x0, v1;
	vm0 =	vcmask $0xF00;
	v13 =	vand.u32 $0xF, v13  }
0x13: {  	s6 =	sadd.s32 s0, s25;
	s8 =	sshll.u32 s16, $0x6;
	s9 =	sadd.s32 s3, s26;
	v10 =	vcombine.low v10, v13;
	v13 =	vsel vm0, $0x0, v1;
	vm0 =	vcmask $0x3F30  }
0x14: {  	s25 =	simm.s32 $0xD080;
	s26 =	simm.s32 $0xD880;
	vm6 =	vcmask @!p0 $0x1F1C;
	vm7 =	vcmask @!p0 $0x2320;
	s0 =	simm.s32 $0x10080;
	v14 =	vsel vm0, v15, v14  }
0x15: {  	s3 =	simm.s32 $0x3;
	s16 =	simm.s32 $0x0;
	s13 =	smax.u32 s13, $0x1;
	v15 =	vmul.u32 v1, v18;
	vm0 =	vcmask @!p0 $0x704;
	v18 =	vmul.u32 $0x8, v18  }
.LBB2_1:
0x16: {  	[tilespmem:s14], [sflag:$0x1] =	stream.linear.gather [hbm4b:s6+s2], $0x10000, $0x38;
	[tilespmem:$0x10900] =	vst v63  }
0x17: {  	s18 =	rddreg [dreg:$0x1]  }
0x18: {  	[tilespmem:s2], [sflag:$0x4] =	stream.linear.gather [hbm4b:s18+s2], $0x800, $0x38;
	[tilespmem:$0x10900] =	vst v63  }
0x19: {  	_ =	swait.ge [sflag:s15], $0x800  }
0x1a: {  	[sflag:s15] =	ssyncset.done $0x0  }
0x1b: {  	[sflag:s15] =	ssyncadd.s32 $0xFFFFF800  }
0x1c: {  	v21 =	vld [tilespmem:s2+$0x0]  }
0x1d: {  	s21 =	ssub.s32 s7, s2  }
0x1e: {  	v24 =	vmov s21  }
0x1f: {  	vm9 =	vgt.s32 v24, $0x0  }
0x20: {  	v24 =	vsel vm9, $0x1, v0  }
0x21: {  	v28 =	vbroadcast v24, $0x0;
	v22 =	vadd.s32 v1, v21;
	v23 =	vadd.s32 v2, v21  }
0x22: {  	v20 =	vadd.s32 v7, v21;
	v25 =	vadd.s32 v3, v21;
	v27 =	vadd.s32 v4, v21  }
0x23: {  	v29 =	vadd.s32 v6, v21;
	v34 =	vsub.s32 $0x0, v21;
	v26 =	vsub.s32 $0x0, v20  }
0x24: {  	v24 =	vsub.s32 $0x0, v22;
	v30 =	vsub.s32 $0x0, v23;
	v31 =	vsub.s32 $0x0, v25  }
0x25: {  	v32 =	vsub.s32 $0x0, v27;
	v36 =	vsub.s32 $0x0, v29;
	v20 =	vmin.u32 v20, v26  }
0x26: {  	v26 =	vadd.s32 v5, v21;
	v22 =	vmin.u32 v22, v24;
	v23 =	vmin.u32 v23, v30  }
0x27: {  	v25 =	vmin.u32 v25, v31;
	v27 =	vmin.u32 v27, v32;
	v21 =	vmin.u32 v21, v34  }
0x28: {  	v29 =	vmin.u32 v29, v36;
	v30 =	vimm.s32 $0x0;
	v31 =	vimm.s32 $0x0  }
0x29: {  	v32 =	vimm.s32 $0x0;
	v34 =	vimm.s32 $0x0;
	v36 =	vimm.s32 $0x0  }
0x2a: {  	vm9 =	vlt.s32 v20, $0x1;
	v35 =	vsub.s32 $0x0, v26;
	vm10 =	vlt.s32 v23, $0x1  }
0x2b: {  	vm11 =	vlt.s32 v25, $0x1;
	vm12 =	vlt.s32 v27, $0x1;
	vm13 =	vlt.s32 v21, $0x1  }
0x2c: {  	vm15 =	vlt.s32 v29, $0x1;
	v20 =	vnsel vm9, $0x1, v20;
	v26 =	vmin.u32 v26, v35  }
0x2d: {  	vm9 =	vlt.s32 v22, $0x1;
	v23 =	vnsel vm10, $0x1, v23;
	v25 =	vnsel vm11, $0x1, v25  }
0x2e: {  	v27 =	vnsel vm12, $0x1, v27;
	v29 =	vnsel vm15, $0x1, v29;
	v21 =	vnsel vm13, $0x1, v21  }
0x2f: {  	v35 =	vimm.s32 $0x0;
	v20 =	vsub.s32 $0x1, v20;
	vm14 =	vlt.s32 v26, $0x1  }
0x30: {  	v22 =	vnsel vm9, $0x1, v22;
	v39 =	vsub.s32 $0x1, v23;
	v40 =	vsub.s32 $0x1, v25  }
0x31: {  	v41 =	vsub.s32 $0x1, v27;
	v43 =	vsub.s32 $0x1, v21;
	v44 =	vsub.s32 $0x1, v29  }
0x32: {  	v27 =	vimm.s32 $0x0;
	v29 =	vimm.s32 $0x0;
	v33 =	vmul.u32 v28, v20  }
0x33: {  	v26 =	vnsel vm14, $0x1, v26;
	v38 =	vsub.s32 $0x1, v22;
	v22 =	vmul.u32 v28, v39  }
0x34: {  	v23 =	vmul.u32 v28, v40;
	v46 =	vmul.u32 v28, v41;
	v45 =	vmul.u32 v28, v43  }
0x35: {  	v48 =	vmul.u32 v28, v44;
	v42 =	vsub.s32 $0x1, v26;
	v21 =	vmul.u32 v28, v38  }
0x36: {  	v24 =	vadd.s32 v0, v33;
	v47 =	vmul.u32 v28, v42;
	v26 =	vadd.s32 v0, v22  }
0x37: {  	s19 =	simm.s32 $0x10;
	v22 =	vadd.s32 v0, v23;
	v23 =	vimm.s32 $0x0;
	v28 =	vimm.s32 $0x0  }
0x38: {  	s20 =	simm.s32 $0x2;
	s18 =	simm.s32 $0x1;
	v37 =	vld [tilespmem:s19+$0x0];
	v33 =	vimm.s32 $0x0;
	v25 =	vadd.s32 v0, v21;
	v21 =	vimm.s32 $0x0  }
.LBB2_2:
0x39: {  	p1 =	sne.s32 s20, $0x7F;
	v23 =	vadd.s32 v23, v46;
	v27 =	vadd.s32 v27, v47;
	v28 =	vadd.s32 v28, v48  }
0x3a: {  	v29 =	vadd.s32 v29, v45;
	v30 =	vadd.s32 v30, v38;
	v31 =	vadd.s32 v31, v39  }
0x3b: {  	v32 =	vadd.s32 v32, v40;
	v33 =	vadd.s32 v33, v41;
	v34 =	vadd.s32 v34, v42  }
0x3c: {  	v35 =	vadd.s32 v35, v43;
	v36 =	vadd.s32 v36, v44;
	v21 =	vadd.s32 v21, v20  }
0x3d: {  	s21 =	ssub.s32 s7, s18;
	s18 =	smov.u32 s20;
	v38 =	vadd.s32 v1, v37;
	v39 =	vadd.s32 v2, v37;
	v20 =	vadd.s32 v7, v37  }
0x3e: {  	v40 =	vmov s21;
	v41 =	vadd.s32 v3, v37;
	v42 =	vsub.s32 $0x0, v20  }
0x3f: {  	vm9 =	vgt.s32 v40, $0x0;
	v40 =	vadd.s32 v4, v37;
	v20 =	vmin.u32 v20, v42  }
0x40: {  	v43 =	vadd.s32 v5, v37;
	v42 =	vsel vm9, $0x1, v0;
	vm9 =	vlt.s32 v20, $0x1  }
0x41: {  	v48 =	vbroadcast v42, $0x0;
	v42 =	vadd.s32 v6, v37;
	v20 =	vnsel vm9, $0x1, v20  }
0x42: {  	v44 =	vsub.s32 $0x0, v38;
	v45 =	vsub.s32 $0x0, v39;
	v20 =	vsub.s32 $0x1, v20  }
0x43: {  	v46 =	vsub.s32 $0x0, v41;
	v47 =	vsub.s32 $0x0, v40;
	v49 =	vmul.u32 v48, v20  }
0x44: {  	v50 =	vsub.s32 $0x0, v37;
	v51 =	vsub.s32 $0x0, v43;
	v52 =	vsub.s32 $0x0, v42  }
0x45: {  	v38 =	vmin.u32 v38, v44;
	v39 =	vmin.u32 v39, v45;
	v24 =	vadd.s32 v24, v49  }
0x46: {  	v41 =	vmin.u32 v41, v46;
	v40 =	vmin.u32 v40, v47;
	v43 =	vmin.u32 v43, v51  }
0x47: {  	v37 =	vmin.u32 v37, v50;
	vm9 =	vlt.s32 v38, $0x1;
	v42 =	vmin.u32 v42, v52  }
0x48: {  	vm10 =	vlt.s32 v39, $0x1;
	vm11 =	vlt.s32 v41, $0x1;
	vm12 =	vlt.s32 v40, $0x1  }
0x49: {  	vm14 =	vlt.s32 v43, $0x1;
	vm13 =	vlt.s32 v37, $0x1;
	vm15 =	vlt.s32 v42, $0x1  }
0x4a: {  	v39 =	vnsel vm10, $0x1, v39;
	v41 =	vnsel vm11, $0x1, v41;
	v38 =	vnsel vm9, $0x1, v38  }
0x4b: {  	v44 =	vnsel vm12, $0x1, v40;
	v43 =	vnsel vm14, $0x1, v43;
	v45 =	vnsel vm15, $0x1, v42  }
0x4c: {  	v37 =	vnsel vm13, $0x1, v37;
	v39 =	vsub.s32 $0x1, v39;
	v38 =	vsub.s32 $0x1, v38  }
.Ltmp0:
0x4d: {  	v40 =	vsub.s32 $0x1, v41;
	v41 =	vsub.s32 $0x1, v44;
	v42 =	vsub.s32 $0x1, v43;
	(pc) =	sbr.rel @p1 .LBB2_2-.Ltmp0, $4  }
0x4e: {  	v43 =	vsub.s32 $0x1, v37;
	v49 =	vmul.u32 v48, v38;
	v44 =	vsub.s32 $0x1, v45  }
0x4f: {  	v50 =	vmul.u32 v48, v39;
	v51 =	vmul.u32 v48, v40;
	v46 =	vmul.u32 v48, v41  }
0x50: {  	s19 =	sadd.s32 $0x10, s19;
	v45 =	vmul.u32 v48, v43;
	v47 =	vmul.u32 v48, v42;
	v48 =	vmul.u32 v48, v44  }
0x51: {  	s20 =	sadd.s32 $0x1, s20;
	v26 =	vadd.s32 v26, v50;
	v22 =	vadd.s32 v22, v51;
	v25 =	vadd.s32 v25, v49;
	v37 =	vld [tilespmem:s19+$0x0]  }
0x52: {  	v46 =	vadd.s32 v23, v46  }
0x53: {  	v47 =	vadd.s32 v27, v47;
	v27 =	vadd.s32 v28, v48;
	v28 =	vadd.s32 v29, v45  }
0x54: {  	v29 =	vadd.s32 v30, v38;
	v30 =	vadd.s32 v31, v39;
	v32 =	vadd.s32 v32, v40;
	s18 =	ssub.s32 s7, s18  }
0x55: {  	v33 =	vadd.s32 v33, v41;
	v34 =	vadd.s32 v34, v42;
	v57 =	vmov s18  }
0x56: {  	v31 =	vadd.s32 v35, v43;
	v35 =	vadd.s32 v36, v44;
	vm9 =	vgt.s32 v57, $0x0  }
0x57: {  	v60 =	vsel vm9, $0x1, v0;
	v36 =	vadd.s32 v1, v37;
	v38 =	vadd.s32 v2, v37  }
0x58: {  	v56 =	vadd.s32 v7, v37;
	v40 =	vadd.s32 v3, v37;
	v59 =	vadd.s32 v4, v37  }
0x59: {  	v61 =	vadd.s32 v5, v37;
	v41 =	vbroadcast v60, $0x0;
	v62 =	vadd.s32 v6, v37  }
0x5a: {  	v51 =	vsub.s32 $0x0, v37;
	v58 =	vsub.s32 $0x0, v56;
	v63 =	vsub.s32 $0x0, v36  }
0x5b: {  	v57 =	vsub.s32 $0x0, v40;
	v49 =	vsub.s32 $0x0, v59;
	v52 =	vsub.s32 $0x0, v61  }
0x5c: {  	v53 =	vsub.s32 $0x0, v62;
	v37 =	vmin.u32 v37, v51;
	v23 =	vmin.u32 v56, v58  }
0x5d: {  	v56 =	vsub.s32 $0x0, v38;
	v36 =	vmin.u32 v36, v63;
	v40 =	vmin.u32 v40, v57  }
0x5e: {  	v39 =	vmin.u32 v59, v49;
	v42 =	vmin.u32 v61, v52;
	v43 =	vmin.u32 v62, v53  }
0x5f: {  	vm13 =	vlt.s32 v37, $0x1;
	vm9 =	vlt.s32 v23, $0x1;
	v38 =	vmin.u32 v38, v56  }
0x60: {  	vm11 =	vlt.s32 v40, $0x1;
	vm12 =	vlt.s32 v39, $0x1;
	vm14 =	vlt.s32 v42, $0x1  }
0x61: {  	vm15 =	vlt.s32 v43, $0x1;
	v37 =	vnsel vm13, $0x1, v37;
	v23 =	vnsel vm9, $0x1, v23  }
0x62: {  	vm9 =	vlt.s32 v36, $0x1;
	vm10 =	vlt.s32 v38, $0x1;
	v40 =	vnsel vm11, $0x1, v40  }
0x63: {  	v39 =	vnsel vm12, $0x1, v39;
	v42 =	vnsel vm14, $0x1, v42;
	v43 =	vnsel vm15, $0x1, v43  }
0x64: {  	v37 =	vsub.s32 $0x1, v37;
	v23 =	vsub.s32 $0x1, v23;
	v36 =	vnsel vm9, $0x1, v36  }
0x65: {  	v38 =	vnsel vm10, $0x1, v38;
	v31 =	vadd.s32 v31, v37;
	v40 =	vsub.s32 $0x1, v40  }
0x66: {  	v39 =	vsub.s32 $0x1, v39;
	v42 =	vsub.s32 $0x1, v42;
	v43 =	vsub.s32 $0x1, v43  }
0x67: {  	v50 =	vmul.u32 v41, v23;
	v36 =	vsub.s32 $0x1, v36;
	v38 =	vsub.s32 $0x1, v38  }
0x68: {  	v58 =	vperm.xlane v31, v8;
	v61 =	vmul.u32 v41, v40;
	v54 =	vmul.u32 v41, v42  }
0x69: {  	v32 =	vadd.s32 v32, v40;
	v34 =	vadd.s32 v34, v42;
	v35 =	vadd.s32 v35, v43  }
0x6a: {  	v59 =	vmul.u32 v41, v36;
	v60 =	vmul.u32 v41, v38;
	v29 =	vadd.s32 v29, v36  }
0x6b: {  	v36 =	vmul.u32 v41, v37;
	v24 =	vadd.s32 v24, v50;
	v44 =	vand.u32 v9, v58  }
0x6c: {  	v50 =	vmul.u32 v41, v39;
	v63 =	vperm.xlane v29, v8;
	v41 =	vmul.u32 v41, v43  }
0x6d: {  	v37 =	vadd.s32 v22, v61;
	v31 =	vadd.s32 v31, v44;
	v45 =	vadd.s32 v25, v59  }
0x6e: {  	v48 =	vadd.s32 v26, v60;
	v59 =	vadd.s32 v30, v38;
	v28 =	vadd.s32 v28, v36  }
0x6f: {  	v62 =	vperm.xlane v31, v10;
	v56 =	vand.u32 v9, v63;
	v38 =	vadd.s32 v46, v50  }
0x70: {  	v50 =	vperm.xlane v32, v8;
	v36 =	vadd.s32 v27, v41;
	v58 =	vadd.s32 v29, v56  }
0x71: {  	v55 =	vand.u32 v11, v62;
	v61 =	vperm.xlane v58, v10;
	v62 =	vperm.xlane v59, v8  }
0x72: {  	v57 =	vadd.s32 v55, v31;
	v31 =	vadd.s32 v47, v54;
	v47 =	vadd.s32 v33, v39  }
0x73: {  	v39 =	vand.u32 v9, v50;
	v60 =	vperm.xlane v57, v12;
	v30 =	vand.u32 v11, v61  }
0x74: {  	v63 =	vand.u32 v9, v62;
	v32 =	vadd.s32 v32, v39;
	v53 =	vperm.xlane v47, v8  }
0x75: {  	v25 =	vadd.s32 v30, v58;
	v26 =	vadd.s32 v59, v63;
	v52 =	vperm.xlane v32, v10  }
0x76: {  	v58 =	vperm.xlane v34, v8;
	v63 =	vperm.xlane v35, v8;
	v29 =	vand.u32 v13, v60  }
0x77: {  	v46 =	vperm.xlane v25, v12;
	v49 =	vperm.xlane v26, v10;
	v55 =	vand.u32 v9, v53  }
0x78: {  	v53 =	vperm.xlane v45, v8;
	v22 =	vadd.s32 v29, v57;
	v29 =	vadd.s32 v47, v55  }
0x79: {  	v60 =	vand.u32 v9, v58;
	v44 =	vperm.xlane v22, v14;
	v40 =	vand.u32 v13, v46  }
0x7a: {  	v33 =	vand.u32 v11, v49;
	v46 =	vperm.xlane v28, v8;
	v55 =	vand.u32 v9, v53  }
0x7b: {  	v25 =	vadd.s32 v40, v25;
	v26 =	vadd.s32 v33, v26;
	v33 =	vand.u32 v11, v52  }
0x7c: {  	v30 =	vand.u32 v15, v44;
	v40 =	vperm.xlane v25, v14;
	v51 =	vperm.xlane v26, v12  }
0x7d: {  	v54 =	vadd.s32 v33, v32;
	v32 =	vperm.xlane v29, v10;
	v49 =	vand.u32 v9, v46  }
0x7e: {  	v46 =	vperm.xlane v38, v8;
	v22 =	vadd.s32 v30, v22;
	v57 =	vperm.xlane v54, v12  }
0x7f: {  	v28 =	vadd.s32 v28, v49;
	v22 =	vperm.xlane v22, v16;
	v40 =	vand.u32 v15, v40  }
0x80: {  	v30 =	vand.u32 v13, v51;
	v59 =	vand.u32 v11, v32;
	v32 =	vadd.s32 v34, v60  }
0x81: {  	v52 =	vperm.xlane v28, v10;
	v60 =	vperm.xlane v48, v8;
	v26 =	vadd.s32 v30, v26  }
0x82: {  	v25 =	vadd.s32 v40, v25;
	v39 =	vand.u32 v13, v57;
	v29 =	vadd.s32 v59, v29  }
0x83: {  	v34 =	vperm.xlane v32, v10;
	v57 =	vadd.s32 v45, v55;
	v45 =	vperm.xlane v37, v8  }
0x84: {  	v56 =	vperm.xlane v26, v14;
	v25 =	vperm.xlane v25, v16;
	v39 =	vadd.s32 v39, v54  }
0x85: {  	v49 =	vand.u32 v9, v46;
	v62 =	vperm.xlane v29, v12;
	v61 =	vperm.xlane v39, v14  }
0x86: {  	v59 =	vperm.xlane v57, v10;
	v34 =	vand.u32 v11, v34;
	v33 =	vand.u32 v15, v56  }
0x87: {  	v32 =	vadd.s32 v34, v32;
	v26 =	vadd.s32 v33, v26;
	v42 =	vand.u32 v15, v61  }
0x88: {  	v33 =	vand.u32 v13, v62;
	v30 =	vperm.xlane v26, v16;
	v26 =	vand.u32 v9, v63  }
0x89: {  	v34 =	vperm.xlane v32, v12;
	v29 =	vadd.s32 v33, v29;
	v35 =	vadd.s32 v35, v26  }
0x8a: {  	v43 =	vadd.s32 v42, v39;
	v33 =	vperm.xlane v29, v14;
	v44 =	vperm.xlane v35, v10  }
0x8b: {  	v61 =	vand.u32 v9, v60;
	v26 =	vperm.xlane v43, v16;
	v34 =	vand.u32 v13, v34  }
0x8c: {  	v32 =	vadd.s32 v34, v32;
	v33 =	vand.u32 v15, v33;
	v47 =	vand.u32 v11, v44  }
0x8d: {  	v50 =	vperm.xlane v32, v14;
	v34 =	vadd.s32 v47, v35;
	v35 =	vand.u32 v11, v52  }
0x8e: {  	v29 =	vadd.s32 v33, v29;
	v51 =	vperm.xlane v34, v12;
	v54 =	vadd.s32 v35, v28  }
0x8f: {  	v27 =	vperm.xlane v29, v16;
	v39 =	vand.u32 v15, v50;
	v35 =	vperm.xlane v54, v12  }
0x90: {  	v58 =	vadd.s32 v39, v32;
	v32 =	vand.u32 v11, v59;
	v33 =	vand.u32 v13, v51  }
0x91: {  	v59 =	vperm.xlane v31, v8;
	v33 =	vadd.s32 v33, v34;
	v35 =	vand.u32 v13, v35  }
0x92: {  	v28 =	vperm.xlane v58, v16;
	v56 =	vperm.xlane v33, v14;
	v34 =	vadd.s32 v35, v54  }
0x93: {  	v32 =	vadd.s32 v32, v57;
	v35 =	vadd.s32 v48, v61;
	v62 =	vperm.xlane v34, v14  }
0x94: {  	v63 =	vperm.xlane v32, v12;
	v44 =	vperm.xlane v35, v10;
	v29 =	vand.u32 v15, v56  }
0x95: {  	v48 =	vand.u32 v9, v45;
	v29 =	vadd.s32 v29, v33;
	v39 =	vand.u32 v15, v62  }
0x96: {  	v33 =	vand.u32 v13, v63;
	v40 =	vand.u32 v11, v44;
	v29 =	vperm.xlane v29, v16  }
0x97: {  	v32 =	vadd.s32 v33, v32;
	v47 =	vadd.s32 v40, v35;
	v35 =	vadd.s32 v37, v48  }
0x98: {  	v37 =	vadd.s32 v38, v49;
	v34 =	vadd.s32 v39, v34;
	v40 =	vperm.xlane v47, v12  }
0x99: {  	v38 =	vand.u32 v9, v59;
	v50 =	vperm.xlane v32, v14;
	v51 =	vperm.xlane v35, v10  }
0x9a: {  	v53 =	vperm.xlane v37, v10;
	v34 =	vperm.xlane v34, v16;
	v38 =	vadd.s32 v31, v38  }
0x9b: {  	v63 =	vperm.xlane v38, v10;
	v52 =	vand.u32 v13, v40;
	v55 =	vand.u32 v11, v51  }
0x9c: {  	v57 =	vand.u32 v11, v53;
	v51 =	vperm.xlane v24, v8;
	v33 =	vadd.s32 v52, v47  }
0x9d: {  	v35 =	vadd.s32 v55, v35;
	v37 =	vadd.s32 v57, v37;
	v47 =	vperm.xlane v36, v8  }
0x9e: {  	v31 =	vld [tilespmem:s8+$0x0];
	v54 =	vand.u32 v15, v50;
	v58 =	vperm.xlane v35, v12;
	v60 =	vperm.xlane v37, v12  }
0x9f: {  	v32 =	vadd.s32 v54, v32;
	v46 =	vand.u32 v11, v63;
	v56 =	vperm.xlane v33, v14  }
0xa0: {  	v49 =	vand.u32 v9, v47;
	v39 =	vand.u32 v13, v58;
	v61 =	vand.u32 v13, v60  }
0xa1: {  	v41 =	vand.u32 v15, v56;
	v35 =	vadd.s32 v39, v35;
	v39 =	vadd.s32 v61, v37  }
0xa2: {  	v43 =	vadd.s32 v41, v33;
	v41 =	vadd.s32 v46, v38;
	v62 =	vperm.xlane v35, v14  }
0xa3: {  	v52 =	vsub.s32 $0x0, v31;
	v44 =	vperm.xlane v39, v14;
	v48 =	vperm.xlane v41, v12  }
0xa4: {  	v37 =	vperm.xlane v32, v16;
	v40 =	vperm.xlane v43, v16;
	v45 =	vand.u32 v15, v62  }
0xa5: {  	v33 =	vand.u32 v15, v44;
	v50 =	vand.u32 v13, v48;
	v62 =	vadd.s32 v1, v31  }
0xa6: {  	v32 =	vadd.s32 v45, v35;
	v33 =	vadd.s32 v33, v39;
	v35 =	vand.u32 v9, v51  }
0xa7: {  	v48 =	vsub.s32 $0x0, v62;
	v38 =	vperm.xlane v32, v16;
	v39 =	vperm.xlane v33, v16  }
0xa8: {  	v32 =	vadd.s32 v36, v49;
	v33 =	vadd.s32 v50, v41;
	v41 =	vmin.u32 v31, v52  }
0xa9: {  	v24 =	vadd.s32 v24, v35;
	v49 =	vmin.u32 v62, v48;
	v36 =	vperm.xlane v32, v10  }
0xaa: {  	v53 =	vperm.xlane v33, v14;
	vm9 =	vlt.s32 v41, $0x1;
	v35 =	vperm.xlane v24, v10  }
0xab: {  	v54 =	vnsel vm9, $0x1, v41;
	vm9 =	vlt.s32 v49, $0x1;
	v36 =	vand.u32 v11, v36  }
0xac: {  	v55 =	vand.u32 v15, v53;
	v35 =	vand.u32 v11, v35;
	v32 =	vadd.s32 v36, v32  }
0xad: {  	v36 =	vsub.s32 $0x1, v54;
	v24 =	vadd.s32 v35, v24;
	v56 =	vperm.xlane v32, v12  }
0xae: {  	v33 =	vadd.s32 v55, v33;
	v57 =	vperm.xlane v36, v8;
	v59 =	vperm.xlane v24, v12  }
0xaf: {  	v55 =	vadd.s32 v2, v31;
	v41 =	vperm.xlane v33, v16;
	v58 =	vand.u32 v13, v56  }
0xb0: {  	v60 =	vand.u32 v9, v57;
	v33 =	vand.u32 v13, v59;
	v32 =	vadd.s32 v58, v32  }
0xb1: {  	v35 =	vadd.s32 v60, v36;
	v24 =	vadd.s32 v33, v24;
	v33 =	vnsel vm9, $0x1, v49  }
0xb2: {  	v58 =	vsub.s32 $0x0, v55;
	v61 =	vperm.xlane v32, v14;
	v63 =	vperm.xlane v35, v10  }
0xb3: {  	v60 =	vadd.s32 v3, v31;
	v50 =	vperm.xlane v24, v14;
	v33 =	vsub.s32 $0x1, v33  }
0xb4: {  	v52 =	vperm.xlane v33, v8;
	v42 =	vand.u32 v15, v61;
	v44 =	vand.u32 v11, v63  }
0xb5: {  	v51 =	vand.u32 v15, v50;
	v61 =	vsub.s32 $0x0, v60;
	v32 =	vadd.s32 v42, v32  }
0xb6: {  	v35 =	vadd.s32 v44, v35;
	v24 =	vadd.s32 v51, v24;
	v54 =	vand.u32 v9, v52  }
0xb7: {  	v62 =	vmin.u32 v60, v61;
	v44 =	vperm.xlane v35, v12;
	v43 =	vperm.xlane v32, v16  }
0xb8: {  	v42 =	vperm.xlane v24, v16;
	v24 =	vadd.s32 v22, v25;
	v32 =	vmin.u32 v55, v58  }
0xb9: {  	v57 =	vadd.s32 v33, v54;
	v25 =	vadd.s32 v24, v30;
	vm9 =	vlt.s32 v32, $0x1  }
0xba: {  	v59 =	vperm.xlane v57, v10;
	v53 =	vand.u32 v13, v44;
	v32 =	vnsel vm9, $0x1, v32  }
0xbb: {  	vm9 =	vlt.s32 v62, $0x1;
	v26 =	vadd.s32 v25, v26;
	v35 =	vadd.s32 v53, v35  }
0xbc: {  	v30 =	vand.u32 v11, v59;
	v48 =	vsub.s32 $0x1, v32;
	v32 =	vnsel vm9, $0x1, v62  }
0xbd: {  	v27 =	vadd.s32 v26, v27;
	v56 =	vperm.xlane v35, v14;
	v30 =	vadd.s32 v30, v57  }
0xbe: {  	v49 =	vperm.xlane v48, v8;
	v47 =	vsub.s32 $0x1, v32;
	v63 =	vperm.xlane v30, v12  }
0xbf: {  	v28 =	vadd.s32 v27, v28;
	v32 =	vperm.xlane v47, v8;
	v44 =	vand.u32 v15, v56  }
0xc0: {  	v51 =	vand.u32 v9, v49;
	v45 =	vadd.s32 v44, v35;
	v50 =	vand.u32 v13, v63  }
0xc1: {  	v52 =	vadd.s32 v48, v51;
	v44 =	vadd.s32 v1, v34;
	v32 =	vand.u32 v9, v32  }
0xc2: {  	v30 =	vadd.s32 v50, v30;
	v54 =	vperm.xlane v52, v10;
	v55 =	vadd.s32 v45, v44  }
0xc3: {  	v56 =	vadd.s32 v47, v32;
	v32 =	vadd.s32 v1, v22;
	v53 =	vperm.xlane v30, v14  }
0xc4: {  	v57 =	vperm.xlane v56, v10;
	v58 =	vadd.s32 v37, v32;
	v36 =	vmul.u32 v36, v55  }
0xc5: {  	v46 =	vand.u32 v11, v54;
	v54 =	vadd.s32 v4, v31;
	v34 =	vand.u32 v15, v53  }
0xc6: {  	v35 =	vadd.s32 v46, v52;
	v60 =	vand.u32 v11, v57;
	v46 =	vadd.s32 v34, v30  }
0xc7: {  	v59 =	vperm.xlane v35, v12;
	v62 =	vadd.s32 v60, v56;
	v56 =	vsub.s32 $0x0, v54  }
0xc8: {  	v30 =	vadd.s32 v46, v58;
	v63 =	vperm.xlane v62, v12;
	v49 =	vmin.u32 v54, v56  }
0xc9: {  	v56 =	vadd.s32 v5, v31;
	v30 =	vmul.u32 v33, v30;
	v61 =	vand.u32 v13, v59  }
0xca: {  	vm9 =	vlt.s32 v49, $0x1;
	v35 =	vadd.s32 v61, v35;
	v57 =	vand.u32 v13, v63  }
0xcb: {  	v49 =	vnsel vm9, $0x1, v49;
	v55 =	vperm.xlane v35, v14;
	v34 =	vadd.s32 v57, v62  }
0xcc: {  	v36 =	vadd.s32 v36, v30;
	v49 =	vsub.s32 $0x1, v49;
	v30 =	vperm.xlane v34, v14  }
0xcd: {  	v33 =	vadd.s32 v1, v24;
	v60 =	vperm.xlane v49, v8;
	v50 =	vand.u32 v15, v55  }
0xce: {  	v58 =	vadd.s32 v40, v33;
	v50 =	vadd.s32 v50, v35;
	v59 =	vand.u32 v15, v30  }
0xcf: {  	v30 =	vadd.s32 v1, v25;
	v62 =	vand.u32 v9, v60;
	v35 =	vadd.s32 v50, v58  }
0xd0: {  	v51 =	vadd.s32 v59, v34;
	v61 =	vadd.s32 v38, v30;
	v63 =	vadd.s32 v49, v62  }
0xd1: {  	v58 =	vsub.s32 $0x0, v56;
	v35 =	vmul.u32 v48, v35;
	v34 =	vadd.s32 v51, v61  }
0xd2: {  	v57 =	vperm.xlane v63, v10;
	v59 =	vmin.u32 v56, v58;
	v61 =	vadd.s32 v6, v31  }
0xd3: {  	v31 =	vadd.s32 v7, v31;
	v34 =	vmul.u32 v47, v34;
	vm9 =	vlt.s32 v59, $0x1  }
0xd4: {  	v62 =	vsub.s32 $0x0, v61;
	v35 =	vadd.s32 v35, v36;
	v60 =	vand.u32 v11, v57  }
0xd5: {  	v57 =	vsub.s32 $0x0, v31;
	v53 =	vadd.s32 v34, v35;
	v34 =	vnsel vm9, $0x1, v59  }
0xd6: {  	v35 =	vadd.s32 v60, v63;
	v63 =	vmin.u32 v61, v62;
	v48 =	vsub.s32 $0x1, v34  }
0xd7: {  	v31 =	vmin.u32 v31, v57;
	vm9 =	vlt.s32 v63, $0x1;
	v56 =	vperm.xlane v48, v8  }
0xd8: {  	v58 =	vperm.xlane v35, v12;
	v34 =	vnsel vm9, $0x1, v63;
	vm9 =	vlt.s32 v31, $0x1  }
0xd9: {  	v47 =	vsub.s32 $0x1, v34;
	v31 =	vnsel vm9, $0x1, v31;
	v36 =	vand.u32 v9, v56  }
0xda: {  	v52 =	vand.u32 v13, v58;
	v62 =	vperm.xlane v47, v8;
	v59 =	vadd.s32 v48, v36  }
0xdb: {  	v55 =	vsub.s32 $0x1, v31;
	v63 =	vadd.s32 v52, v35;
	v54 =	vperm.xlane v59, v10  }
0xdc: {  	v31 =	vadd.s32 v1, v26;
	v61 =	vperm.xlane v55, v8;
	v60 =	vand.u32 v9, v62  }
0xdd: {  	v52 =	vperm.xlane v63, v14;
	v35 =	vadd.s32 v47, v60;
	v54 =	vand.u32 v11, v54  }
0xde: {  	v36 =	vand.u32 v9, v61;
	v62 =	vperm.xlane v35, v10;
	v34 =	vadd.s32 v54, v59  }
0xdf: {  	v52 =	vand.u32 v15, v52;
	v36 =	vadd.s32 v55, v36;
	v56 =	vperm.xlane v34, v12  }
0xe0: {  	v61 =	vadd.s32 v39, v31;
	v57 =	vperm.xlane v36, v10;
	v54 =	vand.u32 v11, v62  }
0xe1: {  	v52 =	vadd.s32 v52, v63;
	v35 =	vadd.s32 v54, v35;
	v56 =	vand.u32 v13, v56  }
0xe2: {  	v60 =	vand.u32 v11, v57;
	v63 =	vperm.xlane v35, v12;
	v54 =	vadd.s32 v56, v34  }
0xe3: {  	v62 =	vadd.s32 v52, v61;
	v36 =	vadd.s32 v60, v36;
	v58 =	vperm.xlane v54, v14  }
0xe4: {  	v49 =	vmul.u32 v49, v62;
	v34 =	vand.u32 v13, v63;
	v63 =	vperm.xlane v36, v12  }
0xe5: {  	v35 =	vadd.s32 v34, v35;
	v34 =	vadd.s32 v1, v27;
	v60 =	vand.u32 v15, v58  }
0xe6: {  	v61 =	vperm.xlane v35, v14;
	v57 =	vand.u32 v13, v63;
	v62 =	vadd.s32 v41, v34  }
0xe7: {  	v54 =	vadd.s32 v60, v54;
	v57 =	vadd.s32 v57, v36;
	v36 =	vadd.s32 v1, v28  }
0xe8: {  	v63 =	vadd.s32 v54, v62;
	v60 =	vand.u32 v15, v61;
	v61 =	vperm.xlane v57, v14  }
0xe9: {  	v29 =	vadd.s32 v28, v29;
	v59 =	vadd.s32 v43, v36;
	v48 =	vmul.u32 v48, v63  }
0xea: {  	v56 =	vadd.s32 v60, v35;
	v35 =	vadd.s32 v1, v29;
	v58 =	vand.u32 v15, v61  }
0xeb: {  	v59 =	vadd.s32 v56, v59;
	v62 =	vadd.s32 v42, v35;
	v57 =	vadd.s32 v58, v57  }
0xec: {  	v49 =	vadd.s32 v49, v53;
	v47 =	vmul.u32 v47, v59;
	v63 =	vadd.s32 v57, v62  }
0xed: {  	v48 =	vadd.s32 v48, v49;
	v58 =	vmul.u32 v55, v63  }
0xee: {  	v47 =	vadd.s32 v47, v48  }
0xef: {  	v47 =	vadd.s32 v58, v47  }
0xf0: {  	[tilespmem:$0x800] =	vst v47  }
0xf1: {  	v47 =	vld [tilespmem:s8+$0x10];
	_ =	sdelay $0x2  }
0xf2: {  	v46 =	vperm.xlane v46, v16;
	_ =	sdelay $0x1  }
0xf3: {  	v37 =	vadd.s32 v37, v46;
	v59 =	vsub.s32 $0x0, v47  }
0xf4: {  	v60 =	vperm.xlane v50, v16;
	v61 =	vadd.s32 v1, v47;
	v48 =	vmin.u32 v47, v59  }
0xf5: {  	v53 =	vperm.xlane v45, v16;
	v63 =	vsub.s32 $0x0, v61;
	vm9 =	vlt.s32 v48, $0x1  }
0xf6: {  	v40 =	vadd.s32 v40, v60;
	v55 =	vmin.u32 v61, v63;
	v48 =	vnsel vm9, $0x1, v48  }
0xf7: {  	v60 =	vperm.xlane v54, v16;
	vm9 =	vlt.s32 v55, $0x1;
	v48 =	vsub.s32 $0x1, v48  }
0xf8: {  	v58 =	vperm.xlane v51, v16;
	v46 =	vnsel vm9, $0x1, v55;
	v62 =	vperm.xlane v48, v8  }
0xf9: {  	v44 =	vadd.s32 v53, v44;
	v41 =	vadd.s32 v41, v60;
	v46 =	vsub.s32 $0x1, v46  }
0xfa: {  	v38 =	vadd.s32 v38, v58;
	v45 =	vand.u32 v9, v62;
	v62 =	vperm.xlane v46, v8  }
0xfb: {  	v58 =	vadd.s32 v2, v47;
	v59 =	vperm.xlane v52, v16;
	v45 =	vadd.s32 v45, v48  }
0xfc: {  	v60 =	vsub.s32 $0x0, v58;
	v61 =	vperm.xlane v45, v10;
	v49 =	vand.u32 v9, v62  }
0xfd: {  	v63 =	vperm.xlane v56, v16;
	v51 =	vmin.u32 v58, v60;
	v49 =	vadd.s32 v46, v49  }
0xfe: {  	v39 =	vadd.s32 v39, v59;
	v56 =	vand.u32 v11, v61;
	v61 =	vperm.xlane v49, v10  }
0xff: {  	v43 =	vadd.s32 v43, v63;
	vm9 =	vlt.s32 v51, $0x1;
	v62 =	vperm.xlane v57, v16  }
0x100: {  	v51 =	vnsel vm9, $0x1, v51;
	v45 =	vadd.s32 v56, v45;
	v50 =	vand.u32 v11, v61  }
0x101: {  	v42 =	vadd.s32 v42, v62;
	v59 =	vperm.xlane v45, v12;
	v49 =	vadd.s32 v50, v49  }
0x102: {  	v61 =	vadd.s32 v3, v47;
	v50 =	vsub.s32 $0x1, v51;
	v63 =	vperm.xlane v49, v12  }
0x103: {  	v62 =	vsub.s32 $0x0, v61;
	v52 =	vand.u32 v13, v59;
	v60 =	vperm.xlane v50, v8  }
0x104: {  	v54 =	vmin.u32 v61, v62;
	v45 =	vadd.s32 v52, v45;
	v51 =	vand.u32 v13, v63  }
0x105: {  	v52 =	vperm.xlane v45, v14;
	v55 =	vand.u32 v9, v60;
	v49 =	vadd.s32 v51, v49  }
0x106: {  	vm9 =	vlt.s32 v54, $0x1;
	v51 =	vadd.s32 v50, v55;
	v63 =	vperm.xlane v49, v14  }
0x107: {  	v54 =	vnsel vm9, $0x1, v54;
	v52 =	vand.u32 v15, v52;
	v60 =	vperm.xlane v51, v10  }
0x108: {  	v45 =	vadd.s32 v52, v45;
	v52 =	vsub.s32 $0x1, v54;
	v61 =	vand.u32 v15, v63  }
0x109: {  	v62 =	vand.u32 v11, v60;
	v63 =	vperm.xlane v52, v8;
	v60 =	vadd.s32 v45, v44  }
0x10a: {  	v49 =	vadd.s32 v61, v49;
	v51 =	vadd.s32 v62, v51;
	v61 =	vadd.s32 v37, v32  }
0x10b: {  	v48 =	vmul.u32 v48, v60;
	v54 =	vperm.xlane v51, v12;
	v55 =	vand.u32 v9, v63  }
0x10c: {  	v53 =	vadd.s32 v49, v61;
	v63 =	vadd.s32 v4, v47;
	v55 =	vadd.s32 v52, v55  }
0x10d: {  	v46 =	vmul.u32 v46, v53;
	v60 =	vsub.s32 $0x0, v63;
	v54 =	vand.u32 v13, v54  }
0x10e: {  	v62 =	vperm.xlane v55, v10;
	v53 =	vmin.u32 v63, v60;
	v51 =	vadd.s32 v54, v51  }
0x10f: {  	vm9 =	vlt.s32 v53, $0x1;
	v54 =	vperm.xlane v51, v14  }
0x110: {  	v56 =	vand.u32 v11, v62;
	v53 =	vnsel vm9, $0x1, v53;
	v62 =	vadd.s32 v40, v33  }
0x111: {  	v61 =	vadd.s32 v56, v55;
	v53 =	vsub.s32 $0x1, v53;
	v54 =	vand.u32 v15, v54  }
0x112: {  	v55 =	vperm.xlane v61, v12;
	v63 =	vperm.xlane v53, v8;
	v51 =	vadd.s32 v54, v51  }
0x113: {  	v60 =	vadd.s32 v5, v47;
	v46 =	vadd.s32 v48, v46;
	v54 =	vadd.s32 v51, v62  }
0x114: {  	v55 =	vand.u32 v13, v55;
	v56 =	vand.u32 v9, v63;
	v63 =	vadd.s32 v6, v47  }
0x115: {  	v47 =	vadd.s32 v7, v47;
	v48 =	vadd.s32 v55, v61;
	v61 =	vsub.s32 $0x0, v60  }
0x116: {  	v50 =	vmul.u32 v50, v54;
	v62 =	vadd.s32 v53, v56;
	v54 =	vmin.u32 v60, v61  }
0x117: {  	v55 =	vperm.xlane v48, v14;
	v56 =	vperm.xlane v62, v10;
	vm9 =	vlt.s32 v54, $0x1  }
0x118: {  	v61 =	vsub.s32 $0x0, v63;
	v46 =	vadd.s32 v50, v46;
	v54 =	vnsel vm9, $0x1, v54  }
0x119: {  	v55 =	vand.u32 v15, v55;
	v56 =	vand.u32 v11, v56;
	v54 =	vsub.s32 $0x1, v54  }
0x11a: {  	v48 =	vadd.s32 v55, v48;
	v55 =	vadd.s32 v38, v30;
	v60 =	vperm.xlane v54, v8  }
0x11b: {  	v50 =	vadd.s32 v56, v62;
	v62 =	vmin.u32 v63, v61;
	v63 =	vsub.s32 $0x0, v47  }
0x11c: {  	vm9 =	vlt.s32 v62, $0x1;
	v47 =	vmin.u32 v47, v63;
	v58 =	vand.u32 v9, v60  }
0x11d: {  	v56 =	vnsel vm9, $0x1, v62;
	vm9 =	vlt.s32 v47, $0x1;
	v57 =	vadd.s32 v54, v58  }
0x11e: {  	v56 =	vsub.s32 $0x1, v56;
	v47 =	vnsel vm9, $0x1, v47;
	v58 =	vperm.xlane v57, v10  }
0x11f: {  	v59 =	vperm.xlane v50, v12;
	v60 =	vperm.xlane v56, v8;
	v47 =	vsub.s32 $0x1, v47  }
0x120: {  	v55 =	vadd.s32 v48, v55;
	v61 =	vperm.xlane v47, v8;
	v58 =	vand.u32 v11, v58  }
0x121: {  	v59 =	vand.u32 v13, v59;
	v57 =	vadd.s32 v58, v57;
	v58 =	vand.u32 v9, v60  }
0x122: {  	v61 =	vand.u32 v9, v61;
	v60 =	vperm.xlane v57, v12;
	v58 =	vadd.s32 v56, v58  }
0x123: {  	v50 =	vadd.s32 v59, v50;
	v61 =	vadd.s32 v47, v61;
	v59 =	vperm.xlane v58, v10  }
0x124: {  	v62 =	vperm.xlane v50, v14;
	v63 =	vperm.xlane v61, v10;
	v60 =	vand.u32 v13, v60  }
0x125: {  	v52 =	vmul.u32 v52, v55;
	v55 =	vadd.s32 v60, v57;
	v60 =	vand.u32 v11, v59  }
0x126: {  	v59 =	vand.u32 v15, v62;
	v57 =	vadd.s32 v60, v58;
	v58 =	vand.u32 v11, v63  }
0x127: {  	v60 =	vperm.xlane v55, v14;
	v58 =	vadd.s32 v58, v61;
	v61 =	vperm.xlane v57, v12  }
0x128: {  	v46 =	vadd.s32 v52, v46;
	v50 =	vadd.s32 v59, v50;
	v52 =	vperm.xlane v58, v12  }
0x129: {  	v59 =	vadd.s32 v39, v31;
	v60 =	vand.u32 v15, v60;
	v61 =	vand.u32 v13, v61  }
0x12a: {  	v55 =	vadd.s32 v60, v55;
	v57 =	vadd.s32 v61, v57;
	v52 =	vand.u32 v13, v52  }
0x12b: {  	v60 =	vadd.s32 v41, v34;
	v61 =	vperm.xlane v57, v14;
	v52 =	vadd.s32 v52, v58  }
0x12c: {  	v58 =	vadd.s32 v50, v59;
	v59 =	vadd.s32 v55, v60;
	v60 =	vperm.xlane v52, v14  }
0x12d: {  	v63 =	vadd.s32 v43, v36;
	v53 =	vmul.u32 v53, v58;
	v62 =	vand.u32 v15, v61  }
0x12e: {  	v54 =	vmul.u32 v54, v59;
	v57 =	vadd.s32 v62, v57;
	v60 =	vand.u32 v15, v60  }
0x12f: {  	v61 =	vadd.s32 v42, v35;
	v58 =	vadd.s32 v57, v63;
	v52 =	vadd.s32 v60, v52  }
0x130: {  	v46 =	vadd.s32 v53, v46;
	v62 =	vmul.u32 v56, v58;
	v63 =	vadd.s32 v52, v61  }
0x131: {  	v46 =	vadd.s32 v54, v46;
	v47 =	vmul.u32 v47, v63  }
0x132: {  	v46 =	vadd.s32 v62, v46  }
0x133: {  	v46 =	vadd.s32 v47, v46  }
0x134: {  	[tilespmem:$0x810] =	vst v46  }
0x135: {  	v53 =	vld [tilespmem:s8+$0x20];
	_ =	sdelay $0x4  }
0x136: {  	v59 =	vsub.s32 $0x0, v53  }
0x137: {  	v46 =	vmin.u32 v53, v59  }
0x138: {  	v60 =	vperm.xlane v51, v16;
	v61 =	vadd.s32 v1, v53;
	vm9 =	vlt.s32 v46, $0x1  }
0x139: {  	v54 =	vperm.xlane v45, v16;
	v63 =	vsub.s32 $0x0, v61;
	v46 =	vnsel vm9, $0x1, v46  }
0x13a: {  	v47 =	vperm.xlane v49, v16;
	v59 =	vmin.u32 v61, v63;
	v51 =	vsub.s32 $0x1, v46  }
0x13b: {  	v49 =	vadd.s32 v40, v60;
	vm9 =	vlt.s32 v59, $0x1;
	v62 =	vperm.xlane v51, v8  }
0x13c: {  	v60 =	vperm.xlane v48, v16;
	v61 =	vperm.xlane v50, v16;
	v40 =	vnsel vm9, $0x1, v59  }
0x13d: {  	v45 =	vand.u32 v9, v62;
	v62 =	vperm.xlane v55, v16;
	v55 =	vsub.s32 $0x1, v40  }
0x13e: {  	v56 =	vadd.s32 v38, v60;
	v45 =	vadd.s32 v45, v51;
	v60 =	vperm.xlane v55, v8  }
0x13f: {  	v37 =	vadd.s32 v37, v47;
	v39 =	vadd.s32 v39, v61;
	v63 =	vperm.xlane v45, v10  }
0x140: {  	v61 =	vperm.xlane v57, v16;
	v46 =	vadd.s32 v41, v62;
	v38 =	vand.u32 v9, v60  }
0x141: {  	v62 =	vand.u32 v11, v63;
	v63 =	vadd.s32 v2, v53;
	v38 =	vadd.s32 v55, v38  }
0x142: {  	v41 =	vadd.s32 v62, v45;
	v58 =	vsub.s32 $0x0, v63;
	v59 =	vperm.xlane v38, v10  }
0x143: {  	v45 =	vadd.s32 v43, v61;
	v57 =	vperm.xlane v41, v12;
	v60 =	vmin.u32 v63, v58  }
0x144: {  	v61 =	vperm.xlane v52, v16;
	vm9 =	vlt.s32 v60, $0x1;
	v40 =	vand.u32 v11, v59  }
0x145: {  	v48 =	vand.u32 v13, v57;
	v43 =	vnsel vm9, $0x1, v60;
	v38 =	vadd.s32 v40, v38  }
0x146: {  	v41 =	vadd.s32 v48, v41;
	v50 =	vsub.s32 $0x1, v43;
	v40 =	vperm.xlane v38, v12  }
0x147: {  	v62 =	vadd.s32 v3, v53;
	v48 =	vperm.xlane v41, v14;
	v43 =	vperm.xlane v50, v8  }
0x148: {  	v47 =	vadd.s32 v42, v61;
	v57 =	vsub.s32 $0x0, v62;
	v40 =	vand.u32 v13, v40  }
0x149: {  	v63 =	vand.u32 v15, v48;
	v43 =	vand.u32 v9, v43;
	v48 =	vmin.u32 v62, v57  }
0x14a: {  	v38 =	vadd.s32 v40, v38;
	v43 =	vadd.s32 v50, v43;
	vm9 =	vlt.s32 v48, $0x1  }
0x14b: {  	v40 =	vperm.xlane v38, v14;
	v58 =	vperm.xlane v43, v10;
	v48 =	vnsel vm9, $0x1, v48  }
0x14c: {  	v42 =	vadd.s32 v63, v41;
	v41 =	vadd.s32 v54, v44;
	v48 =	vsub.s32 $0x1, v48  }
0x14d: {  	v40 =	vand.u32 v15, v40;
	v59 =	vand.u32 v11, v58;
	v60 =	vperm.xlane v48, v8  }
0x14e: {  	v54 =	vadd.s32 v42, v41;
	v40 =	vadd.s32 v40, v38;
	v43 =	vadd.s32 v59, v43  }
0x14f: {  	v38 =	vadd.s32 v37, v32;
	v61 =	vperm.xlane v43, v12;
	v62 =	vand.u32 v9, v60  }
0x150: {  	v63 =	vmul.u32 v51, v54;
	v57 =	vadd.s32 v40, v38;
	v37 =	vadd.s32 v48, v62  }
0x151: {  	v59 =	vadd.s32 v4, v53;
	v32 =	vand.u32 v13, v61;
	v58 =	vperm.xlane v37, v10  }
0x152: {  	v51 =	vmul.u32 v55, v57;
	v60 =	vsub.s32 $0x0, v59;
	v32 =	vadd.s32 v32, v43  }
0x153: {  	v43 =	vmin.u32 v59, v60;
	v61 =	vperm.xlane v32, v14;
	v52 =	vand.u32 v11, v58  }
0x154: {  	v44 =	vadd.s32 v63, v51;
	vm9 =	vlt.s32 v43, $0x1;
	v37 =	vadd.s32 v52, v37  }
0x155: {  	v58 =	vadd.s32 v5, v53;
	v62 =	vand.u32 v15, v61;
	v52 =	vperm.xlane v37, v12  }
0x156: {  	v54 =	vnsel vm9, $0x1, v43;
	v59 =	vsub.s32 $0x0, v58;
	v43 =	vadd.s32 v62, v32  }
0x157: {  	v32 =	vadd.s32 v49, v33;
	v33 =	vsub.s32 $0x1, v54;
	v63 =	vand.u32 v13, v52  }
0x158: {  	v49 =	vadd.s32 v43, v32;
	v57 =	vperm.xlane v33, v8;
	v37 =	vadd.s32 v63, v37  }
0x159: {  	v49 =	vmul.u32 v50, v49;
	v50 =	vmin.u32 v58, v59;
	v51 =	vperm.xlane v37, v14  }
0x15a: {  	v52 =	vand.u32 v9, v57;
	vm9 =	vlt.s32 v50, $0x1;
	v57 =	vadd.s32 v6, v53  }
0x15b: {  	v53 =	vadd.s32 v7, v53;
	v49 =	vadd.s32 v49, v44;
	v52 =	vadd.s32 v33, v52  }
0x15c: {  	v62 =	vnsel vm9, $0x1, v50;
	v59 =	vsub.s32 $0x0, v57;
	v60 =	vand.u32 v15, v51  }
0x15d: {  	v61 =	vperm.xlane v52, v10;
	v51 =	vsub.s32 $0x1, v62;
	v44 =	vadd.s32 v60, v37  }
0x15e: {  	v37 =	vadd.s32 v56, v30;
	v58 =	vperm.xlane v51, v8;
	v30 =	vmin.u32 v57, v59  }
0x15f: {  	v60 =	vsub.s32 $0x0, v53;
	v63 =	vand.u32 v11, v61;
	vm9 =	vlt.s32 v30, $0x1  }
0x160: {  	v50 =	vadd.s32 v63, v52;
	v54 =	vand.u32 v9, v58;
	v52 =	vmin.u32 v53, v60  }
0x161: {  	v30 =	vnsel vm9, $0x1, v30;
	v53 =	vadd.s32 v51, v54;
	vm9 =	vlt.s32 v52, $0x1  }
0x162: {  	v55 =	vsub.s32 $0x1, v30;
	v62 =	vperm.xlane v50, v12;
	v61 =	vnsel vm9, $0x1, v52  }
0x163: {  	v54 =	vperm.xlane v53, v10;
	v63 =	vperm.xlane v55, v8;
	v57 =	vsub.s32 $0x1, v61  }
0x164: {  	v30 =	vadd.s32 v44, v37;
	v52 =	vand.u32 v13, v62;
	v60 =	vperm.xlane v57, v8  }
0x165: {  	v54 =	vand.u32 v11, v54;
	v61 =	vand.u32 v9, v63;
	v50 =	vadd.s32 v52, v50  }
0x166: {  	v53 =	vadd.s32 v54, v53;
	v54 =	vadd.s32 v55, v61;
	v58 =	vand.u32 v9, v60  }
0x167: {  	v62 =	vperm.xlane v53, v12;
	v52 =	vperm.xlane v54, v10;
	v58 =	vadd.s32 v57, v58  }
0x168: {  	v39 =	vadd.s32 v39, v31;
	v30 =	vmul.u32 v48, v30;
	v60 =	vperm.xlane v58, v10  }
0x169: {  	v59 =	vperm.xlane v50, v14;
	v56 =	vand.u32 v13, v62;
	v52 =	vand.u32 v11, v52  }
0x16a: {  	v48 =	vadd.s32 v56, v53;
	v52 =	vadd.s32 v52, v54;
	v60 =	vand.u32 v11, v60  }
0x16b: {  	v56 =	vperm.xlane v48, v14;
	v61 =	vperm.xlane v52, v12;
	v54 =	vadd.s32 v60, v58  }
0x16c: {  	v49 =	vadd.s32 v30, v49;
	v63 =	vand.u32 v15, v59;
	v62 =	vperm.xlane v54, v12  }
0x16d: {  	v50 =	vadd.s32 v63, v50;
	v63 =	vand.u32 v15, v56;
	v56 =	vand.u32 v13, v61  }
0x16e: {  	v30 =	vadd.s32 v46, v34;
	v31 =	vadd.s32 v56, v52;
	v58 =	vand.u32 v13, v62  }
0x16f: {  	v61 =	vadd.s32 v50, v39;
	v59 =	vperm.xlane v31, v14;
	v60 =	vadd.s32 v58, v54  }
0x170: {  	v48 =	vadd.s32 v63, v48;
	v52 =	vmul.u32 v33, v61;
	v54 =	vperm.xlane v60, v14  }
0x171: {  	v33 =	vadd.s32 v47, v35;
	v62 =	vadd.s32 v48, v30;
	v63 =	vand.u32 v15, v59  }
0x172: {  	v34 =	vadd.s32 v63, v31;
	v31 =	vadd.s32 v45, v36;
	v45 =	vand.u32 v15, v54  }
0x173: {  	v51 =	vmul.u32 v51, v62;
	v36 =	vadd.s32 v45, v60;
	v45 =	vadd.s32 v34, v31  }
0x174: {  	v53 =	vadd.s32 v52, v49;
	v45 =	vmul.u32 v55, v45;
	v46 =	vadd.s32 v36, v33  }
0x175: {  	v35 =	vadd.s32 v51, v53;
	v46 =	vmul.u32 v57, v46  }
0x176: {  	v35 =	vadd.s32 v45, v35  }
0x177: {  	v35 =	vadd.s32 v46, v35  }
0x178: {  	[tilespmem:$0x820] =	vst v35  }
0x179: {  	v35 =	vld [tilespmem:s8+$0x30]  }
0x17a: {  	v20 =	vadd.s32 v21, v20;
	v42 =	vperm.xlane v42, v16;
	v40 =	vperm.xlane v40, v16  }
0x17b: {  	v20 =	vadd.s32 v20, v23;
	v43 =	vperm.xlane v43, v16;
	v44 =	vperm.xlane v44, v16  }
0x17c: {  	v23 =	vperm.xlane v20, v8;
	v41 =	vadd.s32 v42, v41;
	v38 =	vadd.s32 v40, v38  }
0x17d: {  	v32 =	vadd.s32 v43, v32;
	v37 =	vadd.s32 v44, v37;
	v50 =	vperm.xlane v50, v16  }
0x17e: {  	v56 =	vand.u32 v9, v23;
	v48 =	vperm.xlane v48, v16;
	v54 =	vsub.s32 $0x0, v35  }
0x17f: {  	v20 =	vadd.s32 v20, v56;
	v39 =	vadd.s32 v50, v39;
	v55 =	vmin.u32 v35, v54  }
0x180: {  	v30 =	vadd.s32 v48, v30;
	v34 =	vperm.xlane v34, v16;
	vm9 =	vlt.s32 v55, $0x1  }
0x181: {  	v36 =	vperm.xlane v36, v16;
	v58 =	vadd.s32 v1, v35;
	v21 =	vnsel vm9, $0x1, v55  }
0x182: {  	v60 =	vsub.s32 $0x0, v58;
	v45 =	vsub.s32 $0x1, v21;
	v21 =	vperm.xlane v20, v10  }
0x183: {  	v31 =	vadd.s32 v34, v31;
	v61 =	vmin.u32 v58, v60;
	v57 =	vperm.xlane v45, v8  }
0x184: {  	v56 =	vadd.s32 v2, v35;
	vm9 =	vlt.s32 v61, $0x1;
	v21 =	vand.u32 v11, v21  }
0x185: {  	v23 =	vand.u32 v9, v57;
	v20 =	vadd.s32 v21, v20;
	v21 =	vnsel vm9, $0x1, v61  }
0x186: {  	v23 =	vadd.s32 v23, v45;
	v62 =	vperm.xlane v20, v12;
	v49 =	vsub.s32 $0x1, v21  }
0x187: {  	v58 =	vsub.s32 $0x0, v56;
	v59 =	vperm.xlane v23, v10;
	v21 =	vperm.xlane v49, v8  }
0x188: {  	v33 =	vadd.s32 v36, v33;
	v60 =	vmin.u32 v56, v58;
	v46 =	vand.u32 v13, v62  }
0x189: {  	v47 =	vand.u32 v11, v59;
	v20 =	vadd.s32 v46, v20;
	v21 =	vand.u32 v9, v21  }
0x18a: {  	v23 =	vadd.s32 v47, v23;
	v46 =	vperm.xlane v20, v14;
	v63 =	vadd.s32 v49, v21  }
0x18b: {  	vm9 =	vlt.s32 v60, $0x1;
	v47 =	vperm.xlane v23, v12;
	v57 =	vperm.xlane v63, v10  }
0x18c: {  	v61 =	vnsel vm9, $0x1, v60;
	v62 =	vadd.s32 v3, v35;
	v21 =	vand.u32 v15, v46  }
0x18d: {  	v46 =	vsub.s32 $0x1, v61;
	v47 =	vand.u32 v13, v47;
	v42 =	vand.u32 v11, v57  }
0x18e: {  	v56 =	vperm.xlane v46, v8;
	v23 =	vadd.s32 v47, v23;
	v42 =	vadd.s32 v42, v63  }
0x18f: {  	v61 =	vadd.s32 v4, v35;
	v47 =	vperm.xlane v23, v14;
	v51 =	vperm.xlane v42, v12  }
0x190: {  	v20 =	vadd.s32 v21, v20;
	v63 =	vsub.s32 $0x0, v62;
	v57 =	vand.u32 v9, v56  }
0x191: {  	v59 =	vand.u32 v15, v47;
	v47 =	vmin.u32 v62, v63;
	v51 =	vand.u32 v13, v51  }
0x192: {  	v62 =	vsub.s32 $0x0, v61;
	v41 =	vadd.s32 v59, v41;
	vm9 =	vlt.s32 v47, $0x1  }
0x193: {  	v42 =	vadd.s32 v51, v42;
	v51 =	vadd.s32 v46, v57;
	v47 =	vnsel vm9, $0x1, v47  }
0x194: {  	v58 =	vperm.xlane v42, v14;
	v23 =	vadd.s32 v23, v41;
	v59 =	vperm.xlane v51, v10  }
0x195: {  	v47 =	vsub.s32 $0x1, v47;
	v23 =	vmul.u32 v45, v23;
	v45 =	vmin.u32 v61, v62  }
0x196: {  	v61 =	vadd.s32 v5, v35;
	v60 =	vperm.xlane v47, v8;
	v41 =	vand.u32 v11, v59  }
0x197: {  	v52 =	vand.u32 v15, v58;
	vm9 =	vlt.s32 v45, $0x1;
	v41 =	vadd.s32 v41, v51  }
0x198: {  	v62 =	vsub.s32 $0x0, v61;
	v40 =	vand.u32 v9, v60;
	v51 =	vperm.xlane v41, v12  }
0x199: {  	v38 =	vadd.s32 v52, v38;
	v45 =	vnsel vm9, $0x1, v45;
	v40 =	vadd.s32 v47, v40  }
0x19a: {  	v45 =	vsub.s32 $0x1, v45;
	v63 =	vperm.xlane v40, v10;
	v51 =	vand.u32 v13, v51  }
0x19b: {  	v38 =	vadd.s32 v42, v38;
	v57 =	vperm.xlane v45, v8;
	v41 =	vadd.s32 v51, v41  }
0x19c: {  	v38 =	vmul.u32 v49, v38;
	v54 =	vand.u32 v11, v63;
	v55 =	vperm.xlane v41, v14  }
0x19d: {  	v49 =	vadd.s32 v6, v35;
	v35 =	vadd.s32 v7, v35;
	v40 =	vadd.s32 v54, v40  }
0x19e: {  	v52 =	vsub.s32 $0x0, v35;
	v56 =	vperm.xlane v40, v12;
	v51 =	vand.u32 v15, v55  }
0x19f: {  	v58 =	vand.u32 v9, v57;
	v23 =	vadd.s32 v23, v38;
	v32 =	vadd.s32 v51, v32  }
0x1a0: {  	v35 =	vmin.u32 v35, v52;
	v42 =	vand.u32 v13, v56;
	v32 =	vadd.s32 v41, v32  }
0x1a1: {  	v41 =	vadd.s32 v45, v58;
	v40 =	vadd.s32 v42, v40;
	v32 =	vmul.u32 v46, v32  }
0x1a2: {  	v59 =	vperm.xlane v41, v10;
	v46 =	vmin.u32 v61, v62;
	v42 =	vperm.xlane v40, v14  }
0x1a3: {  	v51 =	vsub.s32 $0x0, v49;
	vm9 =	vlt.s32 v46, $0x1;
	v23 =	vadd.s32 v32, v23  }
0x1a4: {  	v38 =	vand.u32 v11, v59;
	v60 =	vand.u32 v15, v42;
	v42 =	vmin.u32 v49, v51  }
0x1a5: {  	v63 =	vadd.s32 v38, v41;
	v38 =	vnsel vm9, $0x1, v46;
	vm9 =	vlt.s32 v42, $0x1  }
0x1a6: {  	v32 =	vadd.s32 v60, v37;
	v38 =	vsub.s32 $0x1, v38;
	v42 =	vnsel vm9, $0x1, v42  }
0x1a7: {  	v53 =	vperm.xlane v38, v8;
	vm9 =	vlt.s32 v35, $0x1;
	v42 =	vsub.s32 $0x1, v42  }
0x1a8: {  	v41 =	vperm.xlane v63, v12;
	v35 =	vnsel vm9, $0x1, v35;
	v55 =	vperm.xlane v42, v8  }
0x1a9: {  	v32 =	vadd.s32 v40, v32;
	v54 =	vand.u32 v9, v53;
	v35 =	vsub.s32 $0x1, v35  }
0x1aa: {  	v43 =	vadd.s32 v38, v54;
	v57 =	vperm.xlane v35, v8;
	v44 =	vand.u32 v9, v55  }
0x1ab: {  	v41 =	vand.u32 v13, v41;
	v56 =	vperm.xlane v43, v10;
	v44 =	vadd.s32 v42, v44  }
0x1ac: {  	v37 =	vadd.s32 v41, v63;
	v46 =	vand.u32 v9, v57;
	v59 =	vperm.xlane v44, v10  }
0x1ad: {  	v58 =	vperm.xlane v37, v14;
	v41 =	vand.u32 v11, v56;
	v46 =	vadd.s32 v35, v46  }
0x1ae: {  	v41 =	vadd.s32 v41, v43;
	v61 =	vperm.xlane v46, v10;
	v43 =	vand.u32 v11, v59  }
0x1af: {  	v32 =	vmul.u32 v47, v32;
	v60 =	vperm.xlane v41, v12;
	v43 =	vadd.s32 v43, v44  }
0x1b0: {  	v40 =	vand.u32 v15, v58;
	v62 =	vand.u32 v11, v61;
	v63 =	vperm.xlane v43, v12  }
0x1b1: {  	v39 =	vadd.s32 v40, v39;
	v47 =	vand.u32 v13, v60;
	v44 =	vadd.s32 v62, v46  }
0x1b2: {  	v41 =	vadd.s32 v47, v41;
	v46 =	vperm.xlane v44, v12;
	v51 =	vand.u32 v13, v63  }
0x1b3: {  	v50 =	vadd.s32 v37, v39;
	v49 =	vperm.xlane v41, v14;
	v37 =	vadd.s32 v51, v43  }
0x1b4: {  	v20 =	vperm.xlane v20, v16;
	v53 =	vand.u32 v13, v46;
	v43 =	vperm.xlane v37, v14  }
0x1b5: {  	v23 =	vadd.s32 v32, v23;
	v52 =	vand.u32 v15, v49;
	v40 =	vadd.s32 v53, v44  }
0x1b6: {  	v30 =	vadd.s32 v52, v30;
	v54 =	vperm.xlane v40, v14;
	v55 =	vand.u32 v15, v43  }
0x1b7: {  	v32 =	vmul.u32 v45, v50;
	v30 =	vadd.s32 v41, v30;
	v31 =	vadd.s32 v55, v31  }
0x1b8: {  	v56 =	vand.u32 v15, v54;
	v30 =	vmul.u32 v38, v30;
	v31 =	vadd.s32 v37, v31  }
0x1b9: {  	v23 =	vadd.s32 v32, v23;
	v33 =	vadd.s32 v56, v33;
	v31 =	vmul.u32 v42, v31  }
0x1ba: {  	v57 =	vadd.s32 v40, v33;
	v58 =	vadd.s32 v30, v23;
	v23 =	vimm.s32 @!p0 $0x0  }
0x1bb: {  	v20 =	vadd.s32 @!p0 v29, v20;
	v59 =	vmul.u32 v35, v57;
	v30 =	vsel @!p0 vm0, $0xFFFFFFFF, v23  }
0x1bc: {  	v21 =	vadd.s32 v31, v58;
	v31 =	vsel @!p0 vm1, $0xFFFFFFFF, v23;
	v22 =	vand.u32 @!p0 v30, v22  }
0x1bd: {  	v30 =	vsel @!p0 vm2, $0xFFFFFFFF, v23;
	v21 =	vadd.s32 v59, v21;
	v24 =	vand.u32 @!p0 v31, v24  }
0x1be: {  	v22 =	vadd.s32 @!p0 v22, v24;
	v24 =	vand.u32 @!p0 v30, v25;
	v25 =	vsel @!p0 vm3, $0xFFFFFFFF, v23  }
0x1bf: {  	v22 =	vadd.s32 @!p0 v24, v22;
	v24 =	vand.u32 @!p0 v25, v26;
	v25 =	vsel @!p0 vm4, $0xFFFFFFFF, v23  }
0x1c0: {  	v22 =	vadd.s32 @!p0 v24, v22;
	v24 =	vand.u32 @!p0 v25, v27;
	v25 =	vsel @!p0 vm5, $0xFFFFFFFF, v23  }
0x1c1: {  	v22 =	vadd.s32 @!p0 v24, v22;
	v24 =	vand.u32 @!p0 v25, v28;
	v25 =	vsel @!p0 vm6, $0xFFFFFFFF, v23  }
0x1c2: {  	v23 =	vsel @!p0 vm7, $0xFFFFFFFF, v23;
	v22 =	vadd.s32 @!p0 v24, v22;
	v24 =	vand.u32 @!p0 v25, v29  }
0x1c3: {  	s21 =	simm.s32 $0x800;
	[tilespmem:$0x830] =	vst v21;
	v20 =	vand.u32 @!p0 v23, v20;
	v21 =	vadd.s32 @!p0 v24, v22  }
0x1c4: {  	[hbm4b:s9+s2] =	stream.linear.scatter [tilespmem:s21], [sflag:$0x2], $0x40, $0x38;
	v20 =	vadd.s32 @!p0 v20, v21;
	[tilespmem:$0x10900] =	vst v63  }
0x1c5: {  	s19 =	simm.s32 @!p0 $0x10880;
	s18 =	simm.s32 @!p0 $0x0;
	[tilespmem:$0x10880] =	vst @!p0 v20  }
0x1c6: {  	[hbm4b:s5+s18] =	stream.linear.scatter @!p0 [tilespmem:s19], [sflag:$0x4], $0x80, $0x38;
	[tilespmem:$0x10900] =	vst v63  }
0x1c7: {  	s18 =	simm.s32 @!p0 $0x4  }
0x1c8: {  	_ =	swait.ge @!p0 [sflag:s18], $0x80  }
0x1c9: {  	[sflag:s18] =	ssyncset.done @!p0 $0x0  }
0x1ca: {  	[sflag:s18] =	ssyncadd.s32 @!p0 $0xFFFFFF80  }
0x1cb: {  	_ =	swait.ge [sflag:s17], $0x10000  }
0x1cc: {  	[sflag:s17] =	ssyncset.done $0x0  }
0x1cd: {  	[sflag:s17] =	ssyncadd.s32 $0xFFFF0000  }
0x1ce: {  	v20 =	vld [tilespmem:$0x800];
	_ =	sdelay $0x4  }
0x1cf: {  	v60 =	vshll.u32 v20, $0x3  }
0x1d0: {  	v20 =	vand.u32 $0x7, v20;
	v21 =	vand.u32 $0xFFFFFFC0, v60  }
0x1d1: {  	v20 =	vor.u32 v20, v21  }
0x1d2: {  	v21 =	vperm.xlane v20, v17;
	_ =	sdelay $0x1  }
0x1d3: {  	v21 =	vadd.s32 v18, v21;
	_ =	sdelay $0x4  }
0x1d4: {  	[hbm4b:s4+s2] =	stream.indirect_vreg.scatter [tilespmem:s14], [sflag:$0x3], $0x80, v21, vm8, $0xb8;
	[tilespmem:$0x10900] =	vst v63  }
0x1d5: {  	s19 =	simm.s32 $0x1080;
	v20 =	vperm.xlane v20, v19  }
0x1d6: {  	[hbm4b:s10+s2] =	stream.indirect_vreg.scatter [tilespmem:s19], [sflag:$0x3], $0x80, v21, vm8, $0xb8;
	[tilespmem:$0x10900] =	vst v63  }
0x1d7: {  	s20 =	simm.s32 $0x1880;
	v20 =	vadd.s32 v18, v20  }
0x1d8: {  	[hbm4b:s11+s2] =	stream.indirect_vreg.scatter [tilespmem:s20], [sflag:$0x3], $0x80, v21, vm8, $0xb8;
	[tilespmem:$0x10900] =	vst v63  }
0x1d9: {  	s21 =	simm.s32 $0x2080  }
0x1da: {  	[hbm4b:s12+s2] =	stream.indirect_vreg.scatter [tilespmem:s21], [sflag:$0x3], $0x80, v21, vm8, $0xb8;
	[tilespmem:$0x10900] =	vst v63  }
0x1db: {  	s19 =	simm.s32 $0x2880  }
0x1dc: {  	[hbm4b:s4+s2] =	stream.indirect_vreg.scatter [tilespmem:s19], [sflag:$0x3], $0x80, v20, vm8, $0xb8;
	[tilespmem:$0x10900] =	vst v63  }
0x1dd: {  	s20 =	simm.s32 $0x3080  }
0x1de: {  	[hbm4b:s10+s2] =	stream.indirect_vreg.scatter [tilespmem:s20], [sflag:$0x3], $0x80, v20, vm8, $0xb8;
	[tilespmem:$0x10900] =	vst v63  }
0x1df: {  	s21 =	simm.s32 $0x3880  }
0x1e0: {  	[hbm4b:s11+s2] =	stream.indirect_vreg.scatter [tilespmem:s21], [sflag:$0x3], $0x80, v20, vm8, $0xb8;
	[tilespmem:$0x10900] =	vst v63  }
0x1e1: {  	s19 =	simm.s32 $0x4080  }
0x1e2: {  	[hbm4b:s12+s2] =	stream.indirect_vreg.scatter [tilespmem:s19], [sflag:$0x3], $0x80, v20, vm8, $0xb8;
	[tilespmem:$0x10900] =	vst v63  }
0x1e3: {  	v20 =	vld [tilespmem:$0x810];
	_ =	sdelay $0x4  }
0x1e4: {  	v61 =	vshll.u32 v20, $0x3  }
0x1e5: {  	v20 =	vand.u32 $0x7, v20;
	v21 =	vand.u32 $0xFFFFFFC0, v61  }
0x1e6: {  	v20 =	vor.u32 v20, v21  }
0x1e7: {  	v21 =	vperm.xlane v20, v17;
	_ =	sdelay $0x1  }
0x1e8: {  	v21 =	vadd.s32 v18, v21;
	_ =	sdelay $0x3  }
0x1e9: {  	s20 =	simm.s32 $0x4880  }
0x1ea: {  	[hbm4b:s4+s2] =	stream.indirect_vreg.scatter [tilespmem:s20], [sflag:$0x3], $0x80, v21, vm8, $0xb8;
	[tilespmem:$0x10900] =	vst v63  }
0x1eb: {  	s21 =	simm.s32 $0x5080;
	v20 =	vperm.xlane v20, v19  }
0x1ec: {  	[hbm4b:s10+s2] =	stream.indirect_vreg.scatter [tilespmem:s21], [sflag:$0x3], $0x80, v21, vm8, $0xb8;
	[tilespmem:$0x10900] =	vst v63  }
0x1ed: {  	s19 =	simm.s32 $0x5880;
	v20 =	vadd.s32 v18, v20  }
0x1ee: {  	[hbm4b:s11+s2] =	stream.indirect_vreg.scatter [tilespmem:s19], [sflag:$0x3], $0x80, v21, vm8, $0xb8;
	[tilespmem:$0x10900] =	vst v63  }
0x1ef: {  	s20 =	simm.s32 $0x6080  }
0x1f0: {  	[hbm4b:s12+s2] =	stream.indirect_vreg.scatter [tilespmem:s20], [sflag:$0x3], $0x80, v21, vm8, $0xb8;
	[tilespmem:$0x10900] =	vst v63  }
0x1f1: {  	s21 =	simm.s32 $0x6880  }
0x1f2: {  	[hbm4b:s4+s2] =	stream.indirect_vreg.scatter [tilespmem:s21], [sflag:$0x3], $0x80, v20, vm8, $0xb8;
	[tilespmem:$0x10900] =	vst v63  }
0x1f3: {  	s19 =	simm.s32 $0x7080  }
0x1f4: {  	[hbm4b:s10+s2] =	stream.indirect_vreg.scatter [tilespmem:s19], [sflag:$0x3], $0x80, v20, vm8, $0xb8;
	[tilespmem:$0x10900] =	vst v63  }
0x1f5: {  	s20 =	simm.s32 $0x7880  }
0x1f6: {  	[hbm4b:s11+s2] =	stream.indirect_vreg.scatter [tilespmem:s20], [sflag:$0x3], $0x80, v20, vm8, $0xb8;
	[tilespmem:$0x10900] =	vst v63  }
0x1f7: {  	s21 =	simm.s32 $0x8080  }
0x1f8: {  	[hbm4b:s12+s2] =	stream.indirect_vreg.scatter [tilespmem:s21], [sflag:$0x3], $0x80, v20, vm8, $0xb8;
	[tilespmem:$0x10900] =	vst v63  }
0x1f9: {  	v20 =	vld [tilespmem:$0x820];
	_ =	sdelay $0x4  }
0x1fa: {  	v62 =	vshll.u32 v20, $0x3  }
0x1fb: {  	v20 =	vand.u32 $0x7, v20;
	v21 =	vand.u32 $0xFFFFFFC0, v62  }
0x1fc: {  	v20 =	vor.u32 v20, v21  }
0x1fd: {  	v21 =	vperm.xlane v20, v17;
	_ =	sdelay $0x1  }
0x1fe: {  	v21 =	vadd.s32 v18, v21;
	_ =	sdelay $0x3  }
0x1ff: {  	s19 =	simm.s32 $0x8880  }
0x200: {  	[hbm4b:s4+s2] =	stream.indirect_vreg.scatter [tilespmem:s19], [sflag:$0x3], $0x80, v21, vm8, $0xb8;
	[tilespmem:$0x10900] =	vst v63  }
0x201: {  	s20 =	simm.s32 $0x9080;
	v20 =	vperm.xlane v20, v19  }
0x202: {  	[hbm4b:s10+s2] =	stream.indirect_vreg.scatter [tilespmem:s20], [sflag:$0x3], $0x80, v21, vm8, $0xb8;
	[tilespmem:$0x10900] =	vst v63  }
0x203: {  	s21 =	simm.s32 $0x9880;
	v20 =	vadd.s32 v18, v20  }
0x204: {  	[hbm4b:s11+s2] =	stream.indirect_vreg.scatter [tilespmem:s21], [sflag:$0x3], $0x80, v21, vm8, $0xb8;
	[tilespmem:$0x10900] =	vst v63  }
0x205: {  	s19 =	simm.s32 $0xA080  }
0x206: {  	[hbm4b:s12+s2] =	stream.indirect_vreg.scatter [tilespmem:s19], [sflag:$0x3], $0x80, v21, vm8, $0xb8;
	[tilespmem:$0x10900] =	vst v63  }
0x207: {  	s20 =	simm.s32 $0xA880  }
0x208: {  	[hbm4b:s4+s2] =	stream.indirect_vreg.scatter [tilespmem:s20], [sflag:$0x3], $0x80, v20, vm8, $0xb8;
	[tilespmem:$0x10900] =	vst v63  }
0x209: {  	s21 =	simm.s32 $0xB080  }
0x20a: {  	[hbm4b:s10+s2] =	stream.indirect_vreg.scatter [tilespmem:s21], [sflag:$0x3], $0x80, v20, vm8, $0xb8;
	[tilespmem:$0x10900] =	vst v63  }
0x20b: {  	_ = 	snop  }
0x20c: {  	[hbm4b:s11+s2] =	stream.indirect_vreg.scatter [tilespmem:s22], [sflag:$0x3], $0x80, v20, vm8, $0xb8;
	[tilespmem:$0x10900] =	vst v63  }
0x20d: {  	_ = 	snop  }
0x20e: {  	[hbm4b:s12+s2] =	stream.indirect_vreg.scatter [tilespmem:s23], [sflag:$0x3], $0x80, v20, vm8, $0xb8;
	[tilespmem:$0x10900] =	vst v63  }
0x20f: {  	v20 =	vld [tilespmem:$0x830];
	_ =	sdelay $0x4  }
0x210: {  	v63 =	vshll.u32 v20, $0x3  }
0x211: {  	v20 =	vand.u32 $0x7, v20;
	v21 =	vand.u32 $0xFFFFFFC0, v63  }
0x212: {  	v20 =	vor.u32 v20, v21  }
0x213: {  	v21 =	vperm.xlane v20, v17;
	_ =	sdelay $0x1  }
0x214: {  	v21 =	vadd.s32 v18, v21;
	_ =	sdelay $0x4  }
0x215: {  	[hbm4b:s4+s2] =	stream.indirect_vreg.scatter [tilespmem:s24], [sflag:$0x3], $0x80, v21, vm8, $0xb8;
	[tilespmem:$0x10900] =	vst v63  }
0x216: {  	v20 =	vperm.xlane v20, v19  }
0x217: {  	[hbm4b:s10+s2] =	stream.indirect_vreg.scatter [tilespmem:s25], [sflag:$0x3], $0x80, v21, vm8, $0xb8;
	[tilespmem:$0x10900] =	vst v63  }
0x218: {  	v20 =	vadd.s32 v18, v20  }
0x219: {  	[hbm4b:s11+s2] =	stream.indirect_vreg.scatter [tilespmem:s26], [sflag:$0x3], $0x80, v21, vm8, $0xb8;
	[tilespmem:$0x10900] =	vst v63  }
0x21a: {  	_ = 	snop  }
0x21b: {  	[hbm4b:s12+s2] =	stream.indirect_vreg.scatter [tilespmem:s28], [sflag:$0x3], $0x80, v21, vm8, $0xb8;
	[tilespmem:$0x10900] =	vst v63  }
0x21c: {  	_ = 	snop  }
0x21d: {  	[hbm4b:s4+s2] =	stream.indirect_vreg.scatter [tilespmem:s29], [sflag:$0x3], $0x80, v20, vm8, $0xb8;
	[tilespmem:$0x10900] =	vst v63  }
0x21e: {  	_ = 	snop  }
0x21f: {  	[hbm4b:s10+s2] =	stream.indirect_vreg.scatter [tilespmem:s30], [sflag:$0x3], $0x80, v20, vm8, $0xb8;
	[tilespmem:$0x10900] =	vst v63  }
0x220: {  	_ = 	snop  }
0x221: {  	[hbm4b:s11+s2] =	stream.indirect_vreg.scatter [tilespmem:s31], [sflag:$0x3], $0x80, v20, vm8, $0xb8;
	[tilespmem:$0x10900] =	vst v63  }
0x222: {  	s16 =	sadd.s32 $0x1, s16  }
0x223: {  	[hbm4b:s12+s2] =	stream.indirect_vreg.scatter [tilespmem:s0], [sflag:$0x3], $0x80, v20, vm8, $0xb8;
	[tilespmem:$0x10900] =	vst v63  }
0x224: {  	p1 =	sne.s32 s16, s13;
	_ =	swait.ge [sflag:s3], $0x10000  }
.Ltmp1:
0x225: {  	[sflag:s3] =	ssyncset.done $0x0;
	(pc) =	sbr.rel @p1 .LBB2_1-.Ltmp1, $4  }
0x226: {  	[sflag:s3] =	ssyncadd.s32 $0xFFFF0000  }
0x227: {  	_ =	swait.ge [sflag:s1], $0x40  }
0x228: {  	[sflag:s1] =	ssyncset.done $0x0  }
0x229: {  	[sflag:s1] =	ssyncadd.s32 $0xFFFFFFC0  }
0x22a: {  	_ =	sfence.sel $0x180000  }
0x22b: {  	[bflag:$0x0] =	sbarrier.arrive $0xFFFF  }
0x22c: {  	_ =	strace $0x90000047  }
0x22d: {  	s0 =	stileid.u32;
	[bflag:$0x2] =	sbarrier.arrive $0xFFFF  }
0x22e: {  	p0 =	sne.s32 s0, $0x0;
	s0 =	rddreg [dreg:$0x4]  }
0x22f: {  	s0 =	sadd.s32 @!p0 $0x100000, s0  }
0x230: {  	[sflag:s0] =	ssyncadd.tile.s32 @!p0 $0x1;
	_ =	shalt  }
.Lfunc_end2:
_tile_overlayer_lowered:
.L_overlay_start_2:
0x231: {  	(tag) =	ssettag $0x2  }
0x232: {  	s0 =	rddreg [dreg:$0x0];
	s2 =	stileid.u32  }
0x233: {  	s1 =	rddreg [dreg:$0x1];
	p0 =	sne.s32 s2, $0x0  }
0x234: {  	s3 =	rddreg [dreg:$0x2];
	[bflag:$0x3] =	sbarrier.arrive $0xFFFF;
	s2 =	simm.s32 @!p0 $0x1C04  }
0x235: {  	[timem:s3], [sflag:s2] =	dma.local @!p0 [hbm:s0], s1  }
0x236: {  	s0 =	simm.s32 @!p0 $0x4  }
0x237: {  	_ =	swait.ge @!p0 [sflag:s0], s1  }
0x238: {  	s1 =	ssub.s32 @!p0 $0x0, s1;
	[sflag:s0] =	ssyncset.done @!p0 $0x0  }
0x239: {  	[sflag:s0] =	ssyncadd.s32 @!p0 s1  }
0x23a: {  	[bflag:$0x3] =	sbarrier.arrive $0xFFFF  }
0x23b: {  	_ =	shalt  }

</sc_bundles>
